<compile_context>
chip_gen: v7x
topology: tpu7x:2x2x1
jax: 0.10.2.dev20260603
libtpu: 0.0.44.dev20260713+nightly
codegen_flags: <defaults>
</compile_context>

<pallas_src>
import jax
import jax.numpy as jnp
from jax import lax
from jax.experimental import pallas as pl
from jax.experimental.pallas import tpu as pltpu
from jax.experimental.pallas import tpu_sc as plsc

D = 1024
ROWS = 512
NBUF = 8
SPLIT = 1


def _gather_body(ids_hbm, g_hbm, b_hbm, go_hbm, bo_hbm, ids_s, gsem, bsem):
    n = g_hbm.shape[0]

    @pl.when(lax.axis_index("c") == 0)
    def _():
        pltpu.sync_copy(ids_hbm, ids_s)
        gcp = [None] * n
        bcp = [None] * n
        for i in range(n):
            idx = ids_s[i]
            gcp[i] = pltpu.async_copy(g_hbm.at[idx], go_hbm.at[i], gsem)
            bcp[i] = pltpu.async_copy(b_hbm.at[idx], bo_hbm.at[i], bsem)
        for i in range(n):
            gcp[i].wait()
            bcp[i].wait()


def _sc_gather(ids, gamma, beta):
    n, d = gamma.shape
    mesh = plsc.ScalarSubcoreMesh(axis_name="c", num_cores=2)
    return pl.kernel(
        _gather_body,
        out_type=(
            jax.ShapeDtypeStruct((n, d), gamma.dtype),
            jax.ShapeDtypeStruct((n, d), beta.dtype),
        ),
        mesh=mesh,
        scratch_types=[
            pltpu.SMEM((n,), jnp.int32),
            pltpu.SemaphoreType.DMA,
            pltpu.SemaphoreType.DMA,
        ],
    )(ids, gamma, beta)


def _ring(x_hbm, o_hbm, buf, in_sems, out_sems, b_lo, b_hi, row_fn):
    _, S, _ = x_hbm.shape
    per_batch = S // ROWS
    n_chunks = (b_hi - b_lo) * per_batch

    def start_in(c, bi):
        b = b_lo + c // per_batch
        cp = pltpu.make_async_copy(
            x_hbm.at[b, pl.ds((c % per_batch) * ROWS, ROWS), :],
            buf.at[bi], in_sems.at[bi])
        cp.start()
        return cp

    def start_out(c, bi):
        b = b_lo + c // per_batch
        cp = pltpu.make_async_copy(
            buf.at[bi],
            o_hbm.at[b, pl.ds((c % per_batch) * ROWS, ROWS), :],
            out_sems.at[bi])
        cp.start()
        return cp

    in_cp = [None] * NBUF
    out_cp = [None] * NBUF
    for c in range(min(NBUF - 1, n_chunks)):
        in_cp[c] = start_in(c, c)
    for c in range(n_chunks):
        bi = c % NBUF
        batch = b_lo + c // per_batch
        in_cp[bi].wait()
        g_row, b_row = row_fn(batch)
        buf[bi] = g_row * buf[bi] + b_row
        out_cp[bi] = start_out(c, bi)
        nxt = c + NBUF - 1
        if nxt < n_chunks:
            nbi = nxt % NBUF
            if out_cp[nbi] is not None:
                out_cp[nbi].wait()
            in_cp[nbi] = start_in(nxt, nbi)
    for cp in out_cp:
        if cp is not None:
            cp.wait()


def _film1_body(ids_ref, x_hbm, g_ref, b_ref, o_hbm, buf, in_sems, out_sems):
    n = g_ref.shape[0]

    def row_fn(batch):
        idx = ids_ref[batch]
        mask = lax.broadcasted_iota(jnp.int32, (n, 1), 0) == idx
        g_row = jnp.sum(jnp.where(mask, g_ref[...], 0.0), axis=0)
        b_row = jnp.sum(jnp.where(mask, b_ref[...], 0.0), axis=0)
        return g_row, b_row

    _ring(x_hbm, o_hbm, buf, in_sems, out_sems, 0, SPLIT, row_fn)


def _film2_body(x_hbm, g_ref, b_ref, prev_hbm, o_hbm, buf, in_sems, out_sems):
    B = x_hbm.shape[0]
    _ring(x_hbm, o_hbm, buf, in_sems, out_sems, SPLIT, B,
          lambda batch: (g_ref[batch], b_ref[batch]))


@jax.jit
def _film(x, ids, gamma, beta):
    B, S, Dm = x.shape
    g_rows, b_rows = _sc_gather(ids, gamma, beta)
    out_shape = jax.ShapeDtypeStruct((B, S, Dm), x.dtype)
    scratch = [
        pltpu.VMEM((NBUF, ROWS, Dm), jnp.float32),
        pltpu.SemaphoreType.DMA((NBUF,)),
        pltpu.SemaphoreType.DMA((NBUF,)),
    ]
    out1 = pl.pallas_call(
        _film1_body,
        in_specs=[
            pl.BlockSpec(memory_space=pltpu.MemorySpace.SMEM),
            pl.BlockSpec(memory_space=pl.ANY),
            pl.BlockSpec(memory_space=pltpu.MemorySpace.VMEM),
            pl.BlockSpec(memory_space=pltpu.MemorySpace.VMEM),
        ],
        out_specs=pl.BlockSpec(memory_space=pl.ANY),
        out_shape=out_shape,
        scratch_shapes=scratch,
    )(ids, x, gamma, beta)
    return pl.pallas_call(
        _film2_body,
        in_specs=[
            pl.BlockSpec(memory_space=pl.ANY),
            pl.BlockSpec(memory_space=pltpu.MemorySpace.VMEM),
            pl.BlockSpec(memory_space=pltpu.MemorySpace.VMEM),
            pl.BlockSpec(memory_space=pl.ANY),
        ],
        out_specs=pl.BlockSpec(memory_space=pl.ANY),
        out_shape=out_shape,
        input_output_aliases={3: 0},
        scratch_shapes=scratch,
    )(x, g_rows, b_rows, out1)


def kernel(x, condition_ids, gamma, beta):
    return _film(x, condition_ids.astype(jnp.int32), gamma, beta)

# --- scband reference (transcript-rebuilt; emitter-appended) ---
"""Pipeline reference for scband-fi-lmlayer-86088324481457 (READ-ONLY COPY).

The authoritative reference and input builder live on the scoring server;
editing this copy changes nothing except your own understanding.
"""

import jax, jax.numpy as jnp
import numpy as np

D_MODEL = 1024
N_CONDITIONS = 4

def setup_inputs(seed: int = 0) -> dict:
    key = jax.random.key(seed)
    k1, k2 = jax.random.split(key)
    x = jax.random.normal(k1, (4, 4096, D_MODEL), dtype=jnp.float32)
    condition_ids = jax.random.randint(k2, (4,), 0, N_CONDITIONS, dtype=jnp.int64 if jax.config.jax_enable_x64 else jnp.int32)
    # Learned parameters, initialized exactly as the torch module does:
    gamma = jnp.ones((N_CONDITIONS, D_MODEL), dtype=jnp.float32)
    beta = jnp.zeros((N_CONDITIONS, D_MODEL), dtype=jnp.float32)
    return {"x": x, "condition_ids": condition_ids, "gamma": gamma, "beta": beta}

def reference(x, condition_ids, gamma, beta):
    # FiLM: gamma * x + beta, gathered per condition id, broadcast over sequence dim
    g = jnp.take(gamma, condition_ids, axis=0)[:, None, :]  # [B, 1, d_model]
    b = jnp.take(beta, condition_ids, axis=0)[:, None, :]   # [B, 1, d_model]
    return g * x + b

if __name__ == "__main__":
    import jax
    _d = setup_inputs()
    print(jax.jit(kernel)(*tuple(_d.values())))

</pallas_src>

<mosaic_0001>
#map = affine_map<(d0) -> (0)>
#map1 = affine_map<(d0) -> (0, 0)>
module attributes {stable_mosaic.version = 14 : i64} {
  func.func @_gather_body(%arg0: i32, %arg1: memref<4xi32, #tpu.memory_space<hbm>>, %arg2: memref<4x1024xf32, #tpu.memory_space<hbm>>, %arg3: memref<4x1024xf32, #tpu.memory_space<hbm>>, %arg4: memref<4x1024xf32, #tpu.memory_space<hbm>>, %arg5: memref<4x1024xf32, #tpu.memory_space<hbm>>, %arg6: memref<4xi32, #tpu.memory_space<smem>>, %arg7: memref<!tpu.dma_semaphore, #tpu.memory_space<semaphore_mem>>, %arg8: memref<!tpu.dma_semaphore, #tpu.memory_space<semaphore_mem>>) attributes {dimension_semantics = [#tpu.dimension_semantics<core_parallel>], iteration_bounds = array<i64: 2>, scalar_prefetch = 0 : i64, scratch_operands = 3 : i64, tpu.core_type = #tpu.core_type<sc_scalar_subcore>, window_params = [{transform_indices = #map}, {transform_indices = #map1}, {transform_indices = #map1}, {transform_indices = #map1}, {transform_indices = #map1}]} {
    %eq3A = arith.constant 0 : i32
    %eq3A_0 = arith.cmpi eq, %arg0, %eq3A : i32
    %convert_element_type3A = arith.extui %eq3A_0 : i1 to i32
    %cond3A = arith.constant 0 : i32
    %cond3A_1 = arith.cmpi ne, %convert_element_type3A, %cond3A : i32
    scf.if %cond3A_1 {
      "tpu.region"() ({
        %run_scoped3A = tpu.sem_alloc : memref<!tpu.dma_semaphore, #tpu.memory_space<semaphore_mem>>
        tpu.enqueue_dma source(%arg1 : memref<4xi32, #tpu.memory_space<hbm>>) target(%arg6 : memref<4xi32, #tpu.memory_space<smem>>) target_semaphore(%run_scoped3A : memref<!tpu.dma_semaphore, #tpu.memory_space<semaphore_mem>>)
        tpu.wait_dma2 semaphore(%run_scoped3A : memref<!tpu.dma_semaphore, #tpu.memory_space<semaphore_mem>>) src(%arg1 : memref<4xi32, #tpu.memory_space<hbm>>) dst(%arg6 : memref<4xi32, #tpu.memory_space<smem>>)
        tpu.yield
      }) : () -> ()
      %get3A = arith.constant 0 : i32
      %get3A_2 = arith.index_cast %get3A : i32 to index
      %get3A_3 = memref.load %arg6[%get3A_2] : memref<4xi32, #tpu.memory_space<smem>>
      %dma_start3A = arith.constant 0 : i32
      %dma_start3A_4 = arith.constant 0 : i32
      %dma_start3A_5 = tpu.memref_slice %arg4[%dma_start3A, %dma_start3A_4] : memref<4x1024xf32, #tpu.memory_space<hbm>> -> memref<1x1024xf32, #tpu.memory_space<hbm>>
      %dma_start3A_6 = tpu.memref_squeeze %dma_start3A_5 : memref<1x1024xf32, #tpu.memory_space<hbm>> -> memref<1024xf32, #tpu.memory_space<hbm>>
      %dma_start3A_7 = arith.constant 0 : i32
      %dma_start3A_8 = tpu.memref_slice %arg2[%get3A_3, %dma_start3A_7] : memref<4x1024xf32, #tpu.memory_space<hbm>> -> memref<1x1024xf32, #tpu.memory_space<hbm>>
      %dma_start3A_9 = tpu.memref_squeeze %dma_start3A_8 : memref<1x1024xf32, #tpu.memory_space<hbm>> -> memref<1024xf32, #tpu.memory_space<hbm>>
      tpu.enqueue_dma source(%dma_start3A_9 : memref<1024xf32, #tpu.memory_space<hbm>>) target(%dma_start3A_6 : memref<1024xf32, #tpu.memory_space<hbm>>) target_semaphore(%arg7 : memref<!tpu.dma_semaphore, #tpu.memory_space<semaphore_mem>>)
      %dma_start3A_10 = arith.constant 0 : i32
      %dma_start3A_11 = arith.constant 0 : i32
      %dma_start3A_12 = tpu.memref_slice %arg5[%dma_start3A_10, %dma_start3A_11] : memref<4x1024xf32, #tpu.memory_space<hbm>> -> memref<1x1024xf32, #tpu.memory_space<hbm>>
      %dma_start3A_13 = tpu.memref_squeeze %dma_start3A_12 : memref<1x1024xf32, #tpu.memory_space<hbm>> -> memref<1024xf32, #tpu.memory_space<hbm>>
      %dma_start3A_14 = arith.constant 0 : i32
      %dma_start3A_15 = tpu.memref_slice %arg3[%get3A_3, %dma_start3A_14] : memref<4x1024xf32, #tpu.memory_space<hbm>> -> memref<1x1024xf32, #tpu.memory_space<hbm>>
      %dma_start3A_16 = tpu.memref_squeeze %dma_start3A_15 : memref<1x1024xf32, #tpu.memory_space<hbm>> -> memref<1024xf32, #tpu.memory_space<hbm>>
      tpu.enqueue_dma source(%dma_start3A_16 : memref<1024xf32, #tpu.memory_space<hbm>>) target(%dma_start3A_13 : memref<1024xf32, #tpu.memory_space<hbm>>) target_semaphore(%arg8 : memref<!tpu.dma_semaphore, #tpu.memory_space<semaphore_mem>>)
      %get3A_17 = arith.constant 1 : i32
      %get3A_18 = arith.index_cast %get3A_17 : i32 to index
      %get3A_19 = memref.load %arg6[%get3A_18] : memref<4xi32, #tpu.memory_space<smem>>
      %dma_start3A_20 = arith.constant 1 : i32
      %dma_start3A_21 = arith.constant 0 : i32
      %dma_start3A_22 = tpu.memref_slice %arg4[%dma_start3A_20, %dma_start3A_21] : memref<4x1024xf32, #tpu.memory_space<hbm>> -> memref<1x1024xf32, #tpu.memory_space<hbm>>
      %dma_start3A_23 = tpu.memref_squeeze %dma_start3A_22 : memref<1x1024xf32, #tpu.memory_space<hbm>> -> memref<1024xf32, #tpu.memory_space<hbm>>
      %dma_start3A_24 = arith.constant 0 : i32
      %dma_start3A_25 = tpu.memref_slice %arg2[%get3A_19, %dma_start3A_24] : memref<4x1024xf32, #tpu.memory_space<hbm>> -> memref<1x1024xf32, #tpu.memory_space<hbm>>
      %dma_start3A_26 = tpu.memref_squeeze %dma_start3A_25 : memref<1x1024xf32, #tpu.memory_space<hbm>> -> memref<1024xf32, #tpu.memory_space<hbm>>
      tpu.enqueue_dma source(%dma_start3A_26 : memref<1024xf32, #tpu.memory_space<hbm>>) target(%dma_start3A_23 : memref<1024xf32, #tpu.memory_space<hbm>>) target_semaphore(%arg7 : memref<!tpu.dma_semaphore, #tpu.memory_space<semaphore_mem>>)
      %dma_start3A_27 = arith.constant 1 : i32
      %dma_start3A_28 = arith.constant 0 : i32
      %dma_start3A_29 = tpu.memref_slice %arg5[%dma_start3A_27, %dma_start3A_28] : memref<4x1024xf32, #tpu.memory_space<hbm>> -> memref<1x1024xf32, #tpu.memory_space<hbm>>
      %dma_start3A_30 = tpu.memref_squeeze %dma_start3A_29 : memref<1x1024xf32, #tpu.memory_space<hbm>> -> memref<1024xf32, #tpu.memory_space<hbm>>
      %dma_start3A_31 = arith.constant 0 : i32
      %dma_start3A_32 = tpu.memref_slice %arg3[%get3A_19, %dma_start3A_31] : memref<4x1024xf32, #tpu.memory_space<hbm>> -> memref<1x1024xf32, #tpu.memory_space<hbm>>
      %dma_start3A_33 = tpu.memref_squeeze %dma_start3A_32 : memref<1x1024xf32, #tpu.memory_space<hbm>> -> memref<1024xf32, #tpu.memory_space<hbm>>
      tpu.enqueue_dma source(%dma_start3A_33 : memref<1024xf32, #tpu.memory_space<hbm>>) target(%dma_start3A_30 : memref<1024xf32, #tpu.memory_space<hbm>>) target_semaphore(%arg8 : memref<!tpu.dma_semaphore, #tpu.memory_space<semaphore_mem>>)
      %get3A_34 = arith.constant 2 : i32
      %get3A_35 = arith.index_cast %get3A_34 : i32 to index
      %get3A_36 = memref.load %arg6[%get3A_35] : memref<4xi32, #tpu.memory_space<smem>>
      %dma_start3A_37 = arith.constant 2 : i32
      %dma_start3A_38 = arith.constant 0 : i32
      %dma_start3A_39 = tpu.memref_slice %arg4[%dma_start3A_37, %dma_start3A_38] : memref<4x1024xf32, #tpu.memory_space<hbm>> -> memref<1x1024xf32, #tpu.memory_space<hbm>>
      %dma_start3A_40 = tpu.memref_squeeze %dma_start3A_39 : memref<1x1024xf32, #tpu.memory_space<hbm>> -> memref<1024xf32, #tpu.memory_space<hbm>>
      %dma_start3A_41 = arith.constant 0 : i32
      %dma_start3A_42 = tpu.memref_slice %arg2[%get3A_36, %dma_start3A_41] : memref<4x1024xf32, #tpu.memory_space<hbm>> -> memref<1x1024xf32, #tpu.memory_space<hbm>>
      %dma_start3A_43 = tpu.memref_squeeze %dma_start3A_42 : memref<1x1024xf32, #tpu.memory_space<hbm>> -> memref<1024xf32, #tpu.memory_space<hbm>>
      tpu.enqueue_dma source(%dma_start3A_43 : memref<1024xf32, #tpu.memory_space<hbm>>) target(%dma_start3A_40 : memref<1024xf32, #tpu.memory_space<hbm>>) target_semaphore(%arg7 : memref<!tpu.dma_semaphore, #tpu.memory_space<semaphore_mem>>)
      %dma_start3A_44 = arith.constant 2 : i32
      %dma_start3A_45 = arith.constant 0 : i32
      %dma_start3A_46 = tpu.memref_slice %arg5[%dma_start3A_44, %dma_start3A_45] : memref<4x1024xf32, #tpu.memory_space<hbm>> -> memref<1x1024xf32, #tpu.memory_space<hbm>>
      %dma_start3A_47 = tpu.memref_squeeze %dma_start3A_46 : memref<1x1024xf32, #tpu.memory_space<hbm>> -> memref<1024xf32, #tpu.memory_space<hbm>>
      %dma_start3A_48 = arith.constant 0 : i32
      %dma_start3A_49 = tpu.memref_slice %arg3[%get3A_36, %dma_start3A_48] : memref<4x1024xf32, #tpu.memory_space<hbm>> -> memref<1x1024xf32, #tpu.memory_space<hbm>>
      %dma_start3A_50 = tpu.memref_squeeze %dma_start3A_49 : memref<1x1024xf32, #tpu.memory_space<hbm>> -> memref<1024xf32, #tpu.memory_space<hbm>>
      tpu.enqueue_dma source(%dma_start3A_50 : memref<1024xf32, #tpu.memory_space<hbm>>) target(%dma_start3A_47 : memref<1024xf32, #tpu.memory_space<hbm>>) target_semaphore(%arg8 : memref<!tpu.dma_semaphore, #tpu.memory_space<semaphore_mem>>)
      %get3A_51 = arith.constant 3 : i32
      %get3A_52 = arith.index_cast %get3A_51 : i32 to index
      %get3A_53 = memref.load %arg6[%get3A_52] : memref<4xi32, #tpu.memory_space<smem>>
      %dma_start3A_54 = arith.constant 3 : i32
      %dma_start3A_55 = arith.constant 0 : i32
      %dma_start3A_56 = tpu.memref_slice %arg4[%dma_start3A_54, %dma_start3A_55] : memref<4x1024xf32, #tpu.memory_space<hbm>> -> memref<1x1024xf32, #tpu.memory_space<hbm>>
      %dma_start3A_57 = tpu.memref_squeeze %dma_start3A_56 : memref<1x1024xf32, #tpu.memory_space<hbm>> -> memref<1024xf32, #tpu.memory_space<hbm>>
      %dma_start3A_58 = arith.constant 0 : i32
      %dma_start3A_59 = tpu.memref_slice %arg2[%get3A_53, %dma_start3A_58] : memref<4x1024xf32, #tpu.memory_space<hbm>> -> memref<1x1024xf32, #tpu.memory_space<hbm>>
      %dma_start3A_60 = tpu.memref_squeeze %dma_start3A_59 : memref<1x1024xf32, #tpu.memory_space<hbm>> -> memref<1024xf32, #tpu.memory_space<hbm>>
      tpu.enqueue_dma source(%dma_start3A_60 : memref<1024xf32, #tpu.memory_space<hbm>>) target(%dma_start3A_57 : memref<1024xf32, #tpu.memory_space<hbm>>) target_semaphore(%arg7 : memref<!tpu.dma_semaphore, #tpu.memory_space<semaphore_mem>>)
      %dma_start3A_61 = arith.constant 3 : i32
      %dma_start3A_62 = arith.constant 0 : i32
      %dma_start3A_63 = tpu.memref_slice %arg5[%dma_start3A_61, %dma_start3A_62] : memref<4x1024xf32, #tpu.memory_space<hbm>> -> memref<1x1024xf32, #tpu.memory_space<hbm>>
      %dma_start3A_64 = tpu.memref_squeeze %dma_start3A_63 : memref<1x1024xf32, #tpu.memory_space<hbm>> -> memref<1024xf32, #tpu.memory_space<hbm>>
      %dma_start3A_65 = arith.constant 0 : i32
      %dma_start3A_66 = tpu.memref_slice %arg3[%get3A_53, %dma_start3A_65] : memref<4x1024xf32, #tpu.memory_space<hbm>> -> memref<1x1024xf32, #tpu.memory_space<hbm>>
      %dma_start3A_67 = tpu.memref_squeeze %dma_start3A_66 : memref<1x1024xf32, #tpu.memory_space<hbm>> -> memref<1024xf32, #tpu.memory_space<hbm>>
      tpu.enqueue_dma source(%dma_start3A_67 : memref<1024xf32, #tpu.memory_space<hbm>>) target(%dma_start3A_64 : memref<1024xf32, #tpu.memory_space<hbm>>) target_semaphore(%arg8 : memref<!tpu.dma_semaphore, #tpu.memory_space<semaphore_mem>>)
      %dma_wait3A = arith.constant 0 : i32
      %dma_wait3A_68 = arith.constant 0 : i32
      %dma_wait3A_69 = tpu.memref_slice %arg4[%dma_wait3A, %dma_wait3A_68] : memref<4x1024xf32, #tpu.memory_space<hbm>> -> memref<1x1024xf32, #tpu.memory_space<hbm>>
      %dma_wait3A_70 = tpu.memref_squeeze %dma_wait3A_69 : memref<1x1024xf32, #tpu.memory_space<hbm>> -> memref<1024xf32, #tpu.memory_space<hbm>>
      %dma_wait3A_71 = arith.constant 0 : i32
      %dma_wait3A_72 = tpu.memref_slice %arg2[%get3A_3, %dma_wait3A_71] : memref<4x1024xf32, #tpu.memory_space<hbm>> -> memref<1x1024xf32, #tpu.memory_space<hbm>>
      %dma_wait3A_73 = tpu.memref_squeeze %dma_wait3A_72 : memref<1x1024xf32, #tpu.memory_space<hbm>> -> memref<1024xf32, #tpu.memory_space<hbm>>
      tpu.wait_dma2 semaphore(%arg7 : memref<!tpu.dma_semaphore, #tpu.memory_space<semaphore_mem>>) src(%dma_wait3A_73 : memref<1024xf32, #tpu.memory_space<hbm>>) dst(%dma_wait3A_70 : memref<1024xf32, #tpu.memory_space<hbm>>)
      %dma_wait3A_74 = arith.constant 0 : i32
      %dma_wait3A_75 = arith.constant 0 : i32
      %dma_wait3A_76 = tpu.memref_slice %arg5[%dma_wait3A_74, %dma_wait3A_75] : memref<4x1024xf32, #tpu.memory_space<hbm>> -> memref<1x1024xf32, #tpu.memory_space<hbm>>
      %dma_wait3A_77 = tpu.memref_squeeze %dma_wait3A_76 : memref<1x1024xf32, #tpu.memory_space<hbm>> -> memref<1024xf32, #tpu.memory_space<hbm>>
      %dma_wait3A_78 = arith.constant 0 : i32
      %dma_wait3A_79 = tpu.memref_slice %arg3[%get3A_3, %dma_wait3A_78] : memref<4x1024xf32, #tpu.memory_space<hbm>> -> memref<1x1024xf32, #tpu.memory_space<hbm>>
      %dma_wait3A_80 = tpu.memref_squeeze %dma_wait3A_79 : memref<1x1024xf32, #tpu.memory_space<hbm>> -> memref<1024xf32, #tpu.memory_space<hbm>>
      tpu.wait_dma2 semaphore(%arg8 : memref<!tpu.dma_semaphore, #tpu.memory_space<semaphore_mem>>) src(%dma_wait3A_80 : memref<1024xf32, #tpu.memory_space<hbm>>) dst(%dma_wait3A_77 : memref<1024xf32, #tpu.memory_space<hbm>>)
      %dma_wait3A_81 = arith.constant 1 : i32
      %dma_wait3A_82 = arith.constant 0 : i32
      %dma_wait3A_83 = tpu.memref_slice %arg4[%dma_wait3A_81, %dma_wait3A_82] : memref<4x1024xf32, #tpu.memory_space<hbm>> -> memref<1x1024xf32, #tpu.memory_space<hbm>>
      %dma_wait3A_84 = tpu.memref_squeeze %dma_wait3A_83 : memref<1x1024xf32, #tpu.memory_space<hbm>> -> memref<1024xf32, #tpu.memory_space<hbm>>
      %dma_wait3A_85 = arith.constant 0 : i32
      %dma_wait3A_86 = tpu.memref_slice %arg2[%get3A_19, %dma_wait3A_85] : memref<4x1024xf32, #tpu.memory_space<hbm>> -> memref<1x1024xf32, #tpu.memory_space<hbm>>
      %dma_wait3A_87 = tpu.memref_squeeze %dma_wait3A_86 : memref<1x1024xf32, #tpu.memory_space<hbm>> -> memref<1024xf32, #tpu.memory_space<hbm>>
      tpu.wait_dma2 semaphore(%arg7 : memref<!tpu.dma_semaphore, #tpu.memory_space<semaphore_mem>>) src(%dma_wait3A_87 : memref<1024xf32, #tpu.memory_space<hbm>>) dst(%dma_wait3A_84 : memref<1024xf32, #tpu.memory_space<hbm>>)
      %dma_wait3A_88 = arith.constant 1 : i32
      %dma_wait3A_89 = arith.constant 0 : i32
      %dma_wait3A_90 = tpu.memref_slice %arg5[%dma_wait3A_88, %dma_wait3A_89] : memref<4x1024xf32, #tpu.memory_space<hbm>> -> memref<1x1024xf32, #tpu.memory_space<hbm>>
      %dma_wait3A_91 = tpu.memref_squeeze %dma_wait3A_90 : memref<1x1024xf32, #tpu.memory_space<hbm>> -> memref<1024xf32, #tpu.memory_space<hbm>>
      %dma_wait3A_92 = arith.constant 0 : i32
      %dma_wait3A_93 = tpu.memref_slice %arg3[%get3A_19, %dma_wait3A_92] : memref<4x1024xf32, #tpu.memory_space<hbm>> -> memref<1x1024xf32, #tpu.memory_space<hbm>>
      %dma_wait3A_94 = tpu.memref_squeeze %dma_wait3A_93 : memref<1x1024xf32, #tpu.memory_space<hbm>> -> memref<1024xf32, #tpu.memory_space<hbm>>
      tpu.wait_dma2 semaphore(%arg8 : memref<!tpu.dma_semaphore, #tpu.memory_space<semaphore_mem>>) src(%dma_wait3A_94 : memref<1024xf32, #tpu.memory_space<hbm>>) dst(%dma_wait3A_91 : memref<1024xf32, #tpu.memory_space<hbm>>)
      %dma_wait3A_95 = arith.constant 2 : i32
      %dma_wait3A_96 = arith.constant 0 : i32
      %dma_wait3A_97 = tpu.memref_slice %arg4[%dma_wait3A_95, %dma_wait3A_96] : memref<4x1024xf32, #tpu.memory_space<hbm>> -> memref<1x1024xf32, #tpu.memory_space<hbm>>
      %dma_wait3A_98 = tpu.memref_squeeze %dma_wait3A_97 : memref<1x1024xf32, #tpu.memory_space<hbm>> -> memref<1024xf32, #tpu.memory_space<hbm>>
      %dma_wait3A_99 = arith.constant 0 : i32
      %dma_wait3A_100 = tpu.memref_slice %arg2[%get3A_36, %dma_wait3A_99] : memref<4x1024xf32, #tpu.memory_space<hbm>> -> memref<1x1024xf32, #tpu.memory_space<hbm>>
      %dma_wait3A_101 = tpu.memref_squeeze %dma_wait3A_100 : memref<1x1024xf32, #tpu.memory_space<hbm>> -> memref<1024xf32, #tpu.memory_space<hbm>>
      tpu.wait_dma2 semaphore(%arg7 : memref<!tpu.dma_semaphore, #tpu.memory_space<semaphore_mem>>) src(%dma_wait3A_101 : memref<1024xf32, #tpu.memory_space<hbm>>) dst(%dma_wait3A_98 : memref<1024xf32, #tpu.memory_space<hbm>>)
      %dma_wait3A_102 = arith.constant 2 : i32
      %dma_wait3A_103 = arith.constant 0 : i32
      %dma_wait3A_104 = tpu.memref_slice %arg5[%dma_wait3A_102, %dma_wait3A_103] : memref<4x1024xf32, #tpu.memory_space<hbm>> -> memref<1x1024xf32, #tpu.memory_space<hbm>>
      %dma_wait3A_105 = tpu.memref_squeeze %dma_wait3A_104 : memref<1x1024xf32, #tpu.memory_space<hbm>> -> memref<1024xf32, #tpu.memory_space<hbm>>
      %dma_wait3A_106 = arith.constant 0 : i32
      %dma_wait3A_107 = tpu.memref_slice %arg3[%get3A_36, %dma_wait3A_106] : memref<4x1024xf32, #tpu.memory_space<hbm>> -> memref<1x1024xf32, #tpu.memory_space<hbm>>
      %dma_wait3A_108 = tpu.memref_squeeze %dma_wait3A_107 : memref<1x1024xf32, #tpu.memory_space<hbm>> -> memref<1024xf32, #tpu.memory_space<hbm>>
      tpu.wait_dma2 semaphore(%arg8 : memref<!tpu.dma_semaphore, #tpu.memory_space<semaphore_mem>>) src(%dma_wait3A_108 : memref<1024xf32, #tpu.memory_space<hbm>>) dst(%dma_wait3A_105 : memref<1024xf32, #tpu.memory_space<hbm>>)
      %dma_wait3A_109 = arith.constant 3 : i32
      %dma_wait3A_110 = arith.constant 0 : i32
      %dma_wait3A_111 = tpu.memref_slice %arg4[%dma_wait3A_109, %dma_wait3A_110] : memref<4x1024xf32, #tpu.memory_space<hbm>> -> memref<1x1024xf32, #tpu.memory_space<hbm>>
      %dma_wait3A_112 = tpu.memref_squeeze %dma_wait3A_111 : memref<1x1024xf32, #tpu.memory_space<hbm>> -> memref<1024xf32, #tpu.memory_space<hbm>>
      %dma_wait3A_113 = arith.constant 0 : i32
      %dma_wait3A_114 = tpu.memref_slice %arg2[%get3A_53, %dma_wait3A_113] : memref<4x1024xf32, #tpu.memory_space<hbm>> -> memref<1x1024xf32, #tpu.memory_space<hbm>>
      %dma_wait3A_115 = tpu.memref_squeeze %dma_wait3A_114 : memref<1x1024xf32, #tpu.memory_space<hbm>> -> memref<1024xf32, #tpu.memory_space<hbm>>
      tpu.wait_dma2 semaphore(%arg7 : memref<!tpu.dma_semaphore, #tpu.memory_space<semaphore_mem>>) src(%dma_wait3A_115 : memref<1024xf32, #tpu.memory_space<hbm>>) dst(%dma_wait3A_112 : memref<1024xf32, #tpu.memory_space<hbm>>)
      %dma_wait3A_116 = arith.constant 3 : i32
      %dma_wait3A_117 = arith.constant 0 : i32
      %dma_wait3A_118 = tpu.memref_slice %arg5[%dma_wait3A_116, %dma_wait3A_117] : memref<4x1024xf32, #tpu.memory_space<hbm>> -> memref<1x1024xf32, #tpu.memory_space<hbm>>
      %dma_wait3A_119 = tpu.memref_squeeze %dma_wait3A_118 : memref<1x1024xf32, #tpu.memory_space<hbm>> -> memref<1024xf32, #tpu.memory_space<hbm>>
      %dma_wait3A_120 = arith.constant 0 : i32
      %dma_wait3A_121 = tpu.memref_slice %arg3[%get3A_53, %dma_wait3A_120] : memref<4x1024xf32, #tpu.memory_space<hbm>> -> memref<1x1024xf32, #tpu.memory_space<hbm>>
      %dma_wait3A_122 = tpu.memref_squeeze %dma_wait3A_121 : memref<1x1024xf32, #tpu.memory_space<hbm>> -> memref<1024xf32, #tpu.memory_space<hbm>>
      tpu.wait_dma2 semaphore(%arg8 : memref<!tpu.dma_semaphore, #tpu.memory_space<semaphore_mem>>) src(%dma_wait3A_122 : memref<1024xf32, #tpu.memory_space<hbm>>) dst(%dma_wait3A_119 : memref<1024xf32, #tpu.memory_space<hbm>>)
    } else {
    }
    return
  }
}

module attributes {stable_mosaic.version = 14 : i64} {
  func.func @_film1_body(%arg0: memref<4xi32, #tpu.memory_space<smem>>, %arg1: memref<4x4096x1024xf32, #tpu.memory_space<any>>, %arg2: memref<4x1024xf32, #tpu.memory_space<vmem>>, %arg3: memref<4x1024xf32, #tpu.memory_space<vmem>>, %arg4: memref<4x4096x1024xf32, #tpu.memory_space<any>>, %arg5: memref<8x512x1024xf32, #tpu.memory_space<vmem>>, %arg6: memref<8x!tpu.dma_semaphore, #tpu.memory_space<semaphore_mem>>, %arg7: memref<8x!tpu.dma_semaphore, #tpu.memory_space<semaphore_mem>>) attributes {dimension_semantics = [], scalar_prefetch = 0 : i64, scratch_operands = 3 : i64, tpu.core_type = #tpu.core_type<tc>} {
    %dma_start3A = arith.constant 0 : i32
    %dma_start3A_0 = arith.constant 0 : i32
    %dma_start3A_1 = arith.constant 0 : i32
    %dma_start3A_2 = tpu.memref_slice %arg6[%dma_start3A_1] : memref<8x!tpu.dma_semaphore, #tpu.memory_space<semaphore_mem>> -> memref<1x!tpu.dma_semaphore, #tpu.memory_space<semaphore_mem>>
    %dma_start3A_3 = tpu.memref_squeeze %dma_start3A_2 : memref<1x!tpu.dma_semaphore, #tpu.memory_space<semaphore_mem>> -> memref<!tpu.dma_semaphore, #tpu.memory_space<semaphore_mem>>
    %dma_start3A_4 = arith.constant 0 : i32
    %dma_start3A_5 = arith.constant 0 : i32
    %dma_start3A_6 = tpu.memref_slice %arg5[%dma_start3A_0, %dma_start3A_4, %dma_start3A_5] : memref<8x512x1024xf32, #tpu.memory_space<vmem>> -> memref<1x512x1024xf32, #tpu.memory_space<vmem>>
    %dma_start3A_7 = tpu.memref_squeeze %dma_start3A_6 : memref<1x512x1024xf32, #tpu.memory_space<vmem>> -> memref<512x1024xf32, #tpu.memory_space<vmem>>
    %dma_start3A_8 = arith.constant 0 : i32
    %dma_start3A_9 = arith.constant 0 : i32
    %dma_start3A_10 = tpu.memref_slice %arg1[%dma_start3A, %dma_start3A_8, %dma_start3A_9] : memref<4x4096x1024xf32, #tpu.memory_space<any>> -> memref<1x512x1024xf32, #tpu.memory_space<any>>
    %dma_start3A_11 = tpu.memref_squeeze %dma_start3A_10 : memref<1x512x1024xf32, #tpu.memory_space<any>> -> memref<512x1024xf32, #tpu.memory_space<any>>
    tpu.enqueue_dma source(%dma_start3A_11 : memref<512x1024xf32, #tpu.memory_space<any>>) target(%dma_start3A_7 : memref<512x1024xf32, #tpu.memory_space<vmem>>) target_semaphore(%dma_start3A_3 : memref<!tpu.dma_semaphore, #tpu.memory_space<semaphore_mem>>)
    %dma_start3A_12 = arith.constant 0 : i32
    %dma_start3A_13 = arith.constant 1 : i32
    %dma_start3A_14 = arith.constant 1 : i32
    %dma_start3A_15 = tpu.memref_slice %arg6[%dma_start3A_14] : memref<8x!tpu.dma_semaphore, #tpu.memory_space<semaphore_mem>> -> memref<1x!tpu.dma_semaphore, #tpu.memory_space<semaphore_mem>>
    %dma_start3A_16 = tpu.memref_squeeze %dma_start3A_15 : memref<1x!tpu.dma_semaphore, #tpu.memory_space<semaphore_mem>> -> memref<!tpu.dma_semaphore, #tpu.memory_space<semaphore_mem>>
    %dma_start3A_17 = arith.constant 0 : i32
    %dma_start3A_18 = arith.constant 0 : i32
    %dma_start3A_19 = tpu.memref_slice %arg5[%dma_start3A_13, %dma_start3A_17, %dma_start3A_18] : memref<8x512x1024xf32, #tpu.memory_space<vmem>> -> memref<1x512x1024xf32, #tpu.memory_space<vmem>>
    %dma_start3A_20 = tpu.memref_squeeze %dma_start3A_19 : memref<1x512x1024xf32, #tpu.memory_space<vmem>> -> memref<512x1024xf32, #tpu.memory_space<vmem>>
    %dma_start3A_21 = arith.constant 512 : i32
    %dma_start3A_22 = arith.constant 0 : i32
    %dma_start3A_23 = tpu.memref_slice %arg1[%dma_start3A_12, %dma_start3A_21, %dma_start3A_22] : memref<4x4096x1024xf32, #tpu.memory_space<any>> -> memref<1x512x1024xf32, #tpu.memory_space<any>>
    %dma_start3A_24 = tpu.memref_squeeze %dma_start3A_23 : memref<1x512x1024xf32, #tpu.memory_space<any>> -> memref<512x1024xf32, #tpu.memory_space<any>>
    tpu.enqueue_dma source(%dma_start3A_24 : memref<512x1024xf32, #tpu.memory_space<any>>) target(%dma_start3A_20 : memref<512x1024xf32, #tpu.memory_space<vmem>>) target_semaphore(%dma_start3A_16 : memref<!tpu.dma_semaphore, #tpu.memory_space<semaphore_mem>>)
    %dma_start3A_25 = arith.constant 0 : i32
    %dma_start3A_26 = arith.constant 2 : i32
    %dma_start3A_27 = arith.constant 2 : i32
    %dma_start3A_28 = tpu.memref_slice %arg6[%dma_start3A_27] : memref<8x!tpu.dma_semaphore, #tpu.memory_space<semaphore_mem>> -> memref<1x!tpu.dma_semaphore, #tpu.memory_space<semaphore_mem>>
    %dma_start3A_29 = tpu.memref_squeeze %dma_start3A_28 : memref<1x!tpu.dma_semaphore, #tpu.memory_space<semaphore_mem>> -> memref<!tpu.dma_semaphore, #tpu.memory_space<semaphore_mem>>
    %dma_start3A_30 = arith.constant 0 : i32
    %dma_start3A_31 = arith.constant 0 : i32
    %dma_start3A_32 = tpu.memref_slice %arg5[%dma_start3A_26, %dma_start3A_30, %dma_start3A_31] : memref<8x512x1024xf32, #tpu.memory_space<vmem>> -> memref<1x512x1024xf32, #tpu.memory_space<vmem>>
    %dma_start3A_33 = tpu.memref_squeeze %dma_start3A_32 : memref<1x512x1024xf32, #tpu.memory_space<vmem>> -> memref<512x1024xf32, #tpu.memory_space<vmem>>
    %dma_start3A_34 = arith.constant 1024 : i32
    %dma_start3A_35 = arith.constant 0 : i32
    %dma_start3A_36 = tpu.memref_slice %arg1[%dma_start3A_25, %dma_start3A_34, %dma_start3A_35] : memref<4x4096x1024xf32, #tpu.memory_space<any>> -> memref<1x512x1024xf32, #tpu.memory_space<any>>
    %dma_start3A_37 = tpu.memref_squeeze %dma_start3A_36 : memref<1x512x1024xf32, #tpu.memory_space<any>> -> memref<512x1024xf32, #tpu.memory_space<any>>
    tpu.enqueue_dma source(%dma_start3A_37 : memref<512x1024xf32, #tpu.memory_space<any>>) target(%dma_start3A_33 : memref<512x1024xf32, #tpu.memory_space<vmem>>) target_semaphore(%dma_start3A_29 : memref<!tpu.dma_semaphore, #tpu.memory_space<semaphore_mem>>)
    %dma_start3A_38 = arith.constant 0 : i32
    %dma_start3A_39 = arith.constant 3 : i32
    %dma_start3A_40 = arith.constant 3 : i32
    %dma_start3A_41 = tpu.memref_slice %arg6[%dma_start3A_40] : memref<8x!tpu.dma_semaphore, #tpu.memory_space<semaphore_mem>> -> memref<1x!tpu.dma_semaphore, #tpu.memory_space<semaphore_mem>>
    %dma_start3A_42 = tpu.memref_squeeze %dma_start3A_41 : memref<1x!tpu.dma_semaphore, #tpu.memory_space<semaphore_mem>> -> memref<!tpu.dma_semaphore, #tpu.memory_space<semaphore_mem>>
    %dma_start3A_43 = arith.constant 0 : i32
    %dma_start3A_44 = arith.constant 0 : i32
    %dma_start3A_45 = tpu.memref_slice %arg5[%dma_start3A_39, %dma_start3A_43, %dma_start3A_44] : memref<8x512x1024xf32, #tpu.memory_space<vmem>> -> memref<1x512x1024xf32, #tpu.memory_space<vmem>>
    %dma_start3A_46 = tpu.memref_squeeze %dma_start3A_45 : memref<1x512x1024xf32, #tpu.memory_space<vmem>> -> memref<512x1024xf32, #tpu.memory_space<vmem>>
    %dma_start3A_47 = arith.constant 1536 : i32
    %dma_start3A_48 = arith.constant 0 : i32
    %dma_start3A_49 = tpu.memref_slice %arg1[%dma_start3A_38, %dma_start3A_47, %dma_start3A_48] : memref<4x4096x1024xf32, #tpu.memory_space<any>> -> memref<1x512x1024xf32, #tpu.memory_space<any>>
    %dma_start3A_50 = tpu.memref_squeeze %dma_start3A_49 : memref<1x512x1024xf32, #tpu.memory_space<any>> -> memref<512x1024xf32, #tpu.memory_space<any>>
    tpu.enqueue_dma source(%dma_start3A_50 : memref<512x1024xf32, #tpu.memory_space<any>>) target(%dma_start3A_46 : memref<512x1024xf32, #tpu.memory_space<vmem>>) target_semaphore(%dma_start3A_42 : memref<!tpu.dma_semaphore, #tpu.memory_space<semaphore_mem>>)
    %dma_start3A_51 = arith.constant 0 : i32
    %dma_start3A_52 = arith.constant 4 : i32
    %dma_start3A_53 = arith.constant 4 : i32
    %dma_start3A_54 = tpu.memref_slice %arg6[%dma_start3A_53] : memref<8x!tpu.dma_semaphore, #tpu.memory_space<semaphore_mem>> -> memref<1x!tpu.dma_semaphore, #tpu.memory_space<semaphore_mem>>
    %dma_start3A_55 = tpu.memref_squeeze %dma_start3A_54 : memref<1x!tpu.dma_semaphore, #tpu.memory_space<semaphore_mem>> -> memref<!tpu.dma_semaphore, #tpu.memory_space<semaphore_mem>>
    %dma_start3A_56 = arith.constant 0 : i32
    %dma_start3A_57 = arith.constant 0 : i32
    %dma_start3A_58 = tpu.memref_slice %arg5[%dma_start3A_52, %dma_start3A_56, %dma_start3A_57] : memref<8x512x1024xf32, #tpu.memory_space<vmem>> -> memref<1x512x1024xf32, #tpu.memory_space<vmem>>
    %dma_start3A_59 = tpu.memref_squeeze %dma_start3A_58 : memref<1x512x1024xf32, #tpu.memory_space<vmem>> -> memref<512x1024xf32, #tpu.memory_space<vmem>>
    %dma_start3A_60 = arith.constant 2048 : i32
    %dma_start3A_61 = arith.constant 0 : i32
    %dma_start3A_62 = tpu.memref_slice %arg1[%dma_start3A_51, %dma_start3A_60, %dma_start3A_61] : memref<4x4096x1024xf32, #tpu.memory_space<any>> -> memref<1x512x1024xf32, #tpu.memory_space<any>>
    %dma_start3A_63 = tpu.memref_squeeze %dma_start3A_62 : memref<1x512x1024xf32, #tpu.memory_space<any>> -> memref<512x1024xf32, #tpu.memory_space<any>>
    tpu.enqueue_dma source(%dma_start3A_63 : memref<512x1024xf32, #tpu.memory_space<any>>) target(%dma_start3A_59 : memref<512x1024xf32, #tpu.memory_space<vmem>>) target_semaphore(%dma_start3A_55 : memref<!tpu.dma_semaphore, #tpu.memory_space<semaphore_mem>>)
    %dma_start3A_64 = arith.constant 0 : i32
    %dma_start3A_65 = arith.constant 5 : i32
    %dma_start3A_66 = arith.constant 5 : i32
    %dma_start3A_67 = tpu.memref_slice %arg6[%dma_start3A_66] : memref<8x!tpu.dma_semaphore, #tpu.memory_space<semaphore_mem>> -> memref<1x!tpu.dma_semaphore, #tpu.memory_space<semaphore_mem>>
    %dma_start3A_68 = tpu.memref_squeeze %dma_start3A_67 : memref<1x!tpu.dma_semaphore, #tpu.memory_space<semaphore_mem>> -> memref<!tpu.dma_semaphore, #tpu.memory_space<semaphore_mem>>
    %dma_start3A_69 = arith.constant 0 : i32
    %dma_start3A_70 = arith.constant 0 : i32
    %dma_start3A_71 = tpu.memref_slice %arg5[%dma_start3A_65, %dma_start3A_69, %dma_start3A_70] : memref<8x512x1024xf32, #tpu.memory_space<vmem>> -> memref<1x512x1024xf32, #tpu.memory_space<vmem>>
    %dma_start3A_72 = tpu.memref_squeeze %dma_start3A_71 : memref<1x512x1024xf32, #tpu.memory_space<vmem>> -> memref<512x1024xf32, #tpu.memory_space<vmem>>
    %dma_start3A_73 = arith.constant 2560 : i32
    %dma_start3A_74 = arith.constant 0 : i32
    %dma_start3A_75 = tpu.memref_slice %arg1[%dma_start3A_64, %dma_start3A_73, %dma_start3A_74] : memref<4x4096x1024xf32, #tpu.memory_space<any>> -> memref<1x512x1024xf32, #tpu.memory_space<any>>
    %dma_start3A_76 = tpu.memref_squeeze %dma_start3A_75 : memref<1x512x1024xf32, #tpu.memory_space<any>> -> memref<512x1024xf32, #tpu.memory_space<any>>
    tpu.enqueue_dma source(%dma_start3A_76 : memref<512x1024xf32, #tpu.memory_space<any>>) target(%dma_start3A_72 : memref<512x1024xf32, #tpu.memory_space<vmem>>) target_semaphore(%dma_start3A_68 : memref<!tpu.dma_semaphore, #tpu.memory_space<semaphore_mem>>)
    %dma_start3A_77 = arith.constant 0 : i32
    %dma_start3A_78 = arith.constant 6 : i32
    %dma_start3A_79 = arith.constant 6 : i32
    %dma_start3A_80 = tpu.memref_slice %arg6[%dma_start3A_79] : memref<8x!tpu.dma_semaphore, #tpu.memory_space<semaphore_mem>> -> memref<1x!tpu.dma_semaphore, #tpu.memory_space<semaphore_mem>>
    %dma_start3A_81 = tpu.memref_squeeze %dma_start3A_80 : memref<1x!tpu.dma_semaphore, #tpu.memory_space<semaphore_mem>> -> memref<!tpu.dma_semaphore, #tpu.memory_space<semaphore_mem>>
    %dma_start3A_82 = arith.constant 0 : i32
    %dma_start3A_83 = arith.constant 0 : i32
    %dma_start3A_84 = tpu.memref_slice %arg5[%dma_start3A_78, %dma_start3A_82, %dma_start3A_83] : memref<8x512x1024xf32, #tpu.memory_space<vmem>> -> memref<1x512x1024xf32, #tpu.memory_space<vmem>>
    %dma_start3A_85 = tpu.memref_squeeze %dma_start3A_84 : memref<1x512x1024xf32, #tpu.memory_space<vmem>> -> memref<512x1024xf32, #tpu.memory_space<vmem>>
    %dma_start3A_86 = arith.constant 3072 : i32
    %dma_start3A_87 = arith.constant 0 : i32
    %dma_start3A_88 = tpu.memref_slice %arg1[%dma_start3A_77, %dma_start3A_86, %dma_start3A_87] : memref<4x4096x1024xf32, #tpu.memory_space<any>> -> memref<1x512x1024xf32, #tpu.memory_space<any>>
    %dma_start3A_89 = tpu.memref_squeeze %dma_start3A_88 : memref<1x512x1024xf32, #tpu.memory_space<any>> -> memref<512x1024xf32, #tpu.memory_space<any>>
    tpu.enqueue_dma source(%dma_start3A_89 : memref<512x1024xf32, #tpu.memory_space<any>>) target(%dma_start3A_85 : memref<512x1024xf32, #tpu.memory_space<vmem>>) target_semaphore(%dma_start3A_81 : memref<!tpu.dma_semaphore, #tpu.memory_space<semaphore_mem>>)
    %dma_wait3A = arith.constant 0 : i32
    %dma_wait3A_90 = arith.constant 0 : i32
    %dma_wait3A_91 = arith.constant 0 : i32
    %dma_wait3A_92 = tpu.memref_slice %arg6[%dma_wait3A_91] : memref<8x!tpu.dma_semaphore, #tpu.memory_space<semaphore_mem>> -> memref<1x!tpu.dma_semaphore, #tpu.memory_space<semaphore_mem>>
    %dma_wait3A_93 = tpu.memref_squeeze %dma_wait3A_92 : memref<1x!tpu.dma_semaphore, #tpu.memory_space<semaphore_mem>> -> memref<!tpu.dma_semaphore, #tpu.memory_space<semaphore_mem>>
    %dma_wait3A_94 = arith.constant 0 : i32
    %dma_wait3A_95 = arith.constant 0 : i32
    %dma_wait3A_96 = tpu.memref_slice %arg5[%dma_wait3A_90, %dma_wait3A_94, %dma_wait3A_95] : memref<8x512x1024xf32, #tpu.memory_space<vmem>> -> memref<1x512x1024xf32, #tpu.memory_space<vmem>>
    %dma_wait3A_97 = tpu.memref_squeeze %dma_wait3A_96 : memref<1x512x1024xf32, #tpu.memory_space<vmem>> -> memref<512x1024xf32, #tpu.memory_space<vmem>>
    %dma_wait3A_98 = arith.constant 0 : i32
    %dma_wait3A_99 = arith.constant 0 : i32
    %dma_wait3A_100 = tpu.memref_slice %arg1[%dma_wait3A, %dma_wait3A_98, %dma_wait3A_99] : memref<4x4096x1024xf32, #tpu.memory_space<any>> -> memref<1x512x1024xf32, #tpu.memory_space<any>>
    %dma_wait3A_101 = tpu.memref_squeeze %dma_wait3A_100 : memref<1x512x1024xf32, #tpu.memory_space<any>> -> memref<512x1024xf32, #tpu.memory_space<any>>
    tpu.wait_dma2 semaphore(%dma_wait3A_93 : memref<!tpu.dma_semaphore, #tpu.memory_space<semaphore_mem>>) src(%dma_wait3A_101 : memref<512x1024xf32, #tpu.memory_space<any>>) dst(%dma_wait3A_97 : memref<512x1024xf32, #tpu.memory_space<vmem>>)
    %get3A = arith.constant 0 : index
    %get3A_102 = memref.load %arg0[%get3A] : memref<4xi32, #tpu.memory_space<smem>>
    %iota3A = tpu.iota {dimensions = array<i32: 0>} : vector<4x1xi32>
    %eq3A = vector.broadcast %get3A_102 : i32 to vector<4x1xi32>
    %eq3A_103 = arith.cmpi eq, %iota3A, %eq3A : vector<4x1xi32>
    %get3A_104 = arith.constant 0 : index
    %get3A_105 = arith.constant 0 : index
    %get3A_106 = vector.load %arg2[%get3A_104, %get3A_105] : memref<4x1024xf32, #tpu.memory_space<vmem>>, vector<4x1024xf32>
    %jit3A = arith.constant 0.000000e+00 : f32
    %broadcast_in_dim3A = vector.shape_cast %eq3A_103 : vector<4x1xi1> to vector<4x1xi1>
    %broadcast_in_dim3A_107 = vector.broadcast %broadcast_in_dim3A : vector<4x1xi1> to vector<4x1024xi1>
    %broadcast_in_dim3A_108 = vector.broadcast %jit3A : f32 to vector<4x1024xf32>
    %select_n3A = arith.select %broadcast_in_dim3A_107, %get3A_106, %broadcast_in_dim3A_108 : vector<4x1024xi1>, vector<4x1024xf32>
    %reduce_sum3A = arith.constant dense<0.000000e+00> : vector<1024xf32>
    %reduce_sum3A_109 = vector.multi_reduction <add>, %select_n3A, %reduce_sum3A [0] : vector<4x1024xf32> to vector<1024xf32>
    %get3A_110 = arith.constant 0 : index
    %get3A_111 = arith.constant 0 : index
    %get3A_112 = vector.load %arg3[%get3A_110, %get3A_111] : memref<4x1024xf32, #tpu.memory_space<vmem>>, vector<4x1024xf32>
    %jit3A_113 = arith.constant 0.000000e+00 : f32
    %broadcast_in_dim3A_114 = vector.shape_cast %eq3A_103 : vector<4x1xi1> to vector<4x1xi1>
    %broadcast_in_dim3A_115 = vector.broadcast %broadcast_in_dim3A_114 : vector<4x1xi1> to vector<4x1024xi1>
    %broadcast_in_dim3A_116 = vector.broadcast %jit3A_113 : f32 to vector<4x1024xf32>
    %select_n3A_117 = arith.select %broadcast_in_dim3A_115, %get3A_112, %broadcast_in_dim3A_116 : vector<4x1024xi1>, vector<4x1024xf32>
    %reduce_sum3A_118 = arith.constant dense<0.000000e+00> : vector<1024xf32>
    %reduce_sum3A_119 = vector.multi_reduction <add>, %select_n3A_117, %reduce_sum3A_118 [0] : vector<4x1024xf32> to vector<1024xf32>
    %get3A_120 = arith.constant 0 : index
    %get3A_121 = arith.constant 0 : index
    %get3A_122 = arith.constant 0 : index
    %get3A_123 = vector.load %arg5[%get3A_120, %get3A_121, %get3A_122] : memref<8x512x1024xf32, #tpu.memory_space<vmem>>, vector<1x512x1024xf32>
    %get3A_124 = vector.shape_cast %get3A_123 : vector<1x512x1024xf32> to vector<512x1024xf32>
    %broadcast_in_dim3A_125 = vector.shape_cast %reduce_sum3A_109 : vector<1024xf32> to vector<1x1024xf32>
    %mul3A = vector.broadcast %broadcast_in_dim3A_125 : vector<1x1024xf32> to vector<512x1024xf32>
    %mul3A_126 = arith.mulf %mul3A, %get3A_124 : vector<512x1024xf32>
    %broadcast_in_dim3A_127 = vector.shape_cast %reduce_sum3A_119 : vector<1024xf32> to vector<1x1024xf32>
    %add3A = vector.broadcast %broadcast_in_dim3A_127 : vector<1x1024xf32> to vector<512x1024xf32>
    %add3A_128 = arith.addf %mul3A_126, %add3A : vector<512x1024xf32>
    %swap3A = arith.constant 0 : index
    %swap3A_129 = arith.constant 0 : index
    %swap3A_130 = arith.constant 0 : index
    %swap3A_131 = vector.load %arg5[%swap3A, %swap3A_129, %swap3A_130] : memref<8x512x1024xf32, #tpu.memory_space<vmem>>, vector<1x512x1024xf32>
    %swap3A_132 = vector.shape_cast %swap3A_131 : vector<1x512x1024xf32> to vector<512x1024xf32>
    %swap3A_133 = vector.shape_cast %add3A_128 : vector<512x1024xf32> to vector<1x512x1024xf32>
    tpu.vector_store %arg5[%swap3A, %swap3A_129, %swap3A_130], %swap3A_133 {strides = array<i32>} : memref<8x512x1024xf32, #tpu.memory_space<vmem>>, vector<1x512x1024xf32>,
    %dma_start3A_134 = arith.constant 0 : i32
    %dma_start3A_135 = arith.constant 0 : i32
    %dma_start3A_136 = arith.constant 0 : i32
    %dma_start3A_137 = tpu.memref_slice %arg7[%dma_start3A_136] : memref<8x!tpu.dma_semaphore, #tpu.memory_space<semaphore_mem>> -> memref<1x!tpu.dma_semaphore, #tpu.memory_space<semaphore_mem>>
    %dma_start3A_138 = tpu.memref_squeeze %dma_start3A_137 : memref<1x!tpu.dma_semaphore, #tpu.memory_space<semaphore_mem>> -> memref<!tpu.dma_semaphore, #tpu.memory_space<semaphore_mem>>
    %dma_start3A_139 = arith.constant 0 : i32
    %dma_start3A_140 = arith.constant 0 : i32
    %dma_start3A_141 = tpu.memref_slice %arg4[%dma_start3A_135, %dma_start3A_139, %dma_start3A_140] : memref<4x4096x1024xf32, #tpu.memory_space<any>> -> memref<1x512x1024xf32, #tpu.memory_space<any>>
    %dma_start3A_142 = tpu.memref_squeeze %dma_start3A_141 : memref<1x512x1024xf32, #tpu.memory_space<any>> -> memref<512x1024xf32, #tpu.memory_space<any>>
    %dma_start3A_143 = arith.constant 0 : i32
    %dma_start3A_144 = arith.constant 0 : i32
    %dma_start3A_145 = tpu.memref_slice %arg5[%dma_start3A_134, %dma_start3A_143, %dma_start3A_144] : memref<8x512x1024xf32, #tpu.memory_space<vmem>> -> memref<1x512x1024xf32, #tpu.memory_space<vmem>>
    %dma_start3A_146 = tpu.memref_squeeze %dma_start3A_145 : memref<1x512x1024xf32, #tpu.memory_space<vmem>> -> memref<512x1024xf32, #tpu.memory_space<vmem>>
    tpu.enqueue_dma source(%dma_start3A_146 : memref<512x1024xf32, #tpu.memory_space<vmem>>) target(%dma_start3A_142 : memref<512x1024xf32, #tpu.memory_space<any>>) target_semaphore(%dma_start3A_138 : memref<!tpu.dma_semaphore, #tpu.memory_space<semaphore_mem>>)
    %dma_start3A_147 = arith.constant 0 : i32
    %dma_start3A_148 = arith.constant 7 : i32
    %dma_start3A_149 = arith.constant 7 : i32
    %dma_start3A_150 = tpu.memref_slice %arg6[%dma_start3A_149] : memref<8x!tpu.dma_semaphore, #tpu.memory_space<semaphore_mem>> -> memref<1x!tpu.dma_semaphore, #tpu.memory_space<semaphore_mem>>
    %dma_start3A_151 = tpu.memref_squeeze %dma_start3A_150 : memref<1x!tpu.dma_semaphore, #tpu.memory_space<semaphore_mem>> -> memref<!tpu.dma_semaphore, #tpu.memory_space<semaphore_mem>>
    %dma_start3A_152 = arith.constant 0 : i32
    %dma_start3A_153 = arith.constant 0 : i32
    %dma_start3A_154 = tpu.memref_slice %arg5[%dma_start3A_148, %dma_start3A_152, %dma_start3A_153] : memref<8x512x1024xf32, #tpu.memory_space<vmem>> -> memref<1x512x1024xf32, #tpu.memory_space<vmem>>
    %dma_start3A_155 = tpu.memref_squeeze %dma_start3A_154 : memref<1x512x1024xf32, #tpu.memory_space<vmem>> -> memref<512x1024xf32, #tpu.memory_space<vmem>>
    %dma_start3A_156 = arith.constant 3584 : i32
    %dma_start3A_157 = arith.constant 0 : i32
    %dma_start3A_158 = tpu.memref_slice %arg1[%dma_start3A_147, %dma_start3A_156, %dma_start3A_157] : memref<4x4096x1024xf32, #tpu.memory_space<any>> -> memref<1x512x1024xf32, #tpu.memory_space<any>>
    %dma_start3A_159 = tpu.memref_squeeze %dma_start3A_158 : memref<1x512x1024xf32, #tpu.memory_space<any>> -> memref<512x1024xf32, #tpu.memory_space<any>>
    tpu.enqueue_dma source(%dma_start3A_159 : memref<512x1024xf32, #tpu.memory_space<any>>) target(%dma_start3A_155 : memref<512x1024xf32, #tpu.memory_space<vmem>>) target_semaphore(%dma_start3A_151 : memref<!tpu.dma_semaphore, #tpu.memory_space<semaphore_mem>>)
    %dma_wait3A_160 = arith.constant 0 : i32
    %dma_wait3A_161 = arith.constant 1 : i32
    %dma_wait3A_162 = arith.constant 1 : i32
    %dma_wait3A_163 = tpu.memref_slice %arg6[%dma_wait3A_162] : memref<8x!tpu.dma_semaphore, #tpu.memory_space<semaphore_mem>> -> memref<1x!tpu.dma_semaphore, #tpu.memory_space<semaphore_mem>>
    %dma_wait3A_164 = tpu.memref_squeeze %dma_wait3A_163 : memref<1x!tpu.dma_semaphore, #tpu.memory_space<semaphore_mem>> -> memref<!tpu.dma_semaphore, #tpu.memory_space<semaphore_mem>>
    %dma_wait3A_165 = arith.constant 0 : i32
    %dma_wait3A_166 = arith.constant 0 : i32
    %dma_wait3A_167 = tpu.memref_slice %arg5[%dma_wait3A_161, %dma_wait3A_165, %dma_wait3A_166] : memref<8x512x1024xf32, #tpu.memory_space<vmem>> -> memref<1x512x1024xf32, #tpu.memory_space<vmem>>
    %dma_wait3A_168 = tpu.memref_squeeze %dma_wait3A_167 : memref<1x512x1024xf32, #tpu.memory_space<vmem>> -> memref<512x1024xf32, #tpu.memory_space<vmem>>
    %dma_wait3A_169 = arith.constant 512 : i32
    %dma_wait3A_170 = arith.constant 0 : i32
    %dma_wait3A_171 = tpu.memref_slice %arg1[%dma_wait3A_160, %dma_wait3A_169, %dma_wait3A_170] : memref<4x4096x1024xf32, #tpu.memory_space<any>> -> memref<1x512x1024xf32, #tpu.memory_space<any>>
    %dma_wait3A_172 = tpu.memref_squeeze %dma_wait3A_171 : memref<1x512x1024xf32, #tpu.memory_space<any>> -> memref<512x1024xf32, #tpu.memory_space<any>>
    tpu.wait_dma2 semaphore(%dma_wait3A_164 : memref<!tpu.dma_semaphore, #tpu.memory_space<semaphore_mem>>) src(%dma_wait3A_172 : memref<512x1024xf32, #tpu.memory_space<any>>) dst(%dma_wait3A_168 : memref<512x1024xf32, #tpu.memory_space<vmem>>)
    %get3A_173 = arith.constant 0 : index
    %get3A_174 = memref.load %arg0[%get3A_173] : memref<4xi32, #tpu.memory_space<smem>>
    %iota3A_175 = tpu.iota {dimensions = array<i32: 0>} : vector<4x1xi32>
    %eq3A_176 = vector.broadcast %get3A_174 : i32 to vector<4x1xi32>
    %eq3A_177 = arith.cmpi eq, %iota3A_175, %eq3A_176 : vector<4x1xi32>
    %get3A_178 = arith.constant 0 : index
    %get3A_179 = arith.constant 0 : index
    %get3A_180 = vector.load %arg2[%get3A_178, %get3A_179] : memref<4x1024xf32, #tpu.memory_space<vmem>>, vector<4x1024xf32>
    %jit3A_181 = arith.constant 0.000000e+00 : f32
    %broadcast_in_dim3A_182 = vector.shape_cast %eq3A_177 : vector<4x1xi1> to vector<4x1xi1>
    %broadcast_in_dim3A_183 = vector.broadcast %broadcast_in_dim3A_182 : vector<4x1xi1> to vector<4x1024xi1>
    %broadcast_in_dim3A_184 = vector.broadcast %jit3A_181 : f32 to vector<4x1024xf32>
    %select_n3A_185 = arith.select %broadcast_in_dim3A_183, %get3A_180, %broadcast_in_dim3A_184 : vector<4x1024xi1>, vector<4x1024xf32>
    %reduce_sum3A_186 = arith.constant dense<0.000000e+00> : vector<1024xf32>
    %reduce_sum3A_187 = vector.multi_reduction <add>, %select_n3A_185, %reduce_sum3A_186 [0] : vector<4x1024xf32> to vector<1024xf32>
    %get3A_188 = arith.constant 0 : index
    %get3A_189 = arith.constant 0 : index
    %get3A_190 = vector.load %arg3[%get3A_188, %get3A_189] : memref<4x1024xf32, #tpu.memory_space<vmem>>, vector<4x1024xf32>
    %jit3A_191 = arith.constant 0.000000e+00 : f32
    %broadcast_in_dim3A_192 = vector.shape_cast %eq3A_177 : vector<4x1xi1> to vector<4x1xi1>
    %broadcast_in_dim3A_193 = vector.broadcast %broadcast_in_dim3A_192 : vector<4x1xi1> to vector<4x1024xi1>
    %broadcast_in_dim3A_194 = vector.broadcast %jit3A_191 : f32 to vector<4x1024xf32>
    %select_n3A_195 = arith.select %broadcast_in_dim3A_193, %get3A_190, %broadcast_in_dim3A_194 : vector<4x1024xi1>, vector<4x1024xf32>
    %reduce_sum3A_196 = arith.constant dense<0.000000e+00> : vector<1024xf32>
    %reduce_sum3A_197 = vector.multi_reduction <add>, %select_n3A_195, %reduce_sum3A_196 [0] : vector<4x1024xf32> to vector<1024xf32>
    %get3A_198 = arith.constant 1 : index
    %get3A_199 = arith.constant 0 : index
    %get3A_200 = arith.constant 0 : index
    %get3A_201 = vector.load %arg5[%get3A_198, %get3A_199, %get3A_200] : memref<8x512x1024xf32, #tpu.memory_space<vmem>>, vector<1x512x1024xf32>
    %get3A_202 = vector.shape_cast %get3A_201 : vector<1x512x1024xf32> to vector<512x1024xf32>
    %broadcast_in_dim3A_203 = vector.shape_cast %reduce_sum3A_187 : vector<1024xf32> to vector<1x1024xf32>
    %mul3A_204 = vector.broadcast %broadcast_in_dim3A_203 : vector<1x1024xf32> to vector<512x1024xf32>
    %mul3A_205 = arith.mulf %mul3A_204, %get3A_202 : vector<512x1024xf32>
    %broadcast_in_dim3A_206 = vector.shape_cast %reduce_sum3A_197 : vector<1024xf32> to vector<1x1024xf32>
    %add3A_207 = vector.broadcast %broadcast_in_dim3A_206 : vector<1x1024xf32> to vector<512x1024xf32>
    %add3A_208 = arith.addf %mul3A_205, %add3A_207 : vector<512x1024xf32>
    %swap3A_209 = arith.constant 1 : index
    %swap3A_210 = arith.constant 0 : index
    %swap3A_211 = arith.constant 0 : index
    %swap3A_212 = vector.load %arg5[%swap3A_209, %swap3A_210, %swap3A_211] : memref<8x512x1024xf32, #tpu.memory_space<vmem>>, vector<1x512x1024xf32>
    %swap3A_213 = vector.shape_cast %swap3A_212 : vector<1x512x1024xf32> to vector<512x1024xf32>
    %swap3A_214 = vector.shape_cast %add3A_208 : vector<512x1024xf32> to vector<1x512x1024xf32>
    tpu.vector_store %arg5[%swap3A_209, %swap3A_210, %swap3A_211], %swap3A_214 {strides = array<i32>} : memref<8x512x1024xf32, #tpu.memory_space<vmem>>, vector<1x512x1024xf32>,
    %dma_start3A_215 = arith.constant 1 : i32
    %dma_start3A_216 = arith.constant 0 : i32
    %dma_start3A_217 = arith.constant 1 : i32
    %dma_start3A_218 = tpu.memref_slice %arg7[%dma_start3A_217] : memref<8x!tpu.dma_semaphore, #tpu.memory_space<semaphore_mem>> -> memref<1x!tpu.dma_semaphore, #tpu.memory_space<semaphore_mem>>
    %dma_start3A_219 = tpu.memref_squeeze %dma_start3A_218 : memref<1x!tpu.dma_semaphore, #tpu.memory_space<semaphore_mem>> -> memref<!tpu.dma_semaphore, #tpu.memory_space<semaphore_mem>>
    %dma_start3A_220 = arith.constant 512 : i32
    %dma_start3A_221 = arith.constant 0 : i32
    %dma_start3A_222 = tpu.memref_slice %arg4[%dma_start3A_216, %dma_start3A_220, %dma_start3A_221] : memref<4x4096x1024xf32, #tpu.memory_space<any>> -> memref<1x512x1024xf32, #tpu.memory_space<any>>
    %dma_start3A_223 = tpu.memref_squeeze %dma_start3A_222 : memref<1x512x1024xf32, #tpu.memory_space<any>> -> memref<512x1024xf32, #tpu.memory_space<any>>
    %dma_start3A_224 = arith.constant 0 : i32
    %dma_start3A_225 = arith.constant 0 : i32
    %dma_start3A_226 = tpu.memref_slice %arg5[%dma_start3A_215, %dma_start3A_224, %dma_start3A_225] : memref<8x512x1024xf32, #tpu.memory_space<vmem>> -> memref<1x512x1024xf32, #tpu.memory_space<vmem>>
    %dma_start3A_227 = tpu.memref_squeeze %dma_start3A_226 : memref<1x512x1024xf32, #tpu.memory_space<vmem>> -> memref<512x1024xf32, #tpu.memory_space<vmem>>
    tpu.enqueue_dma source(%dma_start3A_227 : memref<512x1024xf32, #tpu.memory_space<vmem>>) target(%dma_start3A_223 : memref<512x1024xf32, #tpu.memory_space<any>>) target_semaphore(%dma_start3A_219 : memref<!tpu.dma_semaphore, #tpu.memory_space<semaphore_mem>>)
    %dma_wait3A_228 = arith.constant 0 : i32
    %dma_wait3A_229 = arith.constant 2 : i32
    %dma_wait3A_230 = arith.constant 2 : i32
    %dma_wait3A_231 = tpu.memref_slice %arg6[%dma_wait3A_230] : memref<8x!tpu.dma_semaphore, #tpu.memory_space<semaphore_mem>> -> memref<1x!tpu.dma_semaphore, #tpu.memory_space<semaphore_mem>>
    %dma_wait3A_232 = tpu.memref_squeeze %dma_wait3A_231 : memref<1x!tpu.dma_semaphore, #tpu.memory_space<semaphore_mem>> -> memref<!tpu.dma_semaphore, #tpu.memory_space<semaphore_mem>>
    %dma_wait3A_233 = arith.constant 0 : i32
    %dma_wait3A_234 = arith.constant 0 : i32
    %dma_wait3A_235 = tpu.memref_slice %arg5[%dma_wait3A_229, %dma_wait3A_233, %dma_wait3A_234] : memref<8x512x1024xf32, #tpu.memory_space<vmem>> -> memref<1x512x1024xf32, #tpu.memory_space<vmem>>
    %dma_wait3A_236 = tpu.memref_squeeze %dma_wait3A_235 : memref<1x512x1024xf32, #tpu.memory_space<vmem>> -> memref<512x1024xf32, #tpu.memory_space<vmem>>
    %dma_wait3A_237 = arith.constant 1024 : i32
    %dma_wait3A_238 = arith.constant 0 : i32
    %dma_wait3A_239 = tpu.memref_slice %arg1[%dma_wait3A_228, %dma_wait3A_237, %dma_wait3A_238] : memref<4x4096x1024xf32, #tpu.memory_space<any>> -> memref<1x512x1024xf32, #tpu.memory_space<any>>
    %dma_wait3A_240 = tpu.memref_squeeze %dma_wait3A_239 : memref<1x512x1024xf32, #tpu.memory_space<any>> -> memref<512x1024xf32, #tpu.memory_space<any>>
    tpu.wait_dma2 semaphore(%dma_wait3A_232 : memref<!tpu.dma_semaphore, #tpu.memory_space<semaphore_mem>>) src(%dma_wait3A_240 : memref<512x1024xf32, #tpu.memory_space<any>>) dst(%dma_wait3A_236 : memref<512x1024xf32, #tpu.memory_space<vmem>>)
    %get3A_241 = arith.constant 0 : index
    %get3A_242 = memref.load %arg0[%get3A_241] : memref<4xi32, #tpu.memory_space<smem>>
    %iota3A_243 = tpu.iota {dimensions = array<i32: 0>} : vector<4x1xi32>
    %eq3A_244 = vector.broadcast %get3A_242 : i32 to vector<4x1xi32>
    %eq3A_245 = arith.cmpi eq, %iota3A_243, %eq3A_244 : vector<4x1xi32>
    %get3A_246 = arith.constant 0 : index
    %get3A_247 = arith.constant 0 : index
    %get3A_248 = vector.load %arg2[%get3A_246, %get3A_247] : memref<4x1024xf32, #tpu.memory_space<vmem>>, vector<4x1024xf32>
    %jit3A_249 = arith.constant 0.000000e+00 : f32
    %broadcast_in_dim3A_250 = vector.shape_cast %eq3A_245 : vector<4x1xi1> to vector<4x1xi1>
    %broadcast_in_dim3A_251 = vector.broadcast %broadcast_in_dim3A_250 : vector<4x1xi1> to vector<4x1024xi1>
    %broadcast_in_dim3A_252 = vector.broadcast %jit3A_249 : f32 to vector<4x1024xf32>
    %select_n3A_253 = arith.select %broadcast_in_dim3A_251, %get3A_248, %broadcast_in_dim3A_252 : vector<4x1024xi1>, vector<4x1024xf32>
    %reduce_sum3A_254 = arith.constant dense<0.000000e+00> : vector<1024xf32>
    %reduce_sum3A_255 = vector.multi_reduction <add>, %select_n3A_253, %reduce_sum3A_254 [0] : vector<4x1024xf32> to vector<1024xf32>
    %get3A_256 = arith.constant 0 : index
    %get3A_257 = arith.constant 0 : index
    %get3A_258 = vector.load %arg3[%get3A_256, %get3A_257] : memref<4x1024xf32, #tpu.memory_space<vmem>>, vector<4x1024xf32>
    %jit3A_259 = arith.constant 0.000000e+00 : f32
    %broadcast_in_dim3A_260 = vector.shape_cast %eq3A_245 : vector<4x1xi1> to vector<4x1xi1>
    %broadcast_in_dim3A_261 = vector.broadcast %broadcast_in_dim3A_260 : vector<4x1xi1> to vector<4x1024xi1>
    %broadcast_in_dim3A_262 = vector.broadcast %jit3A_259 : f32 to vector<4x1024xf32>
    %select_n3A_263 = arith.select %broadcast_in_dim3A_261, %get3A_258, %broadcast_in_dim3A_262 : vector<4x1024xi1>, vector<4x1024xf32>
    %reduce_sum3A_264 = arith.constant dense<0.000000e+00> : vector<1024xf32>
    %reduce_sum3A_265 = vector.multi_reduction <add>, %select_n3A_263, %reduce_sum3A_264 [0] : vector<4x1024xf32> to vector<1024xf32>
    %get3A_266 = arith.constant 2 : index
    %get3A_267 = arith.constant 0 : index
    %get3A_268 = arith.constant 0 : index
    %get3A_269 = vector.load %arg5[%get3A_266, %get3A_267, %get3A_268] : memref<8x512x1024xf32, #tpu.memory_space<vmem>>, vector<1x512x1024xf32>
    %get3A_270 = vector.shape_cast %get3A_269 : vector<1x512x1024xf32> to vector<512x1024xf32>
    %broadcast_in_dim3A_271 = vector.shape_cast %reduce_sum3A_255 : vector<1024xf32> to vector<1x1024xf32>
    %mul3A_272 = vector.broadcast %broadcast_in_dim3A_271 : vector<1x1024xf32> to vector<512x1024xf32>
    %mul3A_273 = arith.mulf %mul3A_272, %get3A_270 : vector<512x1024xf32>
    %broadcast_in_dim3A_274 = vector.shape_cast %reduce_sum3A_265 : vector<1024xf32> to vector<1x1024xf32>
    %add3A_275 = vector.broadcast %broadcast_in_dim3A_274 : vector<1x1024xf32> to vector<512x1024xf32>
    %add3A_276 = arith.addf %mul3A_273, %add3A_275 : vector<512x1024xf32>
    %swap3A_277 = arith.constant 2 : index
    %swap3A_278 = arith.constant 0 : index
    %swap3A_279 = arith.constant 0 : index
    %swap3A_280 = vector.load %arg5[%swap3A_277, %swap3A_278, %swap3A_279] : memref<8x512x1024xf32, #tpu.memory_space<vmem>>, vector<1x512x1024xf32>
    %swap3A_281 = vector.shape_cast %swap3A_280 : vector<1x512x1024xf32> to vector<512x1024xf32>
    %swap3A_282 = vector.shape_cast %add3A_276 : vector<512x1024xf32> to vector<1x512x1024xf32>
    tpu.vector_store %arg5[%swap3A_277, %swap3A_278, %swap3A_279], %swap3A_282 {strides = array<i32>} : memref<8x512x1024xf32, #tpu.memory_space<vmem>>, vector<1x512x1024xf32>,
    %dma_start3A_283 = arith.constant 2 : i32
    %dma_start3A_284 = arith.constant 0 : i32
    %dma_start3A_285 = arith.constant 2 : i32
    %dma_start3A_286 = tpu.memref_slice %arg7[%dma_start3A_285] : memref<8x!tpu.dma_semaphore, #tpu.memory_space<semaphore_mem>> -> memref<1x!tpu.dma_semaphore, #tpu.memory_space<semaphore_mem>>
    %dma_start3A_287 = tpu.memref_squeeze %dma_start3A_286 : memref<1x!tpu.dma_semaphore, #tpu.memory_space<semaphore_mem>> -> memref<!tpu.dma_semaphore, #tpu.memory_space<semaphore_mem>>
    %dma_start3A_288 = arith.constant 1024 : i32
    %dma_start3A_289 = arith.constant 0 : i32
    %dma_start3A_290 = tpu.memref_slice %arg4[%dma_start3A_284, %dma_start3A_288, %dma_start3A_289] : memref<4x4096x1024xf32, #tpu.memory_space<any>> -> memref<1x512x1024xf32, #tpu.memory_space<any>>
    %dma_start3A_291 = tpu.memref_squeeze %dma_start3A_290 : memref<1x512x1024xf32, #tpu.memory_space<any>> -> memref<512x1024xf32, #tpu.memory_space<any>>
    %dma_start3A_292 = arith.constant 0 : i32
    %dma_start3A_293 = arith.constant 0 : i32
    %dma_start3A_294 = tpu.memref_slice %arg5[%dma_start3A_283, %dma_start3A_292, %dma_start3A_293] : memref<8x512x1024xf32, #tpu.memory_space<vmem>> -> memref<1x512x1024xf32, #tpu.memory_space<vmem>>
    %dma_start3A_295 = tpu.memref_squeeze %dma_start3A_294 : memref<1x512x1024xf32, #tpu.memory_space<vmem>> -> memref<512x1024xf32, #tpu.memory_space<vmem>>
    tpu.enqueue_dma source(%dma_start3A_295 : memref<512x1024xf32, #tpu.memory_space<vmem>>) target(%dma_start3A_291 : memref<512x1024xf32, #tpu.memory_space<any>>) target_semaphore(%dma_start3A_287 : memref<!tpu.dma_semaphore, #tpu.memory_space<semaphore_mem>>)
    %dma_wait3A_296 = arith.constant 0 : i32
    %dma_wait3A_297 = arith.constant 3 : i32
    %dma_wait3A_298 = arith.constant 3 : i32
    %dma_wait3A_299 = tpu.memref_slice %arg6[%dma_wait3A_298] : memref<8x!tpu.dma_semaphore, #tpu.memory_space<semaphore_mem>> -> memref<1x!tpu.dma_semaphore, #tpu.memory_space<semaphore_mem>>
    %dma_wait3A_300 = tpu.memref_squeeze %dma_wait3A_299 : memref<1x!tpu.dma_semaphore, #tpu.memory_space<semaphore_mem>> -> memref<!tpu.dma_semaphore, #tpu.memory_space<semaphore_mem>>
    %dma_wait3A_301 = arith.constant 0 : i32
    %dma_wait3A_302 = arith.constant 0 : i32
    %dma_wait3A_303 = tpu.memref_slice %arg5[%dma_wait3A_297, %dma_wait3A_301, %dma_wait3A_302] : memref<8x512x1024xf32, #tpu.memory_space<vmem>> -> memref<1x512x1024xf32, #tpu.memory_space<vmem>>
    %dma_wait3A_304 = tpu.memref_squeeze %dma_wait3A_303 : memref<1x512x1024xf32, #tpu.memory_space<vmem>> -> memref<512x1024xf32, #tpu.memory_space<vmem>>
    %dma_wait3A_305 = arith.constant 1536 : i32
    %dma_wait3A_306 = arith.constant 0 : i32
    %dma_wait3A_307 = tpu.memref_slice %arg1[%dma_wait3A_296, %dma_wait3A_305, %dma_wait3A_306] : memref<4x4096x1024xf32, #tpu.memory_space<any>> -> memref<1x512x1024xf32, #tpu.memory_space<any>>
    %dma_wait3A_308 = tpu.memref_squeeze %dma_wait3A_307 : memref<1x512x1024xf32, #tpu.memory_space<any>> -> memref<512x1024xf32, #tpu.memory_space<any>>
    tpu.wait_dma2 semaphore(%dma_wait3A_300 : memref<!tpu.dma_semaphore, #tpu.memory_space<semaphore_mem>>) src(%dma_wait3A_308 : memref<512x1024xf32, #tpu.memory_space<any>>) dst(%dma_wait3A_304 : memref<512x1024xf32, #tpu.memory_space<vmem>>)
    %get3A_309 = arith.constant 0 : index
    %get3A_310 = memref.load %arg0[%get3A_309] : memref<4xi32, #tpu.memory_space<smem>>
    %iota3A_311 = tpu.iota {dimensions = array<i32: 0>} : vector<4x1xi32>
    %eq3A_312 = vector.broadcast %get3A_310 : i32 to vector<4x1xi32>
    %eq3A_313 = arith.cmpi eq, %iota3A_311, %eq3A_312 : vector<4x1xi32>
    %get3A_314 = arith.constant 0 : index
    %get3A_315 = arith.constant 0 : index
    %get3A_316 = vector.load %arg2[%get3A_314, %get3A_315] : memref<4x1024xf32, #tpu.memory_space<vmem>>, vector<4x1024xf32>
    %jit3A_317 = arith.constant 0.000000e+00 : f32
    %broadcast_in_dim3A_318 = vector.shape_cast %eq3A_313 : vector<4x1xi1> to vector<4x1xi1>
    %broadcast_in_dim3A_319 = vector.broadcast %broadcast_in_dim3A_318 : vector<4x1xi1> to vector<4x1024xi1>
    %broadcast_in_dim3A_320 = vector.broadcast %jit3A_317 : f32 to vector<4x1024xf32>
    %select_n3A_321 = arith.select %broadcast_in_dim3A_319, %get3A_316, %broadcast_in_dim3A_320 : vector<4x1024xi1>, vector<4x1024xf32>
    %reduce_sum3A_322 = arith.constant dense<0.000000e+00> : vector<1024xf32>
    %reduce_sum3A_323 = vector.multi_reduction <add>, %select_n3A_321, %reduce_sum3A_322 [0] : vector<4x1024xf32> to vector<1024xf32>
    %get3A_324 = arith.constant 0 : index
    %get3A_325 = arith.constant 0 : index
    %get3A_326 = vector.load %arg3[%get3A_324, %get3A_325] : memref<4x1024xf32, #tpu.memory_space<vmem>>, vector<4x1024xf32>
    %jit3A_327 = arith.constant 0.000000e+00 : f32
    %broadcast_in_dim3A_328 = vector.shape_cast %eq3A_313 : vector<4x1xi1> to vector<4x1xi1>
    %broadcast_in_dim3A_329 = vector.broadcast %broadcast_in_dim3A_328 : vector<4x1xi1> to vector<4x1024xi1>
    %broadcast_in_dim3A_330 = vector.broadcast %jit3A_327 : f32 to vector<4x1024xf32>
    %select_n3A_331 = arith.select %broadcast_in_dim3A_329, %get3A_326, %broadcast_in_dim3A_330 : vector<4x1024xi1>, vector<4x1024xf32>
    %reduce_sum3A_332 = arith.constant dense<0.000000e+00> : vector<1024xf32>
    %reduce_sum3A_333 = vector.multi_reduction <add>, %select_n3A_331, %reduce_sum3A_332 [0] : vector<4x1024xf32> to vector<1024xf32>
    %get3A_334 = arith.constant 3 : index
    %get3A_335 = arith.constant 0 : index
    %get3A_336 = arith.constant 0 : index
    %get3A_337 = vector.load %arg5[%get3A_334, %get3A_335, %get3A_336] : memref<8x512x1024xf32, #tpu.memory_space<vmem>>, vector<1x512x1024xf32>
    %get3A_338 = vector.shape_cast %get3A_337 : vector<1x512x1024xf32> to vector<512x1024xf32>
    %broadcast_in_dim3A_339 = vector.shape_cast %reduce_sum3A_323 : vector<1024xf32> to vector<1x1024xf32>
    %mul3A_340 = vector.broadcast %broadcast_in_dim3A_339 : vector<1x1024xf32> to vector<512x1024xf32>
    %mul3A_341 = arith.mulf %mul3A_340, %get3A_338 : vector<512x1024xf32>
    %broadcast_in_dim3A_342 = vector.shape_cast %reduce_sum3A_333 : vector<1024xf32> to vector<1x1024xf32>
    %add3A_343 = vector.broadcast %broadcast_in_dim3A_342 : vector<1x1024xf32> to vector<512x1024xf32>
    %add3A_344 = arith.addf %mul3A_341, %add3A_343 : vector<512x1024xf32>
    %swap3A_345 = arith.constant 3 : index
    %swap3A_346 = arith.constant 0 : index
    %swap3A_347 = arith.constant 0 : index
    %swap3A_348 = vector.load %arg5[%swap3A_345, %swap3A_346, %swap3A_347] : memref<8x512x1024xf32, #tpu.memory_space<vmem>>, vector<1x512x1024xf32>
    %swap3A_349 = vector.shape_cast %swap3A_348 : vector<1x512x1024xf32> to vector<512x1024xf32>
    %swap3A_350 = vector.shape_cast %add3A_344 : vector<512x1024xf32> to vector<1x512x1024xf32>
    tpu.vector_store %arg5[%swap3A_345, %swap3A_346, %swap3A_347], %swap3A_350 {strides = array<i32>} : memref<8x512x1024xf32, #tpu.memory_space<vmem>>, vector<1x512x1024xf32>,
    %dma_start3A_351 = arith.constant 3 : i32
    %dma_start3A_352 = arith.constant 0 : i32
    %dma_start3A_353 = arith.constant 3 : i32
    %dma_start3A_354 = tpu.memref_slice %arg7[%dma_start3A_353] : memref<8x!tpu.dma_semaphore, #tpu.memory_space<semaphore_mem>> -> memref<1x!tpu.dma_semaphore, #tpu.memory_space<semaphore_mem>>
    %dma_start3A_355 = tpu.memref_squeeze %dma_start3A_354 : memref<1x!tpu.dma_semaphore, #tpu.memory_space<semaphore_mem>> -> memref<!tpu.dma_semaphore, #tpu.memory_space<semaphore_mem>>
    %dma_start3A_356 = arith.constant 1536 : i32
    %dma_start3A_357 = arith.constant 0 : i32
    %dma_start3A_358 = tpu.memref_slice %arg4[%dma_start3A_352, %dma_start3A_356, %dma_start3A_357] : memref<4x4096x1024xf32, #tpu.memory_space<any>> -> memref<1x512x1024xf32, #tpu.memory_space<any>>
    %dma_start3A_359 = tpu.memref_squeeze %dma_start3A_358 : memref<1x512x1024xf32, #tpu.memory_space<any>> -> memref<512x1024xf32, #tpu.memory_space<any>>
    %dma_start3A_360 = arith.constant 0 : i32
    %dma_start3A_361 = arith.constant 0 : i32
    %dma_start3A_362 = tpu.memref_slice %arg5[%dma_start3A_351, %dma_start3A_360, %dma_start3A_361] : memref<8x512x1024xf32, #tpu.memory_space<vmem>> -> memref<1x512x1024xf32, #tpu.memory_space<vmem>>
    %dma_start3A_363 = tpu.memref_squeeze %dma_start3A_362 : memref<1x512x1024xf32, #tpu.memory_space<vmem>> -> memref<512x1024xf32, #tpu.memory_space<vmem>>
    tpu.enqueue_dma source(%dma_start3A_363 : memref<512x1024xf32, #tpu.memory_space<vmem>>) target(%dma_start3A_359 : memref<512x1024xf32, #tpu.memory_space<any>>) target_semaphore(%dma_start3A_355 : memref<!tpu.dma_semaphore, #tpu.memory_space<semaphore_mem>>)
    %dma_wait3A_364 = arith.constant 0 : i32
    %dma_wait3A_365 = arith.constant 4 : i32
    %dma_wait3A_366 = arith.constant 4 : i32
    %dma_wait3A_367 = tpu.memref_slice %arg6[%dma_wait3A_366] : memref<8x!tpu.dma_semaphore, #tpu.memory_space<semaphore_mem>> -> memref<1x!tpu.dma_semaphore, #tpu.memory_space<semaphore_mem>>
    %dma_wait3A_368 = tpu.memref_squeeze %dma_wait3A_367 : memref<1x!tpu.dma_semaphore, #tpu.memory_space<semaphore_mem>> -> memref<!tpu.dma_semaphore, #tpu.memory_space<semaphore_mem>>
    %dma_wait3A_369 = arith.constant 0 : i32
    %dma_wait3A_370 = arith.constant 0 : i32
    %dma_wait3A_371 = tpu.memref_slice %arg5[%dma_wait3A_365, %dma_wait3A_369, %dma_wait3A_370] : memref<8x512x1024xf32, #tpu.memory_space<vmem>> -> memref<1x512x1024xf32, #tpu.memory_space<vmem>>
    %dma_wait3A_372 = tpu.memref_squeeze %dma_wait3A_371 : memref<1x512x1024xf32, #tpu.memory_space<vmem>> -> memref<512x1024xf32, #tpu.memory_space<vmem>>
    %dma_wait3A_373 = arith.constant 2048 : i32
    %dma_wait3A_374 = arith.constant 0 : i32
    %dma_wait3A_375 = tpu.memref_slice %arg1[%dma_wait3A_364, %dma_wait3A_373, %dma_wait3A_374] : memref<4x4096x1024xf32, #tpu.memory_space<any>> -> memref<1x512x1024xf32, #tpu.memory_space<any>>
    %dma_wait3A_376 = tpu.memref_squeeze %dma_wait3A_375 : memref<1x512x1024xf32, #tpu.memory_space<any>> -> memref<512x1024xf32, #tpu.memory_space<any>>
    tpu.wait_dma2 semaphore(%dma_wait3A_368 : memref<!tpu.dma_semaphore, #tpu.memory_space<semaphore_mem>>) src(%dma_wait3A_376 : memref<512x1024xf32, #tpu.memory_space<any>>) dst(%dma_wait3A_372 : memref<512x1024xf32, #tpu.memory_space<vmem>>)
    %get3A_377 = arith.constant 0 : index
    %get3A_378 = memref.load %arg0[%get3A_377] : memref<4xi32, #tpu.memory_space<smem>>
    %iota3A_379 = tpu.iota {dimensions = array<i32: 0>} : vector<4x1xi32>
    %eq3A_380 = vector.broadcast %get3A_378 : i32 to vector<4x1xi32>
    %eq3A_381 = arith.cmpi eq, %iota3A_379, %eq3A_380 : vector<4x1xi32>
    %get3A_382 = arith.constant 0 : index
    %get3A_383 = arith.constant 0 : index
    %get3A_384 = vector.load %arg2[%get3A_382, %get3A_383] : memref<4x1024xf32, #tpu.memory_space<vmem>>, vector<4x1024xf32>
    %jit3A_385 = arith.constant 0.000000e+00 : f32
    %broadcast_in_dim3A_386 = vector.shape_cast %eq3A_381 : vector<4x1xi1> to vector<4x1xi1>
    %broadcast_in_dim3A_387 = vector.broadcast %broadcast_in_dim3A_386 : vector<4x1xi1> to vector<4x1024xi1>
    %broadcast_in_dim3A_388 = vector.broadcast %jit3A_385 : f32 to vector<4x1024xf32>
    %select_n3A_389 = arith.select %broadcast_in_dim3A_387, %get3A_384, %broadcast_in_dim3A_388 : vector<4x1024xi1>, vector<4x1024xf32>
    %reduce_sum3A_390 = arith.constant dense<0.000000e+00> : vector<1024xf32>
    %reduce_sum3A_391 = vector.multi_reduction <add>, %select_n3A_389, %reduce_sum3A_390 [0] : vector<4x1024xf32> to vector<1024xf32>
    %get3A_392 = arith.constant 0 : index
    %get3A_393 = arith.constant 0 : index
    %get3A_394 = vector.load %arg3[%get3A_392, %get3A_393] : memref<4x1024xf32, #tpu.memory_space<vmem>>, vector<4x1024xf32>
    %jit3A_395 = arith.constant 0.000000e+00 : f32
    %broadcast_in_dim3A_396 = vector.shape_cast %eq3A_381 : vector<4x1xi1> to vector<4x1xi1>
    %broadcast_in_dim3A_397 = vector.broadcast %broadcast_in_dim3A_396 : vector<4x1xi1> to vector<4x1024xi1>
    %broadcast_in_dim3A_398 = vector.broadcast %jit3A_395 : f32 to vector<4x1024xf32>
    %select_n3A_399 = arith.select %broadcast_in_dim3A_397, %get3A_394, %broadcast_in_dim3A_398 : vector<4x1024xi1>, vector<4x1024xf32>
    %reduce_sum3A_400 = arith.constant dense<0.000000e+00> : vector<1024xf32>
    %reduce_sum3A_401 = vector.multi_reduction <add>, %select_n3A_399, %reduce_sum3A_400 [0] : vector<4x1024xf32> to vector<1024xf32>
    %get3A_402 = arith.constant 4 : index
    %get3A_403 = arith.constant 0 : index
    %get3A_404 = arith.constant 0 : index
    %get3A_405 = vector.load %arg5[%get3A_402, %get3A_403, %get3A_404] : memref<8x512x1024xf32, #tpu.memory_space<vmem>>, vector<1x512x1024xf32>
    %get3A_406 = vector.shape_cast %get3A_405 : vector<1x512x1024xf32> to vector<512x1024xf32>
    %broadcast_in_dim3A_407 = vector.shape_cast %reduce_sum3A_391 : vector<1024xf32> to vector<1x1024xf32>
    %mul3A_408 = vector.broadcast %broadcast_in_dim3A_407 : vector<1x1024xf32> to vector<512x1024xf32>
    %mul3A_409 = arith.mulf %mul3A_408, %get3A_406 : vector<512x1024xf32>
    %broadcast_in_dim3A_410 = vector.shape_cast %reduce_sum3A_401 : vector<1024xf32> to vector<1x1024xf32>
    %add3A_411 = vector.broadcast %broadcast_in_dim3A_410 : vector<1x1024xf32> to vector<512x1024xf32>
    %add3A_412 = arith.addf %mul3A_409, %add3A_411 : vector<512x1024xf32>
    %swap3A_413 = arith.constant 4 : index
    %swap3A_414 = arith.constant 0 : index
    %swap3A_415 = arith.constant 0 : index
    %swap3A_416 = vector.load %arg5[%swap3A_413, %swap3A_414, %swap3A_415] : memref<8x512x1024xf32, #tpu.memory_space<vmem>>, vector<1x512x1024xf32>
    %swap3A_417 = vector.shape_cast %swap3A_416 : vector<1x512x1024xf32> to vector<512x1024xf32>
    %swap3A_418 = vector.shape_cast %add3A_412 : vector<512x1024xf32> to vector<1x512x1024xf32>
    tpu.vector_store %arg5[%swap3A_413, %swap3A_414, %swap3A_415], %swap3A_418 {strides = array<i32>} : memref<8x512x1024xf32, #tpu.memory_space<vmem>>, vector<1x512x1024xf32>,
    %dma_start3A_419 = arith.constant 4 : i32
    %dma_start3A_420 = arith.constant 0 : i32
    %dma_start3A_421 = arith.constant 4 : i32
    %dma_start3A_422 = tpu.memref_slice %arg7[%dma_start3A_421] : memref<8x!tpu.dma_semaphore, #tpu.memory_space<semaphore_mem>> -> memref<1x!tpu.dma_semaphore, #tpu.memory_space<semaphore_mem>>
    %dma_start3A_423 = tpu.memref_squeeze %dma_start3A_422 : memref<1x!tpu.dma_semaphore, #tpu.memory_space<semaphore_mem>> -> memref<!tpu.dma_semaphore, #tpu.memory_space<semaphore_mem>>
    %dma_start3A_424 = arith.constant 2048 : i32
    %dma_start3A_425 = arith.constant 0 : i32
    %dma_start3A_426 = tpu.memref_slice %arg4[%dma_start3A_420, %dma_start3A_424, %dma_start3A_425] : memref<4x4096x1024xf32, #tpu.memory_space<any>> -> memref<1x512x1024xf32, #tpu.memory_space<any>>
    %dma_start3A_427 = tpu.memref_squeeze %dma_start3A_426 : memref<1x512x1024xf32, #tpu.memory_space<any>> -> memref<512x1024xf32, #tpu.memory_space<any>>
    %dma_start3A_428 = arith.constant 0 : i32
    %dma_start3A_429 = arith.constant 0 : i32
    %dma_start3A_430 = tpu.memref_slice %arg5[%dma_start3A_419, %dma_start3A_428, %dma_start3A_429] : memref<8x512x1024xf32, #tpu.memory_space<vmem>> -> memref<1x512x1024xf32, #tpu.memory_space<vmem>>
    %dma_start3A_431 = tpu.memref_squeeze %dma_start3A_430 : memref<1x512x1024xf32, #tpu.memory_space<vmem>> -> memref<512x1024xf32, #tpu.memory_space<vmem>>
    tpu.enqueue_dma source(%dma_start3A_431 : memref<512x1024xf32, #tpu.memory_space<vmem>>) target(%dma_start3A_427 : memref<512x1024xf32, #tpu.memory_space<any>>) target_semaphore(%dma_start3A_423 : memref<!tpu.dma_semaphore, #tpu.memory_space<semaphore_mem>>)
    %dma_wait3A_432 = arith.constant 0 : i32
    %dma_wait3A_433 = arith.constant 5 : i32
    %dma_wait3A_434 = arith.constant 5 : i32
    %dma_wait3A_435 = tpu.memref_slice %arg6[%dma_wait3A_434] : memref<8x!tpu.dma_semaphore, #tpu.memory_space<semaphore_mem>> -> memref<1x!tpu.dma_semaphore, #tpu.memory_space<semaphore_mem>>
    %dma_wait3A_436 = tpu.memref_squeeze %dma_wait3A_435 : memref<1x!tpu.dma_semaphore, #tpu.memory_space<semaphore_mem>> -> memref<!tpu.dma_semaphore, #tpu.memory_space<semaphore_mem>>
    %dma_wait3A_437 = arith.constant 0 : i32
    %dma_wait3A_438 = arith.constant 0 : i32
    %dma_wait3A_439 = tpu.memref_slice %arg5[%dma_wait3A_433, %dma_wait3A_437, %dma_wait3A_438] : memref<8x512x1024xf32, #tpu.memory_space<vmem>> -> memref<1x512x1024xf32, #tpu.memory_space<vmem>>
    %dma_wait3A_440 = tpu.memref_squeeze %dma_wait3A_439 : memref<1x512x1024xf32, #tpu.memory_space<vmem>> -> memref<512x1024xf32, #tpu.memory_space<vmem>>
    %dma_wait3A_441 = arith.constant 2560 : i32
    %dma_wait3A_442 = arith.constant 0 : i32
    %dma_wait3A_443 = tpu.memref_slice %arg1[%dma_wait3A_432, %dma_wait3A_441, %dma_wait3A_442] : memref<4x4096x1024xf32, #tpu.memory_space<any>> -> memref<1x512x1024xf32, #tpu.memory_space<any>>
    %dma_wait3A_444 = tpu.memref_squeeze %dma_wait3A_443 : memref<1x512x1024xf32, #tpu.memory_space<any>> -> memref<512x1024xf32, #tpu.memory_space<any>>
    tpu.wait_dma2 semaphore(%dma_wait3A_436 : memref<!tpu.dma_semaphore, #tpu.memory_space<semaphore_mem>>) src(%dma_wait3A_444 : memref<512x1024xf32, #tpu.memory_space<any>>) dst(%dma_wait3A_440 : memref<512x1024xf32, #tpu.memory_space<vmem>>)
    %get3A_445 = arith.constant 0 : index
    %get3A_446 = memref.load %arg0[%get3A_445] : memref<4xi32, #tpu.memory_space<smem>>
    %iota3A_447 = tpu.iota {dimensions = array<i32: 0>} : vector<4x1xi32>
    %eq3A_448 = vector.broadcast %get3A_446 : i32 to vector<4x1xi32>
    %eq3A_449 = arith.cmpi eq, %iota3A_447, %eq3A_448 : vector<4x1xi32>
    %get3A_450 = arith.constant 0 : index
    %get3A_451 = arith.constant 0 : index
    %get3A_452 = vector.load %arg2[%get3A_450, %get3A_451] : memref<4x1024xf32, #tpu.memory_space<vmem>>, vector<4x1024xf32>
    %jit3A_453 = arith.constant 0.000000e+00 : f32
    %broadcast_in_dim3A_454 = vector.shape_cast %eq3A_449 : vector<4x1xi1> to vector<4x1xi1>
    %broadcast_in_dim3A_455 = vector.broadcast %broadcast_in_dim3A_454 : vector<4x1xi1> to vector<4x1024xi1>
    %broadcast_in_dim3A_456 = vector.broadcast %jit3A_453 : f32 to vector<4x1024xf32>
    %select_n3A_457 = arith.select %broadcast_in_dim3A_455, %get3A_452, %broadcast_in_dim3A_456 : vector<4x1024xi1>, vector<4x1024xf32>
    %reduce_sum3A_458 = arith.constant dense<0.000000e+00> : vector<1024xf32>
    %reduce_sum3A_459 = vector.multi_reduction <add>, %select_n3A_457, %reduce_sum3A_458 [0] : vector<4x1024xf32> to vector<1024xf32>
    %get3A_460 = arith.constant 0 : index
    %get3A_461 = arith.constant 0 : index
    %get3A_462 = vector.load %arg3[%get3A_460, %get3A_461] : memref<4x1024xf32, #tpu.memory_space<vmem>>, vector<4x1024xf32>
    %jit3A_463 = arith.constant 0.000000e+00 : f32
    %broadcast_in_dim3A_464 = vector.shape_cast %eq3A_449 : vector<4x1xi1> to vector<4x1xi1>
    %broadcast_in_dim3A_465 = vector.broadcast %broadcast_in_dim3A_464 : vector<4x1xi1> to vector<4x1024xi1>
    %broadcast_in_dim3A_466 = vector.broadcast %jit3A_463 : f32 to vector<4x1024xf32>
    %select_n3A_467 = arith.select %broadcast_in_dim3A_465, %get3A_462, %broadcast_in_dim3A_466 : vector<4x1024xi1>, vector<4x1024xf32>
    %reduce_sum3A_468 = arith.constant dense<0.000000e+00> : vector<1024xf32>
    %reduce_sum3A_469 = vector.multi_reduction <add>, %select_n3A_467, %reduce_sum3A_468 [0] : vector<4x1024xf32> to vector<1024xf32>
    %get3A_470 = arith.constant 5 : index
    %get3A_471 = arith.constant 0 : index
    %get3A_472 = arith.constant 0 : index
    %get3A_473 = vector.load %arg5[%get3A_470, %get3A_471, %get3A_472] : memref<8x512x1024xf32, #tpu.memory_space<vmem>>, vector<1x512x1024xf32>
    %get3A_474 = vector.shape_cast %get3A_473 : vector<1x512x1024xf32> to vector<512x1024xf32>
    %broadcast_in_dim3A_475 = vector.shape_cast %reduce_sum3A_459 : vector<1024xf32> to vector<1x1024xf32>
    %mul3A_476 = vector.broadcast %broadcast_in_dim3A_475 : vector<1x1024xf32> to vector<512x1024xf32>
    %mul3A_477 = arith.mulf %mul3A_476, %get3A_474 : vector<512x1024xf32>
    %broadcast_in_dim3A_478 = vector.shape_cast %reduce_sum3A_469 : vector<1024xf32> to vector<1x1024xf32>
    %add3A_479 = vector.broadcast %broadcast_in_dim3A_478 : vector<1x1024xf32> to vector<512x1024xf32>
    %add3A_480 = arith.addf %mul3A_477, %add3A_479 : vector<512x1024xf32>
    %swap3A_481 = arith.constant 5 : index
    %swap3A_482 = arith.constant 0 : index
    %swap3A_483 = arith.constant 0 : index
    %swap3A_484 = vector.load %arg5[%swap3A_481, %swap3A_482, %swap3A_483] : memref<8x512x1024xf32, #tpu.memory_space<vmem>>, vector<1x512x1024xf32>
    %swap3A_485 = vector.shape_cast %swap3A_484 : vector<1x512x1024xf32> to vector<512x1024xf32>
    %swap3A_486 = vector.shape_cast %add3A_480 : vector<512x1024xf32> to vector<1x512x1024xf32>
    tpu.vector_store %arg5[%swap3A_481, %swap3A_482, %swap3A_483], %swap3A_486 {strides = array<i32>} : memref<8x512x1024xf32, #tpu.memory_space<vmem>>, vector<1x512x1024xf32>,
    %dma_start3A_487 = arith.constant 5 : i32
    %dma_start3A_488 = arith.constant 0 : i32
    %dma_start3A_489 = arith.constant 5 : i32
    %dma_start3A_490 = tpu.memref_slice %arg7[%dma_start3A_489] : memref<8x!tpu.dma_semaphore, #tpu.memory_space<semaphore_mem>> -> memref<1x!tpu.dma_semaphore, #tpu.memory_space<semaphore_mem>>
    %dma_start3A_491 = tpu.memref_squeeze %dma_start3A_490 : memref<1x!tpu.dma_semaphore, #tpu.memory_space<semaphore_mem>> -> memref<!tpu.dma_semaphore, #tpu.memory_space<semaphore_mem>>
    %dma_start3A_492 = arith.constant 2560 : i32
    %dma_start3A_493 = arith.constant 0 : i32
    %dma_start3A_494 = tpu.memref_slice %arg4[%dma_start3A_488, %dma_start3A_492, %dma_start3A_493] : memref<4x4096x1024xf32, #tpu.memory_space<any>> -> memref<1x512x1024xf32, #tpu.memory_space<any>>
    %dma_start3A_495 = tpu.memref_squeeze %dma_start3A_494 : memref<1x512x1024xf32, #tpu.memory_space<any>> -> memref<512x1024xf32, #tpu.memory_space<any>>
    %dma_start3A_496 = arith.constant 0 : i32
    %dma_start3A_497 = arith.constant 0 : i32
    %dma_start3A_498 = tpu.memref_slice %arg5[%dma_start3A_487, %dma_start3A_496, %dma_start3A_497] : memref<8x512x1024xf32, #tpu.memory_space<vmem>> -> memref<1x512x1024xf32, #tpu.memory_space<vmem>>
    %dma_start3A_499 = tpu.memref_squeeze %dma_start3A_498 : memref<1x512x1024xf32, #tpu.memory_space<vmem>> -> memref<512x1024xf32, #tpu.memory_space<vmem>>
    tpu.enqueue_dma source(%dma_start3A_499 : memref<512x1024xf32, #tpu.memory_space<vmem>>) target(%dma_start3A_495 : memref<512x1024xf32, #tpu.memory_space<any>>) target_semaphore(%dma_start3A_491 : memref<!tpu.dma_semaphore, #tpu.memory_space<semaphore_mem>>)
    %dma_wait3A_500 = arith.constant 0 : i32
    %dma_wait3A_501 = arith.constant 6 : i32
    %dma_wait3A_502 = arith.constant 6 : i32
    %dma_wait3A_503 = tpu.memref_slice %arg6[%dma_wait3A_502] : memref<8x!tpu.dma_semaphore, #tpu.memory_space<semaphore_mem>> -> memref<1x!tpu.dma_semaphore, #tpu.memory_space<semaphore_mem>>
    %dma_wait3A_504 = tpu.memref_squeeze %dma_wait3A_503 : memref<1x!tpu.dma_semaphore, #tpu.memory_space<semaphore_mem>> -> memref<!tpu.dma_semaphore, #tpu.memory_space<semaphore_mem>>
    %dma_wait3A_505 = arith.constant 0 : i32
    %dma_wait3A_506 = arith.constant 0 : i32
    %dma_wait3A_507 = tpu.memref_slice %arg5[%dma_wait3A_501, %dma_wait3A_505, %dma_wait3A_506] : memref<8x512x1024xf32, #tpu.memory_space<vmem>> -> memref<1x512x1024xf32, #tpu.memory_space<vmem>>
    %dma_wait3A_508 = tpu.memref_squeeze %dma_wait3A_507 : memref<1x512x1024xf32, #tpu.memory_space<vmem>> -> memref<512x1024xf32, #tpu.memory_space<vmem>>
    %dma_wait3A_509 = arith.constant 3072 : i32
    %dma_wait3A_510 = arith.constant 0 : i32
    %dma_wait3A_511 = tpu.memref_slice %arg1[%dma_wait3A_500, %dma_wait3A_509, %dma_wait3A_510] : memref<4x4096x1024xf32, #tpu.memory_space<any>> -> memref<1x512x1024xf32, #tpu.memory_space<any>>
    %dma_wait3A_512 = tpu.memref_squeeze %dma_wait3A_511 : memref<1x512x1024xf32, #tpu.memory_space<any>> -> memref<512x1024xf32, #tpu.memory_space<any>>
    tpu.wait_dma2 semaphore(%dma_wait3A_504 : memref<!tpu.dma_semaphore, #tpu.memory_space<semaphore_mem>>) src(%dma_wait3A_512 : memref<512x1024xf32, #tpu.memory_space<any>>) dst(%dma_wait3A_508 : memref<512x1024xf32, #tpu.memory_space<vmem>>)
    %get3A_513 = arith.constant 0 : index
    %get3A_514 = memref.load %arg0[%get3A_513] : memref<4xi32, #tpu.memory_space<smem>>
    %iota3A_515 = tpu.iota {dimensions = array<i32: 0>} : vector<4x1xi32>
    %eq3A_516 = vector.broadcast %get3A_514 : i32 to vector<4x1xi32>
    %eq3A_517 = arith.cmpi eq, %iota3A_515, %eq3A_516 : vector<4x1xi32>
    %get3A_518 = arith.constant 0 : index
    %get3A_519 = arith.constant 0 : index
    %get3A_520 = vector.load %arg2[%get3A_518, %get3A_519] : memref<4x1024xf32, #tpu.memory_space<vmem>>, vector<4x1024xf32>
    %jit3A_521 = arith.constant 0.000000e+00 : f32
    %broadcast_in_dim3A_522 = vector.shape_cast %eq3A_517 : vector<4x1xi1> to vector<4x1xi1>
    %broadcast_in_dim3A_523 = vector.broadcast %broadcast_in_dim3A_522 : vector<4x1xi1> to vector<4x1024xi1>
    %broadcast_in_dim3A_524 = vector.broadcast %jit3A_521 : f32 to vector<4x1024xf32>
    %select_n3A_525 = arith.select %broadcast_in_dim3A_523, %get3A_520, %broadcast_in_dim3A_524 : vector<4x1024xi1>, vector<4x1024xf32>
    %reduce_sum3A_526 = arith.constant dense<0.000000e+00> : vector<1024xf32>
    %reduce_sum3A_527 = vector.multi_reduction <add>, %select_n3A_525, %reduce_sum3A_526 [0] : vector<4x1024xf32> to vector<1024xf32>
    %get3A_528 = arith.constant 0 : index
    %get3A_529 = arith.constant 0 : index
    %get3A_530 = vector.load %arg3[%get3A_528, %get3A_529] : memref<4x1024xf32, #tpu.memory_space<vmem>>, vector<4x1024xf32>
    %jit3A_531 = arith.constant 0.000000e+00 : f32
    %broadcast_in_dim3A_532 = vector.shape_cast %eq3A_517 : vector<4x1xi1> to vector<4x1xi1>
    %broadcast_in_dim3A_533 = vector.broadcast %broadcast_in_dim3A_532 : vector<4x1xi1> to vector<4x1024xi1>
    %broadcast_in_dim3A_534 = vector.broadcast %jit3A_531 : f32 to vector<4x1024xf32>
    %select_n3A_535 = arith.select %broadcast_in_dim3A_533, %get3A_530, %broadcast_in_dim3A_534 : vector<4x1024xi1>, vector<4x1024xf32>
    %reduce_sum3A_536 = arith.constant dense<0.000000e+00> : vector<1024xf32>
    %reduce_sum3A_537 = vector.multi_reduction <add>, %select_n3A_535, %reduce_sum3A_536 [0] : vector<4x1024xf32> to vector<1024xf32>
    %get3A_538 = arith.constant 6 : index
    %get3A_539 = arith.constant 0 : index
    %get3A_540 = arith.constant 0 : index
    %get3A_541 = vector.load %arg5[%get3A_538, %get3A_539, %get3A_540] : memref<8x512x1024xf32, #tpu.memory_space<vmem>>, vector<1x512x1024xf32>
    %get3A_542 = vector.shape_cast %get3A_541 : vector<1x512x1024xf32> to vector<512x1024xf32>
    %broadcast_in_dim3A_543 = vector.shape_cast %reduce_sum3A_527 : vector<1024xf32> to vector<1x1024xf32>
    %mul3A_544 = vector.broadcast %broadcast_in_dim3A_543 : vector<1x1024xf32> to vector<512x1024xf32>
    %mul3A_545 = arith.mulf %mul3A_544, %get3A_542 : vector<512x1024xf32>
    %broadcast_in_dim3A_546 = vector.shape_cast %reduce_sum3A_537 : vector<1024xf32> to vector<1x1024xf32>
    %add3A_547 = vector.broadcast %broadcast_in_dim3A_546 : vector<1x1024xf32> to vector<512x1024xf32>
    %add3A_548 = arith.addf %mul3A_545, %add3A_547 : vector<512x1024xf32>
    %swap3A_549 = arith.constant 6 : index
    %swap3A_550 = arith.constant 0 : index
    %swap3A_551 = arith.constant 0 : index
    %swap3A_552 = vector.load %arg5[%swap3A_549, %swap3A_550, %swap3A_551] : memref<8x512x1024xf32, #tpu.memory_space<vmem>>, vector<1x512x1024xf32>
    %swap3A_553 = vector.shape_cast %swap3A_552 : vector<1x512x1024xf32> to vector<512x1024xf32>
    %swap3A_554 = vector.shape_cast %add3A_548 : vector<512x1024xf32> to vector<1x512x1024xf32>
    tpu.vector_store %arg5[%swap3A_549, %swap3A_550, %swap3A_551], %swap3A_554 {strides = array<i32>} : memref<8x512x1024xf32, #tpu.memory_space<vmem>>, vector<1x512x1024xf32>,
    %dma_start3A_555 = arith.constant 6 : i32
    %dma_start3A_556 = arith.constant 0 : i32
    %dma_start3A_557 = arith.constant 6 : i32
    %dma_start3A_558 = tpu.memref_slice %arg7[%dma_start3A_557] : memref<8x!tpu.dma_semaphore, #tpu.memory_space<semaphore_mem>> -> memref<1x!tpu.dma_semaphore, #tpu.memory_space<semaphore_mem>>
    %dma_start3A_559 = tpu.memref_squeeze %dma_start3A_558 : memref<1x!tpu.dma_semaphore, #tpu.memory_space<semaphore_mem>> -> memref<!tpu.dma_semaphore, #tpu.memory_space<semaphore_mem>>
    %dma_start3A_560 = arith.constant 3072 : i32
    %dma_start3A_561 = arith.constant 0 : i32
    %dma_start3A_562 = tpu.memref_slice %arg4[%dma_start3A_556, %dma_start3A_560, %dma_start3A_561] : memref<4x4096x1024xf32, #tpu.memory_space<any>> -> memref<1x512x1024xf32, #tpu.memory_space<any>>
    %dma_start3A_563 = tpu.memref_squeeze %dma_start3A_562 : memref<1x512x1024xf32, #tpu.memory_space<any>> -> memref<512x1024xf32, #tpu.memory_space<any>>
    %dma_start3A_564 = arith.constant 0 : i32
    %dma_start3A_565 = arith.constant 0 : i32
    %dma_start3A_566 = tpu.memref_slice %arg5[%dma_start3A_555, %dma_start3A_564, %dma_start3A_565] : memref<8x512x1024xf32, #tpu.memory_space<vmem>> -> memref<1x512x1024xf32, #tpu.memory_space<vmem>>
    %dma_start3A_567 = tpu.memref_squeeze %dma_start3A_566 : memref<1x512x1024xf32, #tpu.memory_space<vmem>> -> memref<512x1024xf32, #tpu.memory_space<vmem>>
    tpu.enqueue_dma source(%dma_start3A_567 : memref<512x1024xf32, #tpu.memory_space<vmem>>) target(%dma_start3A_563 : memref<512x1024xf32, #tpu.memory_space<any>>) target_semaphore(%dma_start3A_559 : memref<!tpu.dma_semaphore, #tpu.memory_space<semaphore_mem>>)
    %dma_wait3A_568 = arith.constant 0 : i32
    %dma_wait3A_569 = arith.constant 7 : i32
    %dma_wait3A_570 = arith.constant 7 : i32
    %dma_wait3A_571 = tpu.memref_slice %arg6[%dma_wait3A_570] : memref<8x!tpu.dma_semaphore, #tpu.memory_space<semaphore_mem>> -> memref<1x!tpu.dma_semaphore, #tpu.memory_space<semaphore_mem>>
    %dma_wait3A_572 = tpu.memref_squeeze %dma_wait3A_571 : memref<1x!tpu.dma_semaphore, #tpu.memory_space<semaphore_mem>> -> memref<!tpu.dma_semaphore, #tpu.memory_space<semaphore_mem>>
    %dma_wait3A_573 = arith.constant 0 : i32
    %dma_wait3A_574 = arith.constant 0 : i32
    %dma_wait3A_575 = tpu.memref_slice %arg5[%dma_wait3A_569, %dma_wait3A_573, %dma_wait3A_574] : memref<8x512x1024xf32, #tpu.memory_space<vmem>> -> memref<1x512x1024xf32, #tpu.memory_space<vmem>>
    %dma_wait3A_576 = tpu.memref_squeeze %dma_wait3A_575 : memref<1x512x1024xf32, #tpu.memory_space<vmem>> -> memref<512x1024xf32, #tpu.memory_space<vmem>>
    %dma_wait3A_577 = arith.constant 3584 : i32
    %dma_wait3A_578 = arith.constant 0 : i32
    %dma_wait3A_579 = tpu.memref_slice %arg1[%dma_wait3A_568, %dma_wait3A_577, %dma_wait3A_578] : memref<4x4096x1024xf32, #tpu.memory_space<any>> -> memref<1x512x1024xf32, #tpu.memory_space<any>>
    %dma_wait3A_580 = tpu.memref_squeeze %dma_wait3A_579 : memref<1x512x1024xf32, #tpu.memory_space<any>> -> memref<512x1024xf32, #tpu.memory_space<any>>
    tpu.wait_dma2 semaphore(%dma_wait3A_572 : memref<!tpu.dma_semaphore, #tpu.memory_space<semaphore_mem>>) src(%dma_wait3A_580 : memref<512x1024xf32, #tpu.memory_space<any>>) dst(%dma_wait3A_576 : memref<512x1024xf32, #tpu.memory_space<vmem>>)
    %get3A_581 = arith.constant 0 : index
    %get3A_582 = memref.load %arg0[%get3A_581] : memref<4xi32, #tpu.memory_space<smem>>
    %iota3A_583 = tpu.iota {dimensions = array<i32: 0>} : vector<4x1xi32>
    %eq3A_584 = vector.broadcast %get3A_582 : i32 to vector<4x1xi32>
    %eq3A_585 = arith.cmpi eq, %iota3A_583, %eq3A_584 : vector<4x1xi32>
    %get3A_586 = arith.constant 0 : index
    %get3A_587 = arith.constant 0 : index
    %get3A_588 = vector.load %arg2[%get3A_586, %get3A_587] : memref<4x1024xf32, #tpu.memory_space<vmem>>, vector<4x1024xf32>
    %jit3A_589 = arith.constant 0.000000e+00 : f32
    %broadcast_in_dim3A_590 = vector.shape_cast %eq3A_585 : vector<4x1xi1> to vector<4x1xi1>
    %broadcast_in_dim3A_591 = vector.broadcast %broadcast_in_dim3A_590 : vector<4x1xi1> to vector<4x1024xi1>
    %broadcast_in_dim3A_592 = vector.broadcast %jit3A_589 : f32 to vector<4x1024xf32>
    %select_n3A_593 = arith.select %broadcast_in_dim3A_591, %get3A_588, %broadcast_in_dim3A_592 : vector<4x1024xi1>, vector<4x1024xf32>
    %reduce_sum3A_594 = arith.constant dense<0.000000e+00> : vector<1024xf32>
    %reduce_sum3A_595 = vector.multi_reduction <add>, %select_n3A_593, %reduce_sum3A_594 [0] : vector<4x1024xf32> to vector<1024xf32>
    %get3A_596 = arith.constant 0 : index
    %get3A_597 = arith.constant 0 : index
    %get3A_598 = vector.load %arg3[%get3A_596, %get3A_597] : memref<4x1024xf32, #tpu.memory_space<vmem>>, vector<4x1024xf32>
    %jit3A_599 = arith.constant 0.000000e+00 : f32
    %broadcast_in_dim3A_600 = vector.shape_cast %eq3A_585 : vector<4x1xi1> to vector<4x1xi1>
    %broadcast_in_dim3A_601 = vector.broadcast %broadcast_in_dim3A_600 : vector<4x1xi1> to vector<4x1024xi1>
    %broadcast_in_dim3A_602 = vector.broadcast %jit3A_599 : f32 to vector<4x1024xf32>
    %select_n3A_603 = arith.select %broadcast_in_dim3A_601, %get3A_598, %broadcast_in_dim3A_602 : vector<4x1024xi1>, vector<4x1024xf32>
    %reduce_sum3A_604 = arith.constant dense<0.000000e+00> : vector<1024xf32>
    %reduce_sum3A_605 = vector.multi_reduction <add>, %select_n3A_603, %reduce_sum3A_604 [0] : vector<4x1024xf32> to vector<1024xf32>
    %get3A_606 = arith.constant 7 : index
    %get3A_607 = arith.constant 0 : index
    %get3A_608 = arith.constant 0 : index
    %get3A_609 = vector.load %arg5[%get3A_606, %get3A_607, %get3A_608] : memref<8x512x1024xf32, #tpu.memory_space<vmem>>, vector<1x512x1024xf32>
    %get3A_610 = vector.shape_cast %get3A_609 : vector<1x512x1024xf32> to vector<512x1024xf32>
    %broadcast_in_dim3A_611 = vector.shape_cast %reduce_sum3A_595 : vector<1024xf32> to vector<1x1024xf32>
    %mul3A_612 = vector.broadcast %broadcast_in_dim3A_611 : vector<1x1024xf32> to vector<512x1024xf32>
    %mul3A_613 = arith.mulf %mul3A_612, %get3A_610 : vector<512x1024xf32>
    %broadcast_in_dim3A_614 = vector.shape_cast %reduce_sum3A_605 : vector<1024xf32> to vector<1x1024xf32>
    %add3A_615 = vector.broadcast %broadcast_in_dim3A_614 : vector<1x1024xf32> to vector<512x1024xf32>
    %add3A_616 = arith.addf %mul3A_613, %add3A_615 : vector<512x1024xf32>
    %swap3A_617 = arith.constant 7 : index
    %swap3A_618 = arith.constant 0 : index
    %swap3A_619 = arith.constant 0 : index
    %swap3A_620 = vector.load %arg5[%swap3A_617, %swap3A_618, %swap3A_619] : memref<8x512x1024xf32, #tpu.memory_space<vmem>>, vector<1x512x1024xf32>
    %swap3A_621 = vector.shape_cast %swap3A_620 : vector<1x512x1024xf32> to vector<512x1024xf32>
    %swap3A_622 = vector.shape_cast %add3A_616 : vector<512x1024xf32> to vector<1x512x1024xf32>
    tpu.vector_store %arg5[%swap3A_617, %swap3A_618, %swap3A_619], %swap3A_622 {strides = array<i32>} : memref<8x512x1024xf32, #tpu.memory_space<vmem>>, vector<1x512x1024xf32>,
    %dma_start3A_623 = arith.constant 7 : i32
    %dma_start3A_624 = arith.constant 0 : i32
    %dma_start3A_625 = arith.constant 7 : i32
    %dma_start3A_626 = tpu.memref_slice %arg7[%dma_start3A_625] : memref<8x!tpu.dma_semaphore, #tpu.memory_space<semaphore_mem>> -> memref<1x!tpu.dma_semaphore, #tpu.memory_space<semaphore_mem>>
    %dma_start3A_627 = tpu.memref_squeeze %dma_start3A_626 : memref<1x!tpu.dma_semaphore, #tpu.memory_space<semaphore_mem>> -> memref<!tpu.dma_semaphore, #tpu.memory_space<semaphore_mem>>
    %dma_start3A_628 = arith.constant 3584 : i32
    %dma_start3A_629 = arith.constant 0 : i32
    %dma_start3A_630 = tpu.memref_slice %arg4[%dma_start3A_624, %dma_start3A_628, %dma_start3A_629] : memref<4x4096x1024xf32, #tpu.memory_space<any>> -> memref<1x512x1024xf32, #tpu.memory_space<any>>
    %dma_start3A_631 = tpu.memref_squeeze %dma_start3A_630 : memref<1x512x1024xf32, #tpu.memory_space<any>> -> memref<512x1024xf32, #tpu.memory_space<any>>
    %dma_start3A_632 = arith.constant 0 : i32
    %dma_start3A_633 = arith.constant 0 : i32
    %dma_start3A_634 = tpu.memref_slice %arg5[%dma_start3A_623, %dma_start3A_632, %dma_start3A_633] : memref<8x512x1024xf32, #tpu.memory_space<vmem>> -> memref<1x512x1024xf32, #tpu.memory_space<vmem>>
    %dma_start3A_635 = tpu.memref_squeeze %dma_start3A_634 : memref<1x512x1024xf32, #tpu.memory_space<vmem>> -> memref<512x1024xf32, #tpu.memory_space<vmem>>
    tpu.enqueue_dma source(%dma_start3A_635 : memref<512x1024xf32, #tpu.memory_space<vmem>>) target(%dma_start3A_631 : memref<512x1024xf32, #tpu.memory_space<any>>) target_semaphore(%dma_start3A_627 : memref<!tpu.dma_semaphore, #tpu.memory_space<semaphore_mem>>)
    %dma_wait3A_636 = arith.constant 0 : i32
    %dma_wait3A_637 = arith.constant 0 : i32
    %dma_wait3A_638 = arith.constant 0 : i32
    %dma_wait3A_639 = tpu.memref_slice %arg7[%dma_wait3A_638] : memref<8x!tpu.dma_semaphore, #tpu.memory_space<semaphore_mem>> -> memref<1x!tpu.dma_semaphore, #tpu.memory_space<semaphore_mem>>
    %dma_wait3A_640 = tpu.memref_squeeze %dma_wait3A_639 : memref<1x!tpu.dma_semaphore, #tpu.memory_space<semaphore_mem>> -> memref<!tpu.dma_semaphore, #tpu.memory_space<semaphore_mem>>
    %dma_wait3A_641 = arith.constant 0 : i32
    %dma_wait3A_642 = arith.constant 0 : i32
    %dma_wait3A_643 = tpu.memref_slice %arg4[%dma_wait3A_637, %dma_wait3A_641, %dma_wait3A_642] : memref<4x4096x1024xf32, #tpu.memory_space<any>> -> memref<1x512x1024xf32, #tpu.memory_space<any>>
    %dma_wait3A_644 = tpu.memref_squeeze %dma_wait3A_643 : memref<1x512x1024xf32, #tpu.memory_space<any>> -> memref<512x1024xf32, #tpu.memory_space<any>>
    %dma_wait3A_645 = arith.constant 0 : i32
    %dma_wait3A_646 = arith.constant 0 : i32
    %dma_wait3A_647 = tpu.memref_slice %arg5[%dma_wait3A_636, %dma_wait3A_645, %dma_wait3A_646] : memref<8x512x1024xf32, #tpu.memory_space<vmem>> -> memref<1x512x1024xf32, #tpu.memory_space<vmem>>
    %dma_wait3A_648 = tpu.memref_squeeze %dma_wait3A_647 : memref<1x512x1024xf32, #tpu.memory_space<vmem>> -> memref<512x1024xf32, #tpu.memory_space<vmem>>
    tpu.wait_dma2 semaphore(%dma_wait3A_640 : memref<!tpu.dma_semaphore, #tpu.memory_space<semaphore_mem>>) src(%dma_wait3A_648 : memref<512x1024xf32, #tpu.memory_space<vmem>>) dst(%dma_wait3A_644 : memref<512x1024xf32, #tpu.memory_space<any>>)
    %dma_wait3A_649 = arith.constant 1 : i32
    %dma_wait3A_650 = arith.constant 0 : i32
    %dma_wait3A_651 = arith.constant 1 : i32
    %dma_wait3A_652 = tpu.memref_slice %arg7[%dma_wait3A_651] : memref<8x!tpu.dma_semaphore, #tpu.memory_space<semaphore_mem>> -> memref<1x!tpu.dma_semaphore, #tpu.memory_space<semaphore_mem>>
    %dma_wait3A_653 = tpu.memref_squeeze %dma_wait3A_652 : memref<1x!tpu.dma_semaphore, #tpu.memory_space<semaphore_mem>> -> memref<!tpu.dma_semaphore, #tpu.memory_space<semaphore_mem>>
    %dma_wait3A_654 = arith.constant 512 : i32
    %dma_wait3A_655 = arith.constant 0 : i32
    %dma_wait3A_656 = tpu.memref_slice %arg4[%dma_wait3A_650, %dma_wait3A_654, %dma_wait3A_655] : memref<4x4096x1024xf32, #tpu.memory_space<any>> -> memref<1x512x1024xf32, #tpu.memory_space<any>>
    %dma_wait3A_657 = tpu.memref_squeeze %dma_wait3A_656 : memref<1x512x1024xf32, #tpu.memory_space<any>> -> memref<512x1024xf32, #tpu.memory_space<any>>
    %dma_wait3A_658 = arith.constant 0 : i32
    %dma_wait3A_659 = arith.constant 0 : i32
    %dma_wait3A_660 = tpu.memref_slice %arg5[%dma_wait3A_649, %dma_wait3A_658, %dma_wait3A_659] : memref<8x512x1024xf32, #tpu.memory_space<vmem>> -> memref<1x512x1024xf32, #tpu.memory_space<vmem>>
    %dma_wait3A_661 = tpu.memref_squeeze %dma_wait3A_660 : memref<1x512x1024xf32, #tpu.memory_space<vmem>> -> memref<512x1024xf32, #tpu.memory_space<vmem>>
    tpu.wait_dma2 semaphore(%dma_wait3A_653 : memref<!tpu.dma_semaphore, #tpu.memory_space<semaphore_mem>>) src(%dma_wait3A_661 : memref<512x1024xf32, #tpu.memory_space<vmem>>) dst(%dma_wait3A_657 : memref<512x1024xf32, #tpu.memory_space<any>>)
    %dma_wait3A_662 = arith.constant 2 : i32
    %dma_wait3A_663 = arith.constant 0 : i32
    %dma_wait3A_664 = arith.constant 2 : i32
    %dma_wait3A_665 = tpu.memref_slice %arg7[%dma_wait3A_664] : memref<8x!tpu.dma_semaphore, #tpu.memory_space<semaphore_mem>> -> memref<1x!tpu.dma_semaphore, #tpu.memory_space<semaphore_mem>>
    %dma_wait3A_666 = tpu.memref_squeeze %dma_wait3A_665 : memref<1x!tpu.dma_semaphore, #tpu.memory_space<semaphore_mem>> -> memref<!tpu.dma_semaphore, #tpu.memory_space<semaphore_mem>>
    %dma_wait3A_667 = arith.constant 1024 : i32
    %dma_wait3A_668 = arith.constant 0 : i32
    %dma_wait3A_669 = tpu.memref_slice %arg4[%dma_wait3A_663, %dma_wait3A_667, %dma_wait3A_668] : memref<4x4096x1024xf32, #tpu.memory_space<any>> -> memref<1x512x1024xf32, #tpu.memory_space<any>>
    %dma_wait3A_670 = tpu.memref_squeeze %dma_wait3A_669 : memref<1x512x1024xf32, #tpu.memory_space<any>> -> memref<512x1024xf32, #tpu.memory_space<any>>
    %dma_wait3A_671 = arith.constant 0 : i32
    %dma_wait3A_672 = arith.constant 0 : i32
    %dma_wait3A_673 = tpu.memref_slice %arg5[%dma_wait3A_662, %dma_wait3A_671, %dma_wait3A_672] : memref<8x512x1024xf32, #tpu.memory_space<vmem>> -> memref<1x512x1024xf32, #tpu.memory_space<vmem>>
    %dma_wait3A_674 = tpu.memref_squeeze %dma_wait3A_673 : memref<1x512x1024xf32, #tpu.memory_space<vmem>> -> memref<512x1024xf32, #tpu.memory_space<vmem>>
    tpu.wait_dma2 semaphore(%dma_wait3A_666 : memref<!tpu.dma_semaphore, #tpu.memory_space<semaphore_mem>>) src(%dma_wait3A_674 : memref<512x1024xf32, #tpu.memory_space<vmem>>) dst(%dma_wait3A_670 : memref<512x1024xf32, #tpu.memory_space<any>>)
    %dma_wait3A_675 = arith.constant 3 : i32
    %dma_wait3A_676 = arith.constant 0 : i32
    %dma_wait3A_677 = arith.constant 3 : i32
    %dma_wait3A_678 = tpu.memref_slice %arg7[%dma_wait3A_677] : memref<8x!tpu.dma_semaphore, #tpu.memory_space<semaphore_mem>> -> memref<1x!tpu.dma_semaphore, #tpu.memory_space<semaphore_mem>>
    %dma_wait3A_679 = tpu.memref_squeeze %dma_wait3A_678 : memref<1x!tpu.dma_semaphore, #tpu.memory_space<semaphore_mem>> -> memref<!tpu.dma_semaphore, #tpu.memory_space<semaphore_mem>>
    %dma_wait3A_680 = arith.constant 1536 : i32
    %dma_wait3A_681 = arith.constant 0 : i32
    %dma_wait3A_682 = tpu.memref_slice %arg4[%dma_wait3A_676, %dma_wait3A_680, %dma_wait3A_681] : memref<4x4096x1024xf32, #tpu.memory_space<any>> -> memref<1x512x1024xf32, #tpu.memory_space<any>>
    %dma_wait3A_683 = tpu.memref_squeeze %dma_wait3A_682 : memref<1x512x1024xf32, #tpu.memory_space<any>> -> memref<512x1024xf32, #tpu.memory_space<any>>
    %dma_wait3A_684 = arith.constant 0 : i32
    %dma_wait3A_685 = arith.constant 0 : i32
    %dma_wait3A_686 = tpu.memref_slice %arg5[%dma_wait3A_675, %dma_wait3A_684, %dma_wait3A_685] : memref<8x512x1024xf32, #tpu.memory_space<vmem>> -> memref<1x512x1024xf32, #tpu.memory_space<vmem>>
    %dma_wait3A_687 = tpu.memref_squeeze %dma_wait3A_686 : memref<1x512x1024xf32, #tpu.memory_space<vmem>> -> memref<512x1024xf32, #tpu.memory_space<vmem>>
    tpu.wait_dma2 semaphore(%dma_wait3A_679 : memref<!tpu.dma_semaphore, #tpu.memory_space<semaphore_mem>>) src(%dma_wait3A_687 : memref<512x1024xf32, #tpu.memory_space<vmem>>) dst(%dma_wait3A_683 : memref<512x1024xf32, #tpu.memory_space<any>>)
    %dma_wait3A_688 = arith.constant 4 : i32
    %dma_wait3A_689 = arith.constant 0 : i32
    %dma_wait3A_690 = arith.constant 4 : i32
    %dma_wait3A_691 = tpu.memref_slice %arg7[%dma_wait3A_690] : memref<8x!tpu.dma_semaphore, #tpu.memory_space<semaphore_mem>> -> memref<1x!tpu.dma_semaphore, #tpu.memory_space<semaphore_mem>>
    %dma_wait3A_692 = tpu.memref_squeeze %dma_wait3A_691 : memref<1x!tpu.dma_semaphore, #tpu.memory_space<semaphore_mem>> -> memref<!tpu.dma_semaphore, #tpu.memory_space<semaphore_mem>>
    %dma_wait3A_693 = arith.constant 2048 : i32
    %dma_wait3A_694 = arith.constant 0 : i32
    %dma_wait3A_695 = tpu.memref_slice %arg4[%dma_wait3A_689, %dma_wait3A_693, %dma_wait3A_694] : memref<4x4096x1024xf32, #tpu.memory_space<any>> -> memref<1x512x1024xf32, #tpu.memory_space<any>>
    %dma_wait3A_696 = tpu.memref_squeeze %dma_wait3A_695 : memref<1x512x1024xf32, #tpu.memory_space<any>> -> memref<512x1024xf32, #tpu.memory_space<any>>
    %dma_wait3A_697 = arith.constant 0 : i32
    %dma_wait3A_698 = arith.constant 0 : i32
    %dma_wait3A_699 = tpu.memref_slice %arg5[%dma_wait3A_688, %dma_wait3A_697, %dma_wait3A_698] : memref<8x512x1024xf32, #tpu.memory_space<vmem>> -> memref<1x512x1024xf32, #tpu.memory_space<vmem>>
    %dma_wait3A_700 = tpu.memref_squeeze %dma_wait3A_699 : memref<1x512x1024xf32, #tpu.memory_space<vmem>> -> memref<512x1024xf32, #tpu.memory_space<vmem>>
    tpu.wait_dma2 semaphore(%dma_wait3A_692 : memref<!tpu.dma_semaphore, #tpu.memory_space<semaphore_mem>>) src(%dma_wait3A_700 : memref<512x1024xf32, #tpu.memory_space<vmem>>) dst(%dma_wait3A_696 : memref<512x1024xf32, #tpu.memory_space<any>>)
    %dma_wait3A_701 = arith.constant 5 : i32
    %dma_wait3A_702 = arith.constant 0 : i32
    %dma_wait3A_703 = arith.constant 5 : i32
    %dma_wait3A_704 = tpu.memref_slice %arg7[%dma_wait3A_703] : memref<8x!tpu.dma_semaphore, #tpu.memory_space<semaphore_mem>> -> memref<1x!tpu.dma_semaphore, #tpu.memory_space<semaphore_mem>>
    %dma_wait3A_705 = tpu.memref_squeeze %dma_wait3A_704 : memref<1x!tpu.dma_semaphore, #tpu.memory_space<semaphore_mem>> -> memref<!tpu.dma_semaphore, #tpu.memory_space<semaphore_mem>>
    %dma_wait3A_706 = arith.constant 2560 : i32
    %dma_wait3A_707 = arith.constant 0 : i32
    %dma_wait3A_708 = tpu.memref_slice %arg4[%dma_wait3A_702, %dma_wait3A_706, %dma_wait3A_707] : memref<4x4096x1024xf32, #tpu.memory_space<any>> -> memref<1x512x1024xf32, #tpu.memory_space<any>>
    %dma_wait3A_709 = tpu.memref_squeeze %dma_wait3A_708 : memref<1x512x1024xf32, #tpu.memory_space<any>> -> memref<512x1024xf32, #tpu.memory_space<any>>
    %dma_wait3A_710 = arith.constant 0 : i32
    %dma_wait3A_711 = arith.constant 0 : i32
    %dma_wait3A_712 = tpu.memref_slice %arg5[%dma_wait3A_701, %dma_wait3A_710, %dma_wait3A_711] : memref<8x512x1024xf32, #tpu.memory_space<vmem>> -> memref<1x512x1024xf32, #tpu.memory_space<vmem>>
    %dma_wait3A_713 = tpu.memref_squeeze %dma_wait3A_712 : memref<1x512x1024xf32, #tpu.memory_space<vmem>> -> memref<512x1024xf32, #tpu.memory_space<vmem>>
    tpu.wait_dma2 semaphore(%dma_wait3A_705 : memref<!tpu.dma_semaphore, #tpu.memory_space<semaphore_mem>>) src(%dma_wait3A_713 : memref<512x1024xf32, #tpu.memory_space<vmem>>) dst(%dma_wait3A_709 : memref<512x1024xf32, #tpu.memory_space<any>>)
    %dma_wait3A_714 = arith.constant 6 : i32
    %dma_wait3A_715 = arith.constant 0 : i32
    %dma_wait3A_716 = arith.constant 6 : i32
    %dma_wait3A_717 = tpu.memref_slice %arg7[%dma_wait3A_716] : memref<8x!tpu.dma_semaphore, #tpu.memory_space<semaphore_mem>> -> memref<1x!tpu.dma_semaphore, #tpu.memory_space<semaphore_mem>>
    %dma_wait3A_718 = tpu.memref_squeeze %dma_wait3A_717 : memref<1x!tpu.dma_semaphore, #tpu.memory_space<semaphore_mem>> -> memref<!tpu.dma_semaphore, #tpu.memory_space<semaphore_mem>>
    %dma_wait3A_719 = arith.constant 3072 : i32
    %dma_wait3A_720 = arith.constant 0 : i32
    %dma_wait3A_721 = tpu.memref_slice %arg4[%dma_wait3A_715, %dma_wait3A_719, %dma_wait3A_720] : memref<4x4096x1024xf32, #tpu.memory_space<any>> -> memref<1x512x1024xf32, #tpu.memory_space<any>>
    %dma_wait3A_722 = tpu.memref_squeeze %dma_wait3A_721 : memref<1x512x1024xf32, #tpu.memory_space<any>> -> memref<512x1024xf32, #tpu.memory_space<any>>
    %dma_wait3A_723 = arith.constant 0 : i32
    %dma_wait3A_724 = arith.constant 0 : i32
    %dma_wait3A_725 = tpu.memref_slice %arg5[%dma_wait3A_714, %dma_wait3A_723, %dma_wait3A_724] : memref<8x512x1024xf32, #tpu.memory_space<vmem>> -> memref<1x512x1024xf32, #tpu.memory_space<vmem>>
    %dma_wait3A_726 = tpu.memref_squeeze %dma_wait3A_725 : memref<1x512x1024xf32, #tpu.memory_space<vmem>> -> memref<512x1024xf32, #tpu.memory_space<vmem>>
    tpu.wait_dma2 semaphore(%dma_wait3A_718 : memref<!tpu.dma_semaphore, #tpu.memory_space<semaphore_mem>>) src(%dma_wait3A_726 : memref<512x1024xf32, #tpu.memory_space<vmem>>) dst(%dma_wait3A_722 : memref<512x1024xf32, #tpu.memory_space<any>>)
    %dma_wait3A_727 = arith.constant 7 : i32
    %dma_wait3A_728 = arith.constant 0 : i32
    %dma_wait3A_729 = arith.constant 7 : i32
    %dma_wait3A_730 = tpu.memref_slice %arg7[%dma_wait3A_729] : memref<8x!tpu.dma_semaphore, #tpu.memory_space<semaphore_mem>> -> memref<1x!tpu.dma_semaphore, #tpu.memory_space<semaphore_mem>>
    %dma_wait3A_731 = tpu.memref_squeeze %dma_wait3A_730 : memref<1x!tpu.dma_semaphore, #tpu.memory_space<semaphore_mem>> -> memref<!tpu.dma_semaphore, #tpu.memory_space<semaphore_mem>>
    %dma_wait3A_732 = arith.constant 3584 : i32
    %dma_wait3A_733 = arith.constant 0 : i32
    %dma_wait3A_734 = tpu.memref_slice %arg4[%dma_wait3A_728, %dma_wait3A_732, %dma_wait3A_733] : memref<4x4096x1024xf32, #tpu.memory_space<any>> -> memref<1x512x1024xf32, #tpu.memory_space<any>>
    %dma_wait3A_735 = tpu.memref_squeeze %dma_wait3A_734 : memref<1x512x1024xf32, #tpu.memory_space<any>> -> memref<512x1024xf32, #tpu.memory_space<any>>
    %dma_wait3A_736 = arith.constant 0 : i32
    %dma_wait3A_737 = arith.constant 0 : i32
    %dma_wait3A_738 = tpu.memref_slice %arg5[%dma_wait3A_727, %dma_wait3A_736, %dma_wait3A_737] : memref<8x512x1024xf32, #tpu.memory_space<vmem>> -> memref<1x512x1024xf32, #tpu.memory_space<vmem>>
    %dma_wait3A_739 = tpu.memref_squeeze %dma_wait3A_738 : memref<1x512x1024xf32, #tpu.memory_space<vmem>> -> memref<512x1024xf32, #tpu.memory_space<vmem>>
    tpu.wait_dma2 semaphore(%dma_wait3A_731 : memref<!tpu.dma_semaphore, #tpu.memory_space<semaphore_mem>>) src(%dma_wait3A_739 : memref<512x1024xf32, #tpu.memory_space<vmem>>) dst(%dma_wait3A_735 : memref<512x1024xf32, #tpu.memory_space<any>>)
    return
  }
}

module attributes {stable_mosaic.version = 14 : i64} {
  func.func @_film2_body(%arg0: memref<4x4096x1024xf32, #tpu.memory_space<any>>, %arg1: memref<4x1024xf32, #tpu.memory_space<vmem>>, %arg2: memref<4x1024xf32, #tpu.memory_space<vmem>>, %arg3: memref<4x4096x1024xf32, #tpu.memory_space<any>>, %arg4: memref<4x4096x1024xf32, #tpu.memory_space<any>>, %arg5: memref<8x512x1024xf32, #tpu.memory_space<vmem>>, %arg6: memref<8x!tpu.dma_semaphore, #tpu.memory_space<semaphore_mem>>, %arg7: memref<8x!tpu.dma_semaphore, #tpu.memory_space<semaphore_mem>>) attributes {dimension_semantics = [], scalar_prefetch = 0 : i64, scratch_operands = 3 : i64, tpu.core_type = #tpu.core_type<tc>} {
    %dma_start3A = arith.constant 1 : i32
    %dma_start3A_0 = arith.constant 0 : i32
    %dma_start3A_1 = arith.constant 0 : i32
    %dma_start3A_2 = tpu.memref_slice %arg6[%dma_start3A_1] : memref<8x!tpu.dma_semaphore, #tpu.memory_space<semaphore_mem>> -> memref<1x!tpu.dma_semaphore, #tpu.memory_space<semaphore_mem>>
    %dma_start3A_3 = tpu.memref_squeeze %dma_start3A_2 : memref<1x!tpu.dma_semaphore, #tpu.memory_space<semaphore_mem>> -> memref<!tpu.dma_semaphore, #tpu.memory_space<semaphore_mem>>
    %dma_start3A_4 = arith.constant 0 : i32
    %dma_start3A_5 = arith.constant 0 : i32
    %dma_start3A_6 = tpu.memref_slice %arg5[%dma_start3A_0, %dma_start3A_4, %dma_start3A_5] : memref<8x512x1024xf32, #tpu.memory_space<vmem>> -> memref<1x512x1024xf32, #tpu.memory_space<vmem>>
    %dma_start3A_7 = tpu.memref_squeeze %dma_start3A_6 : memref<1x512x1024xf32, #tpu.memory_space<vmem>> -> memref<512x1024xf32, #tpu.memory_space<vmem>>
    %dma_start3A_8 = arith.constant 0 : i32
    %dma_start3A_9 = arith.constant 0 : i32
    %dma_start3A_10 = tpu.memref_slice %arg0[%dma_start3A, %dma_start3A_8, %dma_start3A_9] : memref<4x4096x1024xf32, #tpu.memory_space<any>> -> memref<1x512x1024xf32, #tpu.memory_space<any>>
    %dma_start3A_11 = tpu.memref_squeeze %dma_start3A_10 : memref<1x512x1024xf32, #tpu.memory_space<any>> -> memref<512x1024xf32, #tpu.memory_space<any>>
    tpu.enqueue_dma source(%dma_start3A_11 : memref<512x1024xf32, #tpu.memory_space<any>>) target(%dma_start3A_7 : memref<512x1024xf32, #tpu.memory_space<vmem>>) target_semaphore(%dma_start3A_3 : memref<!tpu.dma_semaphore, #tpu.memory_space<semaphore_mem>>)
    %dma_start3A_12 = arith.constant 1 : i32
    %dma_start3A_13 = arith.constant 1 : i32
    %dma_start3A_14 = arith.constant 1 : i32
    %dma_start3A_15 = tpu.memref_slice %arg6[%dma_start3A_14] : memref<8x!tpu.dma_semaphore, #tpu.memory_space<semaphore_mem>> -> memref<1x!tpu.dma_semaphore, #tpu.memory_space<semaphore_mem>>
    %dma_start3A_16 = tpu.memref_squeeze %dma_start3A_15 : memref<1x!tpu.dma_semaphore, #tpu.memory_space<semaphore_mem>> -> memref<!tpu.dma_semaphore, #tpu.memory_space<semaphore_mem>>
    %dma_start3A_17 = arith.constant 0 : i32
    %dma_start3A_18 = arith.constant 0 : i32
    %dma_start3A_19 = tpu.memref_slice %arg5[%dma_start3A_13, %dma_start3A_17, %dma_start3A_18] : memref<8x512x1024xf32, #tpu.memory_space<vmem>> -> memref<1x512x1024xf32, #tpu.memory_space<vmem>>
    %dma_start3A_20 = tpu.memref_squeeze %dma_start3A_19 : memref<1x512x1024xf32, #tpu.memory_space<vmem>> -> memref<512x1024xf32, #tpu.memory_space<vmem>>
    %dma_start3A_21 = arith.constant 512 : i32
    %dma_start3A_22 = arith.constant 0 : i32
    %dma_start3A_23 = tpu.memref_slice %arg0[%dma_start3A_12, %dma_start3A_21, %dma_start3A_22] : memref<4x4096x1024xf32, #tpu.memory_space<any>> -> memref<1x512x1024xf32, #tpu.memory_space<any>>
    %dma_start3A_24 = tpu.memref_squeeze %dma_start3A_23 : memref<1x512x1024xf32, #tpu.memory_space<any>> -> memref<512x1024xf32, #tpu.memory_space<any>>
    tpu.enqueue_dma source(%dma_start3A_24 : memref<512x1024xf32, #tpu.memory_space<any>>) target(%dma_start3A_20 : memref<512x1024xf32, #tpu.memory_space<vmem>>) target_semaphore(%dma_start3A_16 : memref<!tpu.dma_semaphore, #tpu.memory_space<semaphore_mem>>)
    %dma_start3A_25 = arith.constant 1 : i32
    %dma_start3A_26 = arith.constant 2 : i32
    %dma_start3A_27 = arith.constant 2 : i32
    %dma_start3A_28 = tpu.memref_slice %arg6[%dma_start3A_27] : memref<8x!tpu.dma_semaphore, #tpu.memory_space<semaphore_mem>> -> memref<1x!tpu.dma_semaphore, #tpu.memory_space<semaphore_mem>>
    %dma_start3A_29 = tpu.memref_squeeze %dma_start3A_28 : memref<1x!tpu.dma_semaphore, #tpu.memory_space<semaphore_mem>> -> memref<!tpu.dma_semaphore, #tpu.memory_space<semaphore_mem>>
    %dma_start3A_30 = arith.constant 0 : i32
    %dma_start3A_31 = arith.constant 0 : i32
    %dma_start3A_32 = tpu.memref_slice %arg5[%dma_start3A_26, %dma_start3A_30, %dma_start3A_31] : memref<8x512x1024xf32, #tpu.memory_space<vmem>> -> memref<1x512x1024xf32, #tpu.memory_space<vmem>>
    %dma_start3A_33 = tpu.memref_squeeze %dma_start3A_32 : memref<1x512x1024xf32, #tpu.memory_space<vmem>> -> memref<512x1024xf32, #tpu.memory_space<vmem>>
    %dma_start3A_34 = arith.constant 1024 : i32
    %dma_start3A_35 = arith.constant 0 : i32
    %dma_start3A_36 = tpu.memref_slice %arg0[%dma_start3A_25, %dma_start3A_34, %dma_start3A_35] : memref<4x4096x1024xf32, #tpu.memory_space<any>> -> memref<1x512x1024xf32, #tpu.memory_space<any>>
    %dma_start3A_37 = tpu.memref_squeeze %dma_start3A_36 : memref<1x512x1024xf32, #tpu.memory_space<any>> -> memref<512x1024xf32, #tpu.memory_space<any>>
    tpu.enqueue_dma source(%dma_start3A_37 : memref<512x1024xf32, #tpu.memory_space<any>>) target(%dma_start3A_33 : memref<512x1024xf32, #tpu.memory_space<vmem>>) target_semaphore(%dma_start3A_29 : memref<!tpu.dma_semaphore, #tpu.memory_space<semaphore_mem>>)
    %dma_start3A_38 = arith.constant 1 : i32
    %dma_start3A_39 = arith.constant 3 : i32
    %dma_start3A_40 = arith.constant 3 : i32
    %dma_start3A_41 = tpu.memref_slice %arg6[%dma_start3A_40] : memref<8x!tpu.dma_semaphore, #tpu.memory_space<semaphore_mem>> -> memref<1x!tpu.dma_semaphore, #tpu.memory_space<semaphore_mem>>
    %dma_start3A_42 = tpu.memref_squeeze %dma_start3A_41 : memref<1x!tpu.dma_semaphore, #tpu.memory_space<semaphore_mem>> -> memref<!tpu.dma_semaphore, #tpu.memory_space<semaphore_mem>>
    %dma_start3A_43 = arith.constant 0 : i32
    %dma_start3A_44 = arith.constant 0 : i32
    %dma_start3A_45 = tpu.memref_slice %arg5[%dma_start3A_39, %dma_start3A_43, %dma_start3A_44] : memref<8x512x1024xf32, #tpu.memory_space<vmem>> -> memref<1x512x1024xf32, #tpu.memory_space<vmem>>
    %dma_start3A_46 = tpu.memref_squeeze %dma_start3A_45 : memref<1x512x1024xf32, #tpu.memory_space<vmem>> -> memref<512x1024xf32, #tpu.memory_space<vmem>>
    %dma_start3A_47 = arith.constant 1536 : i32
    %dma_start3A_48 = arith.constant 0 : i32
    %dma_start3A_49 = tpu.memref_slice %arg0[%dma_start3A_38, %dma_start3A_47, %dma_start3A_48] : memref<4x4096x1024xf32, #tpu.memory_space<any>> -> memref<1x512x1024xf32, #tpu.memory_space<any>>
    %dma_start3A_50 = tpu.memref_squeeze %dma_start3A_49 : memref<1x512x1024xf32, #tpu.memory_space<any>> -> memref<512x1024xf32, #tpu.memory_space<any>>
    tpu.enqueue_dma source(%dma_start3A_50 : memref<512x1024xf32, #tpu.memory_space<any>>) target(%dma_start3A_46 : memref<512x1024xf32, #tpu.memory_space<vmem>>) target_semaphore(%dma_start3A_42 : memref<!tpu.dma_semaphore, #tpu.memory_space<semaphore_mem>>)
    %dma_start3A_51 = arith.constant 1 : i32
    %dma_start3A_52 = arith.constant 4 : i32
    %dma_start3A_53 = arith.constant 4 : i32
    %dma_start3A_54 = tpu.memref_slice %arg6[%dma_start3A_53] : memref<8x!tpu.dma_semaphore, #tpu.memory_space<semaphore_mem>> -> memref<1x!tpu.dma_semaphore, #tpu.memory_space<semaphore_mem>>
    %dma_start3A_55 = tpu.memref_squeeze %dma_start3A_54 : memref<1x!tpu.dma_semaphore, #tpu.memory_space<semaphore_mem>> -> memref<!tpu.dma_semaphore, #tpu.memory_space<semaphore_mem>>
    %dma_start3A_56 = arith.constant 0 : i32
    %dma_start3A_57 = arith.constant 0 : i32
    %dma_start3A_58 = tpu.memref_slice %arg5[%dma_start3A_52, %dma_start3A_56, %dma_start3A_57] : memref<8x512x1024xf32, #tpu.memory_space<vmem>> -> memref<1x512x1024xf32, #tpu.memory_space<vmem>>
    %dma_start3A_59 = tpu.memref_squeeze %dma_start3A_58 : memref<1x512x1024xf32, #tpu.memory_space<vmem>> -> memref<512x1024xf32, #tpu.memory_space<vmem>>
    %dma_start3A_60 = arith.constant 2048 : i32
    %dma_start3A_61 = arith.constant 0 : i32
    %dma_start3A_62 = tpu.memref_slice %arg0[%dma_start3A_51, %dma_start3A_60, %dma_start3A_61] : memref<4x4096x1024xf32, #tpu.memory_space<any>> -> memref<1x512x1024xf32, #tpu.memory_space<any>>
    %dma_start3A_63 = tpu.memref_squeeze %dma_start3A_62 : memref<1x512x1024xf32, #tpu.memory_space<any>> -> memref<512x1024xf32, #tpu.memory_space<any>>
    tpu.enqueue_dma source(%dma_start3A_63 : memref<512x1024xf32, #tpu.memory_space<any>>) target(%dma_start3A_59 : memref<512x1024xf32, #tpu.memory_space<vmem>>) target_semaphore(%dma_start3A_55 : memref<!tpu.dma_semaphore, #tpu.memory_space<semaphore_mem>>)
    %dma_start3A_64 = arith.constant 1 : i32
    %dma_start3A_65 = arith.constant 5 : i32
    %dma_start3A_66 = arith.constant 5 : i32
    %dma_start3A_67 = tpu.memref_slice %arg6[%dma_start3A_66] : memref<8x!tpu.dma_semaphore, #tpu.memory_space<semaphore_mem>> -> memref<1x!tpu.dma_semaphore, #tpu.memory_space<semaphore_mem>>
    %dma_start3A_68 = tpu.memref_squeeze %dma_start3A_67 : memref<1x!tpu.dma_semaphore, #tpu.memory_space<semaphore_mem>> -> memref<!tpu.dma_semaphore, #tpu.memory_space<semaphore_mem>>
    %dma_start3A_69 = arith.constant 0 : i32
    %dma_start3A_70 = arith.constant 0 : i32
    %dma_start3A_71 = tpu.memref_slice %arg5[%dma_start3A_65, %dma_start3A_69, %dma_start3A_70] : memref<8x512x1024xf32, #tpu.memory_space<vmem>> -> memref<1x512x1024xf32, #tpu.memory_space<vmem>>
    %dma_start3A_72 = tpu.memref_squeeze %dma_start3A_71 : memref<1x512x1024xf32, #tpu.memory_space<vmem>> -> memref<512x1024xf32, #tpu.memory_space<vmem>>
    %dma_start3A_73 = arith.constant 2560 : i32
    %dma_start3A_74 = arith.constant 0 : i32
    %dma_start3A_75 = tpu.memref_slice %arg0[%dma_start3A_64, %dma_start3A_73, %dma_start3A_74] : memref<4x4096x1024xf32, #tpu.memory_space<any>> -> memref<1x512x1024xf32, #tpu.memory_space<any>>
    %dma_start3A_76 = tpu.memref_squeeze %dma_start3A_75 : memref<1x512x1024xf32, #tpu.memory_space<any>> -> memref<512x1024xf32, #tpu.memory_space<any>>
    tpu.enqueue_dma source(%dma_start3A_76 : memref<512x1024xf32, #tpu.memory_space<any>>) target(%dma_start3A_72 : memref<512x1024xf32, #tpu.memory_space<vmem>>) target_semaphore(%dma_start3A_68 : memref<!tpu.dma_semaphore, #tpu.memory_space<semaphore_mem>>)
    %dma_start3A_77 = arith.constant 1 : i32
    %dma_start3A_78 = arith.constant 6 : i32
    %dma_start3A_79 = arith.constant 6 : i32
    %dma_start3A_80 = tpu.memref_slice %arg6[%dma_start3A_79] : memref<8x!tpu.dma_semaphore, #tpu.memory_space<semaphore_mem>> -> memref<1x!tpu.dma_semaphore, #tpu.memory_space<semaphore_mem>>
    %dma_start3A_81 = tpu.memref_squeeze %dma_start3A_80 : memref<1x!tpu.dma_semaphore, #tpu.memory_space<semaphore_mem>> -> memref<!tpu.dma_semaphore, #tpu.memory_space<semaphore_mem>>
    %dma_start3A_82 = arith.constant 0 : i32
    %dma_start3A_83 = arith.constant 0 : i32
    %dma_start3A_84 = tpu.memref_slice %arg5[%dma_start3A_78, %dma_start3A_82, %dma_start3A_83] : memref<8x512x1024xf32, #tpu.memory_space<vmem>> -> memref<1x512x1024xf32, #tpu.memory_space<vmem>>
    %dma_start3A_85 = tpu.memref_squeeze %dma_start3A_84 : memref<1x512x1024xf32, #tpu.memory_space<vmem>> -> memref<512x1024xf32, #tpu.memory_space<vmem>>
    %dma_start3A_86 = arith.constant 3072 : i32
    %dma_start3A_87 = arith.constant 0 : i32
    %dma_start3A_88 = tpu.memref_slice %arg0[%dma_start3A_77, %dma_start3A_86, %dma_start3A_87] : memref<4x4096x1024xf32, #tpu.memory_space<any>> -> memref<1x512x1024xf32, #tpu.memory_space<any>>
    %dma_start3A_89 = tpu.memref_squeeze %dma_start3A_88 : memref<1x512x1024xf32, #tpu.memory_space<any>> -> memref<512x1024xf32, #tpu.memory_space<any>>
    tpu.enqueue_dma source(%dma_start3A_89 : memref<512x1024xf32, #tpu.memory_space<any>>) target(%dma_start3A_85 : memref<512x1024xf32, #tpu.memory_space<vmem>>) target_semaphore(%dma_start3A_81 : memref<!tpu.dma_semaphore, #tpu.memory_space<semaphore_mem>>)
    %dma_wait3A = arith.constant 1 : i32
    %dma_wait3A_90 = arith.constant 0 : i32
    %dma_wait3A_91 = arith.constant 0 : i32
    %dma_wait3A_92 = tpu.memref_slice %arg6[%dma_wait3A_91] : memref<8x!tpu.dma_semaphore, #tpu.memory_space<semaphore_mem>> -> memref<1x!tpu.dma_semaphore, #tpu.memory_space<semaphore_mem>>
    %dma_wait3A_93 = tpu.memref_squeeze %dma_wait3A_92 : memref<1x!tpu.dma_semaphore, #tpu.memory_space<semaphore_mem>> -> memref<!tpu.dma_semaphore, #tpu.memory_space<semaphore_mem>>
    %dma_wait3A_94 = arith.constant 0 : i32
    %dma_wait3A_95 = arith.constant 0 : i32
    %dma_wait3A_96 = tpu.memref_slice %arg5[%dma_wait3A_90, %dma_wait3A_94, %dma_wait3A_95] : memref<8x512x1024xf32, #tpu.memory_space<vmem>> -> memref<1x512x1024xf32, #tpu.memory_space<vmem>>
    %dma_wait3A_97 = tpu.memref_squeeze %dma_wait3A_96 : memref<1x512x1024xf32, #tpu.memory_space<vmem>> -> memref<512x1024xf32, #tpu.memory_space<vmem>>
    %dma_wait3A_98 = arith.constant 0 : i32
    %dma_wait3A_99 = arith.constant 0 : i32
    %dma_wait3A_100 = tpu.memref_slice %arg0[%dma_wait3A, %dma_wait3A_98, %dma_wait3A_99] : memref<4x4096x1024xf32, #tpu.memory_space<any>> -> memref<1x512x1024xf32, #tpu.memory_space<any>>
    %dma_wait3A_101 = tpu.memref_squeeze %dma_wait3A_100 : memref<1x512x1024xf32, #tpu.memory_space<any>> -> memref<512x1024xf32, #tpu.memory_space<any>>
    tpu.wait_dma2 semaphore(%dma_wait3A_93 : memref<!tpu.dma_semaphore, #tpu.memory_space<semaphore_mem>>) src(%dma_wait3A_101 : memref<512x1024xf32, #tpu.memory_space<any>>) dst(%dma_wait3A_97 : memref<512x1024xf32, #tpu.memory_space<vmem>>)
    %get3A = arith.constant 1 : index
    %get3A_102 = arith.constant 0 : index
    %get3A_103 = vector.load %arg1[%get3A, %get3A_102] : memref<4x1024xf32, #tpu.memory_space<vmem>>, vector<1x1024xf32>
    %get3A_104 = vector.shape_cast %get3A_103 : vector<1x1024xf32> to vector<1024xf32>
    %get3A_105 = arith.constant 1 : index
    %get3A_106 = arith.constant 0 : index
    %get3A_107 = vector.load %arg2[%get3A_105, %get3A_106] : memref<4x1024xf32, #tpu.memory_space<vmem>>, vector<1x1024xf32>
    %get3A_108 = vector.shape_cast %get3A_107 : vector<1x1024xf32> to vector<1024xf32>
    %get3A_109 = arith.constant 0 : index
    %get3A_110 = arith.constant 0 : index
    %get3A_111 = arith.constant 0 : index
    %get3A_112 = vector.load %arg5[%get3A_109, %get3A_110, %get3A_111] : memref<8x512x1024xf32, #tpu.memory_space<vmem>>, vector<1x512x1024xf32>
    %get3A_113 = vector.shape_cast %get3A_112 : vector<1x512x1024xf32> to vector<512x1024xf32>
    %broadcast_in_dim3A = vector.shape_cast %get3A_104 : vector<1024xf32> to vector<1x1024xf32>
    %mul3A = vector.broadcast %broadcast_in_dim3A : vector<1x1024xf32> to vector<512x1024xf32>
    %mul3A_114 = arith.mulf %mul3A, %get3A_113 : vector<512x1024xf32>
    %broadcast_in_dim3A_115 = vector.shape_cast %get3A_108 : vector<1024xf32> to vector<1x1024xf32>
    %add3A = vector.broadcast %broadcast_in_dim3A_115 : vector<1x1024xf32> to vector<512x1024xf32>
    %add3A_116 = arith.addf %mul3A_114, %add3A : vector<512x1024xf32>
    %swap3A = arith.constant 0 : index
    %swap3A_117 = arith.constant 0 : index
    %swap3A_118 = arith.constant 0 : index
    %swap3A_119 = vector.load %arg5[%swap3A, %swap3A_117, %swap3A_118] : memref<8x512x1024xf32, #tpu.memory_space<vmem>>, vector<1x512x1024xf32>
    %swap3A_120 = vector.shape_cast %swap3A_119 : vector<1x512x1024xf32> to vector<512x1024xf32>
    %swap3A_121 = vector.shape_cast %add3A_116 : vector<512x1024xf32> to vector<1x512x1024xf32>
    tpu.vector_store %arg5[%swap3A, %swap3A_117, %swap3A_118], %swap3A_121 {strides = array<i32>} : memref<8x512x1024xf32, #tpu.memory_space<vmem>>, vector<1x512x1024xf32>,
    %dma_start3A_122 = arith.constant 0 : i32
    %dma_start3A_123 = arith.constant 1 : i32
    %dma_start3A_124 = arith.constant 0 : i32
    %dma_start3A_125 = tpu.memref_slice %arg7[%dma_start3A_124] : memref<8x!tpu.dma_semaphore, #tpu.memory_space<semaphore_mem>> -> memref<1x!tpu.dma_semaphore, #tpu.memory_space<semaphore_mem>>
    %dma_start3A_126 = tpu.memref_squeeze %dma_start3A_125 : memref<1x!tpu.dma_semaphore, #tpu.memory_space<semaphore_mem>> -> memref<!tpu.dma_semaphore, #tpu.memory_space<semaphore_mem>>
    %dma_start3A_127 = arith.constant 0 : i32
    %dma_start3A_128 = arith.constant 0 : i32
    %dma_start3A_129 = tpu.memref_slice %arg4[%dma_start3A_123, %dma_start3A_127, %dma_start3A_128] : memref<4x4096x1024xf32, #tpu.memory_space<any>> -> memref<1x512x1024xf32, #tpu.memory_space<any>>
    %dma_start3A_130 = tpu.memref_squeeze %dma_start3A_129 : memref<1x512x1024xf32, #tpu.memory_space<any>> -> memref<512x1024xf32, #tpu.memory_space<any>>
    %dma_start3A_131 = arith.constant 0 : i32
    %dma_start3A_132 = arith.constant 0 : i32
    %dma_start3A_133 = tpu.memref_slice %arg5[%dma_start3A_122, %dma_start3A_131, %dma_start3A_132] : memref<8x512x1024xf32, #tpu.memory_space<vmem>> -> memref<1x512x1024xf32, #tpu.memory_space<vmem>>
    %dma_start3A_134 = tpu.memref_squeeze %dma_start3A_133 : memref<1x512x1024xf32, #tpu.memory_space<vmem>> -> memref<512x1024xf32, #tpu.memory_space<vmem>>
    tpu.enqueue_dma source(%dma_start3A_134 : memref<512x1024xf32, #tpu.memory_space<vmem>>) target(%dma_start3A_130 : memref<512x1024xf32, #tpu.memory_space<any>>) target_semaphore(%dma_start3A_126 : memref<!tpu.dma_semaphore, #tpu.memory_space<semaphore_mem>>)
    %dma_start3A_135 = arith.constant 1 : i32
    %dma_start3A_136 = arith.constant 7 : i32
    %dma_start3A_137 = arith.constant 7 : i32
    %dma_start3A_138 = tpu.memref_slice %arg6[%dma_start3A_137] : memref<8x!tpu.dma_semaphore, #tpu.memory_space<semaphore_mem>> -> memref<1x!tpu.dma_semaphore, #tpu.memory_space<semaphore_mem>>
    %dma_start3A_139 = tpu.memref_squeeze %dma_start3A_138 : memref<1x!tpu.dma_semaphore, #tpu.memory_space<semaphore_mem>> -> memref<!tpu.dma_semaphore, #tpu.memory_space<semaphore_mem>>
    %dma_start3A_140 = arith.constant 0 : i32
    %dma_start3A_141 = arith.constant 0 : i32
    %dma_start3A_142 = tpu.memref_slice %arg5[%dma_start3A_136, %dma_start3A_140, %dma_start3A_141] : memref<8x512x1024xf32, #tpu.memory_space<vmem>> -> memref<1x512x1024xf32, #tpu.memory_space<vmem>>
    %dma_start3A_143 = tpu.memref_squeeze %dma_start3A_142 : memref<1x512x1024xf32, #tpu.memory_space<vmem>> -> memref<512x1024xf32, #tpu.memory_space<vmem>>
    %dma_start3A_144 = arith.constant 3584 : i32
    %dma_start3A_145 = arith.constant 0 : i32
    %dma_start3A_146 = tpu.memref_slice %arg0[%dma_start3A_135, %dma_start3A_144, %dma_start3A_145] : memref<4x4096x1024xf32, #tpu.memory_space<any>> -> memref<1x512x1024xf32, #tpu.memory_space<any>>
    %dma_start3A_147 = tpu.memref_squeeze %dma_start3A_146 : memref<1x512x1024xf32, #tpu.memory_space<any>> -> memref<512x1024xf32, #tpu.memory_space<any>>
    tpu.enqueue_dma source(%dma_start3A_147 : memref<512x1024xf32, #tpu.memory_space<any>>) target(%dma_start3A_143 : memref<512x1024xf32, #tpu.memory_space<vmem>>) target_semaphore(%dma_start3A_139 : memref<!tpu.dma_semaphore, #tpu.memory_space<semaphore_mem>>)
    %dma_wait3A_148 = arith.constant 1 : i32
    %dma_wait3A_149 = arith.constant 1 : i32
    %dma_wait3A_150 = arith.constant 1 : i32
    %dma_wait3A_151 = tpu.memref_slice %arg6[%dma_wait3A_150] : memref<8x!tpu.dma_semaphore, #tpu.memory_space<semaphore_mem>> -> memref<1x!tpu.dma_semaphore, #tpu.memory_space<semaphore_mem>>
    %dma_wait3A_152 = tpu.memref_squeeze %dma_wait3A_151 : memref<1x!tpu.dma_semaphore, #tpu.memory_space<semaphore_mem>> -> memref<!tpu.dma_semaphore, #tpu.memory_space<semaphore_mem>>
    %dma_wait3A_153 = arith.constant 0 : i32
    %dma_wait3A_154 = arith.constant 0 : i32
    %dma_wait3A_155 = tpu.memref_slice %arg5[%dma_wait3A_149, %dma_wait3A_153, %dma_wait3A_154] : memref<8x512x1024xf32, #tpu.memory_space<vmem>> -> memref<1x512x1024xf32, #tpu.memory_space<vmem>>
    %dma_wait3A_156 = tpu.memref_squeeze %dma_wait3A_155 : memref<1x512x1024xf32, #tpu.memory_space<vmem>> -> memref<512x1024xf32, #tpu.memory_space<vmem>>
    %dma_wait3A_157 = arith.constant 512 : i32
    %dma_wait3A_158 = arith.constant 0 : i32
    %dma_wait3A_159 = tpu.memref_slice %arg0[%dma_wait3A_148, %dma_wait3A_157, %dma_wait3A_158] : memref<4x4096x1024xf32, #tpu.memory_space<any>> -> memref<1x512x1024xf32, #tpu.memory_space<any>>
    %dma_wait3A_160 = tpu.memref_squeeze %dma_wait3A_159 : memref<1x512x1024xf32, #tpu.memory_space<any>> -> memref<512x1024xf32, #tpu.memory_space<any>>
    tpu.wait_dma2 semaphore(%dma_wait3A_152 : memref<!tpu.dma_semaphore, #tpu.memory_space<semaphore_mem>>) src(%dma_wait3A_160 : memref<512x1024xf32, #tpu.memory_space<any>>) dst(%dma_wait3A_156 : memref<512x1024xf32, #tpu.memory_space<vmem>>)
    %get3A_161 = arith.constant 1 : index
    %get3A_162 = arith.constant 0 : index
    %get3A_163 = vector.load %arg1[%get3A_161, %get3A_162] : memref<4x1024xf32, #tpu.memory_space<vmem>>, vector<1x1024xf32>
    %get3A_164 = vector.shape_cast %get3A_163 : vector<1x1024xf32> to vector<1024xf32>
    %get3A_165 = arith.constant 1 : index
    %get3A_166 = arith.constant 0 : index
    %get3A_167 = vector.load %arg2[%get3A_165, %get3A_166] : memref<4x1024xf32, #tpu.memory_space<vmem>>, vector<1x1024xf32>
    %get3A_168 = vector.shape_cast %get3A_167 : vector<1x1024xf32> to vector<1024xf32>
    %get3A_169 = arith.constant 1 : index
    %get3A_170 = arith.constant 0 : index
    %get3A_171 = arith.constant 0 : index
    %get3A_172 = vector.load %arg5[%get3A_169, %get3A_170, %get3A_171] : memref<8x512x1024xf32, #tpu.memory_space<vmem>>, vector<1x512x1024xf32>
    %get3A_173 = vector.shape_cast %get3A_172 : vector<1x512x1024xf32> to vector<512x1024xf32>
    %broadcast_in_dim3A_174 = vector.shape_cast %get3A_164 : vector<1024xf32> to vector<1x1024xf32>
    %mul3A_175 = vector.broadcast %broadcast_in_dim3A_174 : vector<1x1024xf32> to vector<512x1024xf32>
    %mul3A_176 = arith.mulf %mul3A_175, %get3A_173 : vector<512x1024xf32>
    %broadcast_in_dim3A_177 = vector.shape_cast %get3A_168 : vector<1024xf32> to vector<1x1024xf32>
    %add3A_178 = vector.broadcast %broadcast_in_dim3A_177 : vector<1x1024xf32> to vector<512x1024xf32>
    %add3A_179 = arith.addf %mul3A_176, %add3A_178 : vector<512x1024xf32>
    %swap3A_180 = arith.constant 1 : index
    %swap3A_181 = arith.constant 0 : index
    %swap3A_182 = arith.constant 0 : index
    %swap3A_183 = vector.load %arg5[%swap3A_180, %swap3A_181, %swap3A_182] : memref<8x512x1024xf32, #tpu.memory_space<vmem>>, vector<1x512x1024xf32>
    %swap3A_184 = vector.shape_cast %swap3A_183 : vector<1x512x1024xf32> to vector<512x1024xf32>
    %swap3A_185 = vector.shape_cast %add3A_179 : vector<512x1024xf32> to vector<1x512x1024xf32>
    tpu.vector_store %arg5[%swap3A_180, %swap3A_181, %swap3A_182], %swap3A_185 {strides = array<i32>} : memref<8x512x1024xf32, #tpu.memory_space<vmem>>, vector<1x512x1024xf32>,
    %dma_start3A_186 = arith.constant 1 : i32
    %dma_start3A_187 = arith.constant 1 : i32
    %dma_start3A_188 = arith.constant 1 : i32
    %dma_start3A_189 = tpu.memref_slice %arg7[%dma_start3A_188] : memref<8x!tpu.dma_semaphore, #tpu.memory_space<semaphore_mem>> -> memref<1x!tpu.dma_semaphore, #tpu.memory_space<semaphore_mem>>
    %dma_start3A_190 = tpu.memref_squeeze %dma_start3A_189 : memref<1x!tpu.dma_semaphore, #tpu.memory_space<semaphore_mem>> -> memref<!tpu.dma_semaphore, #tpu.memory_space<semaphore_mem>>
    %dma_start3A_191 = arith.constant 512 : i32
    %dma_start3A_192 = arith.constant 0 : i32
    %dma_start3A_193 = tpu.memref_slice %arg4[%dma_start3A_187, %dma_start3A_191, %dma_start3A_192] : memref<4x4096x1024xf32, #tpu.memory_space<any>> -> memref<1x512x1024xf32, #tpu.memory_space<any>>
    %dma_start3A_194 = tpu.memref_squeeze %dma_start3A_193 : memref<1x512x1024xf32, #tpu.memory_space<any>> -> memref<512x1024xf32, #tpu.memory_space<any>>
    %dma_start3A_195 = arith.constant 0 : i32
    %dma_start3A_196 = arith.constant 0 : i32
    %dma_start3A_197 = tpu.memref_slice %arg5[%dma_start3A_186, %dma_start3A_195, %dma_start3A_196] : memref<8x512x1024xf32, #tpu.memory_space<vmem>> -> memref<1x512x1024xf32, #tpu.memory_space<vmem>>
    %dma_start3A_198 = tpu.memref_squeeze %dma_start3A_197 : memref<1x512x1024xf32, #tpu.memory_space<vmem>> -> memref<512x1024xf32, #tpu.memory_space<vmem>>
    tpu.enqueue_dma source(%dma_start3A_198 : memref<512x1024xf32, #tpu.memory_space<vmem>>) target(%dma_start3A_194 : memref<512x1024xf32, #tpu.memory_space<any>>) target_semaphore(%dma_start3A_190 : memref<!tpu.dma_semaphore, #tpu.memory_space<semaphore_mem>>)
    %dma_wait3A_199 = arith.constant 0 : i32
    %dma_wait3A_200 = arith.constant 1 : i32
    %dma_wait3A_201 = arith.constant 0 : i32
    %dma_wait3A_202 = tpu.memref_slice %arg7[%dma_wait3A_201] : memref<8x!tpu.dma_semaphore, #tpu.memory_space<semaphore_mem>> -> memref<1x!tpu.dma_semaphore, #tpu.memory_space<semaphore_mem>>
    %dma_wait3A_203 = tpu.memref_squeeze %dma_wait3A_202 : memref<1x!tpu.dma_semaphore, #tpu.memory_space<semaphore_mem>> -> memref<!tpu.dma_semaphore, #tpu.memory_space<semaphore_mem>>
    %dma_wait3A_204 = arith.constant 0 : i32
    %dma_wait3A_205 = arith.constant 0 : i32
    %dma_wait3A_206 = tpu.memref_slice %arg4[%dma_wait3A_200, %dma_wait3A_204, %dma_wait3A_205] : memref<4x4096x1024xf32, #tpu.memory_space<any>> -> memref<1x512x1024xf32, #tpu.memory_space<any>>
    %dma_wait3A_207 = tpu.memref_squeeze %dma_wait3A_206 : memref<1x512x1024xf32, #tpu.memory_space<any>> -> memref<512x1024xf32, #tpu.memory_space<any>>
    %dma_wait3A_208 = arith.constant 0 : i32
    %dma_wait3A_209 = arith.constant 0 : i32
    %dma_wait3A_210 = tpu.memref_slice %arg5[%dma_wait3A_199, %dma_wait3A_208, %dma_wait3A_209] : memref<8x512x1024xf32, #tpu.memory_space<vmem>> -> memref<1x512x1024xf32, #tpu.memory_space<vmem>>
    %dma_wait3A_211 = tpu.memref_squeeze %dma_wait3A_210 : memref<1x512x1024xf32, #tpu.memory_space<vmem>> -> memref<512x1024xf32, #tpu.memory_space<vmem>>
    tpu.wait_dma2 semaphore(%dma_wait3A_203 : memref<!tpu.dma_semaphore, #tpu.memory_space<semaphore_mem>>) src(%dma_wait3A_211 : memref<512x1024xf32, #tpu.memory_space<vmem>>) dst(%dma_wait3A_207 : memref<512x1024xf32, #tpu.memory_space<any>>)
    %dma_start3A_212 = arith.constant 2 : i32
    %dma_start3A_213 = arith.constant 0 : i32
    %dma_start3A_214 = arith.constant 0 : i32
    %dma_start3A_215 = tpu.memref_slice %arg6[%dma_start3A_214] : memref<8x!tpu.dma_semaphore, #tpu.memory_space<semaphore_mem>> -> memref<1x!tpu.dma_semaphore, #tpu.memory_space<semaphore_mem>>
    %dma_start3A_216 = tpu.memref_squeeze %dma_start3A_215 : memref<1x!tpu.dma_semaphore, #tpu.memory_space<semaphore_mem>> -> memref<!tpu.dma_semaphore, #tpu.memory_space<semaphore_mem>>
    %dma_start3A_217 = arith.constant 0 : i32
    %dma_start3A_218 = arith.constant 0 : i32
    %dma_start3A_219 = tpu.memref_slice %arg5[%dma_start3A_213, %dma_start3A_217, %dma_start3A_218] : memref<8x512x1024xf32, #tpu.memory_space<vmem>> -> memref<1x512x1024xf32, #tpu.memory_space<vmem>>
    %dma_start3A_220 = tpu.memref_squeeze %dma_start3A_219 : memref<1x512x1024xf32, #tpu.memory_space<vmem>> -> memref<512x1024xf32, #tpu.memory_space<vmem>>
    %dma_start3A_221 = arith.constant 0 : i32
    %dma_start3A_222 = arith.constant 0 : i32
    %dma_start3A_223 = tpu.memref_slice %arg0[%dma_start3A_212, %dma_start3A_221, %dma_start3A_222] : memref<4x4096x1024xf32, #tpu.memory_space<any>> -> memref<1x512x1024xf32, #tpu.memory_space<any>>
    %dma_start3A_224 = tpu.memref_squeeze %dma_start3A_223 : memref<1x512x1024xf32, #tpu.memory_space<any>> -> memref<512x1024xf32, #tpu.memory_space<any>>
    tpu.enqueue_dma source(%dma_start3A_224 : memref<512x1024xf32, #tpu.memory_space<any>>) target(%dma_start3A_220 : memref<512x1024xf32, #tpu.memory_space<vmem>>) target_semaphore(%dma_start3A_216 : memref<!tpu.dma_semaphore, #tpu.memory_space<semaphore_mem>>)
    %dma_wait3A_225 = arith.constant 1 : i32
    %dma_wait3A_226 = arith.constant 2 : i32
    %dma_wait3A_227 = arith.constant 2 : i32
    %dma_wait3A_228 = tpu.memref_slice %arg6[%dma_wait3A_227] : memref<8x!tpu.dma_semaphore, #tpu.memory_space<semaphore_mem>> -> memref<1x!tpu.dma_semaphore, #tpu.memory_space<semaphore_mem>>
    %dma_wait3A_229 = tpu.memref_squeeze %dma_wait3A_228 : memref<1x!tpu.dma_semaphore, #tpu.memory_space<semaphore_mem>> -> memref<!tpu.dma_semaphore, #tpu.memory_space<semaphore_mem>>
    %dma_wait3A_230 = arith.constant 0 : i32
    %dma_wait3A_231 = arith.constant 0 : i32
    %dma_wait3A_232 = tpu.memref_slice %arg5[%dma_wait3A_226, %dma_wait3A_230, %dma_wait3A_231] : memref<8x512x1024xf32, #tpu.memory_space<vmem>> -> memref<1x512x1024xf32, #tpu.memory_space<vmem>>
    %dma_wait3A_233 = tpu.memref_squeeze %dma_wait3A_232 : memref<1x512x1024xf32, #tpu.memory_space<vmem>> -> memref<512x1024xf32, #tpu.memory_space<vmem>>
    %dma_wait3A_234 = arith.constant 1024 : i32
    %dma_wait3A_235 = arith.constant 0 : i32
    %dma_wait3A_236 = tpu.memref_slice %arg0[%dma_wait3A_225, %dma_wait3A_234, %dma_wait3A_235] : memref<4x4096x1024xf32, #tpu.memory_space<any>> -> memref<1x512x1024xf32, #tpu.memory_space<any>>
    %dma_wait3A_237 = tpu.memref_squeeze %dma_wait3A_236 : memref<1x512x1024xf32, #tpu.memory_space<any>> -> memref<512x1024xf32, #tpu.memory_space<any>>
    tpu.wait_dma2 semaphore(%dma_wait3A_229 : memref<!tpu.dma_semaphore, #tpu.memory_space<semaphore_mem>>) src(%dma_wait3A_237 : memref<512x1024xf32, #tpu.memory_space<any>>) dst(%dma_wait3A_233 : memref<512x1024xf32, #tpu.memory_space<vmem>>)
    %get3A_238 = arith.constant 1 : index
    %get3A_239 = arith.constant 0 : index
    %get3A_240 = vector.load %arg1[%get3A_238, %get3A_239] : memref<4x1024xf32, #tpu.memory_space<vmem>>, vector<1x1024xf32>
    %get3A_241 = vector.shape_cast %get3A_240 : vector<1x1024xf32> to vector<1024xf32>
    %get3A_242 = arith.constant 1 : index
    %get3A_243 = arith.constant 0 : index
    %get3A_244 = vector.load %arg2[%get3A_242, %get3A_243] : memref<4x1024xf32, #tpu.memory_space<vmem>>, vector<1x1024xf32>
    %get3A_245 = vector.shape_cast %get3A_244 : vector<1x1024xf32> to vector<1024xf32>
    %get3A_246 = arith.constant 2 : index
    %get3A_247 = arith.constant 0 : index
    %get3A_248 = arith.constant 0 : index
    %get3A_249 = vector.load %arg5[%get3A_246, %get3A_247, %get3A_248] : memref<8x512x1024xf32, #tpu.memory_space<vmem>>, vector<1x512x1024xf32>
    %get3A_250 = vector.shape_cast %get3A_249 : vector<1x512x1024xf32> to vector<512x1024xf32>
    %broadcast_in_dim3A_251 = vector.shape_cast %get3A_241 : vector<1024xf32> to vector<1x1024xf32>
    %mul3A_252 = vector.broadcast %broadcast_in_dim3A_251 : vector<1x1024xf32> to vector<512x1024xf32>
    %mul3A_253 = arith.mulf %mul3A_252, %get3A_250 : vector<512x1024xf32>
    %broadcast_in_dim3A_254 = vector.shape_cast %get3A_245 : vector<1024xf32> to vector<1x1024xf32>
    %add3A_255 = vector.broadcast %broadcast_in_dim3A_254 : vector<1x1024xf32> to vector<512x1024xf32>
    %add3A_256 = arith.addf %mul3A_253, %add3A_255 : vector<512x1024xf32>
    %swap3A_257 = arith.constant 2 : index
    %swap3A_258 = arith.constant 0 : index
    %swap3A_259 = arith.constant 0 : index
    %swap3A_260 = vector.load %arg5[%swap3A_257, %swap3A_258, %swap3A_259] : memref<8x512x1024xf32, #tpu.memory_space<vmem>>, vector<1x512x1024xf32>
    %swap3A_261 = vector.shape_cast %swap3A_260 : vector<1x512x1024xf32> to vector<512x1024xf32>
    %swap3A_262 = vector.shape_cast %add3A_256 : vector<512x1024xf32> to vector<1x512x1024xf32>
    tpu.vector_store %arg5[%swap3A_257, %swap3A_258, %swap3A_259], %swap3A_262 {strides = array<i32>} : memref<8x512x1024xf32, #tpu.memory_space<vmem>>, vector<1x512x1024xf32>,
    %dma_start3A_263 = arith.constant 2 : i32
    %dma_start3A_264 = arith.constant 1 : i32
    %dma_start3A_265 = arith.constant 2 : i32
    %dma_start3A_266 = tpu.memref_slice %arg7[%dma_start3A_265] : memref<8x!tpu.dma_semaphore, #tpu.memory_space<semaphore_mem>> -> memref<1x!tpu.dma_semaphore, #tpu.memory_space<semaphore_mem>>
    %dma_start3A_267 = tpu.memref_squeeze %dma_start3A_266 : memref<1x!tpu.dma_semaphore, #tpu.memory_space<semaphore_mem>> -> memref<!tpu.dma_semaphore, #tpu.memory_space<semaphore_mem>>
    %dma_start3A_268 = arith.constant 1024 : i32
    %dma_start3A_269 = arith.constant 0 : i32
    %dma_start3A_270 = tpu.memref_slice %arg4[%dma_start3A_264, %dma_start3A_268, %dma_start3A_269] : memref<4x4096x1024xf32, #tpu.memory_space<any>> -> memref<1x512x1024xf32, #tpu.memory_space<any>>
    %dma_start3A_271 = tpu.memref_squeeze %dma_start3A_270 : memref<1x512x1024xf32, #tpu.memory_space<any>> -> memref<512x1024xf32, #tpu.memory_space<any>>
    %dma_start3A_272 = arith.constant 0 : i32
    %dma_start3A_273 = arith.constant 0 : i32
    %dma_start3A_274 = tpu.memref_slice %arg5[%dma_start3A_263, %dma_start3A_272, %dma_start3A_273] : memref<8x512x1024xf32, #tpu.memory_space<vmem>> -> memref<1x512x1024xf32, #tpu.memory_space<vmem>>
    %dma_start3A_275 = tpu.memref_squeeze %dma_start3A_274 : memref<1x512x1024xf32, #tpu.memory_space<vmem>> -> memref<512x1024xf32, #tpu.memory_space<vmem>>
    tpu.enqueue_dma source(%dma_start3A_275 : memref<512x1024xf32, #tpu.memory_space<vmem>>) target(%dma_start3A_271 : memref<512x1024xf32, #tpu.memory_space<any>>) target_semaphore(%dma_start3A_267 : memref<!tpu.dma_semaphore, #tpu.memory_space<semaphore_mem>>)
    %dma_wait3A_276 = arith.constant 1 : i32
    %dma_wait3A_277 = arith.constant 1 : i32
    %dma_wait3A_278 = arith.constant 1 : i32
    %dma_wait3A_279 = tpu.memref_slice %arg7[%dma_wait3A_278] : memref<8x!tpu.dma_semaphore, #tpu.memory_space<semaphore_mem>> -> memref<1x!tpu.dma_semaphore, #tpu.memory_space<semaphore_mem>>
    %dma_wait3A_280 = tpu.memref_squeeze %dma_wait3A_279 : memref<1x!tpu.dma_semaphore, #tpu.memory_space<semaphore_mem>> -> memref<!tpu.dma_semaphore, #tpu.memory_space<semaphore_mem>>
    %dma_wait3A_281 = arith.constant 512 : i32
    %dma_wait3A_282 = arith.constant 0 : i32
    %dma_wait3A_283 = tpu.memref_slice %arg4[%dma_wait3A_277, %dma_wait3A_281, %dma_wait3A_282] : memref<4x4096x1024xf32, #tpu.memory_space<any>> -> memref<1x512x1024xf32, #tpu.memory_space<any>>
    %dma_wait3A_284 = tpu.memref_squeeze %dma_wait3A_283 : memref<1x512x1024xf32, #tpu.memory_space<any>> -> memref<512x1024xf32, #tpu.memory_space<any>>
    %dma_wait3A_285 = arith.constant 0 : i32
    %dma_wait3A_286 = arith.constant 0 : i32
    %dma_wait3A_287 = tpu.memref_slice %arg5[%dma_wait3A_276, %dma_wait3A_285, %dma_wait3A_286] : memref<8x512x1024xf32, #tpu.memory_space<vmem>> -> memref<1x512x1024xf32, #tpu.memory_space<vmem>>
    %dma_wait3A_288 = tpu.memref_squeeze %dma_wait3A_287 : memref<1x512x1024xf32, #tpu.memory_space<vmem>> -> memref<512x1024xf32, #tpu.memory_space<vmem>>
    tpu.wait_dma2 semaphore(%dma_wait3A_280 : memref<!tpu.dma_semaphore, #tpu.memory_space<semaphore_mem>>) src(%dma_wait3A_288 : memref<512x1024xf32, #tpu.memory_space<vmem>>) dst(%dma_wait3A_284 : memref<512x1024xf32, #tpu.memory_space<any>>)
    %dma_start3A_289 = arith.constant 2 : i32
    %dma_start3A_290 = arith.constant 1 : i32
    %dma_start3A_291 = arith.constant 1 : i32
    %dma_start3A_292 = tpu.memref_slice %arg6[%dma_start3A_291] : memref<8x!tpu.dma_semaphore, #tpu.memory_space<semaphore_mem>> -> memref<1x!tpu.dma_semaphore, #tpu.memory_space<semaphore_mem>>
    %dma_start3A_293 = tpu.memref_squeeze %dma_start3A_292 : memref<1x!tpu.dma_semaphore, #tpu.memory_space<semaphore_mem>> -> memref<!tpu.dma_semaphore, #tpu.memory_space<semaphore_mem>>
    %dma_start3A_294 = arith.constant 0 : i32
    %dma_start3A_295 = arith.constant 0 : i32
    %dma_start3A_296 = tpu.memref_slice %arg5[%dma_start3A_290, %dma_start3A_294, %dma_start3A_295] : memref<8x512x1024xf32, #tpu.memory_space<vmem>> -> memref<1x512x1024xf32, #tpu.memory_space<vmem>>
    %dma_start3A_297 = tpu.memref_squeeze %dma_start3A_296 : memref<1x512x1024xf32, #tpu.memory_space<vmem>> -> memref<512x1024xf32, #tpu.memory_space<vmem>>
    %dma_start3A_298 = arith.constant 512 : i32
    %dma_start3A_299 = arith.constant 0 : i32
    %dma_start3A_300 = tpu.memref_slice %arg0[%dma_start3A_289, %dma_start3A_298, %dma_start3A_299] : memref<4x4096x1024xf32, #tpu.memory_space<any>> -> memref<1x512x1024xf32, #tpu.memory_space<any>>
    %dma_start3A_301 = tpu.memref_squeeze %dma_start3A_300 : memref<1x512x1024xf32, #tpu.memory_space<any>> -> memref<512x1024xf32, #tpu.memory_space<any>>
    tpu.enqueue_dma source(%dma_start3A_301 : memref<512x1024xf32, #tpu.memory_space<any>>) target(%dma_start3A_297 : memref<512x1024xf32, #tpu.memory_space<vmem>>) target_semaphore(%dma_start3A_293 : memref<!tpu.dma_semaphore, #tpu.memory_space<semaphore_mem>>)
    %dma_wait3A_302 = arith.constant 1 : i32
    %dma_wait3A_303 = arith.constant 3 : i32
    %dma_wait3A_304 = arith.constant 3 : i32
    %dma_wait3A_305 = tpu.memref_slice %arg6[%dma_wait3A_304] : memref<8x!tpu.dma_semaphore, #tpu.memory_space<semaphore_mem>> -> memref<1x!tpu.dma_semaphore, #tpu.memory_space<semaphore_mem>>
    %dma_wait3A_306 = tpu.memref_squeeze %dma_wait3A_305 : memref<1x!tpu.dma_semaphore, #tpu.memory_space<semaphore_mem>> -> memref<!tpu.dma_semaphore, #tpu.memory_space<semaphore_mem>>
    %dma_wait3A_307 = arith.constant 0 : i32
    %dma_wait3A_308 = arith.constant 0 : i32
    %dma_wait3A_309 = tpu.memref_slice %arg5[%dma_wait3A_303, %dma_wait3A_307, %dma_wait3A_308] : memref<8x512x1024xf32, #tpu.memory_space<vmem>> -> memref<1x512x1024xf32, #tpu.memory_space<vmem>>
    %dma_wait3A_310 = tpu.memref_squeeze %dma_wait3A_309 : memref<1x512x1024xf32, #tpu.memory_space<vmem>> -> memref<512x1024xf32, #tpu.memory_space<vmem>>
    %dma_wait3A_311 = arith.constant 1536 : i32
    %dma_wait3A_312 = arith.constant 0 : i32
    %dma_wait3A_313 = tpu.memref_slice %arg0[%dma_wait3A_302, %dma_wait3A_311, %dma_wait3A_312] : memref<4x4096x1024xf32, #tpu.memory_space<any>> -> memref<1x512x1024xf32, #tpu.memory_space<any>>
    %dma_wait3A_314 = tpu.memref_squeeze %dma_wait3A_313 : memref<1x512x1024xf32, #tpu.memory_space<any>> -> memref<512x1024xf32, #tpu.memory_space<any>>
    tpu.wait_dma2 semaphore(%dma_wait3A_306 : memref<!tpu.dma_semaphore, #tpu.memory_space<semaphore_mem>>) src(%dma_wait3A_314 : memref<512x1024xf32, #tpu.memory_space<any>>) dst(%dma_wait3A_310 : memref<512x1024xf32, #tpu.memory_space<vmem>>)
    %get3A_315 = arith.constant 1 : index
    %get3A_316 = arith.constant 0 : index
    %get3A_317 = vector.load %arg1[%get3A_315, %get3A_316] : memref<4x1024xf32, #tpu.memory_space<vmem>>, vector<1x1024xf32>
    %get3A_318 = vector.shape_cast %get3A_317 : vector<1x1024xf32> to vector<1024xf32>
    %get3A_319 = arith.constant 1 : index
    %get3A_320 = arith.constant 0 : index
    %get3A_321 = vector.load %arg2[%get3A_319, %get3A_320] : memref<4x1024xf32, #tpu.memory_space<vmem>>, vector<1x1024xf32>
    %get3A_322 = vector.shape_cast %get3A_321 : vector<1x1024xf32> to vector<1024xf32>
    %get3A_323 = arith.constant 3 : index
    %get3A_324 = arith.constant 0 : index
    %get3A_325 = arith.constant 0 : index
    %get3A_326 = vector.load %arg5[%get3A_323, %get3A_324, %get3A_325] : memref<8x512x1024xf32, #tpu.memory_space<vmem>>, vector<1x512x1024xf32>
    %get3A_327 = vector.shape_cast %get3A_326 : vector<1x512x1024xf32> to vector<512x1024xf32>
    %broadcast_in_dim3A_328 = vector.shape_cast %get3A_318 : vector<1024xf32> to vector<1x1024xf32>
    %mul3A_329 = vector.broadcast %broadcast_in_dim3A_328 : vector<1x1024xf32> to vector<512x1024xf32>
    %mul3A_330 = arith.mulf %mul3A_329, %get3A_327 : vector<512x1024xf32>
    %broadcast_in_dim3A_331 = vector.shape_cast %get3A_322 : vector<1024xf32> to vector<1x1024xf32>
    %add3A_332 = vector.broadcast %broadcast_in_dim3A_331 : vector<1x1024xf32> to vector<512x1024xf32>
    %add3A_333 = arith.addf %mul3A_330, %add3A_332 : vector<512x1024xf32>
    %swap3A_334 = arith.constant 3 : index
    %swap3A_335 = arith.constant 0 : index
    %swap3A_336 = arith.constant 0 : index
    %swap3A_337 = vector.load %arg5[%swap3A_334, %swap3A_335, %swap3A_336] : memref<8x512x1024xf32, #tpu.memory_space<vmem>>, vector<1x512x1024xf32>
    %swap3A_338 = vector.shape_cast %swap3A_337 : vector<1x512x1024xf32> to vector<512x1024xf32>
    %swap3A_339 = vector.shape_cast %add3A_333 : vector<512x1024xf32> to vector<1x512x1024xf32>
    tpu.vector_store %arg5[%swap3A_334, %swap3A_335, %swap3A_336], %swap3A_339 {strides = array<i32>} : memref<8x512x1024xf32, #tpu.memory_space<vmem>>, vector<1x512x1024xf32>,
    %dma_start3A_340 = arith.constant 3 : i32
    %dma_start3A_341 = arith.constant 1 : i32
    %dma_start3A_342 = arith.constant 3 : i32
    %dma_start3A_343 = tpu.memref_slice %arg7[%dma_start3A_342] : memref<8x!tpu.dma_semaphore, #tpu.memory_space<semaphore_mem>> -> memref<1x!tpu.dma_semaphore, #tpu.memory_space<semaphore_mem>>
    %dma_start3A_344 = tpu.memref_squeeze %dma_start3A_343 : memref<1x!tpu.dma_semaphore, #tpu.memory_space<semaphore_mem>> -> memref<!tpu.dma_semaphore, #tpu.memory_space<semaphore_mem>>
    %dma_start3A_345 = arith.constant 1536 : i32
    %dma_start3A_346 = arith.constant 0 : i32
    %dma_start3A_347 = tpu.memref_slice %arg4[%dma_start3A_341, %dma_start3A_345, %dma_start3A_346] : memref<4x4096x1024xf32, #tpu.memory_space<any>> -> memref<1x512x1024xf32, #tpu.memory_space<any>>
    %dma_start3A_348 = tpu.memref_squeeze %dma_start3A_347 : memref<1x512x1024xf32, #tpu.memory_space<any>> -> memref<512x1024xf32, #tpu.memory_space<any>>
    %dma_start3A_349 = arith.constant 0 : i32
    %dma_start3A_350 = arith.constant 0 : i32
    %dma_start3A_351 = tpu.memref_slice %arg5[%dma_start3A_340, %dma_start3A_349, %dma_start3A_350] : memref<8x512x1024xf32, #tpu.memory_space<vmem>> -> memref<1x512x1024xf32, #tpu.memory_space<vmem>>
    %dma_start3A_352 = tpu.memref_squeeze %dma_start3A_351 : memref<1x512x1024xf32, #tpu.memory_space<vmem>> -> memref<512x1024xf32, #tpu.memory_space<vmem>>
    tpu.enqueue_dma source(%dma_start3A_352 : memref<512x1024xf32, #tpu.memory_space<vmem>>) target(%dma_start3A_348 : memref<512x1024xf32, #tpu.memory_space<any>>) target_semaphore(%dma_start3A_344 : memref<!tpu.dma_semaphore, #tpu.memory_space<semaphore_mem>>)
    %dma_wait3A_353 = arith.constant 2 : i32
    %dma_wait3A_354 = arith.constant 1 : i32
    %dma_wait3A_355 = arith.constant 2 : i32
    %dma_wait3A_356 = tpu.memref_slice %arg7[%dma_wait3A_355] : memref<8x!tpu.dma_semaphore, #tpu.memory_space<semaphore_mem>> -> memref<1x!tpu.dma_semaphore, #tpu.memory_space<semaphore_mem>>
    %dma_wait3A_357 = tpu.memref_squeeze %dma_wait3A_356 : memref<1x!tpu.dma_semaphore, #tpu.memory_space<semaphore_mem>> -> memref<!tpu.dma_semaphore, #tpu.memory_space<semaphore_mem>>
    %dma_wait3A_358 = arith.constant 1024 : i32
    %dma_wait3A_359 = arith.constant 0 : i32
    %dma_wait3A_360 = tpu.memref_slice %arg4[%dma_wait3A_354, %dma_wait3A_358, %dma_wait3A_359] : memref<4x4096x1024xf32, #tpu.memory_space<any>> -> memref<1x512x1024xf32, #tpu.memory_space<any>>
    %dma_wait3A_361 = tpu.memref_squeeze %dma_wait3A_360 : memref<1x512x1024xf32, #tpu.memory_space<any>> -> memref<512x1024xf32, #tpu.memory_space<any>>
    %dma_wait3A_362 = arith.constant 0 : i32
    %dma_wait3A_363 = arith.constant 0 : i32
    %dma_wait3A_364 = tpu.memref_slice %arg5[%dma_wait3A_353, %dma_wait3A_362, %dma_wait3A_363] : memref<8x512x1024xf32, #tpu.memory_space<vmem>> -> memref<1x512x1024xf32, #tpu.memory_space<vmem>>
    %dma_wait3A_365 = tpu.memref_squeeze %dma_wait3A_364 : memref<1x512x1024xf32, #tpu.memory_space<vmem>> -> memref<512x1024xf32, #tpu.memory_space<vmem>>
    tpu.wait_dma2 semaphore(%dma_wait3A_357 : memref<!tpu.dma_semaphore, #tpu.memory_space<semaphore_mem>>) src(%dma_wait3A_365 : memref<512x1024xf32, #tpu.memory_space<vmem>>) dst(%dma_wait3A_361 : memref<512x1024xf32, #tpu.memory_space<any>>)
    %dma_start3A_366 = arith.constant 2 : i32
    %dma_start3A_367 = arith.constant 2 : i32
    %dma_start3A_368 = arith.constant 2 : i32
    %dma_start3A_369 = tpu.memref_slice %arg6[%dma_start3A_368] : memref<8x!tpu.dma_semaphore, #tpu.memory_space<semaphore_mem>> -> memref<1x!tpu.dma_semaphore, #tpu.memory_space<semaphore_mem>>
    %dma_start3A_370 = tpu.memref_squeeze %dma_start3A_369 : memref<1x!tpu.dma_semaphore, #tpu.memory_space<semaphore_mem>> -> memref<!tpu.dma_semaphore, #tpu.memory_space<semaphore_mem>>
    %dma_start3A_371 = arith.constant 0 : i32
    %dma_start3A_372 = arith.constant 0 : i32
    %dma_start3A_373 = tpu.memref_slice %arg5[%dma_start3A_367, %dma_start3A_371, %dma_start3A_372] : memref<8x512x1024xf32, #tpu.memory_space<vmem>> -> memref<1x512x1024xf32, #tpu.memory_space<vmem>>
    %dma_start3A_374 = tpu.memref_squeeze %dma_start3A_373 : memref<1x512x1024xf32, #tpu.memory_space<vmem>> -> memref<512x1024xf32, #tpu.memory_space<vmem>>
    %dma_start3A_375 = arith.constant 1024 : i32
    %dma_start3A_376 = arith.constant 0 : i32
    %dma_start3A_377 = tpu.memref_slice %arg0[%dma_start3A_366, %dma_start3A_375, %dma_start3A_376] : memref<4x4096x1024xf32, #tpu.memory_space<any>> -> memref<1x512x1024xf32, #tpu.memory_space<any>>
    %dma_start3A_378 = tpu.memref_squeeze %dma_start3A_377 : memref<1x512x1024xf32, #tpu.memory_space<any>> -> memref<512x1024xf32, #tpu.memory_space<any>>
    tpu.enqueue_dma source(%dma_start3A_378 : memref<512x1024xf32, #tpu.memory_space<any>>) target(%dma_start3A_374 : memref<512x1024xf32, #tpu.memory_space<vmem>>) target_semaphore(%dma_start3A_370 : memref<!tpu.dma_semaphore, #tpu.memory_space<semaphore_mem>>)
    %dma_wait3A_379 = arith.constant 1 : i32
    %dma_wait3A_380 = arith.constant 4 : i32
    %dma_wait3A_381 = arith.constant 4 : i32
    %dma_wait3A_382 = tpu.memref_slice %arg6[%dma_wait3A_381] : memref<8x!tpu.dma_semaphore, #tpu.memory_space<semaphore_mem>> -> memref<1x!tpu.dma_semaphore, #tpu.memory_space<semaphore_mem>>
    %dma_wait3A_383 = tpu.memref_squeeze %dma_wait3A_382 : memref<1x!tpu.dma_semaphore, #tpu.memory_space<semaphore_mem>> -> memref<!tpu.dma_semaphore, #tpu.memory_space<semaphore_mem>>
    %dma_wait3A_384 = arith.constant 0 : i32
    %dma_wait3A_385 = arith.constant 0 : i32
    %dma_wait3A_386 = tpu.memref_slice %arg5[%dma_wait3A_380, %dma_wait3A_384, %dma_wait3A_385] : memref<8x512x1024xf32, #tpu.memory_space<vmem>> -> memref<1x512x1024xf32, #tpu.memory_space<vmem>>
    %dma_wait3A_387 = tpu.memref_squeeze %dma_wait3A_386 : memref<1x512x1024xf32, #tpu.memory_space<vmem>> -> memref<512x1024xf32, #tpu.memory_space<vmem>>
    %dma_wait3A_388 = arith.constant 2048 : i32
    %dma_wait3A_389 = arith.constant 0 : i32
    %dma_wait3A_390 = tpu.memref_slice %arg0[%dma_wait3A_379, %dma_wait3A_388, %dma_wait3A_389] : memref<4x4096x1024xf32, #tpu.memory_space<any>> -> memref<1x512x1024xf32, #tpu.memory_space<any>>
    %dma_wait3A_391 = tpu.memref_squeeze %dma_wait3A_390 : memref<1x512x1024xf32, #tpu.memory_space<any>> -> memref<512x1024xf32, #tpu.memory_space<any>>
    tpu.wait_dma2 semaphore(%dma_wait3A_383 : memref<!tpu.dma_semaphore, #tpu.memory_space<semaphore_mem>>) src(%dma_wait3A_391 : memref<512x1024xf32, #tpu.memory_space<any>>) dst(%dma_wait3A_387 : memref<512x1024xf32, #tpu.memory_space<vmem>>)
    %get3A_392 = arith.constant 1 : index
    %get3A_393 = arith.constant 0 : index
    %get3A_394 = vector.load %arg1[%get3A_392, %get3A_393] : memref<4x1024xf32, #tpu.memory_space<vmem>>, vector<1x1024xf32>
    %get3A_395 = vector.shape_cast %get3A_394 : vector<1x1024xf32> to vector<1024xf32>
    %get3A_396 = arith.constant 1 : index
    %get3A_397 = arith.constant 0 : index
    %get3A_398 = vector.load %arg2[%get3A_396, %get3A_397] : memref<4x1024xf32, #tpu.memory_space<vmem>>, vector<1x1024xf32>
    %get3A_399 = vector.shape_cast %get3A_398 : vector<1x1024xf32> to vector<1024xf32>
    %get3A_400 = arith.constant 4 : index
    %get3A_401 = arith.constant 0 : index
    %get3A_402 = arith.constant 0 : index
    %get3A_403 = vector.load %arg5[%get3A_400, %get3A_401, %get3A_402] : memref<8x512x1024xf32, #tpu.memory_space<vmem>>, vector<1x512x1024xf32>
    %get3A_404 = vector.shape_cast %get3A_403 : vector<1x512x1024xf32> to vector<512x1024xf32>
    %broadcast_in_dim3A_405 = vector.shape_cast %get3A_395 : vector<1024xf32> to vector<1x1024xf32>
    %mul3A_406 = vector.broadcast %broadcast_in_dim3A_405 : vector<1x1024xf32> to vector<512x1024xf32>
    %mul3A_407 = arith.mulf %mul3A_406, %get3A_404 : vector<512x1024xf32>
    %broadcast_in_dim3A_408 = vector.shape_cast %get3A_399 : vector<1024xf32> to vector<1x1024xf32>
    %add3A_409 = vector.broadcast %broadcast_in_dim3A_408 : vector<1x1024xf32> to vector<512x1024xf32>
    %add3A_410 = arith.addf %mul3A_407, %add3A_409 : vector<512x1024xf32>
    %swap3A_411 = arith.constant 4 : index
    %swap3A_412 = arith.constant 0 : index
    %swap3A_413 = arith.constant 0 : index
    %swap3A_414 = vector.load %arg5[%swap3A_411, %swap3A_412, %swap3A_413] : memref<8x512x1024xf32, #tpu.memory_space<vmem>>, vector<1x512x1024xf32>
    %swap3A_415 = vector.shape_cast %swap3A_414 : vector<1x512x1024xf32> to vector<512x1024xf32>
    %swap3A_416 = vector.shape_cast %add3A_410 : vector<512x1024xf32> to vector<1x512x1024xf32>
    tpu.vector_store %arg5[%swap3A_411, %swap3A_412, %swap3A_413], %swap3A_416 {strides = array<i32>} : memref<8x512x1024xf32, #tpu.memory_space<vmem>>, vector<1x512x1024xf32>,
    %dma_start3A_417 = arith.constant 4 : i32
    %dma_start3A_418 = arith.constant 1 : i32
    %dma_start3A_419 = arith.constant 4 : i32
    %dma_start3A_420 = tpu.memref_slice %arg7[%dma_start3A_419] : memref<8x!tpu.dma_semaphore, #tpu.memory_space<semaphore_mem>> -> memref<1x!tpu.dma_semaphore, #tpu.memory_space<semaphore_mem>>
    %dma_start3A_421 = tpu.memref_squeeze %dma_start3A_420 : memref<1x!tpu.dma_semaphore, #tpu.memory_space<semaphore_mem>> -> memref<!tpu.dma_semaphore, #tpu.memory_space<semaphore_mem>>
    %dma_start3A_422 = arith.constant 2048 : i32
    %dma_start3A_423 = arith.constant 0 : i32
    %dma_start3A_424 = tpu.memref_slice %arg4[%dma_start3A_418, %dma_start3A_422, %dma_start3A_423] : memref<4x4096x1024xf32, #tpu.memory_space<any>> -> memref<1x512x1024xf32, #tpu.memory_space<any>>
    %dma_start3A_425 = tpu.memref_squeeze %dma_start3A_424 : memref<1x512x1024xf32, #tpu.memory_space<any>> -> memref<512x1024xf32, #tpu.memory_space<any>>
    %dma_start3A_426 = arith.constant 0 : i32
    %dma_start3A_427 = arith.constant 0 : i32
    %dma_start3A_428 = tpu.memref_slice %arg5[%dma_start3A_417, %dma_start3A_426, %dma_start3A_427] : memref<8x512x1024xf32, #tpu.memory_space<vmem>> -> memref<1x512x1024xf32, #tpu.memory_space<vmem>>
    %dma_start3A_429 = tpu.memref_squeeze %dma_start3A_428 : memref<1x512x1024xf32, #tpu.memory_space<vmem>> -> memref<512x1024xf32, #tpu.memory_space<vmem>>
    tpu.enqueue_dma source(%dma_start3A_429 : memref<512x1024xf32, #tpu.memory_space<vmem>>) target(%dma_start3A_425 : memref<512x1024xf32, #tpu.memory_space<any>>) target_semaphore(%dma_start3A_421 : memref<!tpu.dma_semaphore, #tpu.memory_space<semaphore_mem>>)
    %dma_wait3A_430 = arith.constant 3 : i32
    %dma_wait3A_431 = arith.constant 1 : i32
    %dma_wait3A_432 = arith.constant 3 : i32
    %dma_wait3A_433 = tpu.memref_slice %arg7[%dma_wait3A_432] : memref<8x!tpu.dma_semaphore, #tpu.memory_space<semaphore_mem>> -> memref<1x!tpu.dma_semaphore, #tpu.memory_space<semaphore_mem>>
    %dma_wait3A_434 = tpu.memref_squeeze %dma_wait3A_433 : memref<1x!tpu.dma_semaphore, #tpu.memory_space<semaphore_mem>> -> memref<!tpu.dma_semaphore, #tpu.memory_space<semaphore_mem>>
    %dma_wait3A_435 = arith.constant 1536 : i32
    %dma_wait3A_436 = arith.constant 0 : i32
    %dma_wait3A_437 = tpu.memref_slice %arg4[%dma_wait3A_431, %dma_wait3A_435, %dma_wait3A_436] : memref<4x4096x1024xf32, #tpu.memory_space<any>> -> memref<1x512x1024xf32, #tpu.memory_space<any>>
    %dma_wait3A_438 = tpu.memref_squeeze %dma_wait3A_437 : memref<1x512x1024xf32, #tpu.memory_space<any>> -> memref<512x1024xf32, #tpu.memory_space<any>>
    %dma_wait3A_439 = arith.constant 0 : i32
    %dma_wait3A_440 = arith.constant 0 : i32
    %dma_wait3A_441 = tpu.memref_slice %arg5[%dma_wait3A_430, %dma_wait3A_439, %dma_wait3A_440] : memref<8x512x1024xf32, #tpu.memory_space<vmem>> -> memref<1x512x1024xf32, #tpu.memory_space<vmem>>
    %dma_wait3A_442 = tpu.memref_squeeze %dma_wait3A_441 : memref<1x512x1024xf32, #tpu.memory_space<vmem>> -> memref<512x1024xf32, #tpu.memory_space<vmem>>
    tpu.wait_dma2 semaphore(%dma_wait3A_434 : memref<!tpu.dma_semaphore, #tpu.memory_space<semaphore_mem>>) src(%dma_wait3A_442 : memref<512x1024xf32, #tpu.memory_space<vmem>>) dst(%dma_wait3A_438 : memref<512x1024xf32, #tpu.memory_space<any>>)
    %dma_start3A_443 = arith.constant 2 : i32
    %dma_start3A_444 = arith.constant 3 : i32
    %dma_start3A_445 = arith.constant 3 : i32
    %dma_start3A_446 = tpu.memref_slice %arg6[%dma_start3A_445] : memref<8x!tpu.dma_semaphore, #tpu.memory_space<semaphore_mem>> -> memref<1x!tpu.dma_semaphore, #tpu.memory_space<semaphore_mem>>
    %dma_start3A_447 = tpu.memref_squeeze %dma_start3A_446 : memref<1x!tpu.dma_semaphore, #tpu.memory_space<semaphore_mem>> -> memref<!tpu.dma_semaphore, #tpu.memory_space<semaphore_mem>>
    %dma_start3A_448 = arith.constant 0 : i32
    %dma_start3A_449 = arith.constant 0 : i32
    %dma_start3A_450 = tpu.memref_slice %arg5[%dma_start3A_444, %dma_start3A_448, %dma_start3A_449] : memref<8x512x1024xf32, #tpu.memory_space<vmem>> -> memref<1x512x1024xf32, #tpu.memory_space<vmem>>
    %dma_start3A_451 = tpu.memref_squeeze %dma_start3A_450 : memref<1x512x1024xf32, #tpu.memory_space<vmem>> -> memref<512x1024xf32, #tpu.memory_space<vmem>>
    %dma_start3A_452 = arith.constant 1536 : i32
    %dma_start3A_453 = arith.constant 0 : i32
    %dma_start3A_454 = tpu.memref_slice %arg0[%dma_start3A_443, %dma_start3A_452, %dma_start3A_453] : memref<4x4096x1024xf32, #tpu.memory_space<any>> -> memref<1x512x1024xf32, #tpu.memory_space<any>>
    %dma_start3A_455 = tpu.memref_squeeze %dma_start3A_454 : memref<1x512x1024xf32, #tpu.memory_space<any>> -> memref<512x1024xf32, #tpu.memory_space<any>>
    tpu.enqueue_dma source(%dma_start3A_455 : memref<512x1024xf32, #tpu.memory_space<any>>) target(%dma_start3A_451 : memref<512x1024xf32, #tpu.memory_space<vmem>>) target_semaphore(%dma_start3A_447 : memref<!tpu.dma_semaphore, #tpu.memory_space<semaphore_mem>>)
    %dma_wait3A_456 = arith.constant 1 : i32
    %dma_wait3A_457 = arith.constant 5 : i32
    %dma_wait3A_458 = arith.constant 5 : i32
    %dma_wait3A_459 = tpu.memref_slice %arg6[%dma_wait3A_458] : memref<8x!tpu.dma_semaphore, #tpu.memory_space<semaphore_mem>> -> memref<1x!tpu.dma_semaphore, #tpu.memory_space<semaphore_mem>>
    %dma_wait3A_460 = tpu.memref_squeeze %dma_wait3A_459 : memref<1x!tpu.dma_semaphore, #tpu.memory_space<semaphore_mem>> -> memref<!tpu.dma_semaphore, #tpu.memory_space<semaphore_mem>>
    %dma_wait3A_461 = arith.constant 0 : i32
    %dma_wait3A_462 = arith.constant 0 : i32
    %dma_wait3A_463 = tpu.memref_slice %arg5[%dma_wait3A_457, %dma_wait3A_461, %dma_wait3A_462] : memref<8x512x1024xf32, #tpu.memory_space<vmem>> -> memref<1x512x1024xf32, #tpu.memory_space<vmem>>
    %dma_wait3A_464 = tpu.memref_squeeze %dma_wait3A_463 : memref<1x512x1024xf32, #tpu.memory_space<vmem>> -> memref<512x1024xf32, #tpu.memory_space<vmem>>
    %dma_wait3A_465 = arith.constant 2560 : i32
    %dma_wait3A_466 = arith.constant 0 : i32
    %dma_wait3A_467 = tpu.memref_slice %arg0[%dma_wait3A_456, %dma_wait3A_465, %dma_wait3A_466] : memref<4x4096x1024xf32, #tpu.memory_space<any>> -> memref<1x512x1024xf32, #tpu.memory_space<any>>
    %dma_wait3A_468 = tpu.memref_squeeze %dma_wait3A_467 : memref<1x512x1024xf32, #tpu.memory_space<any>> -> memref<512x1024xf32, #tpu.memory_space<any>>
    tpu.wait_dma2 semaphore(%dma_wait3A_460 : memref<!tpu.dma_semaphore, #tpu.memory_space<semaphore_mem>>) src(%dma_wait3A_468 : memref<512x1024xf32, #tpu.memory_space<any>>) dst(%dma_wait3A_464 : memref<512x1024xf32, #tpu.memory_space<vmem>>)
    %get3A_469 = arith.constant 1 : index
    %get3A_470 = arith.constant 0 : index
    %get3A_471 = vector.load %arg1[%get3A_469, %get3A_470] : memref<4x1024xf32, #tpu.memory_space<vmem>>, vector<1x1024xf32>
    %get3A_472 = vector.shape_cast %get3A_471 : vector<1x1024xf32> to vector<1024xf32>
    %get3A_473 = arith.constant 1 : index
    %get3A_474 = arith.constant 0 : index
    %get3A_475 = vector.load %arg2[%get3A_473, %get3A_474] : memref<4x1024xf32, #tpu.memory_space<vmem>>, vector<1x1024xf32>
    %get3A_476 = vector.shape_cast %get3A_475 : vector<1x1024xf32> to vector<1024xf32>
    %get3A_477 = arith.constant 5 : index
    %get3A_478 = arith.constant 0 : index
    %get3A_479 = arith.constant 0 : index
    %get3A_480 = vector.load %arg5[%get3A_477, %get3A_478, %get3A_479] : memref<8x512x1024xf32, #tpu.memory_space<vmem>>, vector<1x512x1024xf32>
    %get3A_481 = vector.shape_cast %get3A_480 : vector<1x512x1024xf32> to vector<512x1024xf32>
    %broadcast_in_dim3A_482 = vector.shape_cast %get3A_472 : vector<1024xf32> to vector<1x1024xf32>
    %mul3A_483 = vector.broadcast %broadcast_in_dim3A_482 : vector<1x1024xf32> to vector<512x1024xf32>
    %mul3A_484 = arith.mulf %mul3A_483, %get3A_481 : vector<512x1024xf32>
    %broadcast_in_dim3A_485 = vector.shape_cast %get3A_476 : vector<1024xf32> to vector<1x1024xf32>
    %add3A_486 = vector.broadcast %broadcast_in_dim3A_485 : vector<1x1024xf32> to vector<512x1024xf32>
    %add3A_487 = arith.addf %mul3A_484, %add3A_486 : vector<512x1024xf32>
    %swap3A_488 = arith.constant 5 : index
    %swap3A_489 = arith.constant 0 : index
    %swap3A_490 = arith.constant 0 : index
    %swap3A_491 = vector.load %arg5[%swap3A_488, %swap3A_489, %swap3A_490] : memref<8x512x1024xf32, #tpu.memory_space<vmem>>, vector<1x512x1024xf32>
    %swap3A_492 = vector.shape_cast %swap3A_491 : vector<1x512x1024xf32> to vector<512x1024xf32>
    %swap3A_493 = vector.shape_cast %add3A_487 : vector<512x1024xf32> to vector<1x512x1024xf32>
    tpu.vector_store %arg5[%swap3A_488, %swap3A_489, %swap3A_490], %swap3A_493 {strides = array<i32>} : memref<8x512x1024xf32, #tpu.memory_space<vmem>>, vector<1x512x1024xf32>,
    %dma_start3A_494 = arith.constant 5 : i32
    %dma_start3A_495 = arith.constant 1 : i32
    %dma_start3A_496 = arith.constant 5 : i32
    %dma_start3A_497 = tpu.memref_slice %arg7[%dma_start3A_496] : memref<8x!tpu.dma_semaphore, #tpu.memory_space<semaphore_mem>> -> memref<1x!tpu.dma_semaphore, #tpu.memory_space<semaphore_mem>>
    %dma_start3A_498 = tpu.memref_squeeze %dma_start3A_497 : memref<1x!tpu.dma_semaphore, #tpu.memory_space<semaphore_mem>> -> memref<!tpu.dma_semaphore, #tpu.memory_space<semaphore_mem>>
    %dma_start3A_499 = arith.constant 2560 : i32
    %dma_start3A_500 = arith.constant 0 : i32
    %dma_start3A_501 = tpu.memref_slice %arg4[%dma_start3A_495, %dma_start3A_499, %dma_start3A_500] : memref<4x4096x1024xf32, #tpu.memory_space<any>> -> memref<1x512x1024xf32, #tpu.memory_space<any>>
    %dma_start3A_502 = tpu.memref_squeeze %dma_start3A_501 : memref<1x512x1024xf32, #tpu.memory_space<any>> -> memref<512x1024xf32, #tpu.memory_space<any>>
    %dma_start3A_503 = arith.constant 0 : i32
    %dma_start3A_504 = arith.constant 0 : i32
    %dma_start3A_505 = tpu.memref_slice %arg5[%dma_start3A_494, %dma_start3A_503, %dma_start3A_504] : memref<8x512x1024xf32, #tpu.memory_space<vmem>> -> memref<1x512x1024xf32, #tpu.memory_space<vmem>>
    %dma_start3A_506 = tpu.memref_squeeze %dma_start3A_505 : memref<1x512x1024xf32, #tpu.memory_space<vmem>> -> memref<512x1024xf32, #tpu.memory_space<vmem>>
    tpu.enqueue_dma source(%dma_start3A_506 : memref<512x1024xf32, #tpu.memory_space<vmem>>) target(%dma_start3A_502 : memref<512x1024xf32, #tpu.memory_space<any>>) target_semaphore(%dma_start3A_498 : memref<!tpu.dma_semaphore, #tpu.memory_space<semaphore_mem>>)
    %dma_wait3A_507 = arith.constant 4 : i32
    %dma_wait3A_508 = arith.constant 1 : i32
    %dma_wait3A_509 = arith.constant 4 : i32
    %dma_wait3A_510 = tpu.memref_slice %arg7[%dma_wait3A_509] : memref<8x!tpu.dma_semaphore, #tpu.memory_space<semaphore_mem>> -> memref<1x!tpu.dma_semaphore, #tpu.memory_space<semaphore_mem>>
    %dma_wait3A_511 = tpu.memref_squeeze %dma_wait3A_510 : memref<1x!tpu.dma_semaphore, #tpu.memory_space<semaphore_mem>> -> memref<!tpu.dma_semaphore, #tpu.memory_space<semaphore_mem>>
    %dma_wait3A_512 = arith.constant 2048 : i32
    %dma_wait3A_513 = arith.constant 0 : i32
    %dma_wait3A_514 = tpu.memref_slice %arg4[%dma_wait3A_508, %dma_wait3A_512, %dma_wait3A_513] : memref<4x4096x1024xf32, #tpu.memory_space<any>> -> memref<1x512x1024xf32, #tpu.memory_space<any>>
    %dma_wait3A_515 = tpu.memref_squeeze %dma_wait3A_514 : memref<1x512x1024xf32, #tpu.memory_space<any>> -> memref<512x1024xf32, #tpu.memory_space<any>>
    %dma_wait3A_516 = arith.constant 0 : i32
    %dma_wait3A_517 = arith.constant 0 : i32
    %dma_wait3A_518 = tpu.memref_slice %arg5[%dma_wait3A_507, %dma_wait3A_516, %dma_wait3A_517] : memref<8x512x1024xf32, #tpu.memory_space<vmem>> -> memref<1x512x1024xf32, #tpu.memory_space<vmem>>
    %dma_wait3A_519 = tpu.memref_squeeze %dma_wait3A_518 : memref<1x512x1024xf32, #tpu.memory_space<vmem>> -> memref<512x1024xf32, #tpu.memory_space<vmem>>
    tpu.wait_dma2 semaphore(%dma_wait3A_511 : memref<!tpu.dma_semaphore, #tpu.memory_space<semaphore_mem>>) src(%dma_wait3A_519 : memref<512x1024xf32, #tpu.memory_space<vmem>>) dst(%dma_wait3A_515 : memref<512x1024xf32, #tpu.memory_space<any>>)
    %dma_start3A_520 = arith.constant 2 : i32
    %dma_start3A_521 = arith.constant 4 : i32
    %dma_start3A_522 = arith.constant 4 : i32
    %dma_start3A_523 = tpu.memref_slice %arg6[%dma_start3A_522] : memref<8x!tpu.dma_semaphore, #tpu.memory_space<semaphore_mem>> -> memref<1x!tpu.dma_semaphore, #tpu.memory_space<semaphore_mem>>
    %dma_start3A_524 = tpu.memref_squeeze %dma_start3A_523 : memref<1x!tpu.dma_semaphore, #tpu.memory_space<semaphore_mem>> -> memref<!tpu.dma_semaphore, #tpu.memory_space<semaphore_mem>>
    %dma_start3A_525 = arith.constant 0 : i32
    %dma_start3A_526 = arith.constant 0 : i32
    %dma_start3A_527 = tpu.memref_slice %arg5[%dma_start3A_521, %dma_start3A_525, %dma_start3A_526] : memref<8x512x1024xf32, #tpu.memory_space<vmem>> -> memref<1x512x1024xf32, #tpu.memory_space<vmem>>
    %dma_start3A_528 = tpu.memref_squeeze %dma_start3A_527 : memref<1x512x1024xf32, #tpu.memory_space<vmem>> -> memref<512x1024xf32, #tpu.memory_space<vmem>>
    %dma_start3A_529 = arith.constant 2048 : i32
    %dma_start3A_530 = arith.constant 0 : i32
    %dma_start3A_531 = tpu.memref_slice %arg0[%dma_start3A_520, %dma_start3A_529, %dma_start3A_530] : memref<4x4096x1024xf32, #tpu.memory_space<any>> -> memref<1x512x1024xf32, #tpu.memory_space<any>>
    %dma_start3A_532 = tpu.memref_squeeze %dma_start3A_531 : memref<1x512x1024xf32, #tpu.memory_space<any>> -> memref<512x1024xf32, #tpu.memory_space<any>>
    tpu.enqueue_dma source(%dma_start3A_532 : memref<512x1024xf32, #tpu.memory_space<any>>) target(%dma_start3A_528 : memref<512x1024xf32, #tpu.memory_space<vmem>>) target_semaphore(%dma_start3A_524 : memref<!tpu.dma_semaphore, #tpu.memory_space<semaphore_mem>>)
    %dma_wait3A_533 = arith.constant 1 : i32
    %dma_wait3A_534 = arith.constant 6 : i32
    %dma_wait3A_535 = arith.constant 6 : i32
    %dma_wait3A_536 = tpu.memref_slice %arg6[%dma_wait3A_535] : memref<8x!tpu.dma_semaphore, #tpu.memory_space<semaphore_mem>> -> memref<1x!tpu.dma_semaphore, #tpu.memory_space<semaphore_mem>>
    %dma_wait3A_537 = tpu.memref_squeeze %dma_wait3A_536 : memref<1x!tpu.dma_semaphore, #tpu.memory_space<semaphore_mem>> -> memref<!tpu.dma_semaphore, #tpu.memory_space<semaphore_mem>>
    %dma_wait3A_538 = arith.constant 0 : i32
    %dma_wait3A_539 = arith.constant 0 : i32
    %dma_wait3A_540 = tpu.memref_slice %arg5[%dma_wait3A_534, %dma_wait3A_538, %dma_wait3A_539] : memref<8x512x1024xf32, #tpu.memory_space<vmem>> -> memref<1x512x1024xf32, #tpu.memory_space<vmem>>
    %dma_wait3A_541 = tpu.memref_squeeze %dma_wait3A_540 : memref<1x512x1024xf32, #tpu.memory_space<vmem>> -> memref<512x1024xf32, #tpu.memory_space<vmem>>
    %dma_wait3A_542 = arith.constant 3072 : i32
    %dma_wait3A_543 = arith.constant 0 : i32
    %dma_wait3A_544 = tpu.memref_slice %arg0[%dma_wait3A_533, %dma_wait3A_542, %dma_wait3A_543] : memref<4x4096x1024xf32, #tpu.memory_space<any>> -> memref<1x512x1024xf32, #tpu.memory_space<any>>
    %dma_wait3A_545 = tpu.memref_squeeze %dma_wait3A_544 : memref<1x512x1024xf32, #tpu.memory_space<any>> -> memref<512x1024xf32, #tpu.memory_space<any>>
    tpu.wait_dma2 semaphore(%dma_wait3A_537 : memref<!tpu.dma_semaphore, #tpu.memory_space<semaphore_mem>>) src(%dma_wait3A_545 : memref<512x1024xf32, #tpu.memory_space<any>>) dst(%dma_wait3A_541 : memref<512x1024xf32, #tpu.memory_space<vmem>>)
    %get3A_546 = arith.constant 1 : index
    %get3A_547 = arith.constant 0 : index
    %get3A_548 = vector.load %arg1[%get3A_546, %get3A_547] : memref<4x1024xf32, #tpu.memory_space<vmem>>, vector<1x1024xf32>
    %get3A_549 = vector.shape_cast %get3A_548 : vector<1x1024xf32> to vector<1024xf32>
    %get3A_550 = arith.constant 1 : index
    %get3A_551 = arith.constant 0 : index
    %get3A_552 = vector.load %arg2[%get3A_550, %get3A_551] : memref<4x1024xf32, #tpu.memory_space<vmem>>, vector<1x1024xf32>
    %get3A_553 = vector.shape_cast %get3A_552 : vector<1x1024xf32> to vector<1024xf32>
    %get3A_554 = arith.constant 6 : index
    %get3A_555 = arith.constant 0 : index
    %get3A_556 = arith.constant 0 : index
    %get3A_557 = vector.load %arg5[%get3A_554, %get3A_555, %get3A_556] : memref<8x512x1024xf32, #tpu.memory_space<vmem>>, vector<1x512x1024xf32>
    %get3A_558 = vector.shape_cast %get3A_557 : vector<1x512x1024xf32> to vector<512x1024xf32>
    %broadcast_in_dim3A_559 = vector.shape_cast %get3A_549 : vector<1024xf32> to vector<1x1024xf32>
    %mul3A_560 = vector.broadcast %broadcast_in_dim3A_559 : vector<1x1024xf32> to vector<512x1024xf32>
    %mul3A_561 = arith.mulf %mul3A_560, %get3A_558 : vector<512x1024xf32>
    %broadcast_in_dim3A_562 = vector.shape_cast %get3A_553 : vector<1024xf32> to vector<1x1024xf32>
    %add3A_563 = vector.broadcast %broadcast_in_dim3A_562 : vector<1x1024xf32> to vector<512x1024xf32>
    %add3A_564 = arith.addf %mul3A_561, %add3A_563 : vector<512x1024xf32>
    %swap3A_565 = arith.constant 6 : index
    %swap3A_566 = arith.constant 0 : index
    %swap3A_567 = arith.constant 0 : index
    %swap3A_568 = vector.load %arg5[%swap3A_565, %swap3A_566, %swap3A_567] : memref<8x512x1024xf32, #tpu.memory_space<vmem>>, vector<1x512x1024xf32>
    %swap3A_569 = vector.shape_cast %swap3A_568 : vector<1x512x1024xf32> to vector<512x1024xf32>
    %swap3A_570 = vector.shape_cast %add3A_564 : vector<512x1024xf32> to vector<1x512x1024xf32>
    tpu.vector_store %arg5[%swap3A_565, %swap3A_566, %swap3A_567], %swap3A_570 {strides = array<i32>} : memref<8x512x1024xf32, #tpu.memory_space<vmem>>, vector<1x512x1024xf32>,
    %dma_start3A_571 = arith.constant 6 : i32
    %dma_start3A_572 = arith.constant 1 : i32
    %dma_start3A_573 = arith.constant 6 : i32
    %dma_start3A_574 = tpu.memref_slice %arg7[%dma_start3A_573] : memref<8x!tpu.dma_semaphore, #tpu.memory_space<semaphore_mem>> -> memref<1x!tpu.dma_semaphore, #tpu.memory_space<semaphore_mem>>
    %dma_start3A_575 = tpu.memref_squeeze %dma_start3A_574 : memref<1x!tpu.dma_semaphore, #tpu.memory_space<semaphore_mem>> -> memref<!tpu.dma_semaphore, #tpu.memory_space<semaphore_mem>>
    %dma_start3A_576 = arith.constant 3072 : i32
    %dma_start3A_577 = arith.constant 0 : i32
    %dma_start3A_578 = tpu.memref_slice %arg4[%dma_start3A_572, %dma_start3A_576, %dma_start3A_577] : memref<4x4096x1024xf32, #tpu.memory_space<any>> -> memref<1x512x1024xf32, #tpu.memory_space<any>>
    %dma_start3A_579 = tpu.memref_squeeze %dma_start3A_578 : memref<1x512x1024xf32, #tpu.memory_space<any>> -> memref<512x1024xf32, #tpu.memory_space<any>>
    %dma_start3A_580 = arith.constant 0 : i32
    %dma_start3A_581 = arith.constant 0 : i32
    %dma_start3A_582 = tpu.memref_slice %arg5[%dma_start3A_571, %dma_start3A_580, %dma_start3A_581] : memref<8x512x1024xf32, #tpu.memory_space<vmem>> -> memref<1x512x1024xf32, #tpu.memory_space<vmem>>
    %dma_start3A_583 = tpu.memref_squeeze %dma_start3A_582 : memref<1x512x1024xf32, #tpu.memory_space<vmem>> -> memref<512x1024xf32, #tpu.memory_space<vmem>>
    tpu.enqueue_dma source(%dma_start3A_583 : memref<512x1024xf32, #tpu.memory_space<vmem>>) target(%dma_start3A_579 : memref<512x1024xf32, #tpu.memory_space<any>>) target_semaphore(%dma_start3A_575 : memref<!tpu.dma_semaphore, #tpu.memory_space<semaphore_mem>>)
    %dma_wait3A_584 = arith.constant 5 : i32
    %dma_wait3A_585 = arith.constant 1 : i32
    %dma_wait3A_586 = arith.constant 5 : i32
    %dma_wait3A_587 = tpu.memref_slice %arg7[%dma_wait3A_586] : memref<8x!tpu.dma_semaphore, #tpu.memory_space<semaphore_mem>> -> memref<1x!tpu.dma_semaphore, #tpu.memory_space<semaphore_mem>>
    %dma_wait3A_588 = tpu.memref_squeeze %dma_wait3A_587 : memref<1x!tpu.dma_semaphore, #tpu.memory_space<semaphore_mem>> -> memref<!tpu.dma_semaphore, #tpu.memory_space<semaphore_mem>>
    %dma_wait3A_589 = arith.constant 2560 : i32
    %dma_wait3A_590 = arith.constant 0 : i32
    %dma_wait3A_591 = tpu.memref_slice %arg4[%dma_wait3A_585, %dma_wait3A_589, %dma_wait3A_590] : memref<4x4096x1024xf32, #tpu.memory_space<any>> -> memref<1x512x1024xf32, #tpu.memory_space<any>>
    %dma_wait3A_592 = tpu.memref_squeeze %dma_wait3A_591 : memref<1x512x1024xf32, #tpu.memory_space<any>> -> memref<512x1024xf32, #tpu.memory_space<any>>
    %dma_wait3A_593 = arith.constant 0 : i32
    %dma_wait3A_594 = arith.constant 0 : i32
    %dma_wait3A_595 = tpu.memref_slice %arg5[%dma_wait3A_584, %dma_wait3A_593, %dma_wait3A_594] : memref<8x512x1024xf32, #tpu.memory_space<vmem>> -> memref<1x512x1024xf32, #tpu.memory_space<vmem>>
    %dma_wait3A_596 = tpu.memref_squeeze %dma_wait3A_595 : memref<1x512x1024xf32, #tpu.memory_space<vmem>> -> memref<512x1024xf32, #tpu.memory_space<vmem>>
    tpu.wait_dma2 semaphore(%dma_wait3A_588 : memref<!tpu.dma_semaphore, #tpu.memory_space<semaphore_mem>>) src(%dma_wait3A_596 : memref<512x1024xf32, #tpu.memory_space<vmem>>) dst(%dma_wait3A_592 : memref<512x1024xf32, #tpu.memory_space<any>>)
    %dma_start3A_597 = arith.constant 2 : i32
    %dma_start3A_598 = arith.constant 5 : i32
    %dma_start3A_599 = arith.constant 5 : i32
    %dma_start3A_600 = tpu.memref_slice %arg6[%dma_start3A_599] : memref<8x!tpu.dma_semaphore, #tpu.memory_space<semaphore_mem>> -> memref<1x!tpu.dma_semaphore, #tpu.memory_space<semaphore_mem>>
    %dma_start3A_601 = tpu.memref_squeeze %dma_start3A_600 : memref<1x!tpu.dma_semaphore, #tpu.memory_space<semaphore_mem>> -> memref<!tpu.dma_semaphore, #tpu.memory_space<semaphore_mem>>
    %dma_start3A_602 = arith.constant 0 : i32
    %dma_start3A_603 = arith.constant 0 : i32
    %dma_start3A_604 = tpu.memref_slice %arg5[%dma_start3A_598, %dma_start3A_602, %dma_start3A_603] : memref<8x512x1024xf32, #tpu.memory_space<vmem>> -> memref<1x512x1024xf32, #tpu.memory_space<vmem>>
    %dma_start3A_605 = tpu.memref_squeeze %dma_start3A_604 : memref<1x512x1024xf32, #tpu.memory_space<vmem>> -> memref<512x1024xf32, #tpu.memory_space<vmem>>
    %dma_start3A_606 = arith.constant 2560 : i32
    %dma_start3A_607 = arith.constant 0 : i32
    %dma_start3A_608 = tpu.memref_slice %arg0[%dma_start3A_597, %dma_start3A_606, %dma_start3A_607] : memref<4x4096x1024xf32, #tpu.memory_space<any>> -> memref<1x512x1024xf32, #tpu.memory_space<any>>
    %dma_start3A_609 = tpu.memref_squeeze %dma_start3A_608 : memref<1x512x1024xf32, #tpu.memory_space<any>> -> memref<512x1024xf32, #tpu.memory_space<any>>
    tpu.enqueue_dma source(%dma_start3A_609 : memref<512x1024xf32, #tpu.memory_space<any>>) target(%dma_start3A_605 : memref<512x1024xf32, #tpu.memory_space<vmem>>) target_semaphore(%dma_start3A_601 : memref<!tpu.dma_semaphore, #tpu.memory_space<semaphore_mem>>)
    %dma_wait3A_610 = arith.constant 1 : i32
    %dma_wait3A_611 = arith.constant 7 : i32
    %dma_wait3A_612 = arith.constant 7 : i32
    %dma_wait3A_613 = tpu.memref_slice %arg6[%dma_wait3A_612] : memref<8x!tpu.dma_semaphore, #tpu.memory_space<semaphore_mem>> -> memref<1x!tpu.dma_semaphore, #tpu.memory_space<semaphore_mem>>
    %dma_wait3A_614 = tpu.memref_squeeze %dma_wait3A_613 : memref<1x!tpu.dma_semaphore, #tpu.memory_space<semaphore_mem>> -> memref<!tpu.dma_semaphore, #tpu.memory_space<semaphore_mem>>
    %dma_wait3A_615 = arith.constant 0 : i32
    %dma_wait3A_616 = arith.constant 0 : i32
    %dma_wait3A_617 = tpu.memref_slice %arg5[%dma_wait3A_611, %dma_wait3A_615, %dma_wait3A_616] : memref<8x512x1024xf32, #tpu.memory_space<vmem>> -> memref<1x512x1024xf32, #tpu.memory_space<vmem>>
    %dma_wait3A_618 = tpu.memref_squeeze %dma_wait3A_617 : memref<1x512x1024xf32, #tpu.memory_space<vmem>> -> memref<512x1024xf32, #tpu.memory_space<vmem>>
    %dma_wait3A_619 = arith.constant 3584 : i32
    %dma_wait3A_620 = arith.constant 0 : i32
    %dma_wait3A_621 = tpu.memref_slice %arg0[%dma_wait3A_610, %dma_wait3A_619, %dma_wait3A_620] : memref<4x4096x1024xf32, #tpu.memory_space<any>> -> memref<1x512x1024xf32, #tpu.memory_space<any>>
    %dma_wait3A_622 = tpu.memref_squeeze %dma_wait3A_621 : memref<1x512x1024xf32, #tpu.memory_space<any>> -> memref<512x1024xf32, #tpu.memory_space<any>>
    tpu.wait_dma2 semaphore(%dma_wait3A_614 : memref<!tpu.dma_semaphore, #tpu.memory_space<semaphore_mem>>) src(%dma_wait3A_622 : memref<512x1024xf32, #tpu.memory_space<any>>) dst(%dma_wait3A_618 : memref<512x1024xf32, #tpu.memory_space<vmem>>)
    %get3A_623 = arith.constant 1 : index
    %get3A_624 = arith.constant 0 : index
    %get3A_625 = vector.load %arg1[%get3A_623, %get3A_624] : memref<4x1024xf32, #tpu.memory_space<vmem>>, vector<1x1024xf32>
    %get3A_626 = vector.shape_cast %get3A_625 : vector<1x1024xf32> to vector<1024xf32>
    %get3A_627 = arith.constant 1 : index
    %get3A_628 = arith.constant 0 : index
    %get3A_629 = vector.load %arg2[%get3A_627, %get3A_628] : memref<4x1024xf32, #tpu.memory_space<vmem>>, vector<1x1024xf32>
    %get3A_630 = vector.shape_cast %get3A_629 : vector<1x1024xf32> to vector<1024xf32>
    %get3A_631 = arith.constant 7 : index
    %get3A_632 = arith.constant 0 : index
    %get3A_633 = arith.constant 0 : index
    %get3A_634 = vector.load %arg5[%get3A_631, %get3A_632, %get3A_633] : memref<8x512x1024xf32, #tpu.memory_space<vmem>>, vector<1x512x1024xf32>
    %get3A_635 = vector.shape_cast %get3A_634 : vector<1x512x1024xf32> to vector<512x1024xf32>
    %broadcast_in_dim3A_636 = vector.shape_cast %get3A_626 : vector<1024xf32> to vector<1x1024xf32>
    %mul3A_637 = vector.broadcast %broadcast_in_dim3A_636 : vector<1x1024xf32> to vector<512x1024xf32>
    %mul3A_638 = arith.mulf %mul3A_637, %get3A_635 : vector<512x1024xf32>
    %broadcast_in_dim3A_639 = vector.shape_cast %get3A_630 : vector<1024xf32> to vector<1x1024xf32>
    %add3A_640 = vector.broadcast %broadcast_in_dim3A_639 : vector<1x1024xf32> to vector<512x1024xf32>
    %add3A_641 = arith.addf %mul3A_638, %add3A_640 : vector<512x1024xf32>
    %swap3A_642 = arith.constant 7 : index
    %swap3A_643 = arith.constant 0 : index
    %swap3A_644 = arith.constant 0 : index
    %swap3A_645 = vector.load %arg5[%swap3A_642, %swap3A_643, %swap3A_644] : memref<8x512x1024xf32, #tpu.memory_space<vmem>>, vector<1x512x1024xf32>
    %swap3A_646 = vector.shape_cast %swap3A_645 : vector<1x512x1024xf32> to vector<512x1024xf32>
    %swap3A_647 = vector.shape_cast %add3A_641 : vector<512x1024xf32> to vector<1x512x1024xf32>
    tpu.vector_store %arg5[%swap3A_642, %swap3A_643, %swap3A_644], %swap3A_647 {strides = array<i32>} : memref<8x512x1024xf32, #tpu.memory_space<vmem>>, vector<1x512x1024xf32>,
    %dma_start3A_648 = arith.constant 7 : i32
    %dma_start3A_649 = arith.constant 1 : i32
    %dma_start3A_650 = arith.constant 7 : i32
    %dma_start3A_651 = tpu.memref_slice %arg7[%dma_start3A_650] : memref<8x!tpu.dma_semaphore, #tpu.memory_space<semaphore_mem>> -> memref<1x!tpu.dma_semaphore, #tpu.memory_space<semaphore_mem>>
    %dma_start3A_652 = tpu.memref_squeeze %dma_start3A_651 : memref<1x!tpu.dma_semaphore, #tpu.memory_space<semaphore_mem>> -> memref<!tpu.dma_semaphore, #tpu.memory_space<semaphore_mem>>
    %dma_start3A_653 = arith.constant 3584 : i32
    %dma_start3A_654 = arith.constant 0 : i32
    %dma_start3A_655 = tpu.memref_slice %arg4[%dma_start3A_649, %dma_start3A_653, %dma_start3A_654] : memref<4x4096x1024xf32, #tpu.memory_space<any>> -> memref<1x512x1024xf32, #tpu.memory_space<any>>
    %dma_start3A_656 = tpu.memref_squeeze %dma_start3A_655 : memref<1x512x1024xf32, #tpu.memory_space<any>> -> memref<512x1024xf32, #tpu.memory_space<any>>
    %dma_start3A_657 = arith.constant 0 : i32
    %dma_start3A_658 = arith.constant 0 : i32
    %dma_start3A_659 = tpu.memref_slice %arg5[%dma_start3A_648, %dma_start3A_657, %dma_start3A_658] : memref<8x512x1024xf32, #tpu.memory_space<vmem>> -> memref<1x512x1024xf32, #tpu.memory_space<vmem>>
    %dma_start3A_660 = tpu.memref_squeeze %dma_start3A_659 : memref<1x512x1024xf32, #tpu.memory_space<vmem>> -> memref<512x1024xf32, #tpu.memory_space<vmem>>
    tpu.enqueue_dma source(%dma_start3A_660 : memref<512x1024xf32, #tpu.memory_space<vmem>>) target(%dma_start3A_656 : memref<512x1024xf32, #tpu.memory_space<any>>) target_semaphore(%dma_start3A_652 : memref<!tpu.dma_semaphore, #tpu.memory_space<semaphore_mem>>)
    %dma_wait3A_661 = arith.constant 6 : i32
    %dma_wait3A_662 = arith.constant 1 : i32
    %dma_wait3A_663 = arith.constant 6 : i32
    %dma_wait3A_664 = tpu.memref_slice %arg7[%dma_wait3A_663] : memref<8x!tpu.dma_semaphore, #tpu.memory_space<semaphore_mem>> -> memref<1x!tpu.dma_semaphore, #tpu.memory_space<semaphore_mem>>
    %dma_wait3A_665 = tpu.memref_squeeze %dma_wait3A_664 : memref<1x!tpu.dma_semaphore, #tpu.memory_space<semaphore_mem>> -> memref<!tpu.dma_semaphore, #tpu.memory_space<semaphore_mem>>
    %dma_wait3A_666 = arith.constant 3072 : i32
    %dma_wait3A_667 = arith.constant 0 : i32
    %dma_wait3A_668 = tpu.memref_slice %arg4[%dma_wait3A_662, %dma_wait3A_666, %dma_wait3A_667] : memref<4x4096x1024xf32, #tpu.memory_space<any>> -> memref<1x512x1024xf32, #tpu.memory_space<any>>
    %dma_wait3A_669 = tpu.memref_squeeze %dma_wait3A_668 : memref<1x512x1024xf32, #tpu.memory_space<any>> -> memref<512x1024xf32, #tpu.memory_space<any>>
    %dma_wait3A_670 = arith.constant 0 : i32
    %dma_wait3A_671 = arith.constant 0 : i32
    %dma_wait3A_672 = tpu.memref_slice %arg5[%dma_wait3A_661, %dma_wait3A_670, %dma_wait3A_671] : memref<8x512x1024xf32, #tpu.memory_space<vmem>> -> memref<1x512x1024xf32, #tpu.memory_space<vmem>>
    %dma_wait3A_673 = tpu.memref_squeeze %dma_wait3A_672 : memref<1x512x1024xf32, #tpu.memory_space<vmem>> -> memref<512x1024xf32, #tpu.memory_space<vmem>>
    tpu.wait_dma2 semaphore(%dma_wait3A_665 : memref<!tpu.dma_semaphore, #tpu.memory_space<semaphore_mem>>) src(%dma_wait3A_673 : memref<512x1024xf32, #tpu.memory_space<vmem>>) dst(%dma_wait3A_669 : memref<512x1024xf32, #tpu.memory_space<any>>)
    %dma_start3A_674 = arith.constant 2 : i32
    %dma_start3A_675 = arith.constant 6 : i32
    %dma_start3A_676 = arith.constant 6 : i32
    %dma_start3A_677 = tpu.memref_slice %arg6[%dma_start3A_676] : memref<8x!tpu.dma_semaphore, #tpu.memory_space<semaphore_mem>> -> memref<1x!tpu.dma_semaphore, #tpu.memory_space<semaphore_mem>>
    %dma_start3A_678 = tpu.memref_squeeze %dma_start3A_677 : memref<1x!tpu.dma_semaphore, #tpu.memory_space<semaphore_mem>> -> memref<!tpu.dma_semaphore, #tpu.memory_space<semaphore_mem>>
    %dma_start3A_679 = arith.constant 0 : i32
    %dma_start3A_680 = arith.constant 0 : i32
    %dma_start3A_681 = tpu.memref_slice %arg5[%dma_start3A_675, %dma_start3A_679, %dma_start3A_680] : memref<8x512x1024xf32, #tpu.memory_space<vmem>> -> memref<1x512x1024xf32, #tpu.memory_space<vmem>>
    %dma_start3A_682 = tpu.memref_squeeze %dma_start3A_681 : memref<1x512x1024xf32, #tpu.memory_space<vmem>> -> memref<512x1024xf32, #tpu.memory_space<vmem>>
    %dma_start3A_683 = arith.constant 3072 : i32
    %dma_start3A_684 = arith.constant 0 : i32
    %dma_start3A_685 = tpu.memref_slice %arg0[%dma_start3A_674, %dma_start3A_683, %dma_start3A_684] : memref<4x4096x1024xf32, #tpu.memory_space<any>> -> memref<1x512x1024xf32, #tpu.memory_space<any>>
    %dma_start3A_686 = tpu.memref_squeeze %dma_start3A_685 : memref<1x512x1024xf32, #tpu.memory_space<any>> -> memref<512x1024xf32, #tpu.memory_space<any>>
    tpu.enqueue_dma source(%dma_start3A_686 : memref<512x1024xf32, #tpu.memory_space<any>>) target(%dma_start3A_682 : memref<512x1024xf32, #tpu.memory_space<vmem>>) target_semaphore(%dma_start3A_678 : memref<!tpu.dma_semaphore, #tpu.memory_space<semaphore_mem>>)
    %dma_wait3A_687 = arith.constant 2 : i32
    %dma_wait3A_688 = arith.constant 0 : i32
    %dma_wait3A_689 = arith.constant 0 : i32
    %dma_wait3A_690 = tpu.memref_slice %arg6[%dma_wait3A_689] : memref<8x!tpu.dma_semaphore, #tpu.memory_space<semaphore_mem>> -> memref<1x!tpu.dma_semaphore, #tpu.memory_space<semaphore_mem>>
    %dma_wait3A_691 = tpu.memref_squeeze %dma_wait3A_690 : memref<1x!tpu.dma_semaphore, #tpu.memory_space<semaphore_mem>> -> memref<!tpu.dma_semaphore, #tpu.memory_space<semaphore_mem>>
    %dma_wait3A_692 = arith.constant 0 : i32
    %dma_wait3A_693 = arith.constant 0 : i32
    %dma_wait3A_694 = tpu.memref_slice %arg5[%dma_wait3A_688, %dma_wait3A_692, %dma_wait3A_693] : memref<8x512x1024xf32, #tpu.memory_space<vmem>> -> memref<1x512x1024xf32, #tpu.memory_space<vmem>>
    %dma_wait3A_695 = tpu.memref_squeeze %dma_wait3A_694 : memref<1x512x1024xf32, #tpu.memory_space<vmem>> -> memref<512x1024xf32, #tpu.memory_space<vmem>>
    %dma_wait3A_696 = arith.constant 0 : i32
    %dma_wait3A_697 = arith.constant 0 : i32
    %dma_wait3A_698 = tpu.memref_slice %arg0[%dma_wait3A_687, %dma_wait3A_696, %dma_wait3A_697] : memref<4x4096x1024xf32, #tpu.memory_space<any>> -> memref<1x512x1024xf32, #tpu.memory_space<any>>
    %dma_wait3A_699 = tpu.memref_squeeze %dma_wait3A_698 : memref<1x512x1024xf32, #tpu.memory_space<any>> -> memref<512x1024xf32, #tpu.memory_space<any>>
    tpu.wait_dma2 semaphore(%dma_wait3A_691 : memref<!tpu.dma_semaphore, #tpu.memory_space<semaphore_mem>>) src(%dma_wait3A_699 : memref<512x1024xf32, #tpu.memory_space<any>>) dst(%dma_wait3A_695 : memref<512x1024xf32, #tpu.memory_space<vmem>>)
    %get3A_700 = arith.constant 2 : index
    %get3A_701 = arith.constant 0 : index
    %get3A_702 = vector.load %arg1[%get3A_700, %get3A_701] : memref<4x1024xf32, #tpu.memory_space<vmem>>, vector<1x1024xf32>
    %get3A_703 = vector.shape_cast %get3A_702 : vector<1x1024xf32> to vector<1024xf32>
    %get3A_704 = arith.constant 2 : index
    %get3A_705 = arith.constant 0 : index
    %get3A_706 = vector.load %arg2[%get3A_704, %get3A_705] : memref<4x1024xf32, #tpu.memory_space<vmem>>, vector<1x1024xf32>
    %get3A_707 = vector.shape_cast %get3A_706 : vector<1x1024xf32> to vector<1024xf32>
    %get3A_708 = arith.constant 0 : index
    %get3A_709 = arith.constant 0 : index
    %get3A_710 = arith.constant 0 : index
    %get3A_711 = vector.load %arg5[%get3A_708, %get3A_709, %get3A_710] : memref<8x512x1024xf32, #tpu.memory_space<vmem>>, vector<1x512x1024xf32>
    %get3A_712 = vector.shape_cast %get3A_711 : vector<1x512x1024xf32> to vector<512x1024xf32>
    %broadcast_in_dim3A_713 = vector.shape_cast %get3A_703 : vector<1024xf32> to vector<1x1024xf32>
    %mul3A_714 = vector.broadcast %broadcast_in_dim3A_713 : vector<1x1024xf32> to vector<512x1024xf32>
    %mul3A_715 = arith.mulf %mul3A_714, %get3A_712 : vector<512x1024xf32>
    %broadcast_in_dim3A_716 = vector.shape_cast %get3A_707 : vector<1024xf32> to vector<1x1024xf32>
    %add3A_717 = vector.broadcast %broadcast_in_dim3A_716 : vector<1x1024xf32> to vector<512x1024xf32>
    %add3A_718 = arith.addf %mul3A_715, %add3A_717 : vector<512x1024xf32>
    %swap3A_719 = arith.constant 0 : index
    %swap3A_720 = arith.constant 0 : index
    %swap3A_721 = arith.constant 0 : index
    %swap3A_722 = vector.load %arg5[%swap3A_719, %swap3A_720, %swap3A_721] : memref<8x512x1024xf32, #tpu.memory_space<vmem>>, vector<1x512x1024xf32>
    %swap3A_723 = vector.shape_cast %swap3A_722 : vector<1x512x1024xf32> to vector<512x1024xf32>
    %swap3A_724 = vector.shape_cast %add3A_718 : vector<512x1024xf32> to vector<1x512x1024xf32>
    tpu.vector_store %arg5[%swap3A_719, %swap3A_720, %swap3A_721], %swap3A_724 {strides = array<i32>} : memref<8x512x1024xf32, #tpu.memory_space<vmem>>, vector<1x512x1024xf32>,
    %dma_start3A_725 = arith.constant 0 : i32
    %dma_start3A_726 = arith.constant 2 : i32
    %dma_start3A_727 = arith.constant 0 : i32
    %dma_start3A_728 = tpu.memref_slice %arg7[%dma_start3A_727] : memref<8x!tpu.dma_semaphore, #tpu.memory_space<semaphore_mem>> -> memref<1x!tpu.dma_semaphore, #tpu.memory_space<semaphore_mem>>
    %dma_start3A_729 = tpu.memref_squeeze %dma_start3A_728 : memref<1x!tpu.dma_semaphore, #tpu.memory_space<semaphore_mem>> -> memref<!tpu.dma_semaphore, #tpu.memory_space<semaphore_mem>>
    %dma_start3A_730 = arith.constant 0 : i32
    %dma_start3A_731 = arith.constant 0 : i32
    %dma_start3A_732 = tpu.memref_slice %arg4[%dma_start3A_726, %dma_start3A_730, %dma_start3A_731] : memref<4x4096x1024xf32, #tpu.memory_space<any>> -> memref<1x512x1024xf32, #tpu.memory_space<any>>
    %dma_start3A_733 = tpu.memref_squeeze %dma_start3A_732 : memref<1x512x1024xf32, #tpu.memory_space<any>> -> memref<512x1024xf32, #tpu.memory_space<any>>
    %dma_start3A_734 = arith.constant 0 : i32
    %dma_start3A_735 = arith.constant 0 : i32
    %dma_start3A_736 = tpu.memref_slice %arg5[%dma_start3A_725, %dma_start3A_734, %dma_start3A_735] : memref<8x512x1024xf32, #tpu.memory_space<vmem>> -> memref<1x512x1024xf32, #tpu.memory_space<vmem>>
    %dma_start3A_737 = tpu.memref_squeeze %dma_start3A_736 : memref<1x512x1024xf32, #tpu.memory_space<vmem>> -> memref<512x1024xf32, #tpu.memory_space<vmem>>
    tpu.enqueue_dma source(%dma_start3A_737 : memref<512x1024xf32, #tpu.memory_space<vmem>>) target(%dma_start3A_733 : memref<512x1024xf32, #tpu.memory_space<any>>) target_semaphore(%dma_start3A_729 : memref<!tpu.dma_semaphore, #tpu.memory_space<semaphore_mem>>)
    %dma_wait3A_738 = arith.constant 7 : i32
    %dma_wait3A_739 = arith.constant 1 : i32
    %dma_wait3A_740 = arith.constant 7 : i32
    %dma_wait3A_741 = tpu.memref_slice %arg7[%dma_wait3A_740] : memref<8x!tpu.dma_semaphore, #tpu.memory_space<semaphore_mem>> -> memref<1x!tpu.dma_semaphore, #tpu.memory_space<semaphore_mem>>
    %dma_wait3A_742 = tpu.memref_squeeze %dma_wait3A_741 : memref<1x!tpu.dma_semaphore, #tpu.memory_space<semaphore_mem>> -> memref<!tpu.dma_semaphore, #tpu.memory_space<semaphore_mem>>
    %dma_wait3A_743 = arith.constant 3584 : i32
    %dma_wait3A_744 = arith.constant 0 : i32
    %dma_wait3A_745 = tpu.memref_slice %arg4[%dma_wait3A_739, %dma_wait3A_743, %dma_wait3A_744] : memref<4x4096x1024xf32, #tpu.memory_space<any>> -> memref<1x512x1024xf32, #tpu.memory_space<any>>
    %dma_wait3A_746 = tpu.memref_squeeze %dma_wait3A_745 : memref<1x512x1024xf32, #tpu.memory_space<any>> -> memref<512x1024xf32, #tpu.memory_space<any>>
    %dma_wait3A_747 = arith.constant 0 : i32
    %dma_wait3A_748 = arith.constant 0 : i32
    %dma_wait3A_749 = tpu.memref_slice %arg5[%dma_wait3A_738, %dma_wait3A_747, %dma_wait3A_748] : memref<8x512x1024xf32, #tpu.memory_space<vmem>> -> memref<1x512x1024xf32, #tpu.memory_space<vmem>>
    %dma_wait3A_750 = tpu.memref_squeeze %dma_wait3A_749 : memref<1x512x1024xf32, #tpu.memory_space<vmem>> -> memref<512x1024xf32, #tpu.memory_space<vmem>>
    tpu.wait_dma2 semaphore(%dma_wait3A_742 : memref<!tpu.dma_semaphore, #tpu.memory_space<semaphore_mem>>) src(%dma_wait3A_750 : memref<512x1024xf32, #tpu.memory_space<vmem>>) dst(%dma_wait3A_746 : memref<512x1024xf32, #tpu.memory_space<any>>)
    %dma_start3A_751 = arith.constant 2 : i32
    %dma_start3A_752 = arith.constant 7 : i32
    %dma_start3A_753 = arith.constant 7 : i32
    %dma_start3A_754 = tpu.memref_slice %arg6[%dma_start3A_753] : memref<8x!tpu.dma_semaphore, #tpu.memory_space<semaphore_mem>> -> memref<1x!tpu.dma_semaphore, #tpu.memory_space<semaphore_mem>>
    %dma_start3A_755 = tpu.memref_squeeze %dma_start3A_754 : memref<1x!tpu.dma_semaphore, #tpu.memory_space<semaphore_mem>> -> memref<!tpu.dma_semaphore, #tpu.memory_space<semaphore_mem>>
    %dma_start3A_756 = arith.constant 0 : i32
    %dma_start3A_757 = arith.constant 0 : i32
    %dma_start3A_758 = tpu.memref_slice %arg5[%dma_start3A_752, %dma_start3A_756, %dma_start3A_757] : memref<8x512x1024xf32, #tpu.memory_space<vmem>> -> memref<1x512x1024xf32, #tpu.memory_space<vmem>>
    %dma_start3A_759 = tpu.memref_squeeze %dma_start3A_758 : memref<1x512x1024xf32, #tpu.memory_space<vmem>> -> memref<512x1024xf32, #tpu.memory_space<vmem>>
    %dma_start3A_760 = arith.constant 3584 : i32
    %dma_start3A_761 = arith.constant 0 : i32
    %dma_start3A_762 = tpu.memref_slice %arg0[%dma_start3A_751, %dma_start3A_760, %dma_start3A_761] : memref<4x4096x1024xf32, #tpu.memory_space<any>> -> memref<1x512x1024xf32, #tpu.memory_space<any>>
    %dma_start3A_763 = tpu.memref_squeeze %dma_start3A_762 : memref<1x512x1024xf32, #tpu.memory_space<any>> -> memref<512x1024xf32, #tpu.memory_space<any>>
    tpu.enqueue_dma source(%dma_start3A_763 : memref<512x1024xf32, #tpu.memory_space<any>>) target(%dma_start3A_759 : memref<512x1024xf32, #tpu.memory_space<vmem>>) target_semaphore(%dma_start3A_755 : memref<!tpu.dma_semaphore, #tpu.memory_space<semaphore_mem>>)
    %dma_wait3A_764 = arith.constant 2 : i32
    %dma_wait3A_765 = arith.constant 1 : i32
    %dma_wait3A_766 = arith.constant 1 : i32
    %dma_wait3A_767 = tpu.memref_slice %arg6[%dma_wait3A_766] : memref<8x!tpu.dma_semaphore, #tpu.memory_space<semaphore_mem>> -> memref<1x!tpu.dma_semaphore, #tpu.memory_space<semaphore_mem>>
    %dma_wait3A_768 = tpu.memref_squeeze %dma_wait3A_767 : memref<1x!tpu.dma_semaphore, #tpu.memory_space<semaphore_mem>> -> memref<!tpu.dma_semaphore, #tpu.memory_space<semaphore_mem>>
    %dma_wait3A_769 = arith.constant 0 : i32
    %dma_wait3A_770 = arith.constant 0 : i32
    %dma_wait3A_771 = tpu.memref_slice %arg5[%dma_wait3A_765, %dma_wait3A_769, %dma_wait3A_770] : memref<8x512x1024xf32, #tpu.memory_space<vmem>> -> memref<1x512x1024xf32, #tpu.memory_space<vmem>>
    %dma_wait3A_772 = tpu.memref_squeeze %dma_wait3A_771 : memref<1x512x1024xf32, #tpu.memory_space<vmem>> -> memref<512x1024xf32, #tpu.memory_space<vmem>>
    %dma_wait3A_773 = arith.constant 512 : i32
    %dma_wait3A_774 = arith.constant 0 : i32
    %dma_wait3A_775 = tpu.memref_slice %arg0[%dma_wait3A_764, %dma_wait3A_773, %dma_wait3A_774] : memref<4x4096x1024xf32, #tpu.memory_space<any>> -> memref<1x512x1024xf32, #tpu.memory_space<any>>
    %dma_wait3A_776 = tpu.memref_squeeze %dma_wait3A_775 : memref<1x512x1024xf32, #tpu.memory_space<any>> -> memref<512x1024xf32, #tpu.memory_space<any>>
    tpu.wait_dma2 semaphore(%dma_wait3A_768 : memref<!tpu.dma_semaphore, #tpu.memory_space<semaphore_mem>>) src(%dma_wait3A_776 : memref<512x1024xf32, #tpu.memory_space<any>>) dst(%dma_wait3A_772 : memref<512x1024xf32, #tpu.memory_space<vmem>>)
    %get3A_777 = arith.constant 2 : index
    %get3A_778 = arith.constant 0 : index
    %get3A_779 = vector.load %arg1[%get3A_777, %get3A_778] : memref<4x1024xf32, #tpu.memory_space<vmem>>, vector<1x1024xf32>
    %get3A_780 = vector.shape_cast %get3A_779 : vector<1x1024xf32> to vector<1024xf32>
    %get3A_781 = arith.constant 2 : index
    %get3A_782 = arith.constant 0 : index
    %get3A_783 = vector.load %arg2[%get3A_781, %get3A_782] : memref<4x1024xf32, #tpu.memory_space<vmem>>, vector<1x1024xf32>
    %get3A_784 = vector.shape_cast %get3A_783 : vector<1x1024xf32> to vector<1024xf32>
    %get3A_785 = arith.constant 1 : index
    %get3A_786 = arith.constant 0 : index
    %get3A_787 = arith.constant 0 : index
    %get3A_788 = vector.load %arg5[%get3A_785, %get3A_786, %get3A_787] : memref<8x512x1024xf32, #tpu.memory_space<vmem>>, vector<1x512x1024xf32>
    %get3A_789 = vector.shape_cast %get3A_788 : vector<1x512x1024xf32> to vector<512x1024xf32>
    %broadcast_in_dim3A_790 = vector.shape_cast %get3A_780 : vector<1024xf32> to vector<1x1024xf32>
    %mul3A_791 = vector.broadcast %broadcast_in_dim3A_790 : vector<1x1024xf32> to vector<512x1024xf32>
    %mul3A_792 = arith.mulf %mul3A_791, %get3A_789 : vector<512x1024xf32>
    %broadcast_in_dim3A_793 = vector.shape_cast %get3A_784 : vector<1024xf32> to vector<1x1024xf32>
    %add3A_794 = vector.broadcast %broadcast_in_dim3A_793 : vector<1x1024xf32> to vector<512x1024xf32>
    %add3A_795 = arith.addf %mul3A_792, %add3A_794 : vector<512x1024xf32>
    %swap3A_796 = arith.constant 1 : index
    %swap3A_797 = arith.constant 0 : index
    %swap3A_798 = arith.constant 0 : index
    %swap3A_799 = vector.load %arg5[%swap3A_796, %swap3A_797, %swap3A_798] : memref<8x512x1024xf32, #tpu.memory_space<vmem>>, vector<1x512x1024xf32>
    %swap3A_800 = vector.shape_cast %swap3A_799 : vector<1x512x1024xf32> to vector<512x1024xf32>
    %swap3A_801 = vector.shape_cast %add3A_795 : vector<512x1024xf32> to vector<1x512x1024xf32>
    tpu.vector_store %arg5[%swap3A_796, %swap3A_797, %swap3A_798], %swap3A_801 {strides = array<i32>} : memref<8x512x1024xf32, #tpu.memory_space<vmem>>, vector<1x512x1024xf32>,
    %dma_start3A_802 = arith.constant 1 : i32
    %dma_start3A_803 = arith.constant 2 : i32
    %dma_start3A_804 = arith.constant 1 : i32
    %dma_start3A_805 = tpu.memref_slice %arg7[%dma_start3A_804] : memref<8x!tpu.dma_semaphore, #tpu.memory_space<semaphore_mem>> -> memref<1x!tpu.dma_semaphore, #tpu.memory_space<semaphore_mem>>
    %dma_start3A_806 = tpu.memref_squeeze %dma_start3A_805 : memref<1x!tpu.dma_semaphore, #tpu.memory_space<semaphore_mem>> -> memref<!tpu.dma_semaphore, #tpu.memory_space<semaphore_mem>>
    %dma_start3A_807 = arith.constant 512 : i32
    %dma_start3A_808 = arith.constant 0 : i32
    %dma_start3A_809 = tpu.memref_slice %arg4[%dma_start3A_803, %dma_start3A_807, %dma_start3A_808] : memref<4x4096x1024xf32, #tpu.memory_space<any>> -> memref<1x512x1024xf32, #tpu.memory_space<any>>
    %dma_start3A_810 = tpu.memref_squeeze %dma_start3A_809 : memref<1x512x1024xf32, #tpu.memory_space<any>> -> memref<512x1024xf32, #tpu.memory_space<any>>
    %dma_start3A_811 = arith.constant 0 : i32
    %dma_start3A_812 = arith.constant 0 : i32
    %dma_start3A_813 = tpu.memref_slice %arg5[%dma_start3A_802, %dma_start3A_811, %dma_start3A_812] : memref<8x512x1024xf32, #tpu.memory_space<vmem>> -> memref<1x512x1024xf32, #tpu.memory_space<vmem>>
    %dma_start3A_814 = tpu.memref_squeeze %dma_start3A_813 : memref<1x512x1024xf32, #tpu.memory_space<vmem>> -> memref<512x1024xf32, #tpu.memory_space<vmem>>
    tpu.enqueue_dma source(%dma_start3A_814 : memref<512x1024xf32, #tpu.memory_space<vmem>>) target(%dma_start3A_810 : memref<512x1024xf32, #tpu.memory_space<any>>) target_semaphore(%dma_start3A_806 : memref<!tpu.dma_semaphore, #tpu.memory_space<semaphore_mem>>)
    %dma_wait3A_815 = arith.constant 0 : i32
    %dma_wait3A_816 = arith.constant 2 : i32
    %dma_wait3A_817 = arith.constant 0 : i32
    %dma_wait3A_818 = tpu.memref_slice %arg7[%dma_wait3A_817] : memref<8x!tpu.dma_semaphore, #tpu.memory_space<semaphore_mem>> -> memref<1x!tpu.dma_semaphore, #tpu.memory_space<semaphore_mem>>
    %dma_wait3A_819 = tpu.memref_squeeze %dma_wait3A_818 : memref<1x!tpu.dma_semaphore, #tpu.memory_space<semaphore_mem>> -> memref<!tpu.dma_semaphore, #tpu.memory_space<semaphore_mem>>
    %dma_wait3A_820 = arith.constant 0 : i32
    %dma_wait3A_821 = arith.constant 0 : i32
    %dma_wait3A_822 = tpu.memref_slice %arg4[%dma_wait3A_816, %dma_wait3A_820, %dma_wait3A_821] : memref<4x4096x1024xf32, #tpu.memory_space<any>> -> memref<1x512x1024xf32, #tpu.memory_space<any>>
    %dma_wait3A_823 = tpu.memref_squeeze %dma_wait3A_822 : memref<1x512x1024xf32, #tpu.memory_space<any>> -> memref<512x1024xf32, #tpu.memory_space<any>>
    %dma_wait3A_824 = arith.constant 0 : i32
    %dma_wait3A_825 = arith.constant 0 : i32
    %dma_wait3A_826 = tpu.memref_slice %arg5[%dma_wait3A_815, %dma_wait3A_824, %dma_wait3A_825] : memref<8x512x1024xf32, #tpu.memory_space<vmem>> -> memref<1x512x1024xf32, #tpu.memory_space<vmem>>
    %dma_wait3A_827 = tpu.memref_squeeze %dma_wait3A_826 : memref<1x512x1024xf32, #tpu.memory_space<vmem>> -> memref<512x1024xf32, #tpu.memory_space<vmem>>
    tpu.wait_dma2 semaphore(%dma_wait3A_819 : memref<!tpu.dma_semaphore, #tpu.memory_space<semaphore_mem>>) src(%dma_wait3A_827 : memref<512x1024xf32, #tpu.memory_space<vmem>>) dst(%dma_wait3A_823 : memref<512x1024xf32, #tpu.memory_space<any>>)
    %dma_start3A_828 = arith.constant 3 : i32
    %dma_start3A_829 = arith.constant 0 : i32
    %dma_start3A_830 = arith.constant 0 : i32
    %dma_start3A_831 = tpu.memref_slice %arg6[%dma_start3A_830] : memref<8x!tpu.dma_semaphore, #tpu.memory_space<semaphore_mem>> -> memref<1x!tpu.dma_semaphore, #tpu.memory_space<semaphore_mem>>
    %dma_start3A_832 = tpu.memref_squeeze %dma_start3A_831 : memref<1x!tpu.dma_semaphore, #tpu.memory_space<semaphore_mem>> -> memref<!tpu.dma_semaphore, #tpu.memory_space<semaphore_mem>>
    %dma_start3A_833 = arith.constant 0 : i32
    %dma_start3A_834 = arith.constant 0 : i32
    %dma_start3A_835 = tpu.memref_slice %arg5[%dma_start3A_829, %dma_start3A_833, %dma_start3A_834] : memref<8x512x1024xf32, #tpu.memory_space<vmem>> -> memref<1x512x1024xf32, #tpu.memory_space<vmem>>
    %dma_start3A_836 = tpu.memref_squeeze %dma_start3A_835 : memref<1x512x1024xf32, #tpu.memory_space<vmem>> -> memref<512x1024xf32, #tpu.memory_space<vmem>>
    %dma_start3A_837 = arith.constant 0 : i32
    %dma_start3A_838 = arith.constant 0 : i32
    %dma_start3A_839 = tpu.memref_slice %arg0[%dma_start3A_828, %dma_start3A_837, %dma_start3A_838] : memref<4x4096x1024xf32, #tpu.memory_space<any>> -> memref<1x512x1024xf32, #tpu.memory_space<any>>
    %dma_start3A_840 = tpu.memref_squeeze %dma_start3A_839 : memref<1x512x1024xf32, #tpu.memory_space<any>> -> memref<512x1024xf32, #tpu.memory_space<any>>
    tpu.enqueue_dma source(%dma_start3A_840 : memref<512x1024xf32, #tpu.memory_space<any>>) target(%dma_start3A_836 : memref<512x1024xf32, #tpu.memory_space<vmem>>) target_semaphore(%dma_start3A_832 : memref<!tpu.dma_semaphore, #tpu.memory_space<semaphore_mem>>)
    %dma_wait3A_841 = arith.constant 2 : i32
    %dma_wait3A_842 = arith.constant 2 : i32
    %dma_wait3A_843 = arith.constant 2 : i32
    %dma_wait3A_844 = tpu.memref_slice %arg6[%dma_wait3A_843] : memref<8x!tpu.dma_semaphore, #tpu.memory_space<semaphore_mem>> -> memref<1x!tpu.dma_semaphore, #tpu.memory_space<semaphore_mem>>
    %dma_wait3A_845 = tpu.memref_squeeze %dma_wait3A_844 : memref<1x!tpu.dma_semaphore, #tpu.memory_space<semaphore_mem>> -> memref<!tpu.dma_semaphore, #tpu.memory_space<semaphore_mem>>
    %dma_wait3A_846 = arith.constant 0 : i32
    %dma_wait3A_847 = arith.constant 0 : i32
    %dma_wait3A_848 = tpu.memref_slice %arg5[%dma_wait3A_842, %dma_wait3A_846, %dma_wait3A_847] : memref<8x512x1024xf32, #tpu.memory_space<vmem>> -> memref<1x512x1024xf32, #tpu.memory_space<vmem>>
    %dma_wait3A_849 = tpu.memref_squeeze %dma_wait3A_848 : memref<1x512x1024xf32, #tpu.memory_space<vmem>> -> memref<512x1024xf32, #tpu.memory_space<vmem>>
    %dma_wait3A_850 = arith.constant 1024 : i32
    %dma_wait3A_851 = arith.constant 0 : i32
    %dma_wait3A_852 = tpu.memref_slice %arg0[%dma_wait3A_841, %dma_wait3A_850, %dma_wait3A_851] : memref<4x4096x1024xf32, #tpu.memory_space<any>> -> memref<1x512x1024xf32, #tpu.memory_space<any>>
    %dma_wait3A_853 = tpu.memref_squeeze %dma_wait3A_852 : memref<1x512x1024xf32, #tpu.memory_space<any>> -> memref<512x1024xf32, #tpu.memory_space<any>>
    tpu.wait_dma2 semaphore(%dma_wait3A_845 : memref<!tpu.dma_semaphore, #tpu.memory_space<semaphore_mem>>) src(%dma_wait3A_853 : memref<512x1024xf32, #tpu.memory_space<any>>) dst(%dma_wait3A_849 : memref<512x1024xf32, #tpu.memory_space<vmem>>)
    %get3A_854 = arith.constant 2 : index
    %get3A_855 = arith.constant 0 : index
    %get3A_856 = vector.load %arg1[%get3A_854, %get3A_855] : memref<4x1024xf32, #tpu.memory_space<vmem>>, vector<1x1024xf32>
    %get3A_857 = vector.shape_cast %get3A_856 : vector<1x1024xf32> to vector<1024xf32>
    %get3A_858 = arith.constant 2 : index
    %get3A_859 = arith.constant 0 : index
    %get3A_860 = vector.load %arg2[%get3A_858, %get3A_859] : memref<4x1024xf32, #tpu.memory_space<vmem>>, vector<1x1024xf32>
    %get3A_861 = vector.shape_cast %get3A_860 : vector<1x1024xf32> to vector<1024xf32>
    %get3A_862 = arith.constant 2 : index
    %get3A_863 = arith.constant 0 : index
    %get3A_864 = arith.constant 0 : index
    %get3A_865 = vector.load %arg5[%get3A_862, %get3A_863, %get3A_864] : memref<8x512x1024xf32, #tpu.memory_space<vmem>>, vector<1x512x1024xf32>
    %get3A_866 = vector.shape_cast %get3A_865 : vector<1x512x1024xf32> to vector<512x1024xf32>
    %broadcast_in_dim3A_867 = vector.shape_cast %get3A_857 : vector<1024xf32> to vector<1x1024xf32>
    %mul3A_868 = vector.broadcast %broadcast_in_dim3A_867 : vector<1x1024xf32> to vector<512x1024xf32>
    %mul3A_869 = arith.mulf %mul3A_868, %get3A_866 : vector<512x1024xf32>
    %broadcast_in_dim3A_870 = vector.shape_cast %get3A_861 : vector<1024xf32> to vector<1x1024xf32>
    %add3A_871 = vector.broadcast %broadcast_in_dim3A_870 : vector<1x1024xf32> to vector<512x1024xf32>
    %add3A_872 = arith.addf %mul3A_869, %add3A_871 : vector<512x1024xf32>
    %swap3A_873 = arith.constant 2 : index
    %swap3A_874 = arith.constant 0 : index
    %swap3A_875 = arith.constant 0 : index
    %swap3A_876 = vector.load %arg5[%swap3A_873, %swap3A_874, %swap3A_875] : memref<8x512x1024xf32, #tpu.memory_space<vmem>>, vector<1x512x1024xf32>
    %swap3A_877 = vector.shape_cast %swap3A_876 : vector<1x512x1024xf32> to vector<512x1024xf32>
    %swap3A_878 = vector.shape_cast %add3A_872 : vector<512x1024xf32> to vector<1x512x1024xf32>
    tpu.vector_store %arg5[%swap3A_873, %swap3A_874, %swap3A_875], %swap3A_878 {strides = array<i32>} : memref<8x512x1024xf32, #tpu.memory_space<vmem>>, vector<1x512x1024xf32>,
    %dma_start3A_879 = arith.constant 2 : i32
    %dma_start3A_880 = arith.constant 2 : i32
    %dma_start3A_881 = arith.constant 2 : i32
    %dma_start3A_882 = tpu.memref_slice %arg7[%dma_start3A_881] : memref<8x!tpu.dma_semaphore, #tpu.memory_space<semaphore_mem>> -> memref<1x!tpu.dma_semaphore, #tpu.memory_space<semaphore_mem>>
    %dma_start3A_883 = tpu.memref_squeeze %dma_start3A_882 : memref<1x!tpu.dma_semaphore, #tpu.memory_space<semaphore_mem>> -> memref<!tpu.dma_semaphore, #tpu.memory_space<semaphore_mem>>
    %dma_start3A_884 = arith.constant 1024 : i32
    %dma_start3A_885 = arith.constant 0 : i32
    %dma_start3A_886 = tpu.memref_slice %arg4[%dma_start3A_880, %dma_start3A_884, %dma_start3A_885] : memref<4x4096x1024xf32, #tpu.memory_space<any>> -> memref<1x512x1024xf32, #tpu.memory_space<any>>
    %dma_start3A_887 = tpu.memref_squeeze %dma_start3A_886 : memref<1x512x1024xf32, #tpu.memory_space<any>> -> memref<512x1024xf32, #tpu.memory_space<any>>
    %dma_start3A_888 = arith.constant 0 : i32
    %dma_start3A_889 = arith.constant 0 : i32
    %dma_start3A_890 = tpu.memref_slice %arg5[%dma_start3A_879, %dma_start3A_888, %dma_start3A_889] : memref<8x512x1024xf32, #tpu.memory_space<vmem>> -> memref<1x512x1024xf32, #tpu.memory_space<vmem>>
    %dma_start3A_891 = tpu.memref_squeeze %dma_start3A_890 : memref<1x512x1024xf32, #tpu.memory_space<vmem>> -> memref<512x1024xf32, #tpu.memory_space<vmem>>
    tpu.enqueue_dma source(%dma_start3A_891 : memref<512x1024xf32, #tpu.memory_space<vmem>>) target(%dma_start3A_887 : memref<512x1024xf32, #tpu.memory_space<any>>) target_semaphore(%dma_start3A_883 : memref<!tpu.dma_semaphore, #tpu.memory_space<semaphore_mem>>)
    %dma_wait3A_892 = arith.constant 1 : i32
    %dma_wait3A_893 = arith.constant 2 : i32
    %dma_wait3A_894 = arith.constant 1 : i32
    %dma_wait3A_895 = tpu.memref_slice %arg7[%dma_wait3A_894] : memref<8x!tpu.dma_semaphore, #tpu.memory_space<semaphore_mem>> -> memref<1x!tpu.dma_semaphore, #tpu.memory_space<semaphore_mem>>
    %dma_wait3A_896 = tpu.memref_squeeze %dma_wait3A_895 : memref<1x!tpu.dma_semaphore, #tpu.memory_space<semaphore_mem>> -> memref<!tpu.dma_semaphore, #tpu.memory_space<semaphore_mem>>
    %dma_wait3A_897 = arith.constant 512 : i32
    %dma_wait3A_898 = arith.constant 0 : i32
    %dma_wait3A_899 = tpu.memref_slice %arg4[%dma_wait3A_893, %dma_wait3A_897, %dma_wait3A_898] : memref<4x4096x1024xf32, #tpu.memory_space<any>> -> memref<1x512x1024xf32, #tpu.memory_space<any>>
    %dma_wait3A_900 = tpu.memref_squeeze %dma_wait3A_899 : memref<1x512x1024xf32, #tpu.memory_space<any>> -> memref<512x1024xf32, #tpu.memory_space<any>>
    %dma_wait3A_901 = arith.constant 0 : i32
    %dma_wait3A_902 = arith.constant 0 : i32
    %dma_wait3A_903 = tpu.memref_slice %arg5[%dma_wait3A_892, %dma_wait3A_901, %dma_wait3A_902] : memref<8x512x1024xf32, #tpu.memory_space<vmem>> -> memref<1x512x1024xf32, #tpu.memory_space<vmem>>
    %dma_wait3A_904 = tpu.memref_squeeze %dma_wait3A_903 : memref<1x512x1024xf32, #tpu.memory_space<vmem>> -> memref<512x1024xf32, #tpu.memory_space<vmem>>
    tpu.wait_dma2 semaphore(%dma_wait3A_896 : memref<!tpu.dma_semaphore, #tpu.memory_space<semaphore_mem>>) src(%dma_wait3A_904 : memref<512x1024xf32, #tpu.memory_space<vmem>>) dst(%dma_wait3A_900 : memref<512x1024xf32, #tpu.memory_space<any>>)
    %dma_start3A_905 = arith.constant 3 : i32
    %dma_start3A_906 = arith.constant 1 : i32
    %dma_start3A_907 = arith.constant 1 : i32
    %dma_start3A_908 = tpu.memref_slice %arg6[%dma_start3A_907] : memref<8x!tpu.dma_semaphore, #tpu.memory_space<semaphore_mem>> -> memref<1x!tpu.dma_semaphore, #tpu.memory_space<semaphore_mem>>
    %dma_start3A_909 = tpu.memref_squeeze %dma_start3A_908 : memref<1x!tpu.dma_semaphore, #tpu.memory_space<semaphore_mem>> -> memref<!tpu.dma_semaphore, #tpu.memory_space<semaphore_mem>>
    %dma_start3A_910 = arith.constant 0 : i32
    %dma_start3A_911 = arith.constant 0 : i32
    %dma_start3A_912 = tpu.memref_slice %arg5[%dma_start3A_906, %dma_start3A_910, %dma_start3A_911] : memref<8x512x1024xf32, #tpu.memory_space<vmem>> -> memref<1x512x1024xf32, #tpu.memory_space<vmem>>
    %dma_start3A_913 = tpu.memref_squeeze %dma_start3A_912 : memref<1x512x1024xf32, #tpu.memory_space<vmem>> -> memref<512x1024xf32, #tpu.memory_space<vmem>>
    %dma_start3A_914 = arith.constant 512 : i32
    %dma_start3A_915 = arith.constant 0 : i32
    %dma_start3A_916 = tpu.memref_slice %arg0[%dma_start3A_905, %dma_start3A_914, %dma_start3A_915] : memref<4x4096x1024xf32, #tpu.memory_space<any>> -> memref<1x512x1024xf32, #tpu.memory_space<any>>
    %dma_start3A_917 = tpu.memref_squeeze %dma_start3A_916 : memref<1x512x1024xf32, #tpu.memory_space<any>> -> memref<512x1024xf32, #tpu.memory_space<any>>
    tpu.enqueue_dma source(%dma_start3A_917 : memref<512x1024xf32, #tpu.memory_space<any>>) target(%dma_start3A_913 : memref<512x1024xf32, #tpu.memory_space<vmem>>) target_semaphore(%dma_start3A_909 : memref<!tpu.dma_semaphore, #tpu.memory_space<semaphore_mem>>)
    %dma_wait3A_918 = arith.constant 2 : i32
    %dma_wait3A_919 = arith.constant 3 : i32
    %dma_wait3A_920 = arith.constant 3 : i32
    %dma_wait3A_921 = tpu.memref_slice %arg6[%dma_wait3A_920] : memref<8x!tpu.dma_semaphore, #tpu.memory_space<semaphore_mem>> -> memref<1x!tpu.dma_semaphore, #tpu.memory_space<semaphore_mem>>
    %dma_wait3A_922 = tpu.memref_squeeze %dma_wait3A_921 : memref<1x!tpu.dma_semaphore, #tpu.memory_space<semaphore_mem>> -> memref<!tpu.dma_semaphore, #tpu.memory_space<semaphore_mem>>
    %dma_wait3A_923 = arith.constant 0 : i32
    %dma_wait3A_924 = arith.constant 0 : i32
    %dma_wait3A_925 = tpu.memref_slice %arg5[%dma_wait3A_919, %dma_wait3A_923, %dma_wait3A_924] : memref<8x512x1024xf32, #tpu.memory_space<vmem>> -> memref<1x512x1024xf32, #tpu.memory_space<vmem>>
    %dma_wait3A_926 = tpu.memref_squeeze %dma_wait3A_925 : memref<1x512x1024xf32, #tpu.memory_space<vmem>> -> memref<512x1024xf32, #tpu.memory_space<vmem>>
    %dma_wait3A_927 = arith.constant 1536 : i32
    %dma_wait3A_928 = arith.constant 0 : i32
    %dma_wait3A_929 = tpu.memref_slice %arg0[%dma_wait3A_918, %dma_wait3A_927, %dma_wait3A_928] : memref<4x4096x1024xf32, #tpu.memory_space<any>> -> memref<1x512x1024xf32, #tpu.memory_space<any>>
    %dma_wait3A_930 = tpu.memref_squeeze %dma_wait3A_929 : memref<1x512x1024xf32, #tpu.memory_space<any>> -> memref<512x1024xf32, #tpu.memory_space<any>>
    tpu.wait_dma2 semaphore(%dma_wait3A_922 : memref<!tpu.dma_semaphore, #tpu.memory_space<semaphore_mem>>) src(%dma_wait3A_930 : memref<512x1024xf32, #tpu.memory_space<any>>) dst(%dma_wait3A_926 : memref<512x1024xf32, #tpu.memory_space<vmem>>)
    %get3A_931 = arith.constant 2 : index
    %get3A_932 = arith.constant 0 : index
    %get3A_933 = vector.load %arg1[%get3A_931, %get3A_932] : memref<4x1024xf32, #tpu.memory_space<vmem>>, vector<1x1024xf32>
    %get3A_934 = vector.shape_cast %get3A_933 : vector<1x1024xf32> to vector<1024xf32>
    %get3A_935 = arith.constant 2 : index
    %get3A_936 = arith.constant 0 : index
    %get3A_937 = vector.load %arg2[%get3A_935, %get3A_936] : memref<4x1024xf32, #tpu.memory_space<vmem>>, vector<1x1024xf32>
    %get3A_938 = vector.shape_cast %get3A_937 : vector<1x1024xf32> to vector<1024xf32>
    %get3A_939 = arith.constant 3 : index
    %get3A_940 = arith.constant 0 : index
    %get3A_941 = arith.constant 0 : index
    %get3A_942 = vector.load %arg5[%get3A_939, %get3A_940, %get3A_941] : memref<8x512x1024xf32, #tpu.memory_space<vmem>>, vector<1x512x1024xf32>
    %get3A_943 = vector.shape_cast %get3A_942 : vector<1x512x1024xf32> to vector<512x1024xf32>
    %broadcast_in_dim3A_944 = vector.shape_cast %get3A_934 : vector<1024xf32> to vector<1x1024xf32>
    %mul3A_945 = vector.broadcast %broadcast_in_dim3A_944 : vector<1x1024xf32> to vector<512x1024xf32>
    %mul3A_946 = arith.mulf %mul3A_945, %get3A_943 : vector<512x1024xf32>
    %broadcast_in_dim3A_947 = vector.shape_cast %get3A_938 : vector<1024xf32> to vector<1x1024xf32>
    %add3A_948 = vector.broadcast %broadcast_in_dim3A_947 : vector<1x1024xf32> to vector<512x1024xf32>
    %add3A_949 = arith.addf %mul3A_946, %add3A_948 : vector<512x1024xf32>
    %swap3A_950 = arith.constant 3 : index
    %swap3A_951 = arith.constant 0 : index
    %swap3A_952 = arith.constant 0 : index
    %swap3A_953 = vector.load %arg5[%swap3A_950, %swap3A_951, %swap3A_952] : memref<8x512x1024xf32, #tpu.memory_space<vmem>>, vector<1x512x1024xf32>
    %swap3A_954 = vector.shape_cast %swap3A_953 : vector<1x512x1024xf32> to vector<512x1024xf32>
    %swap3A_955 = vector.shape_cast %add3A_949 : vector<512x1024xf32> to vector<1x512x1024xf32>
    tpu.vector_store %arg5[%swap3A_950, %swap3A_951, %swap3A_952], %swap3A_955 {strides = array<i32>} : memref<8x512x1024xf32, #tpu.memory_space<vmem>>, vector<1x512x1024xf32>,
    %dma_start3A_956 = arith.constant 3 : i32
    %dma_start3A_957 = arith.constant 2 : i32
    %dma_start3A_958 = arith.constant 3 : i32
    %dma_start3A_959 = tpu.memref_slice %arg7[%dma_start3A_958] : memref<8x!tpu.dma_semaphore, #tpu.memory_space<semaphore_mem>> -> memref<1x!tpu.dma_semaphore, #tpu.memory_space<semaphore_mem>>
    %dma_start3A_960 = tpu.memref_squeeze %dma_start3A_959 : memref<1x!tpu.dma_semaphore, #tpu.memory_space<semaphore_mem>> -> memref<!tpu.dma_semaphore, #tpu.memory_space<semaphore_mem>>
    %dma_start3A_961 = arith.constant 1536 : i32
    %dma_start3A_962 = arith.constant 0 : i32
    %dma_start3A_963 = tpu.memref_slice %arg4[%dma_start3A_957, %dma_start3A_961, %dma_start3A_962] : memref<4x4096x1024xf32, #tpu.memory_space<any>> -> memref<1x512x1024xf32, #tpu.memory_space<any>>
    %dma_start3A_964 = tpu.memref_squeeze %dma_start3A_963 : memref<1x512x1024xf32, #tpu.memory_space<any>> -> memref<512x1024xf32, #tpu.memory_space<any>>
    %dma_start3A_965 = arith.constant 0 : i32
    %dma_start3A_966 = arith.constant 0 : i32
    %dma_start3A_967 = tpu.memref_slice %arg5[%dma_start3A_956, %dma_start3A_965, %dma_start3A_966] : memref<8x512x1024xf32, #tpu.memory_space<vmem>> -> memref<1x512x1024xf32, #tpu.memory_space<vmem>>
    %dma_start3A_968 = tpu.memref_squeeze %dma_start3A_967 : memref<1x512x1024xf32, #tpu.memory_space<vmem>> -> memref<512x1024xf32, #tpu.memory_space<vmem>>
    tpu.enqueue_dma source(%dma_start3A_968 : memref<512x1024xf32, #tpu.memory_space<vmem>>) target(%dma_start3A_964 : memref<512x1024xf32, #tpu.memory_space<any>>) target_semaphore(%dma_start3A_960 : memref<!tpu.dma_semaphore, #tpu.memory_space<semaphore_mem>>)
    %dma_wait3A_969 = arith.constant 2 : i32
    %dma_wait3A_970 = arith.constant 2 : i32
    %dma_wait3A_971 = arith.constant 2 : i32
    %dma_wait3A_972 = tpu.memref_slice %arg7[%dma_wait3A_971] : memref<8x!tpu.dma_semaphore, #tpu.memory_space<semaphore_mem>> -> memref<1x!tpu.dma_semaphore, #tpu.memory_space<semaphore_mem>>
    %dma_wait3A_973 = tpu.memref_squeeze %dma_wait3A_972 : memref<1x!tpu.dma_semaphore, #tpu.memory_space<semaphore_mem>> -> memref<!tpu.dma_semaphore, #tpu.memory_space<semaphore_mem>>
    %dma_wait3A_974 = arith.constant 1024 : i32
    %dma_wait3A_975 = arith.constant 0 : i32
    %dma_wait3A_976 = tpu.memref_slice %arg4[%dma_wait3A_970, %dma_wait3A_974, %dma_wait3A_975] : memref<4x4096x1024xf32, #tpu.memory_space<any>> -> memref<1x512x1024xf32, #tpu.memory_space<any>>
    %dma_wait3A_977 = tpu.memref_squeeze %dma_wait3A_976 : memref<1x512x1024xf32, #tpu.memory_space<any>> -> memref<512x1024xf32, #tpu.memory_space<any>>
    %dma_wait3A_978 = arith.constant 0 : i32
    %dma_wait3A_979 = arith.constant 0 : i32
    %dma_wait3A_980 = tpu.memref_slice %arg5[%dma_wait3A_969, %dma_wait3A_978, %dma_wait3A_979] : memref<8x512x1024xf32, #tpu.memory_space<vmem>> -> memref<1x512x1024xf32, #tpu.memory_space<vmem>>
    %dma_wait3A_981 = tpu.memref_squeeze %dma_wait3A_980 : memref<1x512x1024xf32, #tpu.memory_space<vmem>> -> memref<512x1024xf32, #tpu.memory_space<vmem>>
    tpu.wait_dma2 semaphore(%dma_wait3A_973 : memref<!tpu.dma_semaphore, #tpu.memory_space<semaphore_mem>>) src(%dma_wait3A_981 : memref<512x1024xf32, #tpu.memory_space<vmem>>) dst(%dma_wait3A_977 : memref<512x1024xf32, #tpu.memory_space<any>>)
    %dma_start3A_982 = arith.constant 3 : i32
    %dma_start3A_983 = arith.constant 2 : i32
    %dma_start3A_984 = arith.constant 2 : i32
    %dma_start3A_985 = tpu.memref_slice %arg6[%dma_start3A_984] : memref<8x!tpu.dma_semaphore, #tpu.memory_space<semaphore_mem>> -> memref<1x!tpu.dma_semaphore, #tpu.memory_space<semaphore_mem>>
    %dma_start3A_986 = tpu.memref_squeeze %dma_start3A_985 : memref<1x!tpu.dma_semaphore, #tpu.memory_space<semaphore_mem>> -> memref<!tpu.dma_semaphore, #tpu.memory_space<semaphore_mem>>
    %dma_start3A_987 = arith.constant 0 : i32
    %dma_start3A_988 = arith.constant 0 : i32
    %dma_start3A_989 = tpu.memref_slice %arg5[%dma_start3A_983, %dma_start3A_987, %dma_start3A_988] : memref<8x512x1024xf32, #tpu.memory_space<vmem>> -> memref<1x512x1024xf32, #tpu.memory_space<vmem>>
    %dma_start3A_990 = tpu.memref_squeeze %dma_start3A_989 : memref<1x512x1024xf32, #tpu.memory_space<vmem>> -> memref<512x1024xf32, #tpu.memory_space<vmem>>
    %dma_start3A_991 = arith.constant 1024 : i32
    %dma_start3A_992 = arith.constant 0 : i32
    %dma_start3A_993 = tpu.memref_slice %arg0[%dma_start3A_982, %dma_start3A_991, %dma_start3A_992] : memref<4x4096x1024xf32, #tpu.memory_space<any>> -> memref<1x512x1024xf32, #tpu.memory_space<any>>
    %dma_start3A_994 = tpu.memref_squeeze %dma_start3A_993 : memref<1x512x1024xf32, #tpu.memory_space<any>> -> memref<512x1024xf32, #tpu.memory_space<any>>
    tpu.enqueue_dma source(%dma_start3A_994 : memref<512x1024xf32, #tpu.memory_space<any>>) target(%dma_start3A_990 : memref<512x1024xf32, #tpu.memory_space<vmem>>) target_semaphore(%dma_start3A_986 : memref<!tpu.dma_semaphore, #tpu.memory_space<semaphore_mem>>)
    %dma_wait3A_995 = arith.constant 2 : i32
    %dma_wait3A_996 = arith.constant 4 : i32
    %dma_wait3A_997 = arith.constant 4 : i32
    %dma_wait3A_998 = tpu.memref_slice %arg6[%dma_wait3A_997] : memref<8x!tpu.dma_semaphore, #tpu.memory_space<semaphore_mem>> -> memref<1x!tpu.dma_semaphore, #tpu.memory_space<semaphore_mem>>
    %dma_wait3A_999 = tpu.memref_squeeze %dma_wait3A_998 : memref<1x!tpu.dma_semaphore, #tpu.memory_space<semaphore_mem>> -> memref<!tpu.dma_semaphore, #tpu.memory_space<semaphore_mem>>
    %dma_wait3A_1000 = arith.constant 0 : i32
    %dma_wait3A_1001 = arith.constant 0 : i32
    %dma_wait3A_1002 = tpu.memref_slice %arg5[%dma_wait3A_996, %dma_wait3A_1000, %dma_wait3A_1001] : memref<8x512x1024xf32, #tpu.memory_space<vmem>> -> memref<1x512x1024xf32, #tpu.memory_space<vmem>>
    %dma_wait3A_1003 = tpu.memref_squeeze %dma_wait3A_1002 : memref<1x512x1024xf32, #tpu.memory_space<vmem>> -> memref<512x1024xf32, #tpu.memory_space<vmem>>
    %dma_wait3A_1004 = arith.constant 2048 : i32
    %dma_wait3A_1005 = arith.constant 0 : i32
    %dma_wait3A_1006 = tpu.memref_slice %arg0[%dma_wait3A_995, %dma_wait3A_1004, %dma_wait3A_1005] : memref<4x4096x1024xf32, #tpu.memory_space<any>> -> memref<1x512x1024xf32, #tpu.memory_space<any>>
    %dma_wait3A_1007 = tpu.memref_squeeze %dma_wait3A_1006 : memref<1x512x1024xf32, #tpu.memory_space<any>> -> memref<512x1024xf32, #tpu.memory_space<any>>
    tpu.wait_dma2 semaphore(%dma_wait3A_999 : memref<!tpu.dma_semaphore, #tpu.memory_space<semaphore_mem>>) src(%dma_wait3A_1007 : memref<512x1024xf32, #tpu.memory_space<any>>) dst(%dma_wait3A_1003 : memref<512x1024xf32, #tpu.memory_space<vmem>>)
    %get3A_1008 = arith.constant 2 : index
    %get3A_1009 = arith.constant 0 : index
    %get3A_1010 = vector.load %arg1[%get3A_1008, %get3A_1009] : memref<4x1024xf32, #tpu.memory_space<vmem>>, vector<1x1024xf32>
    %get3A_1011 = vector.shape_cast %get3A_1010 : vector<1x1024xf32> to vector<1024xf32>
    %get3A_1012 = arith.constant 2 : index
    %get3A_1013 = arith.constant 0 : index
    %get3A_1014 = vector.load %arg2[%get3A_1012, %get3A_1013] : memref<4x1024xf32, #tpu.memory_space<vmem>>, vector<1x1024xf32>
    %get3A_1015 = vector.shape_cast %get3A_1014 : vector<1x1024xf32> to vector<1024xf32>
    %get3A_1016 = arith.constant 4 : index
    %get3A_1017 = arith.constant 0 : index
    %get3A_1018 = arith.constant 0 : index
    %get3A_1019 = vector.load %arg5[%get3A_1016, %get3A_1017, %get3A_1018] : memref<8x512x1024xf32, #tpu.memory_space<vmem>>, vector<1x512x1024xf32>
    %get3A_1020 = vector.shape_cast %get3A_1019 : vector<1x512x1024xf32> to vector<512x1024xf32>
    %broadcast_in_dim3A_1021 = vector.shape_cast %get3A_1011 : vector<1024xf32> to vector<1x1024xf32>
    %mul3A_1022 = vector.broadcast %broadcast_in_dim3A_1021 : vector<1x1024xf32> to vector<512x1024xf32>
    %mul3A_1023 = arith.mulf %mul3A_1022, %get3A_1020 : vector<512x1024xf32>
    %broadcast_in_dim3A_1024 = vector.shape_cast %get3A_1015 : vector<1024xf32> to vector<1x1024xf32>
    %add3A_1025 = vector.broadcast %broadcast_in_dim3A_1024 : vector<1x1024xf32> to vector<512x1024xf32>
    %add3A_1026 = arith.addf %mul3A_1023, %add3A_1025 : vector<512x1024xf32>
    %swap3A_1027 = arith.constant 4 : index
    %swap3A_1028 = arith.constant 0 : index
    %swap3A_1029 = arith.constant 0 : index
    %swap3A_1030 = vector.load %arg5[%swap3A_1027, %swap3A_1028, %swap3A_1029] : memref<8x512x1024xf32, #tpu.memory_space<vmem>>, vector<1x512x1024xf32>
    %swap3A_1031 = vector.shape_cast %swap3A_1030 : vector<1x512x1024xf32> to vector<512x1024xf32>
    %swap3A_1032 = vector.shape_cast %add3A_1026 : vector<512x1024xf32> to vector<1x512x1024xf32>
    tpu.vector_store %arg5[%swap3A_1027, %swap3A_1028, %swap3A_1029], %swap3A_1032 {strides = array<i32>} : memref<8x512x1024xf32, #tpu.memory_space<vmem>>, vector<1x512x1024xf32>,
    %dma_start3A_1033 = arith.constant 4 : i32
    %dma_start3A_1034 = arith.constant 2 : i32
    %dma_start3A_1035 = arith.constant 4 : i32
    %dma_start3A_1036 = tpu.memref_slice %arg7[%dma_start3A_1035] : memref<8x!tpu.dma_semaphore, #tpu.memory_space<semaphore_mem>> -> memref<1x!tpu.dma_semaphore, #tpu.memory_space<semaphore_mem>>
    %dma_start3A_1037 = tpu.memref_squeeze %dma_start3A_1036 : memref<1x!tpu.dma_semaphore, #tpu.memory_space<semaphore_mem>> -> memref<!tpu.dma_semaphore, #tpu.memory_space<semaphore_mem>>
    %dma_start3A_1038 = arith.constant 2048 : i32
    %dma_start3A_1039 = arith.constant 0 : i32
    %dma_start3A_1040 = tpu.memref_slice %arg4[%dma_start3A_1034, %dma_start3A_1038, %dma_start3A_1039] : memref<4x4096x1024xf32, #tpu.memory_space<any>> -> memref<1x512x1024xf32, #tpu.memory_space<any>>
    %dma_start3A_1041 = tpu.memref_squeeze %dma_start3A_1040 : memref<1x512x1024xf32, #tpu.memory_space<any>> -> memref<512x1024xf32, #tpu.memory_space<any>>
    %dma_start3A_1042 = arith.constant 0 : i32
    %dma_start3A_1043 = arith.constant 0 : i32
    %dma_start3A_1044 = tpu.memref_slice %arg5[%dma_start3A_1033, %dma_start3A_1042, %dma_start3A_1043] : memref<8x512x1024xf32, #tpu.memory_space<vmem>> -> memref<1x512x1024xf32, #tpu.memory_space<vmem>>
    %dma_start3A_1045 = tpu.memref_squeeze %dma_start3A_1044 : memref<1x512x1024xf32, #tpu.memory_space<vmem>> -> memref<512x1024xf32, #tpu.memory_space<vmem>>
    tpu.enqueue_dma source(%dma_start3A_1045 : memref<512x1024xf32, #tpu.memory_space<vmem>>) target(%dma_start3A_1041 : memref<512x1024xf32, #tpu.memory_space<any>>) target_semaphore(%dma_start3A_1037 : memref<!tpu.dma_semaphore, #tpu.memory_space<semaphore_mem>>)
    %dma_wait3A_1046 = arith.constant 3 : i32
    %dma_wait3A_1047 = arith.constant 2 : i32
    %dma_wait3A_1048 = arith.constant 3 : i32
    %dma_wait3A_1049 = tpu.memref_slice %arg7[%dma_wait3A_1048] : memref<8x!tpu.dma_semaphore, #tpu.memory_space<semaphore_mem>> -> memref<1x!tpu.dma_semaphore, #tpu.memory_space<semaphore_mem>>
    %dma_wait3A_1050 = tpu.memref_squeeze %dma_wait3A_1049 : memref<1x!tpu.dma_semaphore, #tpu.memory_space<semaphore_mem>> -> memref<!tpu.dma_semaphore, #tpu.memory_space<semaphore_mem>>
    %dma_wait3A_1051 = arith.constant 1536 : i32
    %dma_wait3A_1052 = arith.constant 0 : i32
    %dma_wait3A_1053 = tpu.memref_slice %arg4[%dma_wait3A_1047, %dma_wait3A_1051, %dma_wait3A_1052] : memref<4x4096x1024xf32, #tpu.memory_space<any>> -> memref<1x512x1024xf32, #tpu.memory_space<any>>
    %dma_wait3A_1054 = tpu.memref_squeeze %dma_wait3A_1053 : memref<1x512x1024xf32, #tpu.memory_space<any>> -> memref<512x1024xf32, #tpu.memory_space<any>>
    %dma_wait3A_1055 = arith.constant 0 : i32
    %dma_wait3A_1056 = arith.constant 0 : i32
    %dma_wait3A_1057 = tpu.memref_slice %arg5[%dma_wait3A_1046, %dma_wait3A_1055, %dma_wait3A_1056] : memref<8x512x1024xf32, #tpu.memory_space<vmem>> -> memref<1x512x1024xf32, #tpu.memory_space<vmem>>
    %dma_wait3A_1058 = tpu.memref_squeeze %dma_wait3A_1057 : memref<1x512x1024xf32, #tpu.memory_space<vmem>> -> memref<512x1024xf32, #tpu.memory_space<vmem>>
    tpu.wait_dma2 semaphore(%dma_wait3A_1050 : memref<!tpu.dma_semaphore, #tpu.memory_space<semaphore_mem>>) src(%dma_wait3A_1058 : memref<512x1024xf32, #tpu.memory_space<vmem>>) dst(%dma_wait3A_1054 : memref<512x1024xf32, #tpu.memory_space<any>>)
    %dma_start3A_1059 = arith.constant 3 : i32
    %dma_start3A_1060 = arith.constant 3 : i32
    %dma_start3A_1061 = arith.constant 3 : i32
    %dma_start3A_1062 = tpu.memref_slice %arg6[%dma_start3A_1061] : memref<8x!tpu.dma_semaphore, #tpu.memory_space<semaphore_mem>> -> memref<1x!tpu.dma_semaphore, #tpu.memory_space<semaphore_mem>>
    %dma_start3A_1063 = tpu.memref_squeeze %dma_start3A_1062 : memref<1x!tpu.dma_semaphore, #tpu.memory_space<semaphore_mem>> -> memref<!tpu.dma_semaphore, #tpu.memory_space<semaphore_mem>>
    %dma_start3A_1064 = arith.constant 0 : i32
    %dma_start3A_1065 = arith.constant 0 : i32
    %dma_start3A_1066 = tpu.memref_slice %arg5[%dma_start3A_1060, %dma_start3A_1064, %dma_start3A_1065] : memref<8x512x1024xf32, #tpu.memory_space<vmem>> -> memref<1x512x1024xf32, #tpu.memory_space<vmem>>
    %dma_start3A_1067 = tpu.memref_squeeze %dma_start3A_1066 : memref<1x512x1024xf32, #tpu.memory_space<vmem>> -> memref<512x1024xf32, #tpu.memory_space<vmem>>
    %dma_start3A_1068 = arith.constant 1536 : i32
    %dma_start3A_1069 = arith.constant 0 : i32
    %dma_start3A_1070 = tpu.memref_slice %arg0[%dma_start3A_1059, %dma_start3A_1068, %dma_start3A_1069] : memref<4x4096x1024xf32, #tpu.memory_space<any>> -> memref<1x512x1024xf32, #tpu.memory_space<any>>
    %dma_start3A_1071 = tpu.memref_squeeze %dma_start3A_1070 : memref<1x512x1024xf32, #tpu.memory_space<any>> -> memref<512x1024xf32, #tpu.memory_space<any>>
    tpu.enqueue_dma source(%dma_start3A_1071 : memref<512x1024xf32, #tpu.memory_space<any>>) target(%dma_start3A_1067 : memref<512x1024xf32, #tpu.memory_space<vmem>>) target_semaphore(%dma_start3A_1063 : memref<!tpu.dma_semaphore, #tpu.memory_space<semaphore_mem>>)
    %dma_wait3A_1072 = arith.constant 2 : i32
    %dma_wait3A_1073 = arith.constant 5 : i32
    %dma_wait3A_1074 = arith.constant 5 : i32
    %dma_wait3A_1075 = tpu.memref_slice %arg6[%dma_wait3A_1074] : memref<8x!tpu.dma_semaphore, #tpu.memory_space<semaphore_mem>> -> memref<1x!tpu.dma_semaphore, #tpu.memory_space<semaphore_mem>>
    %dma_wait3A_1076 = tpu.memref_squeeze %dma_wait3A_1075 : memref<1x!tpu.dma_semaphore, #tpu.memory_space<semaphore_mem>> -> memref<!tpu.dma_semaphore, #tpu.memory_space<semaphore_mem>>
    %dma_wait3A_1077 = arith.constant 0 : i32
    %dma_wait3A_1078 = arith.constant 0 : i32
    %dma_wait3A_1079 = tpu.memref_slice %arg5[%dma_wait3A_1073, %dma_wait3A_1077, %dma_wait3A_1078] : memref<8x512x1024xf32, #tpu.memory_space<vmem>> -> memref<1x512x1024xf32, #tpu.memory_space<vmem>>
    %dma_wait3A_1080 = tpu.memref_squeeze %dma_wait3A_1079 : memref<1x512x1024xf32, #tpu.memory_space<vmem>> -> memref<512x1024xf32, #tpu.memory_space<vmem>>
    %dma_wait3A_1081 = arith.constant 2560 : i32
    %dma_wait3A_1082 = arith.constant 0 : i32
    %dma_wait3A_1083 = tpu.memref_slice %arg0[%dma_wait3A_1072, %dma_wait3A_1081, %dma_wait3A_1082] : memref<4x4096x1024xf32, #tpu.memory_space<any>> -> memref<1x512x1024xf32, #tpu.memory_space<any>>
    %dma_wait3A_1084 = tpu.memref_squeeze %dma_wait3A_1083 : memref<1x512x1024xf32, #tpu.memory_space<any>> -> memref<512x1024xf32, #tpu.memory_space<any>>
    tpu.wait_dma2 semaphore(%dma_wait3A_1076 : memref<!tpu.dma_semaphore, #tpu.memory_space<semaphore_mem>>) src(%dma_wait3A_1084 : memref<512x1024xf32, #tpu.memory_space<any>>) dst(%dma_wait3A_1080 : memref<512x1024xf32, #tpu.memory_space<vmem>>)
    %get3A_1085 = arith.constant 2 : index
    %get3A_1086 = arith.constant 0 : index
    %get3A_1087 = vector.load %arg1[%get3A_1085, %get3A_1086] : memref<4x1024xf32, #tpu.memory_space<vmem>>, vector<1x1024xf32>
    %get3A_1088 = vector.shape_cast %get3A_1087 : vector<1x1024xf32> to vector<1024xf32>
    %get3A_1089 = arith.constant 2 : index
    %get3A_1090 = arith.constant 0 : index
    %get3A_1091 = vector.load %arg2[%get3A_1089, %get3A_1090] : memref<4x1024xf32, #tpu.memory_space<vmem>>, vector<1x1024xf32>
    %get3A_1092 = vector.shape_cast %get3A_1091 : vector<1x1024xf32> to vector<1024xf32>
    %get3A_1093 = arith.constant 5 : index
    %get3A_1094 = arith.constant 0 : index
    %get3A_1095 = arith.constant 0 : index
    %get3A_1096 = vector.load %arg5[%get3A_1093, %get3A_1094, %get3A_1095] : memref<8x512x1024xf32, #tpu.memory_space<vmem>>, vector<1x512x1024xf32>
    %get3A_1097 = vector.shape_cast %get3A_1096 : vector<1x512x1024xf32> to vector<512x1024xf32>
    %broadcast_in_dim3A_1098 = vector.shape_cast %get3A_1088 : vector<1024xf32> to vector<1x1024xf32>
    %mul3A_1099 = vector.broadcast %broadcast_in_dim3A_1098 : vector<1x1024xf32> to vector<512x1024xf32>
    %mul3A_1100 = arith.mulf %mul3A_1099, %get3A_1097 : vector<512x1024xf32>
    %broadcast_in_dim3A_1101 = vector.shape_cast %get3A_1092 : vector<1024xf32> to vector<1x1024xf32>
    %add3A_1102 = vector.broadcast %broadcast_in_dim3A_1101 : vector<1x1024xf32> to vector<512x1024xf32>
    %add3A_1103 = arith.addf %mul3A_1100, %add3A_1102 : vector<512x1024xf32>
    %swap3A_1104 = arith.constant 5 : index
    %swap3A_1105 = arith.constant 0 : index
    %swap3A_1106 = arith.constant 0 : index
    %swap3A_1107 = vector.load %arg5[%swap3A_1104, %swap3A_1105, %swap3A_1106] : memref<8x512x1024xf32, #tpu.memory_space<vmem>>, vector<1x512x1024xf32>
    %swap3A_1108 = vector.shape_cast %swap3A_1107 : vector<1x512x1024xf32> to vector<512x1024xf32>
    %swap3A_1109 = vector.shape_cast %add3A_1103 : vector<512x1024xf32> to vector<1x512x1024xf32>
    tpu.vector_store %arg5[%swap3A_1104, %swap3A_1105, %swap3A_1106], %swap3A_1109 {strides = array<i32>} : memref<8x512x1024xf32, #tpu.memory_space<vmem>>, vector<1x512x1024xf32>,
    %dma_start3A_1110 = arith.constant 5 : i32
    %dma_start3A_1111 = arith.constant 2 : i32
    %dma_start3A_1112 = arith.constant 5 : i32
    %dma_start3A_1113 = tpu.memref_slice %arg7[%dma_start3A_1112] : memref<8x!tpu.dma_semaphore, #tpu.memory_space<semaphore_mem>> -> memref<1x!tpu.dma_semaphore, #tpu.memory_space<semaphore_mem>>
    %dma_start3A_1114 = tpu.memref_squeeze %dma_start3A_1113 : memref<1x!tpu.dma_semaphore, #tpu.memory_space<semaphore_mem>> -> memref<!tpu.dma_semaphore, #tpu.memory_space<semaphore_mem>>
    %dma_start3A_1115 = arith.constant 2560 : i32
    %dma_start3A_1116 = arith.constant 0 : i32
    %dma_start3A_1117 = tpu.memref_slice %arg4[%dma_start3A_1111, %dma_start3A_1115, %dma_start3A_1116] : memref<4x4096x1024xf32, #tpu.memory_space<any>> -> memref<1x512x1024xf32, #tpu.memory_space<any>>
    %dma_start3A_1118 = tpu.memref_squeeze %dma_start3A_1117 : memref<1x512x1024xf32, #tpu.memory_space<any>> -> memref<512x1024xf32, #tpu.memory_space<any>>
    %dma_start3A_1119 = arith.constant 0 : i32
    %dma_start3A_1120 = arith.constant 0 : i32
    %dma_start3A_1121 = tpu.memref_slice %arg5[%dma_start3A_1110, %dma_start3A_1119, %dma_start3A_1120] : memref<8x512x1024xf32, #tpu.memory_space<vmem>> -> memref<1x512x1024xf32, #tpu.memory_space<vmem>>
    %dma_start3A_1122 = tpu.memref_squeeze %dma_start3A_1121 : memref<1x512x1024xf32, #tpu.memory_space<vmem>> -> memref<512x1024xf32, #tpu.memory_space<vmem>>
    tpu.enqueue_dma source(%dma_start3A_1122 : memref<512x1024xf32, #tpu.memory_space<vmem>>) target(%dma_start3A_1118 : memref<512x1024xf32, #tpu.memory_space<any>>) target_semaphore(%dma_start3A_1114 : memref<!tpu.dma_semaphore, #tpu.memory_space<semaphore_mem>>)
    %dma_wait3A_1123 = arith.constant 4 : i32
    %dma_wait3A_1124 = arith.constant 2 : i32
    %dma_wait3A_1125 = arith.constant 4 : i32
    %dma_wait3A_1126 = tpu.memref_slice %arg7[%dma_wait3A_1125] : memref<8x!tpu.dma_semaphore, #tpu.memory_space<semaphore_mem>> -> memref<1x!tpu.dma_semaphore, #tpu.memory_space<semaphore_mem>>
    %dma_wait3A_1127 = tpu.memref_squeeze %dma_wait3A_1126 : memref<1x!tpu.dma_semaphore, #tpu.memory_space<semaphore_mem>> -> memref<!tpu.dma_semaphore, #tpu.memory_space<semaphore_mem>>
    %dma_wait3A_1128 = arith.constant 2048 : i32
    %dma_wait3A_1129 = arith.constant 0 : i32
    %dma_wait3A_1130 = tpu.memref_slice %arg4[%dma_wait3A_1124, %dma_wait3A_1128, %dma_wait3A_1129] : memref<4x4096x1024xf32, #tpu.memory_space<any>> -> memref<1x512x1024xf32, #tpu.memory_space<any>>
    %dma_wait3A_1131 = tpu.memref_squeeze %dma_wait3A_1130 : memref<1x512x1024xf32, #tpu.memory_space<any>> -> memref<512x1024xf32, #tpu.memory_space<any>>
    %dma_wait3A_1132 = arith.constant 0 : i32
    %dma_wait3A_1133 = arith.constant 0 : i32
    %dma_wait3A_1134 = tpu.memref_slice %arg5[%dma_wait3A_1123, %dma_wait3A_1132, %dma_wait3A_1133] : memref<8x512x1024xf32, #tpu.memory_space<vmem>> -> memref<1x512x1024xf32, #tpu.memory_space<vmem>>
    %dma_wait3A_1135 = tpu.memref_squeeze %dma_wait3A_1134 : memref<1x512x1024xf32, #tpu.memory_space<vmem>> -> memref<512x1024xf32, #tpu.memory_space<vmem>>
    tpu.wait_dma2 semaphore(%dma_wait3A_1127 : memref<!tpu.dma_semaphore, #tpu.memory_space<semaphore_mem>>) src(%dma_wait3A_1135 : memref<512x1024xf32, #tpu.memory_space<vmem>>) dst(%dma_wait3A_1131 : memref<512x1024xf32, #tpu.memory_space<any>>)
    %dma_start3A_1136 = arith.constant 3 : i32
    %dma_start3A_1137 = arith.constant 4 : i32
    %dma_start3A_1138 = arith.constant 4 : i32
    %dma_start3A_1139 = tpu.memref_slice %arg6[%dma_start3A_1138] : memref<8x!tpu.dma_semaphore, #tpu.memory_space<semaphore_mem>> -> memref<1x!tpu.dma_semaphore, #tpu.memory_space<semaphore_mem>>
    %dma_start3A_1140 = tpu.memref_squeeze %dma_start3A_1139 : memref<1x!tpu.dma_semaphore, #tpu.memory_space<semaphore_mem>> -> memref<!tpu.dma_semaphore, #tpu.memory_space<semaphore_mem>>
    %dma_start3A_1141 = arith.constant 0 : i32
    %dma_start3A_1142 = arith.constant 0 : i32
    %dma_start3A_1143 = tpu.memref_slice %arg5[%dma_start3A_1137, %dma_start3A_1141, %dma_start3A_1142] : memref<8x512x1024xf32, #tpu.memory_space<vmem>> -> memref<1x512x1024xf32, #tpu.memory_space<vmem>>
    %dma_start3A_1144 = tpu.memref_squeeze %dma_start3A_1143 : memref<1x512x1024xf32, #tpu.memory_space<vmem>> -> memref<512x1024xf32, #tpu.memory_space<vmem>>
    %dma_start3A_1145 = arith.constant 2048 : i32
    %dma_start3A_1146 = arith.constant 0 : i32
    %dma_start3A_1147 = tpu.memref_slice %arg0[%dma_start3A_1136, %dma_start3A_1145, %dma_start3A_1146] : memref<4x4096x1024xf32, #tpu.memory_space<any>> -> memref<1x512x1024xf32, #tpu.memory_space<any>>
    %dma_start3A_1148 = tpu.memref_squeeze %dma_start3A_1147 : memref<1x512x1024xf32, #tpu.memory_space<any>> -> memref<512x1024xf32, #tpu.memory_space<any>>
    tpu.enqueue_dma source(%dma_start3A_1148 : memref<512x1024xf32, #tpu.memory_space<any>>) target(%dma_start3A_1144 : memref<512x1024xf32, #tpu.memory_space<vmem>>) target_semaphore(%dma_start3A_1140 : memref<!tpu.dma_semaphore, #tpu.memory_space<semaphore_mem>>)
    %dma_wait3A_1149 = arith.constant 2 : i32
    %dma_wait3A_1150 = arith.constant 6 : i32
    %dma_wait3A_1151 = arith.constant 6 : i32
    %dma_wait3A_1152 = tpu.memref_slice %arg6[%dma_wait3A_1151] : memref<8x!tpu.dma_semaphore, #tpu.memory_space<semaphore_mem>> -> memref<1x!tpu.dma_semaphore, #tpu.memory_space<semaphore_mem>>
    %dma_wait3A_1153 = tpu.memref_squeeze %dma_wait3A_1152 : memref<1x!tpu.dma_semaphore, #tpu.memory_space<semaphore_mem>> -> memref<!tpu.dma_semaphore, #tpu.memory_space<semaphore_mem>>
    %dma_wait3A_1154 = arith.constant 0 : i32
    %dma_wait3A_1155 = arith.constant 0 : i32
    %dma_wait3A_1156 = tpu.memref_slice %arg5[%dma_wait3A_1150, %dma_wait3A_1154, %dma_wait3A_1155] : memref<8x512x1024xf32, #tpu.memory_space<vmem>> -> memref<1x512x1024xf32, #tpu.memory_space<vmem>>
    %dma_wait3A_1157 = tpu.memref_squeeze %dma_wait3A_1156 : memref<1x512x1024xf32, #tpu.memory_space<vmem>> -> memref<512x1024xf32, #tpu.memory_space<vmem>>
    %dma_wait3A_1158 = arith.constant 3072 : i32
    %dma_wait3A_1159 = arith.constant 0 : i32
    %dma_wait3A_1160 = tpu.memref_slice %arg0[%dma_wait3A_1149, %dma_wait3A_1158, %dma_wait3A_1159] : memref<4x4096x1024xf32, #tpu.memory_space<any>> -> memref<1x512x1024xf32, #tpu.memory_space<any>>
    %dma_wait3A_1161 = tpu.memref_squeeze %dma_wait3A_1160 : memref<1x512x1024xf32, #tpu.memory_space<any>> -> memref<512x1024xf32, #tpu.memory_space<any>>
    tpu.wait_dma2 semaphore(%dma_wait3A_1153 : memref<!tpu.dma_semaphore, #tpu.memory_space<semaphore_mem>>) src(%dma_wait3A_1161 : memref<512x1024xf32, #tpu.memory_space<any>>) dst(%dma_wait3A_1157 : memref<512x1024xf32, #tpu.memory_space<vmem>>)
    %get3A_1162 = arith.constant 2 : index
    %get3A_1163 = arith.constant 0 : index
    %get3A_1164 = vector.load %arg1[%get3A_1162, %get3A_1163] : memref<4x1024xf32, #tpu.memory_space<vmem>>, vector<1x1024xf32>
    %get3A_1165 = vector.shape_cast %get3A_1164 : vector<1x1024xf32> to vector<1024xf32>
    %get3A_1166 = arith.constant 2 : index
    %get3A_1167 = arith.constant 0 : index
    %get3A_1168 = vector.load %arg2[%get3A_1166, %get3A_1167] : memref<4x1024xf32, #tpu.memory_space<vmem>>, vector<1x1024xf32>
    %get3A_1169 = vector.shape_cast %get3A_1168 : vector<1x1024xf32> to vector<1024xf32>
    %get3A_1170 = arith.constant 6 : index
    %get3A_1171 = arith.constant 0 : index
    %get3A_1172 = arith.constant 0 : index
    %get3A_1173 = vector.load %arg5[%get3A_1170, %get3A_1171, %get3A_1172] : memref<8x512x1024xf32, #tpu.memory_space<vmem>>, vector<1x512x1024xf32>
    %get3A_1174 = vector.shape_cast %get3A_1173 : vector<1x512x1024xf32> to vector<512x1024xf32>
    %broadcast_in_dim3A_1175 = vector.shape_cast %get3A_1165 : vector<1024xf32> to vector<1x1024xf32>
    %mul3A_1176 = vector.broadcast %broadcast_in_dim3A_1175 : vector<1x1024xf32> to vector<512x1024xf32>
    %mul3A_1177 = arith.mulf %mul3A_1176, %get3A_1174 : vector<512x1024xf32>
    %broadcast_in_dim3A_1178 = vector.shape_cast %get3A_1169 : vector<1024xf32> to vector<1x1024xf32>
    %add3A_1179 = vector.broadcast %broadcast_in_dim3A_1178 : vector<1x1024xf32> to vector<512x1024xf32>
    %add3A_1180 = arith.addf %mul3A_1177, %add3A_1179 : vector<512x1024xf32>
    %swap3A_1181 = arith.constant 6 : index
    %swap3A_1182 = arith.constant 0 : index
    %swap3A_1183 = arith.constant 0 : index
    %swap3A_1184 = vector.load %arg5[%swap3A_1181, %swap3A_1182, %swap3A_1183] : memref<8x512x1024xf32, #tpu.memory_space<vmem>>, vector<1x512x1024xf32>
    %swap3A_1185 = vector.shape_cast %swap3A_1184 : vector<1x512x1024xf32> to vector<512x1024xf32>
    %swap3A_1186 = vector.shape_cast %add3A_1180 : vector<512x1024xf32> to vector<1x512x1024xf32>
    tpu.vector_store %arg5[%swap3A_1181, %swap3A_1182, %swap3A_1183], %swap3A_1186 {strides = array<i32>} : memref<8x512x1024xf32, #tpu.memory_space<vmem>>, vector<1x512x1024xf32>,
    %dma_start3A_1187 = arith.constant 6 : i32
    %dma_start3A_1188 = arith.constant 2 : i32
    %dma_start3A_1189 = arith.constant 6 : i32
    %dma_start3A_1190 = tpu.memref_slice %arg7[%dma_start3A_1189] : memref<8x!tpu.dma_semaphore, #tpu.memory_space<semaphore_mem>> -> memref<1x!tpu.dma_semaphore, #tpu.memory_space<semaphore_mem>>
    %dma_start3A_1191 = tpu.memref_squeeze %dma_start3A_1190 : memref<1x!tpu.dma_semaphore, #tpu.memory_space<semaphore_mem>> -> memref<!tpu.dma_semaphore, #tpu.memory_space<semaphore_mem>>
    %dma_start3A_1192 = arith.constant 3072 : i32
    %dma_start3A_1193 = arith.constant 0 : i32
    %dma_start3A_1194 = tpu.memref_slice %arg4[%dma_start3A_1188, %dma_start3A_1192, %dma_start3A_1193] : memref<4x4096x1024xf32, #tpu.memory_space<any>> -> memref<1x512x1024xf32, #tpu.memory_space<any>>
    %dma_start3A_1195 = tpu.memref_squeeze %dma_start3A_1194 : memref<1x512x1024xf32, #tpu.memory_space<any>> -> memref<512x1024xf32, #tpu.memory_space<any>>
    %dma_start3A_1196 = arith.constant 0 : i32
    %dma_start3A_1197 = arith.constant 0 : i32
    %dma_start3A_1198 = tpu.memref_slice %arg5[%dma_start3A_1187, %dma_start3A_1196, %dma_start3A_1197] : memref<8x512x1024xf32, #tpu.memory_space<vmem>> -> memref<1x512x1024xf32, #tpu.memory_space<vmem>>
    %dma_start3A_1199 = tpu.memref_squeeze %dma_start3A_1198 : memref<1x512x1024xf32, #tpu.memory_space<vmem>> -> memref<512x1024xf32, #tpu.memory_space<vmem>>
    tpu.enqueue_dma source(%dma_start3A_1199 : memref<512x1024xf32, #tpu.memory_space<vmem>>) target(%dma_start3A_1195 : memref<512x1024xf32, #tpu.memory_space<any>>) target_semaphore(%dma_start3A_1191 : memref<!tpu.dma_semaphore, #tpu.memory_space<semaphore_mem>>)
    %dma_wait3A_1200 = arith.constant 5 : i32
    %dma_wait3A_1201 = arith.constant 2 : i32
    %dma_wait3A_1202 = arith.constant 5 : i32
    %dma_wait3A_1203 = tpu.memref_slice %arg7[%dma_wait3A_1202] : memref<8x!tpu.dma_semaphore, #tpu.memory_space<semaphore_mem>> -> memref<1x!tpu.dma_semaphore, #tpu.memory_space<semaphore_mem>>
    %dma_wait3A_1204 = tpu.memref_squeeze %dma_wait3A_1203 : memref<1x!tpu.dma_semaphore, #tpu.memory_space<semaphore_mem>> -> memref<!tpu.dma_semaphore, #tpu.memory_space<semaphore_mem>>
    %dma_wait3A_1205 = arith.constant 2560 : i32
    %dma_wait3A_1206 = arith.constant 0 : i32
    %dma_wait3A_1207 = tpu.memref_slice %arg4[%dma_wait3A_1201, %dma_wait3A_1205, %dma_wait3A_1206] : memref<4x4096x1024xf32, #tpu.memory_space<any>> -> memref<1x512x1024xf32, #tpu.memory_space<any>>
    %dma_wait3A_1208 = tpu.memref_squeeze %dma_wait3A_1207 : memref<1x512x1024xf32, #tpu.memory_space<any>> -> memref<512x1024xf32, #tpu.memory_space<any>>
    %dma_wait3A_1209 = arith.constant 0 : i32
    %dma_wait3A_1210 = arith.constant 0 : i32
    %dma_wait3A_1211 = tpu.memref_slice %arg5[%dma_wait3A_1200, %dma_wait3A_1209, %dma_wait3A_1210] : memref<8x512x1024xf32, #tpu.memory_space<vmem>> -> memref<1x512x1024xf32, #tpu.memory_space<vmem>>
    %dma_wait3A_1212 = tpu.memref_squeeze %dma_wait3A_1211 : memref<1x512x1024xf32, #tpu.memory_space<vmem>> -> memref<512x1024xf32, #tpu.memory_space<vmem>>
    tpu.wait_dma2 semaphore(%dma_wait3A_1204 : memref<!tpu.dma_semaphore, #tpu.memory_space<semaphore_mem>>) src(%dma_wait3A_1212 : memref<512x1024xf32, #tpu.memory_space<vmem>>) dst(%dma_wait3A_1208 : memref<512x1024xf32, #tpu.memory_space<any>>)
    %dma_start3A_1213 = arith.constant 3 : i32
    %dma_start3A_1214 = arith.constant 5 : i32
    %dma_start3A_1215 = arith.constant 5 : i32
    %dma_start3A_1216 = tpu.memref_slice %arg6[%dma_start3A_1215] : memref<8x!tpu.dma_semaphore, #tpu.memory_space<semaphore_mem>> -> memref<1x!tpu.dma_semaphore, #tpu.memory_space<semaphore_mem>>
    %dma_start3A_1217 = tpu.memref_squeeze %dma_start3A_1216 : memref<1x!tpu.dma_semaphore, #tpu.memory_space<semaphore_mem>> -> memref<!tpu.dma_semaphore, #tpu.memory_space<semaphore_mem>>
    %dma_start3A_1218 = arith.constant 0 : i32
    %dma_start3A_1219 = arith.constant 0 : i32
    %dma_start3A_1220 = tpu.memref_slice %arg5[%dma_start3A_1214, %dma_start3A_1218, %dma_start3A_1219] : memref<8x512x1024xf32, #tpu.memory_space<vmem>> -> memref<1x512x1024xf32, #tpu.memory_space<vmem>>
    %dma_start3A_1221 = tpu.memref_squeeze %dma_start3A_1220 : memref<1x512x1024xf32, #tpu.memory_space<vmem>> -> memref<512x1024xf32, #tpu.memory_space<vmem>>
    %dma_start3A_1222 = arith.constant 2560 : i32
    %dma_start3A_1223 = arith.constant 0 : i32
    %dma_start3A_1224 = tpu.memref_slice %arg0[%dma_start3A_1213, %dma_start3A_1222, %dma_start3A_1223] : memref<4x4096x1024xf32, #tpu.memory_space<any>> -> memref<1x512x1024xf32, #tpu.memory_space<any>>
    %dma_start3A_1225 = tpu.memref_squeeze %dma_start3A_1224 : memref<1x512x1024xf32, #tpu.memory_space<any>> -> memref<512x1024xf32, #tpu.memory_space<any>>
    tpu.enqueue_dma source(%dma_start3A_1225 : memref<512x1024xf32, #tpu.memory_space<any>>) target(%dma_start3A_1221 : memref<512x1024xf32, #tpu.memory_space<vmem>>) target_semaphore(%dma_start3A_1217 : memref<!tpu.dma_semaphore, #tpu.memory_space<semaphore_mem>>)
    %dma_wait3A_1226 = arith.constant 2 : i32
    %dma_wait3A_1227 = arith.constant 7 : i32
    %dma_wait3A_1228 = arith.constant 7 : i32
    %dma_wait3A_1229 = tpu.memref_slice %arg6[%dma_wait3A_1228] : memref<8x!tpu.dma_semaphore, #tpu.memory_space<semaphore_mem>> -> memref<1x!tpu.dma_semaphore, #tpu.memory_space<semaphore_mem>>
    %dma_wait3A_1230 = tpu.memref_squeeze %dma_wait3A_1229 : memref<1x!tpu.dma_semaphore, #tpu.memory_space<semaphore_mem>> -> memref<!tpu.dma_semaphore, #tpu.memory_space<semaphore_mem>>
    %dma_wait3A_1231 = arith.constant 0 : i32
    %dma_wait3A_1232 = arith.constant 0 : i32
    %dma_wait3A_1233 = tpu.memref_slice %arg5[%dma_wait3A_1227, %dma_wait3A_1231, %dma_wait3A_1232] : memref<8x512x1024xf32, #tpu.memory_space<vmem>> -> memref<1x512x1024xf32, #tpu.memory_space<vmem>>
    %dma_wait3A_1234 = tpu.memref_squeeze %dma_wait3A_1233 : memref<1x512x1024xf32, #tpu.memory_space<vmem>> -> memref<512x1024xf32, #tpu.memory_space<vmem>>
    %dma_wait3A_1235 = arith.constant 3584 : i32
    %dma_wait3A_1236 = arith.constant 0 : i32
    %dma_wait3A_1237 = tpu.memref_slice %arg0[%dma_wait3A_1226, %dma_wait3A_1235, %dma_wait3A_1236] : memref<4x4096x1024xf32, #tpu.memory_space<any>> -> memref<1x512x1024xf32, #tpu.memory_space<any>>
    %dma_wait3A_1238 = tpu.memref_squeeze %dma_wait3A_1237 : memref<1x512x1024xf32, #tpu.memory_space<any>> -> memref<512x1024xf32, #tpu.memory_space<any>>
    tpu.wait_dma2 semaphore(%dma_wait3A_1230 : memref<!tpu.dma_semaphore, #tpu.memory_space<semaphore_mem>>) src(%dma_wait3A_1238 : memref<512x1024xf32, #tpu.memory_space<any>>) dst(%dma_wait3A_1234 : memref<512x1024xf32, #tpu.memory_space<vmem>>)
    %get3A_1239 = arith.constant 2 : index
    %get3A_1240 = arith.constant 0 : index
    %get3A_1241 = vector.load %arg1[%get3A_1239, %get3A_1240] : memref<4x1024xf32, #tpu.memory_space<vmem>>, vector<1x1024xf32>
    %get3A_1242 = vector.shape_cast %get3A_1241 : vector<1x1024xf32> to vector<1024xf32>
    %get3A_1243 = arith.constant 2 : index
    %get3A_1244 = arith.constant 0 : index
    %get3A_1245 = vector.load %arg2[%get3A_1243, %get3A_1244] : memref<4x1024xf32, #tpu.memory_space<vmem>>, vector<1x1024xf32>
    %get3A_1246 = vector.shape_cast %get3A_1245 : vector<1x1024xf32> to vector<1024xf32>
    %get3A_1247 = arith.constant 7 : index
    %get3A_1248 = arith.constant 0 : index
    %get3A_1249 = arith.constant 0 : index
    %get3A_1250 = vector.load %arg5[%get3A_1247, %get3A_1248, %get3A_1249] : memref<8x512x1024xf32, #tpu.memory_space<vmem>>, vector<1x512x1024xf32>
    %get3A_1251 = vector.shape_cast %get3A_1250 : vector<1x512x1024xf32> to vector<512x1024xf32>
    %broadcast_in_dim3A_1252 = vector.shape_cast %get3A_1242 : vector<1024xf32> to vector<1x1024xf32>
    %mul3A_1253 = vector.broadcast %broadcast_in_dim3A_1252 : vector<1x1024xf32> to vector<512x1024xf32>
    %mul3A_1254 = arith.mulf %mul3A_1253, %get3A_1251 : vector<512x1024xf32>
    %broadcast_in_dim3A_1255 = vector.shape_cast %get3A_1246 : vector<1024xf32> to vector<1x1024xf32>
    %add3A_1256 = vector.broadcast %broadcast_in_dim3A_1255 : vector<1x1024xf32> to vector<512x1024xf32>
    %add3A_1257 = arith.addf %mul3A_1254, %add3A_1256 : vector<512x1024xf32>
    %swap3A_1258 = arith.constant 7 : index
    %swap3A_1259 = arith.constant 0 : index
    %swap3A_1260 = arith.constant 0 : index
    %swap3A_1261 = vector.load %arg5[%swap3A_1258, %swap3A_1259, %swap3A_1260] : memref<8x512x1024xf32, #tpu.memory_space<vmem>>, vector<1x512x1024xf32>
    %swap3A_1262 = vector.shape_cast %swap3A_1261 : vector<1x512x1024xf32> to vector<512x1024xf32>
    %swap3A_1263 = vector.shape_cast %add3A_1257 : vector<512x1024xf32> to vector<1x512x1024xf32>
    tpu.vector_store %arg5[%swap3A_1258, %swap3A_1259, %swap3A_1260], %swap3A_1263 {strides = array<i32>} : memref<8x512x1024xf32, #tpu.memory_space<vmem>>, vector<1x512x1024xf32>,
    %dma_start3A_1264 = arith.constant 7 : i32
    %dma_start3A_1265 = arith.constant 2 : i32
    %dma_start3A_1266 = arith.constant 7 : i32
    %dma_start3A_1267 = tpu.memref_slice %arg7[%dma_start3A_1266] : memref<8x!tpu.dma_semaphore, #tpu.memory_space<semaphore_mem>> -> memref<1x!tpu.dma_semaphore, #tpu.memory_space<semaphore_mem>>
    %dma_start3A_1268 = tpu.memref_squeeze %dma_start3A_1267 : memref<1x!tpu.dma_semaphore, #tpu.memory_space<semaphore_mem>> -> memref<!tpu.dma_semaphore, #tpu.memory_space<semaphore_mem>>
    %dma_start3A_1269 = arith.constant 3584 : i32
    %dma_start3A_1270 = arith.constant 0 : i32
    %dma_start3A_1271 = tpu.memref_slice %arg4[%dma_start3A_1265, %dma_start3A_1269, %dma_start3A_1270] : memref<4x4096x1024xf32, #tpu.memory_space<any>> -> memref<1x512x1024xf32, #tpu.memory_space<any>>
    %dma_start3A_1272 = tpu.memref_squeeze %dma_start3A_1271 : memref<1x512x1024xf32, #tpu.memory_space<any>> -> memref<512x1024xf32, #tpu.memory_space<any>>
    %dma_start3A_1273 = arith.constant 0 : i32
    %dma_start3A_1274 = arith.constant 0 : i32
    %dma_start3A_1275 = tpu.memref_slice %arg5[%dma_start3A_1264, %dma_start3A_1273, %dma_start3A_1274] : memref<8x512x1024xf32, #tpu.memory_space<vmem>> -> memref<1x512x1024xf32, #tpu.memory_space<vmem>>
    %dma_start3A_1276 = tpu.memref_squeeze %dma_start3A_1275 : memref<1x512x1024xf32, #tpu.memory_space<vmem>> -> memref<512x1024xf32, #tpu.memory_space<vmem>>
    tpu.enqueue_dma source(%dma_start3A_1276 : memref<512x1024xf32, #tpu.memory_space<vmem>>) target(%dma_start3A_1272 : memref<512x1024xf32, #tpu.memory_space<any>>) target_semaphore(%dma_start3A_1268 : memref<!tpu.dma_semaphore, #tpu.memory_space<semaphore_mem>>)
    %dma_wait3A_1277 = arith.constant 6 : i32
    %dma_wait3A_1278 = arith.constant 2 : i32
    %dma_wait3A_1279 = arith.constant 6 : i32
    %dma_wait3A_1280 = tpu.memref_slice %arg7[%dma_wait3A_1279] : memref<8x!tpu.dma_semaphore, #tpu.memory_space<semaphore_mem>> -> memref<1x!tpu.dma_semaphore, #tpu.memory_space<semaphore_mem>>
    %dma_wait3A_1281 = tpu.memref_squeeze %dma_wait3A_1280 : memref<1x!tpu.dma_semaphore, #tpu.memory_space<semaphore_mem>> -> memref<!tpu.dma_semaphore, #tpu.memory_space<semaphore_mem>>
    %dma_wait3A_1282 = arith.constant 3072 : i32
    %dma_wait3A_1283 = arith.constant 0 : i32
    %dma_wait3A_1284 = tpu.memref_slice %arg4[%dma_wait3A_1278, %dma_wait3A_1282, %dma_wait3A_1283] : memref<4x4096x1024xf32, #tpu.memory_space<any>> -> memref<1x512x1024xf32, #tpu.memory_space<any>>
    %dma_wait3A_1285 = tpu.memref_squeeze %dma_wait3A_1284 : memref<1x512x1024xf32, #tpu.memory_space<any>> -> memref<512x1024xf32, #tpu.memory_space<any>>
    %dma_wait3A_1286 = arith.constant 0 : i32
    %dma_wait3A_1287 = arith.constant 0 : i32
    %dma_wait3A_1288 = tpu.memref_slice %arg5[%dma_wait3A_1277, %dma_wait3A_1286, %dma_wait3A_1287] : memref<8x512x1024xf32, #tpu.memory_space<vmem>> -> memref<1x512x1024xf32, #tpu.memory_space<vmem>>
    %dma_wait3A_1289 = tpu.memref_squeeze %dma_wait3A_1288 : memref<1x512x1024xf32, #tpu.memory_space<vmem>> -> memref<512x1024xf32, #tpu.memory_space<vmem>>
    tpu.wait_dma2 semaphore(%dma_wait3A_1281 : memref<!tpu.dma_semaphore, #tpu.memory_space<semaphore_mem>>) src(%dma_wait3A_1289 : memref<512x1024xf32, #tpu.memory_space<vmem>>) dst(%dma_wait3A_1285 : memref<512x1024xf32, #tpu.memory_space<any>>)
    %dma_start3A_1290 = arith.constant 3 : i32
    %dma_start3A_1291 = arith.constant 6 : i32
    %dma_start3A_1292 = arith.constant 6 : i32
    %dma_start3A_1293 = tpu.memref_slice %arg6[%dma_start3A_1292] : memref<8x!tpu.dma_semaphore, #tpu.memory_space<semaphore_mem>> -> memref<1x!tpu.dma_semaphore, #tpu.memory_space<semaphore_mem>>
    %dma_start3A_1294 = tpu.memref_squeeze %dma_start3A_1293 : memref<1x!tpu.dma_semaphore, #tpu.memory_space<semaphore_mem>> -> memref<!tpu.dma_semaphore, #tpu.memory_space<semaphore_mem>>
    %dma_start3A_1295 = arith.constant 0 : i32
    %dma_start3A_1296 = arith.constant 0 : i32
    %dma_start3A_1297 = tpu.memref_slice %arg5[%dma_start3A_1291, %dma_start3A_1295, %dma_start3A_1296] : memref<8x512x1024xf32, #tpu.memory_space<vmem>> -> memref<1x512x1024xf32, #tpu.memory_space<vmem>>
    %dma_start3A_1298 = tpu.memref_squeeze %dma_start3A_1297 : memref<1x512x1024xf32, #tpu.memory_space<vmem>> -> memref<512x1024xf32, #tpu.memory_space<vmem>>
    %dma_start3A_1299 = arith.constant 3072 : i32
    %dma_start3A_1300 = arith.constant 0 : i32
    %dma_start3A_1301 = tpu.memref_slice %arg0[%dma_start3A_1290, %dma_start3A_1299, %dma_start3A_1300] : memref<4x4096x1024xf32, #tpu.memory_space<any>> -> memref<1x512x1024xf32, #tpu.memory_space<any>>
    %dma_start3A_1302 = tpu.memref_squeeze %dma_start3A_1301 : memref<1x512x1024xf32, #tpu.memory_space<any>> -> memref<512x1024xf32, #tpu.memory_space<any>>
    tpu.enqueue_dma source(%dma_start3A_1302 : memref<512x1024xf32, #tpu.memory_space<any>>) target(%dma_start3A_1298 : memref<512x1024xf32, #tpu.memory_space<vmem>>) target_semaphore(%dma_start3A_1294 : memref<!tpu.dma_semaphore, #tpu.memory_space<semaphore_mem>>)
    %dma_wait3A_1303 = arith.constant 3 : i32
    %dma_wait3A_1304 = arith.constant 0 : i32
    %dma_wait3A_1305 = arith.constant 0 : i32
    %dma_wait3A_1306 = tpu.memref_slice %arg6[%dma_wait3A_1305] : memref<8x!tpu.dma_semaphore, #tpu.memory_space<semaphore_mem>> -> memref<1x!tpu.dma_semaphore, #tpu.memory_space<semaphore_mem>>
    %dma_wait3A_1307 = tpu.memref_squeeze %dma_wait3A_1306 : memref<1x!tpu.dma_semaphore, #tpu.memory_space<semaphore_mem>> -> memref<!tpu.dma_semaphore, #tpu.memory_space<semaphore_mem>>
    %dma_wait3A_1308 = arith.constant 0 : i32
    %dma_wait3A_1309 = arith.constant 0 : i32
    %dma_wait3A_1310 = tpu.memref_slice %arg5[%dma_wait3A_1304, %dma_wait3A_1308, %dma_wait3A_1309] : memref<8x512x1024xf32, #tpu.memory_space<vmem>> -> memref<1x512x1024xf32, #tpu.memory_space<vmem>>
    %dma_wait3A_1311 = tpu.memref_squeeze %dma_wait3A_1310 : memref<1x512x1024xf32, #tpu.memory_space<vmem>> -> memref<512x1024xf32, #tpu.memory_space<vmem>>
    %dma_wait3A_1312 = arith.constant 0 : i32
    %dma_wait3A_1313 = arith.constant 0 : i32
    %dma_wait3A_1314 = tpu.memref_slice %arg0[%dma_wait3A_1303, %dma_wait3A_1312, %dma_wait3A_1313] : memref<4x4096x1024xf32, #tpu.memory_space<any>> -> memref<1x512x1024xf32, #tpu.memory_space<any>>
    %dma_wait3A_1315 = tpu.memref_squeeze %dma_wait3A_1314 : memref<1x512x1024xf32, #tpu.memory_space<any>> -> memref<512x1024xf32, #tpu.memory_space<any>>
    tpu.wait_dma2 semaphore(%dma_wait3A_1307 : memref<!tpu.dma_semaphore, #tpu.memory_space<semaphore_mem>>) src(%dma_wait3A_1315 : memref<512x1024xf32, #tpu.memory_space<any>>) dst(%dma_wait3A_1311 : memref<512x1024xf32, #tpu.memory_space<vmem>>)
    %get3A_1316 = arith.constant 3 : index
    %get3A_1317 = arith.constant 0 : index
    %get3A_1318 = vector.load %arg1[%get3A_1316, %get3A_1317] : memref<4x1024xf32, #tpu.memory_space<vmem>>, vector<1x1024xf32>
    %get3A_1319 = vector.shape_cast %get3A_1318 : vector<1x1024xf32> to vector<1024xf32>
    %get3A_1320 = arith.constant 3 : index
    %get3A_1321 = arith.constant 0 : index
    %get3A_1322 = vector.load %arg2[%get3A_1320, %get3A_1321] : memref<4x1024xf32, #tpu.memory_space<vmem>>, vector<1x1024xf32>
    %get3A_1323 = vector.shape_cast %get3A_1322 : vector<1x1024xf32> to vector<1024xf32>
    %get3A_1324 = arith.constant 0 : index
    %get3A_1325 = arith.constant 0 : index
    %get3A_1326 = arith.constant 0 : index
    %get3A_1327 = vector.load %arg5[%get3A_1324, %get3A_1325, %get3A_1326] : memref<8x512x1024xf32, #tpu.memory_space<vmem>>, vector<1x512x1024xf32>
    %get3A_1328 = vector.shape_cast %get3A_1327 : vector<1x512x1024xf32> to vector<512x1024xf32>
    %broadcast_in_dim3A_1329 = vector.shape_cast %get3A_1319 : vector<1024xf32> to vector<1x1024xf32>
    %mul3A_1330 = vector.broadcast %broadcast_in_dim3A_1329 : vector<1x1024xf32> to vector<512x1024xf32>
    %mul3A_1331 = arith.mulf %mul3A_1330, %get3A_1328 : vector<512x1024xf32>
    %broadcast_in_dim3A_1332 = vector.shape_cast %get3A_1323 : vector<1024xf32> to vector<1x1024xf32>
    %add3A_1333 = vector.broadcast %broadcast_in_dim3A_1332 : vector<1x1024xf32> to vector<512x1024xf32>
    %add3A_1334 = arith.addf %mul3A_1331, %add3A_1333 : vector<512x1024xf32>
    %swap3A_1335 = arith.constant 0 : index
    %swap3A_1336 = arith.constant 0 : index
    %swap3A_1337 = arith.constant 0 : index
    %swap3A_1338 = vector.load %arg5[%swap3A_1335, %swap3A_1336, %swap3A_1337] : memref<8x512x1024xf32, #tpu.memory_space<vmem>>, vector<1x512x1024xf32>
    %swap3A_1339 = vector.shape_cast %swap3A_1338 : vector<1x512x1024xf32> to vector<512x1024xf32>
    %swap3A_1340 = vector.shape_cast %add3A_1334 : vector<512x1024xf32> to vector<1x512x1024xf32>
    tpu.vector_store %arg5[%swap3A_1335, %swap3A_1336, %swap3A_1337], %swap3A_1340 {strides = array<i32>} : memref<8x512x1024xf32, #tpu.memory_space<vmem>>, vector<1x512x1024xf32>,
    %dma_start3A_1341 = arith.constant 0 : i32
    %dma_start3A_1342 = arith.constant 3 : i32
    %dma_start3A_1343 = arith.constant 0 : i32
    %dma_start3A_1344 = tpu.memref_slice %arg7[%dma_start3A_1343] : memref<8x!tpu.dma_semaphore, #tpu.memory_space<semaphore_mem>> -> memref<1x!tpu.dma_semaphore, #tpu.memory_space<semaphore_mem>>
    %dma_start3A_1345 = tpu.memref_squeeze %dma_start3A_1344 : memref<1x!tpu.dma_semaphore, #tpu.memory_space<semaphore_mem>> -> memref<!tpu.dma_semaphore, #tpu.memory_space<semaphore_mem>>
    %dma_start3A_1346 = arith.constant 0 : i32
    %dma_start3A_1347 = arith.constant 0 : i32
    %dma_start3A_1348 = tpu.memref_slice %arg4[%dma_start3A_1342, %dma_start3A_1346, %dma_start3A_1347] : memref<4x4096x1024xf32, #tpu.memory_space<any>> -> memref<1x512x1024xf32, #tpu.memory_space<any>>
    %dma_start3A_1349 = tpu.memref_squeeze %dma_start3A_1348 : memref<1x512x1024xf32, #tpu.memory_space<any>> -> memref<512x1024xf32, #tpu.memory_space<any>>
    %dma_start3A_1350 = arith.constant 0 : i32
    %dma_start3A_1351 = arith.constant 0 : i32
    %dma_start3A_1352 = tpu.memref_slice %arg5[%dma_start3A_1341, %dma_start3A_1350, %dma_start3A_1351] : memref<8x512x1024xf32, #tpu.memory_space<vmem>> -> memref<1x512x1024xf32, #tpu.memory_space<vmem>>
    %dma_start3A_1353 = tpu.memref_squeeze %dma_start3A_1352 : memref<1x512x1024xf32, #tpu.memory_space<vmem>> -> memref<512x1024xf32, #tpu.memory_space<vmem>>
    tpu.enqueue_dma source(%dma_start3A_1353 : memref<512x1024xf32, #tpu.memory_space<vmem>>) target(%dma_start3A_1349 : memref<512x1024xf32, #tpu.memory_space<any>>) target_semaphore(%dma_start3A_1345 : memref<!tpu.dma_semaphore, #tpu.memory_space<semaphore_mem>>)
    %dma_wait3A_1354 = arith.constant 7 : i32
    %dma_wait3A_1355 = arith.constant 2 : i32
    %dma_wait3A_1356 = arith.constant 7 : i32
    %dma_wait3A_1357 = tpu.memref_slice %arg7[%dma_wait3A_1356] : memref<8x!tpu.dma_semaphore, #tpu.memory_space<semaphore_mem>> -> memref<1x!tpu.dma_semaphore, #tpu.memory_space<semaphore_mem>>
    %dma_wait3A_1358 = tpu.memref_squeeze %dma_wait3A_1357 : memref<1x!tpu.dma_semaphore, #tpu.memory_space<semaphore_mem>> -> memref<!tpu.dma_semaphore, #tpu.memory_space<semaphore_mem>>
    %dma_wait3A_1359 = arith.constant 3584 : i32
    %dma_wait3A_1360 = arith.constant 0 : i32
    %dma_wait3A_1361 = tpu.memref_slice %arg4[%dma_wait3A_1355, %dma_wait3A_1359, %dma_wait3A_1360] : memref<4x4096x1024xf32, #tpu.memory_space<any>> -> memref<1x512x1024xf32, #tpu.memory_space<any>>
    %dma_wait3A_1362 = tpu.memref_squeeze %dma_wait3A_1361 : memref<1x512x1024xf32, #tpu.memory_space<any>> -> memref<512x1024xf32, #tpu.memory_space<any>>
    %dma_wait3A_1363 = arith.constant 0 : i32
    %dma_wait3A_1364 = arith.constant 0 : i32
    %dma_wait3A_1365 = tpu.memref_slice %arg5[%dma_wait3A_1354, %dma_wait3A_1363, %dma_wait3A_1364] : memref<8x512x1024xf32, #tpu.memory_space<vmem>> -> memref<1x512x1024xf32, #tpu.memory_space<vmem>>
    %dma_wait3A_1366 = tpu.memref_squeeze %dma_wait3A_1365 : memref<1x512x1024xf32, #tpu.memory_space<vmem>> -> memref<512x1024xf32, #tpu.memory_space<vmem>>
    tpu.wait_dma2 semaphore(%dma_wait3A_1358 : memref<!tpu.dma_semaphore, #tpu.memory_space<semaphore_mem>>) src(%dma_wait3A_1366 : memref<512x1024xf32, #tpu.memory_space<vmem>>) dst(%dma_wait3A_1362 : memref<512x1024xf32, #tpu.memory_space<any>>)
    %dma_start3A_1367 = arith.constant 3 : i32
    %dma_start3A_1368 = arith.constant 7 : i32
    %dma_start3A_1369 = arith.constant 7 : i32
    %dma_start3A_1370 = tpu.memref_slice %arg6[%dma_start3A_1369] : memref<8x!tpu.dma_semaphore, #tpu.memory_space<semaphore_mem>> -> memref<1x!tpu.dma_semaphore, #tpu.memory_space<semaphore_mem>>
    %dma_start3A_1371 = tpu.memref_squeeze %dma_start3A_1370 : memref<1x!tpu.dma_semaphore, #tpu.memory_space<semaphore_mem>> -> memref<!tpu.dma_semaphore, #tpu.memory_space<semaphore_mem>>
    %dma_start3A_1372 = arith.constant 0 : i32
    %dma_start3A_1373 = arith.constant 0 : i32
    %dma_start3A_1374 = tpu.memref_slice %arg5[%dma_start3A_1368, %dma_start3A_1372, %dma_start3A_1373] : memref<8x512x1024xf32, #tpu.memory_space<vmem>> -> memref<1x512x1024xf32, #tpu.memory_space<vmem>>
    %dma_start3A_1375 = tpu.memref_squeeze %dma_start3A_1374 : memref<1x512x1024xf32, #tpu.memory_space<vmem>> -> memref<512x1024xf32, #tpu.memory_space<vmem>>
    %dma_start3A_1376 = arith.constant 3584 : i32
    %dma_start3A_1377 = arith.constant 0 : i32
    %dma_start3A_1378 = tpu.memref_slice %arg0[%dma_start3A_1367, %dma_start3A_1376, %dma_start3A_1377] : memref<4x4096x1024xf32, #tpu.memory_space<any>> -> memref<1x512x1024xf32, #tpu.memory_space<any>>
    %dma_start3A_1379 = tpu.memref_squeeze %dma_start3A_1378 : memref<1x512x1024xf32, #tpu.memory_space<any>> -> memref<512x1024xf32, #tpu.memory_space<any>>
    tpu.enqueue_dma source(%dma_start3A_1379 : memref<512x1024xf32, #tpu.memory_space<any>>) target(%dma_start3A_1375 : memref<512x1024xf32, #tpu.memory_space<vmem>>) target_semaphore(%dma_start3A_1371 : memref<!tpu.dma_semaphore, #tpu.memory_space<semaphore_mem>>)
    %dma_wait3A_1380 = arith.constant 3 : i32
    %dma_wait3A_1381 = arith.constant 1 : i32
    %dma_wait3A_1382 = arith.constant 1 : i32
    %dma_wait3A_1383 = tpu.memref_slice %arg6[%dma_wait3A_1382] : memref<8x!tpu.dma_semaphore, #tpu.memory_space<semaphore_mem>> -> memref<1x!tpu.dma_semaphore, #tpu.memory_space<semaphore_mem>>
    %dma_wait3A_1384 = tpu.memref_squeeze %dma_wait3A_1383 : memref<1x!tpu.dma_semaphore, #tpu.memory_space<semaphore_mem>> -> memref<!tpu.dma_semaphore, #tpu.memory_space<semaphore_mem>>
    %dma_wait3A_1385 = arith.constant 0 : i32
    %dma_wait3A_1386 = arith.constant 0 : i32
    %dma_wait3A_1387 = tpu.memref_slice %arg5[%dma_wait3A_1381, %dma_wait3A_1385, %dma_wait3A_1386] : memref<8x512x1024xf32, #tpu.memory_space<vmem>> -> memref<1x512x1024xf32, #tpu.memory_space<vmem>>
    %dma_wait3A_1388 = tpu.memref_squeeze %dma_wait3A_1387 : memref<1x512x1024xf32, #tpu.memory_space<vmem>> -> memref<512x1024xf32, #tpu.memory_space<vmem>>
    %dma_wait3A_1389 = arith.constant 512 : i32
    %dma_wait3A_1390 = arith.constant 0 : i32
    %dma_wait3A_1391 = tpu.memref_slice %arg0[%dma_wait3A_1380, %dma_wait3A_1389, %dma_wait3A_1390] : memref<4x4096x1024xf32, #tpu.memory_space<any>> -> memref<1x512x1024xf32, #tpu.memory_space<any>>
    %dma_wait3A_1392 = tpu.memref_squeeze %dma_wait3A_1391 : memref<1x512x1024xf32, #tpu.memory_space<any>> -> memref<512x1024xf32, #tpu.memory_space<any>>
    tpu.wait_dma2 semaphore(%dma_wait3A_1384 : memref<!tpu.dma_semaphore, #tpu.memory_space<semaphore_mem>>) src(%dma_wait3A_1392 : memref<512x1024xf32, #tpu.memory_space<any>>) dst(%dma_wait3A_1388 : memref<512x1024xf32, #tpu.memory_space<vmem>>)
    %get3A_1393 = arith.constant 3 : index
    %get3A_1394 = arith.constant 0 : index
    %get3A_1395 = vector.load %arg1[%get3A_1393, %get3A_1394] : memref<4x1024xf32, #tpu.memory_space<vmem>>, vector<1x1024xf32>
    %get3A_1396 = vector.shape_cast %get3A_1395 : vector<1x1024xf32> to vector<1024xf32>
    %get3A_1397 = arith.constant 3 : index
    %get3A_1398 = arith.constant 0 : index
    %get3A_1399 = vector.load %arg2[%get3A_1397, %get3A_1398] : memref<4x1024xf32, #tpu.memory_space<vmem>>, vector<1x1024xf32>
    %get3A_1400 = vector.shape_cast %get3A_1399 : vector<1x1024xf32> to vector<1024xf32>
    %get3A_1401 = arith.constant 1 : index
    %get3A_1402 = arith.constant 0 : index
    %get3A_1403 = arith.constant 0 : index
    %get3A_1404 = vector.load %arg5[%get3A_1401, %get3A_1402, %get3A_1403] : memref<8x512x1024xf32, #tpu.memory_space<vmem>>, vector<1x512x1024xf32>
    %get3A_1405 = vector.shape_cast %get3A_1404 : vector<1x512x1024xf32> to vector<512x1024xf32>
    %broadcast_in_dim3A_1406 = vector.shape_cast %get3A_1396 : vector<1024xf32> to vector<1x1024xf32>
    %mul3A_1407 = vector.broadcast %broadcast_in_dim3A_1406 : vector<1x1024xf32> to vector<512x1024xf32>
    %mul3A_1408 = arith.mulf %mul3A_1407, %get3A_1405 : vector<512x1024xf32>
    %broadcast_in_dim3A_1409 = vector.shape_cast %get3A_1400 : vector<1024xf32> to vector<1x1024xf32>
    %add3A_1410 = vector.broadcast %broadcast_in_dim3A_1409 : vector<1x1024xf32> to vector<512x1024xf32>
    %add3A_1411 = arith.addf %mul3A_1408, %add3A_1410 : vector<512x1024xf32>
    %swap3A_1412 = arith.constant 1 : index
    %swap3A_1413 = arith.constant 0 : index
    %swap3A_1414 = arith.constant 0 : index
    %swap3A_1415 = vector.load %arg5[%swap3A_1412, %swap3A_1413, %swap3A_1414] : memref<8x512x1024xf32, #tpu.memory_space<vmem>>, vector<1x512x1024xf32>
    %swap3A_1416 = vector.shape_cast %swap3A_1415 : vector<1x512x1024xf32> to vector<512x1024xf32>
    %swap3A_1417 = vector.shape_cast %add3A_1411 : vector<512x1024xf32> to vector<1x512x1024xf32>
    tpu.vector_store %arg5[%swap3A_1412, %swap3A_1413, %swap3A_1414], %swap3A_1417 {strides = array<i32>} : memref<8x512x1024xf32, #tpu.memory_space<vmem>>, vector<1x512x1024xf32>,
    %dma_start3A_1418 = arith.constant 1 : i32
    %dma_start3A_1419 = arith.constant 3 : i32
    %dma_start3A_1420 = arith.constant 1 : i32
    %dma_start3A_1421 = tpu.memref_slice %arg7[%dma_start3A_1420] : memref<8x!tpu.dma_semaphore, #tpu.memory_space<semaphore_mem>> -> memref<1x!tpu.dma_semaphore, #tpu.memory_space<semaphore_mem>>
    %dma_start3A_1422 = tpu.memref_squeeze %dma_start3A_1421 : memref<1x!tpu.dma_semaphore, #tpu.memory_space<semaphore_mem>> -> memref<!tpu.dma_semaphore, #tpu.memory_space<semaphore_mem>>
    %dma_start3A_1423 = arith.constant 512 : i32
    %dma_start3A_1424 = arith.constant 0 : i32
    %dma_start3A_1425 = tpu.memref_slice %arg4[%dma_start3A_1419, %dma_start3A_1423, %dma_start3A_1424] : memref<4x4096x1024xf32, #tpu.memory_space<any>> -> memref<1x512x1024xf32, #tpu.memory_space<any>>
    %dma_start3A_1426 = tpu.memref_squeeze %dma_start3A_1425 : memref<1x512x1024xf32, #tpu.memory_space<any>> -> memref<512x1024xf32, #tpu.memory_space<any>>
    %dma_start3A_1427 = arith.constant 0 : i32
    %dma_start3A_1428 = arith.constant 0 : i32
    %dma_start3A_1429 = tpu.memref_slice %arg5[%dma_start3A_1418, %dma_start3A_1427, %dma_start3A_1428] : memref<8x512x1024xf32, #tpu.memory_space<vmem>> -> memref<1x512x1024xf32, #tpu.memory_space<vmem>>
    %dma_start3A_1430 = tpu.memref_squeeze %dma_start3A_1429 : memref<1x512x1024xf32, #tpu.memory_space<vmem>> -> memref<512x1024xf32, #tpu.memory_space<vmem>>
    tpu.enqueue_dma source(%dma_start3A_1430 : memref<512x1024xf32, #tpu.memory_space<vmem>>) target(%dma_start3A_1426 : memref<512x1024xf32, #tpu.memory_space<any>>) target_semaphore(%dma_start3A_1422 : memref<!tpu.dma_semaphore, #tpu.memory_space<semaphore_mem>>)
    %dma_wait3A_1431 = arith.constant 3 : i32
    %dma_wait3A_1432 = arith.constant 2 : i32
    %dma_wait3A_1433 = arith.constant 2 : i32
    %dma_wait3A_1434 = tpu.memref_slice %arg6[%dma_wait3A_1433] : memref<8x!tpu.dma_semaphore, #tpu.memory_space<semaphore_mem>> -> memref<1x!tpu.dma_semaphore, #tpu.memory_space<semaphore_mem>>
    %dma_wait3A_1435 = tpu.memref_squeeze %dma_wait3A_1434 : memref<1x!tpu.dma_semaphore, #tpu.memory_space<semaphore_mem>> -> memref<!tpu.dma_semaphore, #tpu.memory_space<semaphore_mem>>
    %dma_wait3A_1436 = arith.constant 0 : i32
    %dma_wait3A_1437 = arith.constant 0 : i32
    %dma_wait3A_1438 = tpu.memref_slice %arg5[%dma_wait3A_1432, %dma_wait3A_1436, %dma_wait3A_1437] : memref<8x512x1024xf32, #tpu.memory_space<vmem>> -> memref<1x512x1024xf32, #tpu.memory_space<vmem>>
    %dma_wait3A_1439 = tpu.memref_squeeze %dma_wait3A_1438 : memref<1x512x1024xf32, #tpu.memory_space<vmem>> -> memref<512x1024xf32, #tpu.memory_space<vmem>>
    %dma_wait3A_1440 = arith.constant 1024 : i32
    %dma_wait3A_1441 = arith.constant 0 : i32
    %dma_wait3A_1442 = tpu.memref_slice %arg0[%dma_wait3A_1431, %dma_wait3A_1440, %dma_wait3A_1441] : memref<4x4096x1024xf32, #tpu.memory_space<any>> -> memref<1x512x1024xf32, #tpu.memory_space<any>>
    %dma_wait3A_1443 = tpu.memref_squeeze %dma_wait3A_1442 : memref<1x512x1024xf32, #tpu.memory_space<any>> -> memref<512x1024xf32, #tpu.memory_space<any>>
    tpu.wait_dma2 semaphore(%dma_wait3A_1435 : memref<!tpu.dma_semaphore, #tpu.memory_space<semaphore_mem>>) src(%dma_wait3A_1443 : memref<512x1024xf32, #tpu.memory_space<any>>) dst(%dma_wait3A_1439 : memref<512x1024xf32, #tpu.memory_space<vmem>>)
    %get3A_1444 = arith.constant 3 : index
    %get3A_1445 = arith.constant 0 : index
    %get3A_1446 = vector.load %arg1[%get3A_1444, %get3A_1445] : memref<4x1024xf32, #tpu.memory_space<vmem>>, vector<1x1024xf32>
    %get3A_1447 = vector.shape_cast %get3A_1446 : vector<1x1024xf32> to vector<1024xf32>
    %get3A_1448 = arith.constant 3 : index
    %get3A_1449 = arith.constant 0 : index
    %get3A_1450 = vector.load %arg2[%get3A_1448, %get3A_1449] : memref<4x1024xf32, #tpu.memory_space<vmem>>, vector<1x1024xf32>
    %get3A_1451 = vector.shape_cast %get3A_1450 : vector<1x1024xf32> to vector<1024xf32>
    %get3A_1452 = arith.constant 2 : index
    %get3A_1453 = arith.constant 0 : index
    %get3A_1454 = arith.constant 0 : index
    %get3A_1455 = vector.load %arg5[%get3A_1452, %get3A_1453, %get3A_1454] : memref<8x512x1024xf32, #tpu.memory_space<vmem>>, vector<1x512x1024xf32>
    %get3A_1456 = vector.shape_cast %get3A_1455 : vector<1x512x1024xf32> to vector<512x1024xf32>
    %broadcast_in_dim3A_1457 = vector.shape_cast %get3A_1447 : vector<1024xf32> to vector<1x1024xf32>
    %mul3A_1458 = vector.broadcast %broadcast_in_dim3A_1457 : vector<1x1024xf32> to vector<512x1024xf32>
    %mul3A_1459 = arith.mulf %mul3A_1458, %get3A_1456 : vector<512x1024xf32>
    %broadcast_in_dim3A_1460 = vector.shape_cast %get3A_1451 : vector<1024xf32> to vector<1x1024xf32>
    %add3A_1461 = vector.broadcast %broadcast_in_dim3A_1460 : vector<1x1024xf32> to vector<512x1024xf32>
    %add3A_1462 = arith.addf %mul3A_1459, %add3A_1461 : vector<512x1024xf32>
    %swap3A_1463 = arith.constant 2 : index
    %swap3A_1464 = arith.constant 0 : index
    %swap3A_1465 = arith.constant 0 : index
    %swap3A_1466 = vector.load %arg5[%swap3A_1463, %swap3A_1464, %swap3A_1465] : memref<8x512x1024xf32, #tpu.memory_space<vmem>>, vector<1x512x1024xf32>
    %swap3A_1467 = vector.shape_cast %swap3A_1466 : vector<1x512x1024xf32> to vector<512x1024xf32>
    %swap3A_1468 = vector.shape_cast %add3A_1462 : vector<512x1024xf32> to vector<1x512x1024xf32>
    tpu.vector_store %arg5[%swap3A_1463, %swap3A_1464, %swap3A_1465], %swap3A_1468 {strides = array<i32>} : memref<8x512x1024xf32, #tpu.memory_space<vmem>>, vector<1x512x1024xf32>,
    %dma_start3A_1469 = arith.constant 2 : i32
    %dma_start3A_1470 = arith.constant 3 : i32
    %dma_start3A_1471 = arith.constant 2 : i32
    %dma_start3A_1472 = tpu.memref_slice %arg7[%dma_start3A_1471] : memref<8x!tpu.dma_semaphore, #tpu.memory_space<semaphore_mem>> -> memref<1x!tpu.dma_semaphore, #tpu.memory_space<semaphore_mem>>
    %dma_start3A_1473 = tpu.memref_squeeze %dma_start3A_1472 : memref<1x!tpu.dma_semaphore, #tpu.memory_space<semaphore_mem>> -> memref<!tpu.dma_semaphore, #tpu.memory_space<semaphore_mem>>
    %dma_start3A_1474 = arith.constant 1024 : i32
    %dma_start3A_1475 = arith.constant 0 : i32
    %dma_start3A_1476 = tpu.memref_slice %arg4[%dma_start3A_1470, %dma_start3A_1474, %dma_start3A_1475] : memref<4x4096x1024xf32, #tpu.memory_space<any>> -> memref<1x512x1024xf32, #tpu.memory_space<any>>
    %dma_start3A_1477 = tpu.memref_squeeze %dma_start3A_1476 : memref<1x512x1024xf32, #tpu.memory_space<any>> -> memref<512x1024xf32, #tpu.memory_space<any>>
    %dma_start3A_1478 = arith.constant 0 : i32
    %dma_start3A_1479 = arith.constant 0 : i32
    %dma_start3A_1480 = tpu.memref_slice %arg5[%dma_start3A_1469, %dma_start3A_1478, %dma_start3A_1479] : memref<8x512x1024xf32, #tpu.memory_space<vmem>> -> memref<1x512x1024xf32, #tpu.memory_space<vmem>>
    %dma_start3A_1481 = tpu.memref_squeeze %dma_start3A_1480 : memref<1x512x1024xf32, #tpu.memory_space<vmem>> -> memref<512x1024xf32, #tpu.memory_space<vmem>>
    tpu.enqueue_dma source(%dma_start3A_1481 : memref<512x1024xf32, #tpu.memory_space<vmem>>) target(%dma_start3A_1477 : memref<512x1024xf32, #tpu.memory_space<any>>) target_semaphore(%dma_start3A_1473 : memref<!tpu.dma_semaphore, #tpu.memory_space<semaphore_mem>>)
    %dma_wait3A_1482 = arith.constant 3 : i32
    %dma_wait3A_1483 = arith.constant 3 : i32
    %dma_wait3A_1484 = arith.constant 3 : i32
    %dma_wait3A_1485 = tpu.memref_slice %arg6[%dma_wait3A_1484] : memref<8x!tpu.dma_semaphore, #tpu.memory_space<semaphore_mem>> -> memref<1x!tpu.dma_semaphore, #tpu.memory_space<semaphore_mem>>
    %dma_wait3A_1486 = tpu.memref_squeeze %dma_wait3A_1485 : memref<1x!tpu.dma_semaphore, #tpu.memory_space<semaphore_mem>> -> memref<!tpu.dma_semaphore, #tpu.memory_space<semaphore_mem>>
    %dma_wait3A_1487 = arith.constant 0 : i32
    %dma_wait3A_1488 = arith.constant 0 : i32
    %dma_wait3A_1489 = tpu.memref_slice %arg5[%dma_wait3A_1483, %dma_wait3A_1487, %dma_wait3A_1488] : memref<8x512x1024xf32, #tpu.memory_space<vmem>> -> memref<1x512x1024xf32, #tpu.memory_space<vmem>>
    %dma_wait3A_1490 = tpu.memref_squeeze %dma_wait3A_1489 : memref<1x512x1024xf32, #tpu.memory_space<vmem>> -> memref<512x1024xf32, #tpu.memory_space<vmem>>
    %dma_wait3A_1491 = arith.constant 1536 : i32
    %dma_wait3A_1492 = arith.constant 0 : i32
    %dma_wait3A_1493 = tpu.memref_slice %arg0[%dma_wait3A_1482, %dma_wait3A_1491, %dma_wait3A_1492] : memref<4x4096x1024xf32, #tpu.memory_space<any>> -> memref<1x512x1024xf32, #tpu.memory_space<any>>
    %dma_wait3A_1494 = tpu.memref_squeeze %dma_wait3A_1493 : memref<1x512x1024xf32, #tpu.memory_space<any>> -> memref<512x1024xf32, #tpu.memory_space<any>>
    tpu.wait_dma2 semaphore(%dma_wait3A_1486 : memref<!tpu.dma_semaphore, #tpu.memory_space<semaphore_mem>>) src(%dma_wait3A_1494 : memref<512x1024xf32, #tpu.memory_space<any>>) dst(%dma_wait3A_1490 : memref<512x1024xf32, #tpu.memory_space<vmem>>)
    %get3A_1495 = arith.constant 3 : index
    %get3A_1496 = arith.constant 0 : index
    %get3A_1497 = vector.load %arg1[%get3A_1495, %get3A_1496] : memref<4x1024xf32, #tpu.memory_space<vmem>>, vector<1x1024xf32>
    %get3A_1498 = vector.shape_cast %get3A_1497 : vector<1x1024xf32> to vector<1024xf32>
    %get3A_1499 = arith.constant 3 : index
    %get3A_1500 = arith.constant 0 : index
    %get3A_1501 = vector.load %arg2[%get3A_1499, %get3A_1500] : memref<4x1024xf32, #tpu.memory_space<vmem>>, vector<1x1024xf32>
    %get3A_1502 = vector.shape_cast %get3A_1501 : vector<1x1024xf32> to vector<1024xf32>
    %get3A_1503 = arith.constant 3 : index
    %get3A_1504 = arith.constant 0 : index
    %get3A_1505 = arith.constant 0 : index
    %get3A_1506 = vector.load %arg5[%get3A_1503, %get3A_1504, %get3A_1505] : memref<8x512x1024xf32, #tpu.memory_space<vmem>>, vector<1x512x1024xf32>
    %get3A_1507 = vector.shape_cast %get3A_1506 : vector<1x512x1024xf32> to vector<512x1024xf32>
    %broadcast_in_dim3A_1508 = vector.shape_cast %get3A_1498 : vector<1024xf32> to vector<1x1024xf32>
    %mul3A_1509 = vector.broadcast %broadcast_in_dim3A_1508 : vector<1x1024xf32> to vector<512x1024xf32>
    %mul3A_1510 = arith.mulf %mul3A_1509, %get3A_1507 : vector<512x1024xf32>
    %broadcast_in_dim3A_1511 = vector.shape_cast %get3A_1502 : vector<1024xf32> to vector<1x1024xf32>
    %add3A_1512 = vector.broadcast %broadcast_in_dim3A_1511 : vector<1x1024xf32> to vector<512x1024xf32>
    %add3A_1513 = arith.addf %mul3A_1510, %add3A_1512 : vector<512x1024xf32>
    %swap3A_1514 = arith.constant 3 : index
    %swap3A_1515 = arith.constant 0 : index
    %swap3A_1516 = arith.constant 0 : index
    %swap3A_1517 = vector.load %arg5[%swap3A_1514, %swap3A_1515, %swap3A_1516] : memref<8x512x1024xf32, #tpu.memory_space<vmem>>, vector<1x512x1024xf32>
    %swap3A_1518 = vector.shape_cast %swap3A_1517 : vector<1x512x1024xf32> to vector<512x1024xf32>
    %swap3A_1519 = vector.shape_cast %add3A_1513 : vector<512x1024xf32> to vector<1x512x1024xf32>
    tpu.vector_store %arg5[%swap3A_1514, %swap3A_1515, %swap3A_1516], %swap3A_1519 {strides = array<i32>} : memref<8x512x1024xf32, #tpu.memory_space<vmem>>, vector<1x512x1024xf32>,
    %dma_start3A_1520 = arith.constant 3 : i32
    %dma_start3A_1521 = arith.constant 3 : i32
    %dma_start3A_1522 = arith.constant 3 : i32
    %dma_start3A_1523 = tpu.memref_slice %arg7[%dma_start3A_1522] : memref<8x!tpu.dma_semaphore, #tpu.memory_space<semaphore_mem>> -> memref<1x!tpu.dma_semaphore, #tpu.memory_space<semaphore_mem>>
    %dma_start3A_1524 = tpu.memref_squeeze %dma_start3A_1523 : memref<1x!tpu.dma_semaphore, #tpu.memory_space<semaphore_mem>> -> memref<!tpu.dma_semaphore, #tpu.memory_space<semaphore_mem>>
    %dma_start3A_1525 = arith.constant 1536 : i32
    %dma_start3A_1526 = arith.constant 0 : i32
    %dma_start3A_1527 = tpu.memref_slice %arg4[%dma_start3A_1521, %dma_start3A_1525, %dma_start3A_1526] : memref<4x4096x1024xf32, #tpu.memory_space<any>> -> memref<1x512x1024xf32, #tpu.memory_space<any>>
    %dma_start3A_1528 = tpu.memref_squeeze %dma_start3A_1527 : memref<1x512x1024xf32, #tpu.memory_space<any>> -> memref<512x1024xf32, #tpu.memory_space<any>>
    %dma_start3A_1529 = arith.constant 0 : i32
    %dma_start3A_1530 = arith.constant 0 : i32
    %dma_start3A_1531 = tpu.memref_slice %arg5[%dma_start3A_1520, %dma_start3A_1529, %dma_start3A_1530] : memref<8x512x1024xf32, #tpu.memory_space<vmem>> -> memref<1x512x1024xf32, #tpu.memory_space<vmem>>
    %dma_start3A_1532 = tpu.memref_squeeze %dma_start3A_1531 : memref<1x512x1024xf32, #tpu.memory_space<vmem>> -> memref<512x1024xf32, #tpu.memory_space<vmem>>
    tpu.enqueue_dma source(%dma_start3A_1532 : memref<512x1024xf32, #tpu.memory_space<vmem>>) target(%dma_start3A_1528 : memref<512x1024xf32, #tpu.memory_space<any>>) target_semaphore(%dma_start3A_1524 : memref<!tpu.dma_semaphore, #tpu.memory_space<semaphore_mem>>)
    %dma_wait3A_1533 = arith.constant 3 : i32
    %dma_wait3A_1534 = arith.constant 4 : i32
    %dma_wait3A_1535 = arith.constant 4 : i32
    %dma_wait3A_1536 = tpu.memref_slice %arg6[%dma_wait3A_1535] : memref<8x!tpu.dma_semaphore, #tpu.memory_space<semaphore_mem>> -> memref<1x!tpu.dma_semaphore, #tpu.memory_space<semaphore_mem>>
    %dma_wait3A_1537 = tpu.memref_squeeze %dma_wait3A_1536 : memref<1x!tpu.dma_semaphore, #tpu.memory_space<semaphore_mem>> -> memref<!tpu.dma_semaphore, #tpu.memory_space<semaphore_mem>>
    %dma_wait3A_1538 = arith.constant 0 : i32
    %dma_wait3A_1539 = arith.constant 0 : i32
    %dma_wait3A_1540 = tpu.memref_slice %arg5[%dma_wait3A_1534, %dma_wait3A_1538, %dma_wait3A_1539] : memref<8x512x1024xf32, #tpu.memory_space<vmem>> -> memref<1x512x1024xf32, #tpu.memory_space<vmem>>
    %dma_wait3A_1541 = tpu.memref_squeeze %dma_wait3A_1540 : memref<1x512x1024xf32, #tpu.memory_space<vmem>> -> memref<512x1024xf32, #tpu.memory_space<vmem>>
    %dma_wait3A_1542 = arith.constant 2048 : i32
    %dma_wait3A_1543 = arith.constant 0 : i32
    %dma_wait3A_1544 = tpu.memref_slice %arg0[%dma_wait3A_1533, %dma_wait3A_1542, %dma_wait3A_1543] : memref<4x4096x1024xf32, #tpu.memory_space<any>> -> memref<1x512x1024xf32, #tpu.memory_space<any>>
    %dma_wait3A_1545 = tpu.memref_squeeze %dma_wait3A_1544 : memref<1x512x1024xf32, #tpu.memory_space<any>> -> memref<512x1024xf32, #tpu.memory_space<any>>
    tpu.wait_dma2 semaphore(%dma_wait3A_1537 : memref<!tpu.dma_semaphore, #tpu.memory_space<semaphore_mem>>) src(%dma_wait3A_1545 : memref<512x1024xf32, #tpu.memory_space<any>>) dst(%dma_wait3A_1541 : memref<512x1024xf32, #tpu.memory_space<vmem>>)
    %get3A_1546 = arith.constant 3 : index
    %get3A_1547 = arith.constant 0 : index
    %get3A_1548 = vector.load %arg1[%get3A_1546, %get3A_1547] : memref<4x1024xf32, #tpu.memory_space<vmem>>, vector<1x1024xf32>
    %get3A_1549 = vector.shape_cast %get3A_1548 : vector<1x1024xf32> to vector<1024xf32>
    %get3A_1550 = arith.constant 3 : index
    %get3A_1551 = arith.constant 0 : index
    %get3A_1552 = vector.load %arg2[%get3A_1550, %get3A_1551] : memref<4x1024xf32, #tpu.memory_space<vmem>>, vector<1x1024xf32>
    %get3A_1553 = vector.shape_cast %get3A_1552 : vector<1x1024xf32> to vector<1024xf32>
    %get3A_1554 = arith.constant 4 : index
    %get3A_1555 = arith.constant 0 : index
    %get3A_1556 = arith.constant 0 : index
    %get3A_1557 = vector.load %arg5[%get3A_1554, %get3A_1555, %get3A_1556] : memref<8x512x1024xf32, #tpu.memory_space<vmem>>, vector<1x512x1024xf32>
    %get3A_1558 = vector.shape_cast %get3A_1557 : vector<1x512x1024xf32> to vector<512x1024xf32>
    %broadcast_in_dim3A_1559 = vector.shape_cast %get3A_1549 : vector<1024xf32> to vector<1x1024xf32>
    %mul3A_1560 = vector.broadcast %broadcast_in_dim3A_1559 : vector<1x1024xf32> to vector<512x1024xf32>
    %mul3A_1561 = arith.mulf %mul3A_1560, %get3A_1558 : vector<512x1024xf32>
    %broadcast_in_dim3A_1562 = vector.shape_cast %get3A_1553 : vector<1024xf32> to vector<1x1024xf32>
    %add3A_1563 = vector.broadcast %broadcast_in_dim3A_1562 : vector<1x1024xf32> to vector<512x1024xf32>
    %add3A_1564 = arith.addf %mul3A_1561, %add3A_1563 : vector<512x1024xf32>
    %swap3A_1565 = arith.constant 4 : index
    %swap3A_1566 = arith.constant 0 : index
    %swap3A_1567 = arith.constant 0 : index
    %swap3A_1568 = vector.load %arg5[%swap3A_1565, %swap3A_1566, %swap3A_1567] : memref<8x512x1024xf32, #tpu.memory_space<vmem>>, vector<1x512x1024xf32>
    %swap3A_1569 = vector.shape_cast %swap3A_1568 : vector<1x512x1024xf32> to vector<512x1024xf32>
    %swap3A_1570 = vector.shape_cast %add3A_1564 : vector<512x1024xf32> to vector<1x512x1024xf32>
    tpu.vector_store %arg5[%swap3A_1565, %swap3A_1566, %swap3A_1567], %swap3A_1570 {strides = array<i32>} : memref<8x512x1024xf32, #tpu.memory_space<vmem>>, vector<1x512x1024xf32>,
    %dma_start3A_1571 = arith.constant 4 : i32
    %dma_start3A_1572 = arith.constant 3 : i32
    %dma_start3A_1573 = arith.constant 4 : i32
    %dma_start3A_1574 = tpu.memref_slice %arg7[%dma_start3A_1573] : memref<8x!tpu.dma_semaphore, #tpu.memory_space<semaphore_mem>> -> memref<1x!tpu.dma_semaphore, #tpu.memory_space<semaphore_mem>>
    %dma_start3A_1575 = tpu.memref_squeeze %dma_start3A_1574 : memref<1x!tpu.dma_semaphore, #tpu.memory_space<semaphore_mem>> -> memref<!tpu.dma_semaphore, #tpu.memory_space<semaphore_mem>>
    %dma_start3A_1576 = arith.constant 2048 : i32
    %dma_start3A_1577 = arith.constant 0 : i32
    %dma_start3A_1578 = tpu.memref_slice %arg4[%dma_start3A_1572, %dma_start3A_1576, %dma_start3A_1577] : memref<4x4096x1024xf32, #tpu.memory_space<any>> -> memref<1x512x1024xf32, #tpu.memory_space<any>>
    %dma_start3A_1579 = tpu.memref_squeeze %dma_start3A_1578 : memref<1x512x1024xf32, #tpu.memory_space<any>> -> memref<512x1024xf32, #tpu.memory_space<any>>
    %dma_start3A_1580 = arith.constant 0 : i32
    %dma_start3A_1581 = arith.constant 0 : i32
    %dma_start3A_1582 = tpu.memref_slice %arg5[%dma_start3A_1571, %dma_start3A_1580, %dma_start3A_1581] : memref<8x512x1024xf32, #tpu.memory_space<vmem>> -> memref<1x512x1024xf32, #tpu.memory_space<vmem>>
    %dma_start3A_1583 = tpu.memref_squeeze %dma_start3A_1582 : memref<1x512x1024xf32, #tpu.memory_space<vmem>> -> memref<512x1024xf32, #tpu.memory_space<vmem>>
    tpu.enqueue_dma source(%dma_start3A_1583 : memref<512x1024xf32, #tpu.memory_space<vmem>>) target(%dma_start3A_1579 : memref<512x1024xf32, #tpu.memory_space<any>>) target_semaphore(%dma_start3A_1575 : memref<!tpu.dma_semaphore, #tpu.memory_space<semaphore_mem>>)
    %dma_wait3A_1584 = arith.constant 3 : i32
    %dma_wait3A_1585 = arith.constant 5 : i32
    %dma_wait3A_1586 = arith.constant 5 : i32
    %dma_wait3A_1587 = tpu.memref_slice %arg6[%dma_wait3A_1586] : memref<8x!tpu.dma_semaphore, #tpu.memory_space<semaphore_mem>> -> memref<1x!tpu.dma_semaphore, #tpu.memory_space<semaphore_mem>>
    %dma_wait3A_1588 = tpu.memref_squeeze %dma_wait3A_1587 : memref<1x!tpu.dma_semaphore, #tpu.memory_space<semaphore_mem>> -> memref<!tpu.dma_semaphore, #tpu.memory_space<semaphore_mem>>
    %dma_wait3A_1589 = arith.constant 0 : i32
    %dma_wait3A_1590 = arith.constant 0 : i32
    %dma_wait3A_1591 = tpu.memref_slice %arg5[%dma_wait3A_1585, %dma_wait3A_1589, %dma_wait3A_1590] : memref<8x512x1024xf32, #tpu.memory_space<vmem>> -> memref<1x512x1024xf32, #tpu.memory_space<vmem>>
    %dma_wait3A_1592 = tpu.memref_squeeze %dma_wait3A_1591 : memref<1x512x1024xf32, #tpu.memory_space<vmem>> -> memref<512x1024xf32, #tpu.memory_space<vmem>>
    %dma_wait3A_1593 = arith.constant 2560 : i32
    %dma_wait3A_1594 = arith.constant 0 : i32
    %dma_wait3A_1595 = tpu.memref_slice %arg0[%dma_wait3A_1584, %dma_wait3A_1593, %dma_wait3A_1594] : memref<4x4096x1024xf32, #tpu.memory_space<any>> -> memref<1x512x1024xf32, #tpu.memory_space<any>>
    %dma_wait3A_1596 = tpu.memref_squeeze %dma_wait3A_1595 : memref<1x512x1024xf32, #tpu.memory_space<any>> -> memref<512x1024xf32, #tpu.memory_space<any>>
    tpu.wait_dma2 semaphore(%dma_wait3A_1588 : memref<!tpu.dma_semaphore, #tpu.memory_space<semaphore_mem>>) src(%dma_wait3A_1596 : memref<512x1024xf32, #tpu.memory_space<any>>) dst(%dma_wait3A_1592 : memref<512x1024xf32, #tpu.memory_space<vmem>>)
    %get3A_1597 = arith.constant 3 : index
    %get3A_1598 = arith.constant 0 : index
    %get3A_1599 = vector.load %arg1[%get3A_1597, %get3A_1598] : memref<4x1024xf32, #tpu.memory_space<vmem>>, vector<1x1024xf32>
    %get3A_1600 = vector.shape_cast %get3A_1599 : vector<1x1024xf32> to vector<1024xf32>
    %get3A_1601 = arith.constant 3 : index
    %get3A_1602 = arith.constant 0 : index
    %get3A_1603 = vector.load %arg2[%get3A_1601, %get3A_1602] : memref<4x1024xf32, #tpu.memory_space<vmem>>, vector<1x1024xf32>
    %get3A_1604 = vector.shape_cast %get3A_1603 : vector<1x1024xf32> to vector<1024xf32>
    %get3A_1605 = arith.constant 5 : index
    %get3A_1606 = arith.constant 0 : index
    %get3A_1607 = arith.constant 0 : index
    %get3A_1608 = vector.load %arg5[%get3A_1605, %get3A_1606, %get3A_1607] : memref<8x512x1024xf32, #tpu.memory_space<vmem>>, vector<1x512x1024xf32>
    %get3A_1609 = vector.shape_cast %get3A_1608 : vector<1x512x1024xf32> to vector<512x1024xf32>
    %broadcast_in_dim3A_1610 = vector.shape_cast %get3A_1600 : vector<1024xf32> to vector<1x1024xf32>
    %mul3A_1611 = vector.broadcast %broadcast_in_dim3A_1610 : vector<1x1024xf32> to vector<512x1024xf32>
    %mul3A_1612 = arith.mulf %mul3A_1611, %get3A_1609 : vector<512x1024xf32>
    %broadcast_in_dim3A_1613 = vector.shape_cast %get3A_1604 : vector<1024xf32> to vector<1x1024xf32>
    %add3A_1614 = vector.broadcast %broadcast_in_dim3A_1613 : vector<1x1024xf32> to vector<512x1024xf32>
    %add3A_1615 = arith.addf %mul3A_1612, %add3A_1614 : vector<512x1024xf32>
    %swap3A_1616 = arith.constant 5 : index
    %swap3A_1617 = arith.constant 0 : index
    %swap3A_1618 = arith.constant 0 : index
    %swap3A_1619 = vector.load %arg5[%swap3A_1616, %swap3A_1617, %swap3A_1618] : memref<8x512x1024xf32, #tpu.memory_space<vmem>>, vector<1x512x1024xf32>
    %swap3A_1620 = vector.shape_cast %swap3A_1619 : vector<1x512x1024xf32> to vector<512x1024xf32>
    %swap3A_1621 = vector.shape_cast %add3A_1615 : vector<512x1024xf32> to vector<1x512x1024xf32>
    tpu.vector_store %arg5[%swap3A_1616, %swap3A_1617, %swap3A_1618], %swap3A_1621 {strides = array<i32>} : memref<8x512x1024xf32, #tpu.memory_space<vmem>>, vector<1x512x1024xf32>,
    %dma_start3A_1622 = arith.constant 5 : i32
    %dma_start3A_1623 = arith.constant 3 : i32
    %dma_start3A_1624 = arith.constant 5 : i32
    %dma_start3A_1625 = tpu.memref_slice %arg7[%dma_start3A_1624] : memref<8x!tpu.dma_semaphore, #tpu.memory_space<semaphore_mem>> -> memref<1x!tpu.dma_semaphore, #tpu.memory_space<semaphore_mem>>
    %dma_start3A_1626 = tpu.memref_squeeze %dma_start3A_1625 : memref<1x!tpu.dma_semaphore, #tpu.memory_space<semaphore_mem>> -> memref<!tpu.dma_semaphore, #tpu.memory_space<semaphore_mem>>
    %dma_start3A_1627 = arith.constant 2560 : i32
    %dma_start3A_1628 = arith.constant 0 : i32
    %dma_start3A_1629 = tpu.memref_slice %arg4[%dma_start3A_1623, %dma_start3A_1627, %dma_start3A_1628] : memref<4x4096x1024xf32, #tpu.memory_space<any>> -> memref<1x512x1024xf32, #tpu.memory_space<any>>
    %dma_start3A_1630 = tpu.memref_squeeze %dma_start3A_1629 : memref<1x512x1024xf32, #tpu.memory_space<any>> -> memref<512x1024xf32, #tpu.memory_space<any>>
    %dma_start3A_1631 = arith.constant 0 : i32
    %dma_start3A_1632 = arith.constant 0 : i32
    %dma_start3A_1633 = tpu.memref_slice %arg5[%dma_start3A_1622, %dma_start3A_1631, %dma_start3A_1632] : memref<8x512x1024xf32, #tpu.memory_space<vmem>> -> memref<1x512x1024xf32, #tpu.memory_space<vmem>>
    %dma_start3A_1634 = tpu.memref_squeeze %dma_start3A_1633 : memref<1x512x1024xf32, #tpu.memory_space<vmem>> -> memref<512x1024xf32, #tpu.memory_space<vmem>>
    tpu.enqueue_dma source(%dma_start3A_1634 : memref<512x1024xf32, #tpu.memory_space<vmem>>) target(%dma_start3A_1630 : memref<512x1024xf32, #tpu.memory_space<any>>) target_semaphore(%dma_start3A_1626 : memref<!tpu.dma_semaphore, #tpu.memory_space<semaphore_mem>>)
    %dma_wait3A_1635 = arith.constant 3 : i32
    %dma_wait3A_1636 = arith.constant 6 : i32
    %dma_wait3A_1637 = arith.constant 6 : i32
    %dma_wait3A_1638 = tpu.memref_slice %arg6[%dma_wait3A_1637] : memref<8x!tpu.dma_semaphore, #tpu.memory_space<semaphore_mem>> -> memref<1x!tpu.dma_semaphore, #tpu.memory_space<semaphore_mem>>
    %dma_wait3A_1639 = tpu.memref_squeeze %dma_wait3A_1638 : memref<1x!tpu.dma_semaphore, #tpu.memory_space<semaphore_mem>> -> memref<!tpu.dma_semaphore, #tpu.memory_space<semaphore_mem>>
    %dma_wait3A_1640 = arith.constant 0 : i32
    %dma_wait3A_1641 = arith.constant 0 : i32
    %dma_wait3A_1642 = tpu.memref_slice %arg5[%dma_wait3A_1636, %dma_wait3A_1640, %dma_wait3A_1641] : memref<8x512x1024xf32, #tpu.memory_space<vmem>> -> memref<1x512x1024xf32, #tpu.memory_space<vmem>>
    %dma_wait3A_1643 = tpu.memref_squeeze %dma_wait3A_1642 : memref<1x512x1024xf32, #tpu.memory_space<vmem>> -> memref<512x1024xf32, #tpu.memory_space<vmem>>
    %dma_wait3A_1644 = arith.constant 3072 : i32
    %dma_wait3A_1645 = arith.constant 0 : i32
    %dma_wait3A_1646 = tpu.memref_slice %arg0[%dma_wait3A_1635, %dma_wait3A_1644, %dma_wait3A_1645] : memref<4x4096x1024xf32, #tpu.memory_space<any>> -> memref<1x512x1024xf32, #tpu.memory_space<any>>
    %dma_wait3A_1647 = tpu.memref_squeeze %dma_wait3A_1646 : memref<1x512x1024xf32, #tpu.memory_space<any>> -> memref<512x1024xf32, #tpu.memory_space<any>>
    tpu.wait_dma2 semaphore(%dma_wait3A_1639 : memref<!tpu.dma_semaphore, #tpu.memory_space<semaphore_mem>>) src(%dma_wait3A_1647 : memref<512x1024xf32, #tpu.memory_space<any>>) dst(%dma_wait3A_1643 : memref<512x1024xf32, #tpu.memory_space<vmem>>)
    %get3A_1648 = arith.constant 3 : index
    %get3A_1649 = arith.constant 0 : index
    %get3A_1650 = vector.load %arg1[%get3A_1648, %get3A_1649] : memref<4x1024xf32, #tpu.memory_space<vmem>>, vector<1x1024xf32>
    %get3A_1651 = vector.shape_cast %get3A_1650 : vector<1x1024xf32> to vector<1024xf32>
    %get3A_1652 = arith.constant 3 : index
    %get3A_1653 = arith.constant 0 : index
    %get3A_1654 = vector.load %arg2[%get3A_1652, %get3A_1653] : memref<4x1024xf32, #tpu.memory_space<vmem>>, vector<1x1024xf32>
    %get3A_1655 = vector.shape_cast %get3A_1654 : vector<1x1024xf32> to vector<1024xf32>
    %get3A_1656 = arith.constant 6 : index
    %get3A_1657 = arith.constant 0 : index
    %get3A_1658 = arith.constant 0 : index
    %get3A_1659 = vector.load %arg5[%get3A_1656, %get3A_1657, %get3A_1658] : memref<8x512x1024xf32, #tpu.memory_space<vmem>>, vector<1x512x1024xf32>
    %get3A_1660 = vector.shape_cast %get3A_1659 : vector<1x512x1024xf32> to vector<512x1024xf32>
    %broadcast_in_dim3A_1661 = vector.shape_cast %get3A_1651 : vector<1024xf32> to vector<1x1024xf32>
    %mul3A_1662 = vector.broadcast %broadcast_in_dim3A_1661 : vector<1x1024xf32> to vector<512x1024xf32>
    %mul3A_1663 = arith.mulf %mul3A_1662, %get3A_1660 : vector<512x1024xf32>
    %broadcast_in_dim3A_1664 = vector.shape_cast %get3A_1655 : vector<1024xf32> to vector<1x1024xf32>
    %add3A_1665 = vector.broadcast %broadcast_in_dim3A_1664 : vector<1x1024xf32> to vector<512x1024xf32>
    %add3A_1666 = arith.addf %mul3A_1663, %add3A_1665 : vector<512x1024xf32>
    %swap3A_1667 = arith.constant 6 : index
    %swap3A_1668 = arith.constant 0 : index
    %swap3A_1669 = arith.constant 0 : index
    %swap3A_1670 = vector.load %arg5[%swap3A_1667, %swap3A_1668, %swap3A_1669] : memref<8x512x1024xf32, #tpu.memory_space<vmem>>, vector<1x512x1024xf32>
    %swap3A_1671 = vector.shape_cast %swap3A_1670 : vector<1x512x1024xf32> to vector<512x1024xf32>
    %swap3A_1672 = vector.shape_cast %add3A_1666 : vector<512x1024xf32> to vector<1x512x1024xf32>
    tpu.vector_store %arg5[%swap3A_1667, %swap3A_1668, %swap3A_1669], %swap3A_1672 {strides = array<i32>} : memref<8x512x1024xf32, #tpu.memory_space<vmem>>, vector<1x512x1024xf32>,
    %dma_start3A_1673 = arith.constant 6 : i32
    %dma_start3A_1674 = arith.constant 3 : i32
    %dma_start3A_1675 = arith.constant 6 : i32
    %dma_start3A_1676 = tpu.memref_slice %arg7[%dma_start3A_1675] : memref<8x!tpu.dma_semaphore, #tpu.memory_space<semaphore_mem>> -> memref<1x!tpu.dma_semaphore, #tpu.memory_space<semaphore_mem>>
    %dma_start3A_1677 = tpu.memref_squeeze %dma_start3A_1676 : memref<1x!tpu.dma_semaphore, #tpu.memory_space<semaphore_mem>> -> memref<!tpu.dma_semaphore, #tpu.memory_space<semaphore_mem>>
    %dma_start3A_1678 = arith.constant 3072 : i32
    %dma_start3A_1679 = arith.constant 0 : i32
    %dma_start3A_1680 = tpu.memref_slice %arg4[%dma_start3A_1674, %dma_start3A_1678, %dma_start3A_1679] : memref<4x4096x1024xf32, #tpu.memory_space<any>> -> memref<1x512x1024xf32, #tpu.memory_space<any>>
    %dma_start3A_1681 = tpu.memref_squeeze %dma_start3A_1680 : memref<1x512x1024xf32, #tpu.memory_space<any>> -> memref<512x1024xf32, #tpu.memory_space<any>>
    %dma_start3A_1682 = arith.constant 0 : i32
    %dma_start3A_1683 = arith.constant 0 : i32
    %dma_start3A_1684 = tpu.memref_slice %arg5[%dma_start3A_1673, %dma_start3A_1682, %dma_start3A_1683] : memref<8x512x1024xf32, #tpu.memory_space<vmem>> -> memref<1x512x1024xf32, #tpu.memory_space<vmem>>
    %dma_start3A_1685 = tpu.memref_squeeze %dma_start3A_1684 : memref<1x512x1024xf32, #tpu.memory_space<vmem>> -> memref<512x1024xf32, #tpu.memory_space<vmem>>
    tpu.enqueue_dma source(%dma_start3A_1685 : memref<512x1024xf32, #tpu.memory_space<vmem>>) target(%dma_start3A_1681 : memref<512x1024xf32, #tpu.memory_space<any>>) target_semaphore(%dma_start3A_1677 : memref<!tpu.dma_semaphore, #tpu.memory_space<semaphore_mem>>)
    %dma_wait3A_1686 = arith.constant 3 : i32
    %dma_wait3A_1687 = arith.constant 7 : i32
    %dma_wait3A_1688 = arith.constant 7 : i32
    %dma_wait3A_1689 = tpu.memref_slice %arg6[%dma_wait3A_1688] : memref<8x!tpu.dma_semaphore, #tpu.memory_space<semaphore_mem>> -> memref<1x!tpu.dma_semaphore, #tpu.memory_space<semaphore_mem>>
    %dma_wait3A_1690 = tpu.memref_squeeze %dma_wait3A_1689 : memref<1x!tpu.dma_semaphore, #tpu.memory_space<semaphore_mem>> -> memref<!tpu.dma_semaphore, #tpu.memory_space<semaphore_mem>>
    %dma_wait3A_1691 = arith.constant 0 : i32
    %dma_wait3A_1692 = arith.constant 0 : i32
    %dma_wait3A_1693 = tpu.memref_slice %arg5[%dma_wait3A_1687, %dma_wait3A_1691, %dma_wait3A_1692] : memref<8x512x1024xf32, #tpu.memory_space<vmem>> -> memref<1x512x1024xf32, #tpu.memory_space<vmem>>
    %dma_wait3A_1694 = tpu.memref_squeeze %dma_wait3A_1693 : memref<1x512x1024xf32, #tpu.memory_space<vmem>> -> memref<512x1024xf32, #tpu.memory_space<vmem>>
    %dma_wait3A_1695 = arith.constant 3584 : i32
    %dma_wait3A_1696 = arith.constant 0 : i32
    %dma_wait3A_1697 = tpu.memref_slice %arg0[%dma_wait3A_1686, %dma_wait3A_1695, %dma_wait3A_1696] : memref<4x4096x1024xf32, #tpu.memory_space<any>> -> memref<1x512x1024xf32, #tpu.memory_space<any>>
    %dma_wait3A_1698 = tpu.memref_squeeze %dma_wait3A_1697 : memref<1x512x1024xf32, #tpu.memory_space<any>> -> memref<512x1024xf32, #tpu.memory_space<any>>
    tpu.wait_dma2 semaphore(%dma_wait3A_1690 : memref<!tpu.dma_semaphore, #tpu.memory_space<semaphore_mem>>) src(%dma_wait3A_1698 : memref<512x1024xf32, #tpu.memory_space<any>>) dst(%dma_wait3A_1694 : memref<512x1024xf32, #tpu.memory_space<vmem>>)
    %get3A_1699 = arith.constant 3 : index
    %get3A_1700 = arith.constant 0 : index
    %get3A_1701 = vector.load %arg1[%get3A_1699, %get3A_1700] : memref<4x1024xf32, #tpu.memory_space<vmem>>, vector<1x1024xf32>
    %get3A_1702 = vector.shape_cast %get3A_1701 : vector<1x1024xf32> to vector<1024xf32>
    %get3A_1703 = arith.constant 3 : index
    %get3A_1704 = arith.constant 0 : index
    %get3A_1705 = vector.load %arg2[%get3A_1703, %get3A_1704] : memref<4x1024xf32, #tpu.memory_space<vmem>>, vector<1x1024xf32>
    %get3A_1706 = vector.shape_cast %get3A_1705 : vector<1x1024xf32> to vector<1024xf32>
    %get3A_1707 = arith.constant 7 : index
    %get3A_1708 = arith.constant 0 : index
    %get3A_1709 = arith.constant 0 : index
    %get3A_1710 = vector.load %arg5[%get3A_1707, %get3A_1708, %get3A_1709] : memref<8x512x1024xf32, #tpu.memory_space<vmem>>, vector<1x512x1024xf32>
    %get3A_1711 = vector.shape_cast %get3A_1710 : vector<1x512x1024xf32> to vector<512x1024xf32>
    %broadcast_in_dim3A_1712 = vector.shape_cast %get3A_1702 : vector<1024xf32> to vector<1x1024xf32>
    %mul3A_1713 = vector.broadcast %broadcast_in_dim3A_1712 : vector<1x1024xf32> to vector<512x1024xf32>
    %mul3A_1714 = arith.mulf %mul3A_1713, %get3A_1711 : vector<512x1024xf32>
    %broadcast_in_dim3A_1715 = vector.shape_cast %get3A_1706 : vector<1024xf32> to vector<1x1024xf32>
    %add3A_1716 = vector.broadcast %broadcast_in_dim3A_1715 : vector<1x1024xf32> to vector<512x1024xf32>
    %add3A_1717 = arith.addf %mul3A_1714, %add3A_1716 : vector<512x1024xf32>
    %swap3A_1718 = arith.constant 7 : index
    %swap3A_1719 = arith.constant 0 : index
    %swap3A_1720 = arith.constant 0 : index
    %swap3A_1721 = vector.load %arg5[%swap3A_1718, %swap3A_1719, %swap3A_1720] : memref<8x512x1024xf32, #tpu.memory_space<vmem>>, vector<1x512x1024xf32>
    %swap3A_1722 = vector.shape_cast %swap3A_1721 : vector<1x512x1024xf32> to vector<512x1024xf32>
    %swap3A_1723 = vector.shape_cast %add3A_1717 : vector<512x1024xf32> to vector<1x512x1024xf32>
    tpu.vector_store %arg5[%swap3A_1718, %swap3A_1719, %swap3A_1720], %swap3A_1723 {strides = array<i32>} : memref<8x512x1024xf32, #tpu.memory_space<vmem>>, vector<1x512x1024xf32>,
    %dma_start3A_1724 = arith.constant 7 : i32
    %dma_start3A_1725 = arith.constant 3 : i32
    %dma_start3A_1726 = arith.constant 7 : i32
    %dma_start3A_1727 = tpu.memref_slice %arg7[%dma_start3A_1726] : memref<8x!tpu.dma_semaphore, #tpu.memory_space<semaphore_mem>> -> memref<1x!tpu.dma_semaphore, #tpu.memory_space<semaphore_mem>>
    %dma_start3A_1728 = tpu.memref_squeeze %dma_start3A_1727 : memref<1x!tpu.dma_semaphore, #tpu.memory_space<semaphore_mem>> -> memref<!tpu.dma_semaphore, #tpu.memory_space<semaphore_mem>>
    %dma_start3A_1729 = arith.constant 3584 : i32
    %dma_start3A_1730 = arith.constant 0 : i32
    %dma_start3A_1731 = tpu.memref_slice %arg4[%dma_start3A_1725, %dma_start3A_1729, %dma_start3A_1730] : memref<4x4096x1024xf32, #tpu.memory_space<any>> -> memref<1x512x1024xf32, #tpu.memory_space<any>>
    %dma_start3A_1732 = tpu.memref_squeeze %dma_start3A_1731 : memref<1x512x1024xf32, #tpu.memory_space<any>> -> memref<512x1024xf32, #tpu.memory_space<any>>
    %dma_start3A_1733 = arith.constant 0 : i32
    %dma_start3A_1734 = arith.constant 0 : i32
    %dma_start3A_1735 = tpu.memref_slice %arg5[%dma_start3A_1724, %dma_start3A_1733, %dma_start3A_1734] : memref<8x512x1024xf32, #tpu.memory_space<vmem>> -> memref<1x512x1024xf32, #tpu.memory_space<vmem>>
    %dma_start3A_1736 = tpu.memref_squeeze %dma_start3A_1735 : memref<1x512x1024xf32, #tpu.memory_space<vmem>> -> memref<512x1024xf32, #tpu.memory_space<vmem>>
    tpu.enqueue_dma source(%dma_start3A_1736 : memref<512x1024xf32, #tpu.memory_space<vmem>>) target(%dma_start3A_1732 : memref<512x1024xf32, #tpu.memory_space<any>>) target_semaphore(%dma_start3A_1728 : memref<!tpu.dma_semaphore, #tpu.memory_space<semaphore_mem>>)
    %dma_wait3A_1737 = arith.constant 0 : i32
    %dma_wait3A_1738 = arith.constant 3 : i32
    %dma_wait3A_1739 = arith.constant 0 : i32
    %dma_wait3A_1740 = tpu.memref_slice %arg7[%dma_wait3A_1739] : memref<8x!tpu.dma_semaphore, #tpu.memory_space<semaphore_mem>> -> memref<1x!tpu.dma_semaphore, #tpu.memory_space<semaphore_mem>>
    %dma_wait3A_1741 = tpu.memref_squeeze %dma_wait3A_1740 : memref<1x!tpu.dma_semaphore, #tpu.memory_space<semaphore_mem>> -> memref<!tpu.dma_semaphore, #tpu.memory_space<semaphore_mem>>
    %dma_wait3A_1742 = arith.constant 0 : i32
    %dma_wait3A_1743 = arith.constant 0 : i32
    %dma_wait3A_1744 = tpu.memref_slice %arg4[%dma_wait3A_1738, %dma_wait3A_1742, %dma_wait3A_1743] : memref<4x4096x1024xf32, #tpu.memory_space<any>> -> memref<1x512x1024xf32, #tpu.memory_space<any>>
    %dma_wait3A_1745 = tpu.memref_squeeze %dma_wait3A_1744 : memref<1x512x1024xf32, #tpu.memory_space<any>> -> memref<512x1024xf32, #tpu.memory_space<any>>
    %dma_wait3A_1746 = arith.constant 0 : i32
    %dma_wait3A_1747 = arith.constant 0 : i32
    %dma_wait3A_1748 = tpu.memref_slice %arg5[%dma_wait3A_1737, %dma_wait3A_1746, %dma_wait3A_1747] : memref<8x512x1024xf32, #tpu.memory_space<vmem>> -> memref<1x512x1024xf32, #tpu.memory_space<vmem>>
    %dma_wait3A_1749 = tpu.memref_squeeze %dma_wait3A_1748 : memref<1x512x1024xf32, #tpu.memory_space<vmem>> -> memref<512x1024xf32, #tpu.memory_space<vmem>>
    tpu.wait_dma2 semaphore(%dma_wait3A_1741 : memref<!tpu.dma_semaphore, #tpu.memory_space<semaphore_mem>>) src(%dma_wait3A_1749 : memref<512x1024xf32, #tpu.memory_space<vmem>>) dst(%dma_wait3A_1745 : memref<512x1024xf32, #tpu.memory_space<any>>)
    %dma_wait3A_1750 = arith.constant 1 : i32
    %dma_wait3A_1751 = arith.constant 3 : i32
    %dma_wait3A_1752 = arith.constant 1 : i32
    %dma_wait3A_1753 = tpu.memref_slice %arg7[%dma_wait3A_1752] : memref<8x!tpu.dma_semaphore, #tpu.memory_space<semaphore_mem>> -> memref<1x!tpu.dma_semaphore, #tpu.memory_space<semaphore_mem>>
    %dma_wait3A_1754 = tpu.memref_squeeze %dma_wait3A_1753 : memref<1x!tpu.dma_semaphore, #tpu.memory_space<semaphore_mem>> -> memref<!tpu.dma_semaphore, #tpu.memory_space<semaphore_mem>>
    %dma_wait3A_1755 = arith.constant 512 : i32
    %dma_wait3A_1756 = arith.constant 0 : i32
    %dma_wait3A_1757 = tpu.memref_slice %arg4[%dma_wait3A_1751, %dma_wait3A_1755, %dma_wait3A_1756] : memref<4x4096x1024xf32, #tpu.memory_space<any>> -> memref<1x512x1024xf32, #tpu.memory_space<any>>
    %dma_wait3A_1758 = tpu.memref_squeeze %dma_wait3A_1757 : memref<1x512x1024xf32, #tpu.memory_space<any>> -> memref<512x1024xf32, #tpu.memory_space<any>>
    %dma_wait3A_1759 = arith.constant 0 : i32
    %dma_wait3A_1760 = arith.constant 0 : i32
    %dma_wait3A_1761 = tpu.memref_slice %arg5[%dma_wait3A_1750, %dma_wait3A_1759, %dma_wait3A_1760] : memref<8x512x1024xf32, #tpu.memory_space<vmem>> -> memref<1x512x1024xf32, #tpu.memory_space<vmem>>
    %dma_wait3A_1762 = tpu.memref_squeeze %dma_wait3A_1761 : memref<1x512x1024xf32, #tpu.memory_space<vmem>> -> memref<512x1024xf32, #tpu.memory_space<vmem>>
    tpu.wait_dma2 semaphore(%dma_wait3A_1754 : memref<!tpu.dma_semaphore, #tpu.memory_space<semaphore_mem>>) src(%dma_wait3A_1762 : memref<512x1024xf32, #tpu.memory_space<vmem>>) dst(%dma_wait3A_1758 : memref<512x1024xf32, #tpu.memory_space<any>>)
    %dma_wait3A_1763 = arith.constant 2 : i32
    %dma_wait3A_1764 = arith.constant 3 : i32
    %dma_wait3A_1765 = arith.constant 2 : i32
    %dma_wait3A_1766 = tpu.memref_slice %arg7[%dma_wait3A_1765] : memref<8x!tpu.dma_semaphore, #tpu.memory_space<semaphore_mem>> -> memref<1x!tpu.dma_semaphore, #tpu.memory_space<semaphore_mem>>
    %dma_wait3A_1767 = tpu.memref_squeeze %dma_wait3A_1766 : memref<1x!tpu.dma_semaphore, #tpu.memory_space<semaphore_mem>> -> memref<!tpu.dma_semaphore, #tpu.memory_space<semaphore_mem>>
    %dma_wait3A_1768 = arith.constant 1024 : i32
    %dma_wait3A_1769 = arith.constant 0 : i32
    %dma_wait3A_1770 = tpu.memref_slice %arg4[%dma_wait3A_1764, %dma_wait3A_1768, %dma_wait3A_1769] : memref<4x4096x1024xf32, #tpu.memory_space<any>> -> memref<1x512x1024xf32, #tpu.memory_space<any>>
    %dma_wait3A_1771 = tpu.memref_squeeze %dma_wait3A_1770 : memref<1x512x1024xf32, #tpu.memory_space<any>> -> memref<512x1024xf32, #tpu.memory_space<any>>
    %dma_wait3A_1772 = arith.constant 0 : i32
    %dma_wait3A_1773 = arith.constant 0 : i32
    %dma_wait3A_1774 = tpu.memref_slice %arg5[%dma_wait3A_1763, %dma_wait3A_1772, %dma_wait3A_1773] : memref<8x512x1024xf32, #tpu.memory_space<vmem>> -> memref<1x512x1024xf32, #tpu.memory_space<vmem>>
    %dma_wait3A_1775 = tpu.memref_squeeze %dma_wait3A_1774 : memref<1x512x1024xf32, #tpu.memory_space<vmem>> -> memref<512x1024xf32, #tpu.memory_space<vmem>>
    tpu.wait_dma2 semaphore(%dma_wait3A_1767 : memref<!tpu.dma_semaphore, #tpu.memory_space<semaphore_mem>>) src(%dma_wait3A_1775 : memref<512x1024xf32, #tpu.memory_space<vmem>>) dst(%dma_wait3A_1771 : memref<512x1024xf32, #tpu.memory_space<any>>)
    %dma_wait3A_1776 = arith.constant 3 : i32
    %dma_wait3A_1777 = arith.constant 3 : i32
    %dma_wait3A_1778 = arith.constant 3 : i32
    %dma_wait3A_1779 = tpu.memref_slice %arg7[%dma_wait3A_1778] : memref<8x!tpu.dma_semaphore, #tpu.memory_space<semaphore_mem>> -> memref<1x!tpu.dma_semaphore, #tpu.memory_space<semaphore_mem>>
    %dma_wait3A_1780 = tpu.memref_squeeze %dma_wait3A_1779 : memref<1x!tpu.dma_semaphore, #tpu.memory_space<semaphore_mem>> -> memref<!tpu.dma_semaphore, #tpu.memory_space<semaphore_mem>>
    %dma_wait3A_1781 = arith.constant 1536 : i32
    %dma_wait3A_1782 = arith.constant 0 : i32
    %dma_wait3A_1783 = tpu.memref_slice %arg4[%dma_wait3A_1777, %dma_wait3A_1781, %dma_wait3A_1782] : memref<4x4096x1024xf32, #tpu.memory_space<any>> -> memref<1x512x1024xf32, #tpu.memory_space<any>>
    %dma_wait3A_1784 = tpu.memref_squeeze %dma_wait3A_1783 : memref<1x512x1024xf32, #tpu.memory_space<any>> -> memref<512x1024xf32, #tpu.memory_space<any>>
    %dma_wait3A_1785 = arith.constant 0 : i32
    %dma_wait3A_1786 = arith.constant 0 : i32
    %dma_wait3A_1787 = tpu.memref_slice %arg5[%dma_wait3A_1776, %dma_wait3A_1785, %dma_wait3A_1786] : memref<8x512x1024xf32, #tpu.memory_space<vmem>> -> memref<1x512x1024xf32, #tpu.memory_space<vmem>>
    %dma_wait3A_1788 = tpu.memref_squeeze %dma_wait3A_1787 : memref<1x512x1024xf32, #tpu.memory_space<vmem>> -> memref<512x1024xf32, #tpu.memory_space<vmem>>
    tpu.wait_dma2 semaphore(%dma_wait3A_1780 : memref<!tpu.dma_semaphore, #tpu.memory_space<semaphore_mem>>) src(%dma_wait3A_1788 : memref<512x1024xf32, #tpu.memory_space<vmem>>) dst(%dma_wait3A_1784 : memref<512x1024xf32, #tpu.memory_space<any>>)
    %dma_wait3A_1789 = arith.constant 4 : i32
    %dma_wait3A_1790 = arith.constant 3 : i32
    %dma_wait3A_1791 = arith.constant 4 : i32
    %dma_wait3A_1792 = tpu.memref_slice %arg7[%dma_wait3A_1791] : memref<8x!tpu.dma_semaphore, #tpu.memory_space<semaphore_mem>> -> memref<1x!tpu.dma_semaphore, #tpu.memory_space<semaphore_mem>>
    %dma_wait3A_1793 = tpu.memref_squeeze %dma_wait3A_1792 : memref<1x!tpu.dma_semaphore, #tpu.memory_space<semaphore_mem>> -> memref<!tpu.dma_semaphore, #tpu.memory_space<semaphore_mem>>
    %dma_wait3A_1794 = arith.constant 2048 : i32
    %dma_wait3A_1795 = arith.constant 0 : i32
    %dma_wait3A_1796 = tpu.memref_slice %arg4[%dma_wait3A_1790, %dma_wait3A_1794, %dma_wait3A_1795] : memref<4x4096x1024xf32, #tpu.memory_space<any>> -> memref<1x512x1024xf32, #tpu.memory_space<any>>
    %dma_wait3A_1797 = tpu.memref_squeeze %dma_wait3A_1796 : memref<1x512x1024xf32, #tpu.memory_space<any>> -> memref<512x1024xf32, #tpu.memory_space<any>>
    %dma_wait3A_1798 = arith.constant 0 : i32
    %dma_wait3A_1799 = arith.constant 0 : i32
    %dma_wait3A_1800 = tpu.memref_slice %arg5[%dma_wait3A_1789, %dma_wait3A_1798, %dma_wait3A_1799] : memref<8x512x1024xf32, #tpu.memory_space<vmem>> -> memref<1x512x1024xf32, #tpu.memory_space<vmem>>
    %dma_wait3A_1801 = tpu.memref_squeeze %dma_wait3A_1800 : memref<1x512x1024xf32, #tpu.memory_space<vmem>> -> memref<512x1024xf32, #tpu.memory_space<vmem>>
    tpu.wait_dma2 semaphore(%dma_wait3A_1793 : memref<!tpu.dma_semaphore, #tpu.memory_space<semaphore_mem>>) src(%dma_wait3A_1801 : memref<512x1024xf32, #tpu.memory_space<vmem>>) dst(%dma_wait3A_1797 : memref<512x1024xf32, #tpu.memory_space<any>>)
    %dma_wait3A_1802 = arith.constant 5 : i32
    %dma_wait3A_1803 = arith.constant 3 : i32
    %dma_wait3A_1804 = arith.constant 5 : i32
    %dma_wait3A_1805 = tpu.memref_slice %arg7[%dma_wait3A_1804] : memref<8x!tpu.dma_semaphore, #tpu.memory_space<semaphore_mem>> -> memref<1x!tpu.dma_semaphore, #tpu.memory_space<semaphore_mem>>
    %dma_wait3A_1806 = tpu.memref_squeeze %dma_wait3A_1805 : memref<1x!tpu.dma_semaphore, #tpu.memory_space<semaphore_mem>> -> memref<!tpu.dma_semaphore, #tpu.memory_space<semaphore_mem>>
    %dma_wait3A_1807 = arith.constant 2560 : i32
    %dma_wait3A_1808 = arith.constant 0 : i32
    %dma_wait3A_1809 = tpu.memref_slice %arg4[%dma_wait3A_1803, %dma_wait3A_1807, %dma_wait3A_1808] : memref<4x4096x1024xf32, #tpu.memory_space<any>> -> memref<1x512x1024xf32, #tpu.memory_space<any>>
    %dma_wait3A_1810 = tpu.memref_squeeze %dma_wait3A_1809 : memref<1x512x1024xf32, #tpu.memory_space<any>> -> memref<512x1024xf32, #tpu.memory_space<any>>
    %dma_wait3A_1811 = arith.constant 0 : i32
    %dma_wait3A_1812 = arith.constant 0 : i32
    %dma_wait3A_1813 = tpu.memref_slice %arg5[%dma_wait3A_1802, %dma_wait3A_1811, %dma_wait3A_1812] : memref<8x512x1024xf32, #tpu.memory_space<vmem>> -> memref<1x512x1024xf32, #tpu.memory_space<vmem>>
    %dma_wait3A_1814 = tpu.memref_squeeze %dma_wait3A_1813 : memref<1x512x1024xf32, #tpu.memory_space<vmem>> -> memref<512x1024xf32, #tpu.memory_space<vmem>>
    tpu.wait_dma2 semaphore(%dma_wait3A_1806 : memref<!tpu.dma_semaphore, #tpu.memory_space<semaphore_mem>>) src(%dma_wait3A_1814 : memref<512x1024xf32, #tpu.memory_space<vmem>>) dst(%dma_wait3A_1810 : memref<512x1024xf32, #tpu.memory_space<any>>)
    %dma_wait3A_1815 = arith.constant 6 : i32
    %dma_wait3A_1816 = arith.constant 3 : i32
    %dma_wait3A_1817 = arith.constant 6 : i32
    %dma_wait3A_1818 = tpu.memref_slice %arg7[%dma_wait3A_1817] : memref<8x!tpu.dma_semaphore, #tpu.memory_space<semaphore_mem>> -> memref<1x!tpu.dma_semaphore, #tpu.memory_space<semaphore_mem>>
    %dma_wait3A_1819 = tpu.memref_squeeze %dma_wait3A_1818 : memref<1x!tpu.dma_semaphore, #tpu.memory_space<semaphore_mem>> -> memref<!tpu.dma_semaphore, #tpu.memory_space<semaphore_mem>>
    %dma_wait3A_1820 = arith.constant 3072 : i32
    %dma_wait3A_1821 = arith.constant 0 : i32
    %dma_wait3A_1822 = tpu.memref_slice %arg4[%dma_wait3A_1816, %dma_wait3A_1820, %dma_wait3A_1821] : memref<4x4096x1024xf32, #tpu.memory_space<any>> -> memref<1x512x1024xf32, #tpu.memory_space<any>>
    %dma_wait3A_1823 = tpu.memref_squeeze %dma_wait3A_1822 : memref<1x512x1024xf32, #tpu.memory_space<any>> -> memref<512x1024xf32, #tpu.memory_space<any>>
    %dma_wait3A_1824 = arith.constant 0 : i32
    %dma_wait3A_1825 = arith.constant 0 : i32
    %dma_wait3A_1826 = tpu.memref_slice %arg5[%dma_wait3A_1815, %dma_wait3A_1824, %dma_wait3A_1825] : memref<8x512x1024xf32, #tpu.memory_space<vmem>> -> memref<1x512x1024xf32, #tpu.memory_space<vmem>>
    %dma_wait3A_1827 = tpu.memref_squeeze %dma_wait3A_1826 : memref<1x512x1024xf32, #tpu.memory_space<vmem>> -> memref<512x1024xf32, #tpu.memory_space<vmem>>
    tpu.wait_dma2 semaphore(%dma_wait3A_1819 : memref<!tpu.dma_semaphore, #tpu.memory_space<semaphore_mem>>) src(%dma_wait3A_1827 : memref<512x1024xf32, #tpu.memory_space<vmem>>) dst(%dma_wait3A_1823 : memref<512x1024xf32, #tpu.memory_space<any>>)
    %dma_wait3A_1828 = arith.constant 7 : i32
    %dma_wait3A_1829 = arith.constant 3 : i32
    %dma_wait3A_1830 = arith.constant 7 : i32
    %dma_wait3A_1831 = tpu.memref_slice %arg7[%dma_wait3A_1830] : memref<8x!tpu.dma_semaphore, #tpu.memory_space<semaphore_mem>> -> memref<1x!tpu.dma_semaphore, #tpu.memory_space<semaphore_mem>>
    %dma_wait3A_1832 = tpu.memref_squeeze %dma_wait3A_1831 : memref<1x!tpu.dma_semaphore, #tpu.memory_space<semaphore_mem>> -> memref<!tpu.dma_semaphore, #tpu.memory_space<semaphore_mem>>
    %dma_wait3A_1833 = arith.constant 3584 : i32
    %dma_wait3A_1834 = arith.constant 0 : i32
    %dma_wait3A_1835 = tpu.memref_slice %arg4[%dma_wait3A_1829, %dma_wait3A_1833, %dma_wait3A_1834] : memref<4x4096x1024xf32, #tpu.memory_space<any>> -> memref<1x512x1024xf32, #tpu.memory_space<any>>
    %dma_wait3A_1836 = tpu.memref_squeeze %dma_wait3A_1835 : memref<1x512x1024xf32, #tpu.memory_space<any>> -> memref<512x1024xf32, #tpu.memory_space<any>>
    %dma_wait3A_1837 = arith.constant 0 : i32
    %dma_wait3A_1838 = arith.constant 0 : i32
    %dma_wait3A_1839 = tpu.memref_slice %arg5[%dma_wait3A_1828, %dma_wait3A_1837, %dma_wait3A_1838] : memref<8x512x1024xf32, #tpu.memory_space<vmem>> -> memref<1x512x1024xf32, #tpu.memory_space<vmem>>
    %dma_wait3A_1840 = tpu.memref_squeeze %dma_wait3A_1839 : memref<1x512x1024xf32, #tpu.memory_space<vmem>> -> memref<512x1024xf32, #tpu.memory_space<vmem>>
    tpu.wait_dma2 semaphore(%dma_wait3A_1832 : memref<!tpu.dma_semaphore, #tpu.memory_space<semaphore_mem>>) src(%dma_wait3A_1840 : memref<512x1024xf32, #tpu.memory_space<vmem>>) dst(%dma_wait3A_1836 : memref<512x1024xf32, #tpu.memory_space<any>>)
    return
  }
}

</mosaic_0001>

<sc_bundles>
// kernel: _film.5.cloned.1.call-start
scs
__scs_entry_jumppad:
0x0: {  	(pc) =	sbr.rel $0x88, $3  }
0x1: {  	(tag) =	ssettag $0x0;
	lr =	simm.s32 $0x1  }
0x2: {  	[smem:$0x3F9D] =	sst lr;
	_ =	strace $0xD0000000  }
0x3: {  	_ = 	snop  }
0x4: {  	_ = 	snop  }
0x5: {  	_ = 	snop  }
0x6: {  	_ = 	snop  }
0x7: {  	_ = 	snop  }
__scs_overlays_trampoline_lowered:
0x8: {  	[smem:$0x3FAC] =	sst s0  }
0x9: {  	[smem:$0x3FAD] =	sst s1  }
0xa: {  	[smem:$0x3FAE] =	sst s2  }
0xb: {  	[smem:$0x3FAF] =	sst s3  }
0xc: {  	[smem:$0x3FB0] =	sst s4  }
0xd: {  	[smem:$0x3FB1] =	sst s5  }
0xe: {  	[smem:$0x3FB2] =	sst s6  }
0xf: {  	[smem:$0x3FB3] =	sst s7  }
0x10: {  	[smem:$0x3FB4] =	sst s8  }
0x11: {  	[smem:$0x3FB5] =	sst s9;
	s0 =	simm.s32 @!p0 $0x0  }
0x12: {  	s1 =	sld [smem:$0x3F9B];
	s0 =	simm.s32 @p0 $0x1  }
0x13: {  	[smem:$0x3FB6] =	sst s0;
	s0 =	simm.s32 @!p1 $0x0  }
0x14: {  	s2 =	sld [smem:$0x3F9A];
	s0 =	simm.s32 @p1 $0x1  }
0x15: {  	[smem:$0x3FB7] =	sst s0;
	s0 =	simm.s32 @!p2 $0x0  }
0x16: {  	s3 =	sld [smem:$0x3FDB];
	s0 =	simm.s32 @p2 $0x1  }
0x17: {  	s4 =	simm.s32 $0x1BF5;
	[smem:$0x3FB9] =	sst s0  }
0x18: {  	s0 =	sld [smem:$0x3F9C];
	_ =	swait.ge [sflag:s4], $0x0  }
0x19: {  	s7 =	sld [smem:$0x3F9D]  }
0x1a: {  	s8 =	sadd.s32 $0xFFFFE003, lr  }
0x1b: {  	s9 =	sadd.s32 $0xFFFFFEF7, lr;
	s5 =	simm.s32 $0xFFFFFFFF;
	p2 =	slt.u32 s8, $0xFFFFF086  }
0x1c: {  	p1 =	slt.u32 s9, $0xF7A;
	s5 =	simm.s32 @!p2 $0x0  }
0x1d: {  	s5 =	simm.s32 @p1 $0x1;
	p0 =	seq.s32 s7, s2  }
0x1e: {  	s7 =	smul.u32 @!p0 $0xF7A, s2;
	p2 =	seq.s32 @!p0 s5, $0x0  }
0x1f: {  	s9 =	smul.u32 $0xF7A, s1;
	s8 =	simm.s32 @!p0 $0x1BF5;
	p2 =	por !p2, p0  }
0x20: {  	[sflag:s8] =	ssyncset.s32 @!p0 $0xFFFFF086;
	s6 =	sadd.s32 @!p0 s3, s7;
	s7 =	simm.s32 @!p0 $0x108  }
0x21: {  	s3 =	sadd.s32 s3, s9;
	s6 =	sadd.s32 @!p0 $0x88, s6;
	s7 =	simm.s32 @p2 $0x1082  }
0x22: {  	[simem:s7], [sflag:s8] =	dma.local @!p0 [hbm:s6], $0xF7A  }
0x23: {  	s9 =	sor.u32 $0xD0000000, s2;
	s6 =	simm.s32 $0x108;
	_ =	swait.ge @!p0 [sflag:s8], $0x0  }
0x24: {  	s3 =	sadd.s32 $0x88, s3;
	s6 =	simm.s32 @!p1 $0x1082;
	[sflag:s4] =	ssyncset.s32 $0xFFFFF086  }
0x25: {  	[simem:s6], [sflag:s4] =	dma.local [hbm:s3], $0xF7A  }
0x26: {  	[smem:$0x3F9D] =	sst s1;
	(tag) =	ssettag s2;
	_ =	strace s9  }
0x27: {  	s1 =	sld [smem:$0x3FAD]  }
0x28: {  	s2 =	sld [smem:$0x3FAE]  }
0x29: {  	s4 =	sld [smem:$0x3FB0]  }
0x2a: {  	p0 =	seq.s32 s5, $0x0;
	s5 =	sld [smem:$0x3FB1]  }
0x2b: {  	s6 =	sld [smem:$0x3FB2]  }
0x2c: {  	s7 =	sld [smem:$0x3FB3]  }
0x2d: {  	s3 =	simm.s32 $0x108;
	s8 =	sld [smem:$0x3FB4]  }
0x2e: {  	s3 =	simm.s32 @!p0 $0x1082;
	s9 =	sld [smem:$0x3FB5]  }
0x2f: {  	lr =	sadd.s32 s0, s3;
	s0 =	sld [smem:$0x3FAC]  }
0x30: {  	s3 =	sld [smem:$0x3FAF]  }
0x31: {  	[smem:$0x3FB8] =	sst s10  }
0x32: {  	s10 =	sld [smem:$0x3FB6];
	_ =	sdelay $0x3  }
0x33: {  	p0 =	seq.s32 s10, $0x1;
	s10 =	sld [smem:$0x3FB8];
	_ =	sdelay $0x3  }
0x34: {  	[smem:$0x3FB8] =	sst s10  }
0x35: {  	s10 =	sld [smem:$0x3FB7];
	_ =	sdelay $0x3  }
0x36: {  	p1 =	seq.s32 s10, $0x1;
	s10 =	sld [smem:$0x3FB8];
	_ =	sdelay $0x3  }
0x37: {  	[smem:$0x3FB8] =	sst s10  }
0x38: {  	s10 =	sld [smem:$0x3FB9]  }
0x39: {  	_ = 	snop;
	(pc) =	sbr.ind lr, $3  }
0x3a: {  	_ = 	snop  }
0x3b: {  	_ = 	snop  }
0x3c: {  	p2 =	seq.s32 s10, $0x1;
	s10 =	sld [smem:$0x3FB8]  }
0x3d: {  	_ =	shalt  }
0x3e: {  	_ =	shalt  }
0x3f: {  	_ =	shalt  }
0x40: {  	_ =	shalt  }
0x41: {  	_ =	shalt  }
0x42: {  	_ =	shalt  }
0x43: {  	_ =	shalt  }
0x44: {  	_ =	shalt  }
0x45: {  	_ =	shalt  }
0x46: {  	_ =	shalt  }
0x47: {  	_ =	shalt  }
0x48: {  	_ =	shalt  }
0x49: {  	_ =	shalt  }
0x4a: {  	_ =	shalt  }
0x4b: {  	_ =	shalt  }
0x4c: {  	_ =	shalt  }
0x4d: {  	_ =	shalt  }
0x4e: {  	_ =	shalt  }
0x4f: {  	_ =	shalt  }
0x50: {  	_ =	shalt  }
0x51: {  	_ =	shalt  }
0x52: {  	_ =	shalt  }
0x53: {  	_ =	shalt  }
0x54: {  	_ =	shalt  }
0x55: {  	_ =	shalt  }
0x56: {  	_ =	shalt  }
0x57: {  	_ =	shalt  }
0x58: {  	_ =	shalt  }
0x59: {  	_ =	shalt  }
0x5a: {  	_ =	shalt  }
0x5b: {  	_ =	shalt  }
0x5c: {  	_ =	shalt  }
0x5d: {  	_ =	shalt  }
0x5e: {  	_ =	shalt  }
0x5f: {  	_ =	shalt  }
0x60: {  	_ =	shalt  }
0x61: {  	_ =	shalt  }
0x62: {  	_ =	shalt  }
0x63: {  	_ =	shalt  }
0x64: {  	_ =	shalt  }
0x65: {  	_ =	shalt  }
0x66: {  	_ =	shalt  }
0x67: {  	_ =	shalt  }
0x68: {  	_ =	shalt  }
0x69: {  	_ =	shalt  }
0x6a: {  	_ =	shalt  }
0x6b: {  	_ =	shalt  }
0x6c: {  	_ =	shalt  }
0x6d: {  	_ =	shalt  }
0x6e: {  	_ =	shalt  }
0x6f: {  	_ =	shalt  }
0x70: {  	_ =	shalt  }
0x71: {  	_ =	shalt  }
0x72: {  	_ =	shalt  }
0x73: {  	_ =	shalt  }
0x74: {  	_ =	shalt  }
0x75: {  	_ =	shalt  }
0x76: {  	_ =	shalt  }
0x77: {  	_ =	shalt  }
0x78: {  	_ =	shalt  }
0x79: {  	_ =	shalt  }
0x7a: {  	_ =	shalt  }
0x7b: {  	_ =	shalt  }
0x7c: {  	_ =	shalt  }
0x7d: {  	_ =	shalt  }
0x7e: {  	_ =	shalt  }
0x7f: {  	_ =	shalt  }
0x80: {  	_ =	shalt  }
0x81: {  	_ =	shalt  }
0x82: {  	_ =	shalt  }
0x83: {  	_ =	shalt  }
0x84: {  	_ =	shalt  }
0x85: {  	_ =	shalt  }
0x86: {  	_ =	shalt  }
0x87: {  	_ =	shalt  }
.Lfunc_end0:
.L_simem_size_0:
called_computation_lowered:
.L_overlay_start_0:
0x88: {  	s2 =	sld [smem:$0x3FD9]  }
0x89: {  	s3 =	sld [smem:$0x3FFE];
	_ =	sdelay $0x1  }
0x8a: {  	s1 =	srdreg.scid  }
0x8b: {  	s0 =	sand.u32 $0x1, s1  }
0x8c: {  	s29 =	sshll.u32 s0, $0xA;
	s2 =	sadd.s32 s3, s2  }
0x8d: {  	s2 =	sadd.s32 s2, s29  }
0x8e: {  	s5 =	simm.s32 $0x0;
	[smem:$0x3FC4] =	sst s2  }
0x8f: {  	[smem:$0xF] =	sst s5  }
0x90: {  	s4 =	sld [smem:$0x3FC8]  }
0x91: {  	s3 =	sld [smem:$0x3FC7]  }
0x92: {  	s2 =	sld [smem:$0x3FC6];
	(tm) =	ssettm $0x1  }
0x93: {  	s30 =	sld [smem:$0x3FFB];
	_ =	sdelay $0x3  }
0x94: {  	_ =	strace s30  }
0x95: {  	s5 =	sld [smem:$0x3FFC];
	_ =	sdelay $0x3  }
0x96: {  	_ =	strace s5  }
0x97: {  	s5 =	sld [smem:$0x3FFD];
	_ =	sdelay $0x3  }
0x98: {  	_ =	strace s5  }
0x99: {  	s31 =	simm.s32 $0x1B8B;
	_ =	strace $0x8FFFFFFF  }
0x9a: {  	p0 =	seq.s32 s0, $0x1;
	_ =	swait.ge [sflag:s31], $0x1  }
.Ltmp0:
0x9b: {  	[sflag:s31] =	ssyncset.done $0x0;
	(pc) =	sbr.rel @p0 .LBB1_2-.Ltmp0, $3  }
0x9c: {  	s6 =	simm.s32 $0x1B8E;
	[sflag:s31] =	ssyncadd.s32 $0xFFFFFFFF  }
0x9d: {  	[smem:$0x3FD2] =	sst s6  }
0x9e: {  	s5 =	sld [smem:$0x3FFE];
	_ =	strace $0x80000046  }
0x9f: {  	s6 =	simm.s32 $0xB;
	s7 =	simm.s32 $0x10  }
0xa0: {  	[smem:s7], [sflag:s6] =	dma.local [hbm:s4], $0x10  }
0xa1: {  	_ =	swait.ge [sflag:s6], $0x10  }
0xa2: {  	[sflag:s6] =	ssyncset.done $0x0  }
0xa3: {  	[sflag:s6] =	ssyncadd.s32 $0xFFFFFFF0  }
0xa4: {  	s15 =	sld [smem:$0x10];
	_ =	sdelay $0x3  }
0xa5: {  	s16 =	sshll.u32 s15, $0xA;
	s4 =	sshll.u32 s15, $0x7  }
0xa6: {  	s9 =	simm.s32 $0x1;
	s6 =	sand.u32 $0xFFFFF000, s16;
	s4 =	sand.u32 $0x180, s4  }
0xa7: {  	s10 =	simm.s32 $0x40;
	s18 =	simm.s32 $0x9;
	s4 =	sor.u32 s4, s6  }
0xa8: {  	s20 =	simm.s32 $0xA;
	s17 =	sadd.s32 $0x1200, s5;
	s6 =	sshrl.u32 s4, $0x3  }
0xa9: {  	s19 =	sadd.s32 $0x1400, s5;
	s8 =	sadd.s32 s3, s6;
	s6 =	sadd.s32 s2, s6  }
0xaa: {  	[hbm:s17@s10], [sflag:s18] =	dma.strided [hbm:s8@s10], $0x80, s9, $0x10   }
0xab: {  	[hbm:s19@s10], [sflag:s20] =	dma.strided [hbm:s6@s10], $0x80, s9, $0x10   }
0xac: {  	s6 =	sld [smem:$0x11];
	_ =	sdelay $0x3  }
0xad: {  	s11 =	sshll.u32 s6, $0xA;
	s6 =	sshll.u32 s6, $0x7  }
0xae: {  	s11 =	sand.u32 $0xFFFFF000, s11;
	s6 =	sand.u32 $0x180, s6  }
0xaf: {  	s6 =	sor.u32 s6, s11  }
0xb0: {  	s21 =	sadd.s32 $0x10, s17;
	s6 =	sshrl.u32 s6, $0x3  }
0xb1: {  	s22 =	sadd.s32 $0x10, s19;
	s12 =	sadd.s32 s3, s6;
	s6 =	sadd.s32 s2, s6  }
0xb2: {  	[hbm:s21@s10], [sflag:s18] =	dma.strided [hbm:s12@s10], $0x80, s9, $0x10   }
0xb3: {  	[hbm:s22@s10], [sflag:s20] =	dma.strided [hbm:s6@s10], $0x80, s9, $0x10   }
0xb4: {  	s6 =	sld [smem:$0x12];
	_ =	sdelay $0x3  }
0xb5: {  	s23 =	sshll.u32 s6, $0xA;
	s6 =	sshll.u32 s6, $0x7  }
0xb6: {  	s11 =	sand.u32 $0xFFFFF000, s23;
	s6 =	sand.u32 $0x180, s6  }
0xb7: {  	s6 =	sor.u32 s6, s11  }
0xb8: {  	s24 =	sadd.s32 $0x20, s17;
	s6 =	sshrl.u32 s6, $0x3  }
0xb9: {  	s26 =	sadd.s32 $0x20, s19;
	s25 =	sadd.s32 s3, s6;
	s6 =	sadd.s32 s2, s6  }
0xba: {  	[hbm:s24@s10], [sflag:s18] =	dma.strided [hbm:s25@s10], $0x80, s9, $0x10   }
0xbb: {  	[hbm:s26@s10], [sflag:s20] =	dma.strided [hbm:s6@s10], $0x80, s9, $0x10   }
0xbc: {  	s6 =	sld [smem:$0x13];
	_ =	sdelay $0x3  }
0xbd: {  	s28 =	sshll.u32 s6, $0xA;
	s6 =	sshll.u32 s6, $0x7  }
0xbe: {  	s11 =	sand.u32 $0xFFFFF000, s28;
	s6 =	sand.u32 $0x180, s6  }
0xbf: {  	s6 =	sor.u32 s6, s11  }
0xc0: {  	s7 =	sadd.s32 $0x30, s17;
	s6 =	sshrl.u32 s6, $0x3  }
0xc1: {  	s30 =	sadd.s32 $0x30, s19;
	s29 =	sadd.s32 s3, s6;
	s31 =	sadd.s32 s2, s6  }
0xc2: {  	[hbm:s7@s10], [sflag:s18] =	dma.strided [hbm:s29@s10], $0x80, s9, $0x10   }
0xc3: {  	[hbm:s30@s10], [sflag:s20] =	dma.strided [hbm:s31@s10], $0x80, s9, $0x10   }
0xc4: {  	_ =	swait.ge [sflag:s18], $0x80  }
0xc5: {  	[sflag:s18] =	ssyncset.done $0x0  }
0xc6: {  	[sflag:s18] =	ssyncadd.s32 $0xFFFFFF80;
	_ =	sdelay $0x2  }
0xc7: {  	_ =	swait.ge [sflag:s20], $0x80  }
0xc8: {  	[sflag:s20] =	ssyncset.done $0x0  }
0xc9: {  	[sflag:s20] =	ssyncadd.s32 $0xFFFFFF80;
	_ =	sdelay $0x2  }
0xca: {  	_ =	swait.ge [sflag:s18], $0x80  }
0xcb: {  	[sflag:s18] =	ssyncset.done $0x0  }
0xcc: {  	[sflag:s18] =	ssyncadd.s32 $0xFFFFFF80;
	_ =	sdelay $0x2  }
0xcd: {  	_ =	swait.ge [sflag:s20], $0x80  }
0xce: {  	[sflag:s20] =	ssyncset.done $0x0  }
0xcf: {  	[sflag:s20] =	ssyncadd.s32 $0xFFFFFF80;
	_ =	sdelay $0x2  }
0xd0: {  	_ =	swait.ge [sflag:s18], $0x80  }
0xd1: {  	[sflag:s18] =	ssyncset.done $0x0  }
0xd2: {  	[sflag:s18] =	ssyncadd.s32 $0xFFFFFF80;
	_ =	sdelay $0x2  }
0xd3: {  	_ =	swait.ge [sflag:s20], $0x80  }
0xd4: {  	[sflag:s20] =	ssyncset.done $0x0  }
0xd5: {  	[sflag:s20] =	ssyncadd.s32 $0xFFFFFF80;
	_ =	sdelay $0x2  }
0xd6: {  	_ =	swait.ge [sflag:s18], $0x80  }
0xd7: {  	[sflag:s18] =	ssyncset.done $0x0  }
0xd8: {  	[sflag:s18] =	ssyncadd.s32 $0xFFFFFF80;
	_ =	sdelay $0x2  }
0xd9: {  	_ =	swait.ge [sflag:s20], $0x80  }
0xda: {  	[sflag:s20] =	ssyncset.done $0x0  }
0xdb: {  	[sflag:s20] =	ssyncadd.s32 $0xFFFFFF80  }
.LBB1_2:
0xdc: {  	_ =	strace $0x90000046  }
0xdd: {  	_ =	sfence  }
0xde: {  	s2 =	sld [smem:$0x0];
	_ =	sdelay $0x2  }
0xdf: {  	s3 =	sshll.u32 s1, $0xD;
	s31 =	sshrl.u32 s1, $0x2  }
0xe0: {  	s3 =	sand.u32 $0x4000, s3;
	s1 =	sadd.s32 s31, s2  }
0xe1: {  	s0 =	sor.u32 s3, s0;
	s1 =	sshll.u32 s1, $0x11  }
0xe2: {  	s0 =	sor.u32 s1, s0  }
0xe3: {  	s0 =	sadd.s32 $0x8F2B, s0;
	(pc) =	sbr.abs _section_cstart, $3  }
0xe4: {  	[sflag:s0] =	ssyncadd.remote.s32 $0x1  }
0xe5: {  	_ =	strace $0x9FFFFFFF  }
0xe6: {  	(tm) =	ssettm $0x7FFFFFFF  }
0xe7: {  	_ =	shalt  }

</sc_bundles>
